<compile_context>
chip_gen: v7x
topology: tpu7x:2x2x1
jax: 0.10.2.dev20260603
libtpu: 0.0.44.dev20260713+nightly
codegen_flags: <defaults>
</compile_context>

<pallas_src>
import dataclasses
import functools

import jax
import jax.numpy as jnp
from jax import lax
from jax.experimental import pallas as pl
from jax.experimental.pallas import tpu as pltpu
from jax.experimental.pallas import tpu_sc as plsc

N = 10000
E = 320000
D = 128
NC = 2
NS = 16
L = 16
NW = NC * NS
CH = 80
NCHUNK = 125
EPTP = NCHUNK * CH
EPAD = NW * EPTP
NRC = N // 80


def _sc_round(h, src, dst, ew):
    mesh = plsc.VectorSubcoreMesh(core_axis_name="c", subcore_axis_name="s")
    cp = pltpu.CompilerParams()
    if "needs_layout_passes" in pltpu.CompilerParams.__dataclass_fields__:
        cp = dataclasses.replace(cp, needs_layout_passes=False)

    @functools.partial(
        pl.kernel,
        compiler_params=cp,
        out_type=jax.ShapeDtypeStruct((NC, N, D), jnp.float32),
        mesh=mesh,
        scratch_types=[
            pltpu.VMEM_SHARED((N, D), jnp.float32),
            pltpu.VMEM((CH, D), jnp.float32),
            pltpu.VMEM((CH, D), jnp.float32),
            pltpu.VMEM((EPTP,), jnp.int32),
            pltpu.VMEM((CH,), jnp.int32),
            pltpu.VMEM((CH,), jnp.int32),
            pltpu.VMEM((EPTP,), jnp.float32),
            pltpu.SemaphoreType.DMA,
            pltpu.SemaphoreType.DMA,
            pltpu.SemaphoreType.DMA,
            pltpu.SemaphoreType.DMA,
        ],
    )
    def k(h_hbm, src_hbm, dst_hbm, ew_hbm, out_hbm,
          acc, rows0, rows1, sidx, dbuf0, dbuf1, wbuf,
          gsem0, gsem1, dsem0, dsem1):
        c = lax.axis_index("c")
        s = lax.axis_index("s")
        wid = c * NS + s

        pltpu.sync_copy(src_hbm.at[pl.ds(wid * EPTP, EPTP)], sidx)
        pltpu.sync_copy(ew_hbm.at[pl.ds(wid * EPTP, EPTP)], wbuf)

        @pl.loop(0, 80)
        def _zero_fill(r):
            for g in range(D // L):
                rows0[r, pl.ds(g * L, L)] = jnp.zeros((L,), jnp.float32)

        for i in range((NRC + NS - 1) // NS):
            j = i * NS + s

            @pl.when(j < NRC)
            def _():
                pltpu.sync_copy(
                    rows0.at[pl.ds(0, 80)], acc.at[pl.ds(j * 80, 80)]
                )

        plsc.subcore_barrier()

        def gather_start(ci, buf, sem):
            pltpu.async_copy(h_hbm.at[sidx.at[pl.ds(ci * CH, CH)]], buf, sem)

        def gather_wait(ci, buf, sem):
            pltpu.make_async_copy(
                h_hbm.at[sidx.at[pl.ds(ci * CH, CH)]], buf, sem
            ).wait()

        def dst_start(ci, dbuf, sem):
            pltpu.async_copy(
                dst_hbm.at[pl.ds(wid * EPTP + ci * CH, CH)], dbuf, sem
            )

        def dst_wait(ci, dbuf, sem):
            pltpu.make_async_copy(
                dst_hbm.at[pl.ds(wid * EPTP + ci * CH, CH)], dbuf, sem
            ).wait()

        def scale(ci, buf):
            @plsc.parallel_loop(0, CH, unroll=4)
            def _scale(r):
                w16 = plsc.load_gather(
                    wbuf, [jnp.broadcast_to(ci * CH + r, (L,)).astype(jnp.int32)]
                )
                for g in range(D // L):
                    buf[r, pl.ds(g * L, L)] = buf[r, pl.ds(g * L, L)] * w16

        def scatter_add(buf, dbuf):
            pltpu.sync_copy(buf, acc.at[dbuf], add=True)

        gather_start(0, rows0, gsem0)
        dst_start(0, dbuf0, dsem0)

        @pl.loop(0, NCHUNK - 1, step=2)
        def _pipe(ci):
            gather_start(ci + 1, rows1, gsem1)
            dst_start(ci + 1, dbuf1, dsem1)
            gather_wait(ci, rows0, gsem0)
            scale(ci, rows0)
            dst_wait(ci, dbuf0, dsem0)
            scatter_add(rows0, dbuf0)
            gather_start(ci + 2, rows0, gsem0)
            dst_start(ci + 2, dbuf0, dsem0)
            gather_wait(ci + 1, rows1, gsem1)
            scale(ci + 1, rows1)
            dst_wait(ci + 1, dbuf1, dsem1)
            scatter_add(rows1, dbuf1)

        gather_wait(NCHUNK - 1, rows0, gsem0)
        scale(NCHUNK - 1, rows0)
        dst_wait(NCHUNK - 1, dbuf0, dsem0)
        scatter_add(rows0, dbuf0)

        plsc.subcore_barrier()

        for i in range((NRC + NS - 1) // NS):
            j = i * NS + s

            @pl.when(j < NRC)
            def _():
                pltpu.sync_copy(
                    acc.at[pl.ds(j * 80, 80)],
                    out_hbm.at[c, pl.ds(j * 80, 80)],
                )

    return k(h, src, dst, ew)


_BLK = 2000


def _tc_combine(p):

    def body(p_ref, o_ref):
        o_ref[...] = p_ref[0] + p_ref[1]

    return pl.pallas_call(
        body,
        out_shape=jax.ShapeDtypeStruct((N, D), jnp.float32),
        grid=(N // _BLK,),
        in_specs=[pl.BlockSpec((NC, _BLK, D), lambda i: (0, i, 0))],
        out_specs=pl.BlockSpec((_BLK, D), lambda i: (i, 0)),
    )(p)


def _tc_final(x, h1, q, W, b2):

    def body(x_ref, h1_ref, q_ref, w_ref, b_ref, o_ref):
        sm = (x_ref[...] + h1_ref[...] + q_ref[0] + q_ref[1]) * (1.0 / 3.0)
        o_ref[...] = (
            lax.dot_general(
                sm,
                w_ref[...],
                (((1,), (1,)), ((), ())),
                precision=lax.Precision.HIGHEST,
            )
            + b_ref[...]
        )

    return pl.pallas_call(
        body,
        out_shape=jax.ShapeDtypeStruct((N, D), jnp.float32),
        grid=(N // _BLK,),
        in_specs=[
            pl.BlockSpec((_BLK, D), lambda i: (i, 0)),
            pl.BlockSpec((_BLK, D), lambda i: (i, 0)),
            pl.BlockSpec((NC, _BLK, D), lambda i: (0, i, 0)),
            pl.BlockSpec((D, D), lambda i: (0, 0)),
            pl.BlockSpec((1, D), lambda i: (0, 0)),
        ],
        out_specs=pl.BlockSpec((_BLK, D), lambda i: (i, 0)),
    )(x, h1, q, W, b2)


def kernel(x, edge_index, edge_weight, W, b):
    src = edge_index[0].astype(jnp.int32)
    dst = edge_index[1].astype(jnp.int32)
    ew = edge_weight.astype(jnp.float32)
    src_p = jnp.concatenate([src, jnp.zeros(EPAD - E, jnp.int32)])
    dst_p = jnp.concatenate([dst, jnp.zeros(EPAD - E, jnp.int32)])
    ew_p = jnp.concatenate([ew, jnp.zeros(EPAD - E, jnp.float32)])

    p = _sc_round(x, src_p, dst_p, ew_p)
    h1 = _tc_combine(p)
    q = _sc_round(h1, src_p, dst_p, ew_p)
    return _tc_final(x, h1, q, W, b.reshape(1, D))

# --- scband reference (transcript-rebuilt; emitter-appended) ---
"""Pipeline reference for scband-ssgc-learnable-emb-module-67362267070695 (READ-ONLY COPY).

The authoritative reference and input builder live on the scoring server;
editing this copy changes nothing except your own understanding.
"""

import jax, jax.numpy as jnp
import numpy as np

N_NODES = 10000
N_EDGES = 320000
EMB_DIM = 128
NUM_BLOCKS = 2

def setup_inputs(seed: int = 0) -> dict:
    key = jax.random.key(seed)
    k1, k2, k3, k4, k5 = jax.random.split(key, 5)
    x = jax.random.normal(k1, (N_NODES, EMB_DIM), dtype=jnp.float32)
    edge_index = jax.random.randint(k2, (2, N_EDGES), 0, N_NODES, dtype=jnp.int64)
    edge_weight = jax.random.uniform(k3, (N_EDGES,), dtype=jnp.float32)
    W = jax.random.normal(k4, (EMB_DIM, EMB_DIM), dtype=jnp.float32) * (1.0 / np.sqrt(EMB_DIM))
    b = jax.random.normal(k5, (EMB_DIM,), dtype=jnp.float32) * 0.01
    return {"x": x, "edge_index": edge_index, "edge_weight": edge_weight, "W": W, "b": b}

def reference(x, edge_index, edge_weight, W, b):
    # SSGC-style propagation: NUM_BLOCKS message-passing steps on the same graph
    # (u_mul_e 'h'*'ew' -> sum reduce), averaging node states from all layers,
    # then a final linear projection. num_output_nodes == N_NODES here (full graph).
    src = edge_index[0]
    dst = edge_index[1]
    h = x
    layers = [h]
    for _ in range(NUM_BLOCKS):
        m = h[src] * edge_weight[:, None]          # u_mul_e
        h = jax.ops.segment_sum(m, dst, num_segments=x.shape[0])  # sum reduce
        layers.append(h)
    mean_h = jnp.mean(jnp.stack(layers, axis=1), axis=1)
    return mean_h @ W.T + b

if __name__ == "__main__":
    import jax
    _d = setup_inputs()
    print(jax.jit(kernel)(*tuple(_d.values())))

</pallas_src>

<mosaic_0001>
#map = affine_map<(d0, d1) -> (0, 0)>
#map1 = affine_map<(d0, d1) -> (0)>
#map2 = affine_map<(d0, d1) -> (0, 0, 0)>
module attributes {stable_mosaic.version = 14 : i64} {
  func.func @k(%arg0: i32, %arg1: i32, %arg2: memref<10000x128xf32, #tpu.memory_space<hbm>>, %arg3: memref<320000xi32, #tpu.memory_space<hbm>>, %arg4: memref<320000xi32, #tpu.memory_space<hbm>>, %arg5: memref<320000xf32, #tpu.memory_space<hbm>>, %arg6: memref<2x10000x128xf32, #tpu.memory_space<hbm>>, %arg7: memref<10000x128xf32, #tpu.memory_space<vmem_shared>>, %arg8: memref<80x128xf32, #tpu.memory_space<vmem>>, %arg9: memref<80x128xf32, #tpu.memory_space<vmem>>, %arg10: memref<10000xi32, #tpu.memory_space<vmem>>, %arg11: memref<80xi32, #tpu.memory_space<vmem>>, %arg12: memref<80xi32, #tpu.memory_space<vmem>>, %arg13: memref<10000xf32, #tpu.memory_space<vmem>>, %arg14: memref<!tpu.dma_semaphore, #tpu.memory_space<semaphore_mem>>, %arg15: memref<!tpu.dma_semaphore, #tpu.memory_space<semaphore_mem>>, %arg16: memref<!tpu.dma_semaphore, #tpu.memory_space<semaphore_mem>>, %arg17: memref<!tpu.dma_semaphore, #tpu.memory_space<semaphore_mem>>) attributes {dimension_semantics = [#tpu.dimension_semantics<core_parallel>, #tpu.dimension_semantics<subcore_parallel>], iteration_bounds = array<i64: 2, 16>, scalar_prefetch = 0 : i64, scratch_operands = 11 : i64, tpu.core_type = #tpu.core_type<sc_vector_subcore>, window_params = [{transform_indices = #map}, {transform_indices = #map1}, {transform_indices = #map1}, {transform_indices = #map1}, {transform_indices = #map2}]} {
    %mul3A = arith.constant 16 : i32
    %mul3A_0 = arith.muli %arg0, %mul3A : i32
    %add3A = arith.addi %mul3A_0, %arg1 : i32
    %mul3A_1 = arith.constant 10000 : i32
    %mul3A_2 = arith.muli %add3A, %mul3A_1 : i32
    "tpu.region"() ({
      %run_scoped3A = tpu.sem_alloc : memref<!tpu.dma_semaphore, #tpu.memory_space<semaphore_mem>>
      %dma_start3A_146 = tpu.memref_slice %arg3[%mul3A_2] : memref<320000xi32, #tpu.memory_space<hbm>> -> memref<10000xi32, #tpu.memory_space<hbm>>
      %dma_start3A_147 = tpu.memref_slice %arg3[%mul3A_2] : memref<320000xi32, #tpu.memory_space<hbm>> -> memref<10000xi32, #tpu.memory_space<hbm>>
      tpu.enqueue_dma source(%dma_start3A_147 : memref<10000xi32, #tpu.memory_space<hbm>>) target(%arg10 : memref<10000xi32, #tpu.memory_space<vmem>>) target_semaphore(%run_scoped3A : memref<!tpu.dma_semaphore, #tpu.memory_space<semaphore_mem>>)
      %dma_wait3A_148 = tpu.memref_slice %arg3[%mul3A_2] : memref<320000xi32, #tpu.memory_space<hbm>> -> memref<10000xi32, #tpu.memory_space<hbm>>
      %dma_wait3A_149 = tpu.memref_slice %arg3[%mul3A_2] : memref<320000xi32, #tpu.memory_space<hbm>> -> memref<10000xi32, #tpu.memory_space<hbm>>
      tpu.wait_dma2 semaphore(%run_scoped3A : memref<!tpu.dma_semaphore, #tpu.memory_space<semaphore_mem>>) src(%dma_wait3A_149 : memref<10000xi32, #tpu.memory_space<hbm>>) dst(%arg10 : memref<10000xi32, #tpu.memory_space<vmem>>)
      tpu.yield
    }) : () -> ()
    %mul3A_3 = arith.constant 10000 : i32
    %mul3A_4 = arith.muli %add3A, %mul3A_3 : i32
    "tpu.region"() ({
      %run_scoped3A = tpu.sem_alloc : memref<!tpu.dma_semaphore, #tpu.memory_space<semaphore_mem>>
      %dma_start3A_146 = tpu.memref_slice %arg5[%mul3A_4] : memref<320000xf32, #tpu.memory_space<hbm>> -> memref<10000xf32, #tpu.memory_space<hbm>>
      %dma_start3A_147 = tpu.memref_slice %arg5[%mul3A_4] : memref<320000xf32, #tpu.memory_space<hbm>> -> memref<10000xf32, #tpu.memory_space<hbm>>
      tpu.enqueue_dma source(%dma_start3A_147 : memref<10000xf32, #tpu.memory_space<hbm>>) target(%arg13 : memref<10000xf32, #tpu.memory_space<vmem>>) target_semaphore(%run_scoped3A : memref<!tpu.dma_semaphore, #tpu.memory_space<semaphore_mem>>)
      %dma_wait3A_148 = tpu.memref_slice %arg5[%mul3A_4] : memref<320000xf32, #tpu.memory_space<hbm>> -> memref<10000xf32, #tpu.memory_space<hbm>>
      %dma_wait3A_149 = tpu.memref_slice %arg5[%mul3A_4] : memref<320000xf32, #tpu.memory_space<hbm>> -> memref<10000xf32, #tpu.memory_space<hbm>>
      tpu.wait_dma2 semaphore(%run_scoped3A : memref<!tpu.dma_semaphore, #tpu.memory_space<semaphore_mem>>) src(%dma_wait3A_149 : memref<10000xf32, #tpu.memory_space<hbm>>) dst(%arg13 : memref<10000xf32, #tpu.memory_space<vmem>>)
      tpu.yield
    }) : () -> ()
    %scan3A = arith.constant 0 : i32
    %scan3A_5 = arith.constant 80 : i32
    %scan3A_6 = arith.addi %scan3A, %scan3A_5 : i32
    %scan3A_7 = arith.constant 1 : i32
    scf.for %scan3A_146 = %scan3A to %scan3A_6 step %scan3A_7  : i32 {
      %mul3A_147 = arith.constant 1 : i32
      %mul3A_148 = arith.muli %scan3A_146, %mul3A_147 : i32
      %add3A_149 = arith.constant 0 : i32
      %add3A_150 = arith.addi %add3A_149, %mul3A_148 : i32
      %broadcast_in_dim3A = arith.constant 0.000000e+00 : f32
      %broadcast_in_dim3A_151 = vector.broadcast %broadcast_in_dim3A : f32 to vector<16xf32>
      %swap3A = arith.index_cast %add3A_150 : i32 to index
      %swap3A_152 = arith.constant 0 : index
      %swap3A_153 = tpu.vector_load %arg8[%swap3A, %swap3A_152] {strides = array<i32>} : memref<80x128xf32, #tpu.memory_space<vmem>>, vector<16xf32>,
      tpu.vector_store %arg8[%swap3A, %swap3A_152], %broadcast_in_dim3A_151 {strides = array<i32>} : memref<80x128xf32, #tpu.memory_space<vmem>>, vector<16xf32>,
      %broadcast_in_dim3A_154 = arith.constant 0.000000e+00 : f32
      %broadcast_in_dim3A_155 = vector.broadcast %broadcast_in_dim3A_154 : f32 to vector<16xf32>
      %swap3A_156 = arith.index_cast %add3A_150 : i32 to index
      %swap3A_157 = arith.constant 16 : index
      %swap3A_158 = tpu.vector_load %arg8[%swap3A_156, %swap3A_157] {strides = array<i32>} : memref<80x128xf32, #tpu.memory_space<vmem>>, vector<16xf32>,
      tpu.vector_store %arg8[%swap3A_156, %swap3A_157], %broadcast_in_dim3A_155 {strides = array<i32>} : memref<80x128xf32, #tpu.memory_space<vmem>>, vector<16xf32>,
      %broadcast_in_dim3A_159 = arith.constant 0.000000e+00 : f32
      %broadcast_in_dim3A_160 = vector.broadcast %broadcast_in_dim3A_159 : f32 to vector<16xf32>
      %swap3A_161 = arith.index_cast %add3A_150 : i32 to index
      %swap3A_162 = arith.constant 32 : index
      %swap3A_163 = tpu.vector_load %arg8[%swap3A_161, %swap3A_162] {strides = array<i32>} : memref<80x128xf32, #tpu.memory_space<vmem>>, vector<16xf32>,
      tpu.vector_store %arg8[%swap3A_161, %swap3A_162], %broadcast_in_dim3A_160 {strides = array<i32>} : memref<80x128xf32, #tpu.memory_space<vmem>>, vector<16xf32>,
      %broadcast_in_dim3A_164 = arith.constant 0.000000e+00 : f32
      %broadcast_in_dim3A_165 = vector.broadcast %broadcast_in_dim3A_164 : f32 to vector<16xf32>
      %swap3A_166 = arith.index_cast %add3A_150 : i32 to index
      %swap3A_167 = arith.constant 48 : index
      %swap3A_168 = tpu.vector_load %arg8[%swap3A_166, %swap3A_167] {strides = array<i32>} : memref<80x128xf32, #tpu.memory_space<vmem>>, vector<16xf32>,
      tpu.vector_store %arg8[%swap3A_166, %swap3A_167], %broadcast_in_dim3A_165 {strides = array<i32>} : memref<80x128xf32, #tpu.memory_space<vmem>>, vector<16xf32>,
      %broadcast_in_dim3A_169 = arith.constant 0.000000e+00 : f32
      %broadcast_in_dim3A_170 = vector.broadcast %broadcast_in_dim3A_169 : f32 to vector<16xf32>
      %swap3A_171 = arith.index_cast %add3A_150 : i32 to index
      %swap3A_172 = arith.constant 64 : index
      %swap3A_173 = tpu.vector_load %arg8[%swap3A_171, %swap3A_172] {strides = array<i32>} : memref<80x128xf32, #tpu.memory_space<vmem>>, vector<16xf32>,
      tpu.vector_store %arg8[%swap3A_171, %swap3A_172], %broadcast_in_dim3A_170 {strides = array<i32>} : memref<80x128xf32, #tpu.memory_space<vmem>>, vector<16xf32>,
      %broadcast_in_dim3A_174 = arith.constant 0.000000e+00 : f32
      %broadcast_in_dim3A_175 = vector.broadcast %broadcast_in_dim3A_174 : f32 to vector<16xf32>
      %swap3A_176 = arith.index_cast %add3A_150 : i32 to index
      %swap3A_177 = arith.constant 80 : index
      %swap3A_178 = tpu.vector_load %arg8[%swap3A_176, %swap3A_177] {strides = array<i32>} : memref<80x128xf32, #tpu.memory_space<vmem>>, vector<16xf32>,
      tpu.vector_store %arg8[%swap3A_176, %swap3A_177], %broadcast_in_dim3A_175 {strides = array<i32>} : memref<80x128xf32, #tpu.memory_space<vmem>>, vector<16xf32>,
      %broadcast_in_dim3A_179 = arith.constant 0.000000e+00 : f32
      %broadcast_in_dim3A_180 = vector.broadcast %broadcast_in_dim3A_179 : f32 to vector<16xf32>
      %swap3A_181 = arith.index_cast %add3A_150 : i32 to index
      %swap3A_182 = arith.constant 96 : index
      %swap3A_183 = tpu.vector_load %arg8[%swap3A_181, %swap3A_182] {strides = array<i32>} : memref<80x128xf32, #tpu.memory_space<vmem>>, vector<16xf32>,
      tpu.vector_store %arg8[%swap3A_181, %swap3A_182], %broadcast_in_dim3A_180 {strides = array<i32>} : memref<80x128xf32, #tpu.memory_space<vmem>>, vector<16xf32>,
      %broadcast_in_dim3A_184 = arith.constant 0.000000e+00 : f32
      %broadcast_in_dim3A_185 = vector.broadcast %broadcast_in_dim3A_184 : f32 to vector<16xf32>
      %swap3A_186 = arith.index_cast %add3A_150 : i32 to index
      %swap3A_187 = arith.constant 112 : index
      %swap3A_188 = tpu.vector_load %arg8[%swap3A_186, %swap3A_187] {strides = array<i32>} : memref<80x128xf32, #tpu.memory_space<vmem>>, vector<16xf32>,
      tpu.vector_store %arg8[%swap3A_186, %swap3A_187], %broadcast_in_dim3A_185 {strides = array<i32>} : memref<80x128xf32, #tpu.memory_space<vmem>>, vector<16xf32>,
    }
    %scan3A_8 = arith.constant 80 : i32
    %add3A_9 = arith.constant 0 : i32
    %add3A_10 = arith.addi %add3A_9, %arg1 : i32
    %lt3A = arith.constant 125 : i32
    %lt3A_11 = arith.cmpi slt, %add3A_10, %lt3A : i32
    %convert_element_type3A = arith.extui %lt3A_11 : i1 to i32
    %cond3A = arith.constant 0 : i32
    %cond3A_12 = arith.cmpi ne, %convert_element_type3A, %cond3A : i32
    scf.if %cond3A_12 {
      %mul3A_146 = arith.constant 80 : i32
      %mul3A_147 = arith.muli %add3A_10, %mul3A_146 : i32
      "tpu.region"() ({
        %run_scoped3A = tpu.sem_alloc : memref<!tpu.dma_semaphore, #tpu.memory_space<semaphore_mem>>
        %dma_start3A_148 = arith.constant 0 : i32
        %dma_start3A_149 = arith.constant 0 : i32
        %dma_start3A_150 = tpu.memref_slice %arg8[%dma_start3A_148, %dma_start3A_149] : memref<80x128xf32, #tpu.memory_space<vmem>> -> memref<80x128xf32, #tpu.memory_space<vmem>>
        %dma_start3A_151 = arith.constant 0 : i32
        %dma_start3A_152 = tpu.memref_slice %arg7[%mul3A_147, %dma_start3A_151] : memref<10000x128xf32, #tpu.memory_space<vmem_shared>> -> memref<80x128xf32, #tpu.memory_space<vmem_shared>>
        %dma_start3A_153 = arith.constant 0 : i32
        %dma_start3A_154 = tpu.memref_slice %arg7[%mul3A_147, %dma_start3A_153] : memref<10000x128xf32, #tpu.memory_space<vmem_shared>> -> memref<80x128xf32, #tpu.memory_space<vmem_shared>>
        %dma_start3A_155 = arith.constant 0 : i32
        %dma_start3A_156 = arith.constant 0 : i32
        %dma_start3A_157 = tpu.memref_slice %arg8[%dma_start3A_155, %dma_start3A_156] : memref<80x128xf32, #tpu.memory_space<vmem>> -> memref<80x128xf32, #tpu.memory_space<vmem>>
        tpu.enqueue_dma source(%dma_start3A_157 : memref<80x128xf32, #tpu.memory_space<vmem>>) target(%dma_start3A_154 : memref<80x128xf32, #tpu.memory_space<vmem_shared>>) target_semaphore(%run_scoped3A : memref<!tpu.dma_semaphore, #tpu.memory_space<semaphore_mem>>)
        %dma_wait3A_158 = arith.constant 0 : i32
        %dma_wait3A_159 = arith.constant 0 : i32
        %dma_wait3A_160 = tpu.memref_slice %arg8[%dma_wait3A_158, %dma_wait3A_159] : memref<80x128xf32, #tpu.memory_space<vmem>> -> memref<80x128xf32, #tpu.memory_space<vmem>>
        %dma_wait3A_161 = arith.constant 0 : i32
        %dma_wait3A_162 = tpu.memref_slice %arg7[%mul3A_147, %dma_wait3A_161] : memref<10000x128xf32, #tpu.memory_space<vmem_shared>> -> memref<80x128xf32, #tpu.memory_space<vmem_shared>>
        %dma_wait3A_163 = arith.constant 0 : i32
        %dma_wait3A_164 = tpu.memref_slice %arg7[%mul3A_147, %dma_wait3A_163] : memref<10000x128xf32, #tpu.memory_space<vmem_shared>> -> memref<80x128xf32, #tpu.memory_space<vmem_shared>>
        %dma_wait3A_165 = arith.constant 0 : i32
        %dma_wait3A_166 = arith.constant 0 : i32
        %dma_wait3A_167 = tpu.memref_slice %arg8[%dma_wait3A_165, %dma_wait3A_166] : memref<80x128xf32, #tpu.memory_space<vmem>> -> memref<80x128xf32, #tpu.memory_space<vmem>>
        tpu.wait_dma2 semaphore(%run_scoped3A : memref<!tpu.dma_semaphore, #tpu.memory_space<semaphore_mem>>) src(%dma_wait3A_167 : memref<80x128xf32, #tpu.memory_space<vmem>>) dst(%dma_wait3A_164 : memref<80x128xf32, #tpu.memory_space<vmem_shared>>)
        tpu.yield
      }) : () -> ()
    } else {
    }
    %add3A_13 = arith.constant 16 : i32
    %add3A_14 = arith.addi %add3A_13, %arg1 : i32
    %lt3A_15 = arith.constant 125 : i32
    %lt3A_16 = arith.cmpi slt, %add3A_14, %lt3A_15 : i32
    %convert_element_type3A_17 = arith.extui %lt3A_16 : i1 to i32
    %cond3A_18 = arith.constant 0 : i32
    %cond3A_19 = arith.cmpi ne, %convert_element_type3A_17, %cond3A_18 : i32
    scf.if %cond3A_19 {
      %mul3A_146 = arith.constant 80 : i32
      %mul3A_147 = arith.muli %add3A_14, %mul3A_146 : i32
      "tpu.region"() ({
        %run_scoped3A = tpu.sem_alloc : memref<!tpu.dma_semaphore, #tpu.memory_space<semaphore_mem>>
        %dma_start3A_148 = arith.constant 0 : i32
        %dma_start3A_149 = arith.constant 0 : i32
        %dma_start3A_150 = tpu.memref_slice %arg8[%dma_start3A_148, %dma_start3A_149] : memref<80x128xf32, #tpu.memory_space<vmem>> -> memref<80x128xf32, #tpu.memory_space<vmem>>
        %dma_start3A_151 = arith.constant 0 : i32
        %dma_start3A_152 = tpu.memref_slice %arg7[%mul3A_147, %dma_start3A_151] : memref<10000x128xf32, #tpu.memory_space<vmem_shared>> -> memref<80x128xf32, #tpu.memory_space<vmem_shared>>
        %dma_start3A_153 = arith.constant 0 : i32
        %dma_start3A_154 = tpu.memref_slice %arg7[%mul3A_147, %dma_start3A_153] : memref<10000x128xf32, #tpu.memory_space<vmem_shared>> -> memref<80x128xf32, #tpu.memory_space<vmem_shared>>
        %dma_start3A_155 = arith.constant 0 : i32
        %dma_start3A_156 = arith.constant 0 : i32
        %dma_start3A_157 = tpu.memref_slice %arg8[%dma_start3A_155, %dma_start3A_156] : memref<80x128xf32, #tpu.memory_space<vmem>> -> memref<80x128xf32, #tpu.memory_space<vmem>>
        tpu.enqueue_dma source(%dma_start3A_157 : memref<80x128xf32, #tpu.memory_space<vmem>>) target(%dma_start3A_154 : memref<80x128xf32, #tpu.memory_space<vmem_shared>>) target_semaphore(%run_scoped3A : memref<!tpu.dma_semaphore, #tpu.memory_space<semaphore_mem>>)
        %dma_wait3A_158 = arith.constant 0 : i32
        %dma_wait3A_159 = arith.constant 0 : i32
        %dma_wait3A_160 = tpu.memref_slice %arg8[%dma_wait3A_158, %dma_wait3A_159] : memref<80x128xf32, #tpu.memory_space<vmem>> -> memref<80x128xf32, #tpu.memory_space<vmem>>
        %dma_wait3A_161 = arith.constant 0 : i32
        %dma_wait3A_162 = tpu.memref_slice %arg7[%mul3A_147, %dma_wait3A_161] : memref<10000x128xf32, #tpu.memory_space<vmem_shared>> -> memref<80x128xf32, #tpu.memory_space<vmem_shared>>
        %dma_wait3A_163 = arith.constant 0 : i32
        %dma_wait3A_164 = tpu.memref_slice %arg7[%mul3A_147, %dma_wait3A_163] : memref<10000x128xf32, #tpu.memory_space<vmem_shared>> -> memref<80x128xf32, #tpu.memory_space<vmem_shared>>
        %dma_wait3A_165 = arith.constant 0 : i32
        %dma_wait3A_166 = arith.constant 0 : i32
        %dma_wait3A_167 = tpu.memref_slice %arg8[%dma_wait3A_165, %dma_wait3A_166] : memref<80x128xf32, #tpu.memory_space<vmem>> -> memref<80x128xf32, #tpu.memory_space<vmem>>
        tpu.wait_dma2 semaphore(%run_scoped3A : memref<!tpu.dma_semaphore, #tpu.memory_space<semaphore_mem>>) src(%dma_wait3A_167 : memref<80x128xf32, #tpu.memory_space<vmem>>) dst(%dma_wait3A_164 : memref<80x128xf32, #tpu.memory_space<vmem_shared>>)
        tpu.yield
      }) : () -> ()
    } else {
    }
    %add3A_20 = arith.constant 32 : i32
    %add3A_21 = arith.addi %add3A_20, %arg1 : i32
    %lt3A_22 = arith.constant 125 : i32
    %lt3A_23 = arith.cmpi slt, %add3A_21, %lt3A_22 : i32
    %convert_element_type3A_24 = arith.extui %lt3A_23 : i1 to i32
    %cond3A_25 = arith.constant 0 : i32
    %cond3A_26 = arith.cmpi ne, %convert_element_type3A_24, %cond3A_25 : i32
    scf.if %cond3A_26 {
      %mul3A_146 = arith.constant 80 : i32
      %mul3A_147 = arith.muli %add3A_21, %mul3A_146 : i32
      "tpu.region"() ({
        %run_scoped3A = tpu.sem_alloc : memref<!tpu.dma_semaphore, #tpu.memory_space<semaphore_mem>>
        %dma_start3A_148 = arith.constant 0 : i32
        %dma_start3A_149 = arith.constant 0 : i32
        %dma_start3A_150 = tpu.memref_slice %arg8[%dma_start3A_148, %dma_start3A_149] : memref<80x128xf32, #tpu.memory_space<vmem>> -> memref<80x128xf32, #tpu.memory_space<vmem>>
        %dma_start3A_151 = arith.constant 0 : i32
        %dma_start3A_152 = tpu.memref_slice %arg7[%mul3A_147, %dma_start3A_151] : memref<10000x128xf32, #tpu.memory_space<vmem_shared>> -> memref<80x128xf32, #tpu.memory_space<vmem_shared>>
        %dma_start3A_153 = arith.constant 0 : i32
        %dma_start3A_154 = tpu.memref_slice %arg7[%mul3A_147, %dma_start3A_153] : memref<10000x128xf32, #tpu.memory_space<vmem_shared>> -> memref<80x128xf32, #tpu.memory_space<vmem_shared>>
        %dma_start3A_155 = arith.constant 0 : i32
        %dma_start3A_156 = arith.constant 0 : i32
        %dma_start3A_157 = tpu.memref_slice %arg8[%dma_start3A_155, %dma_start3A_156] : memref<80x128xf32, #tpu.memory_space<vmem>> -> memref<80x128xf32, #tpu.memory_space<vmem>>
        tpu.enqueue_dma source(%dma_start3A_157 : memref<80x128xf32, #tpu.memory_space<vmem>>) target(%dma_start3A_154 : memref<80x128xf32, #tpu.memory_space<vmem_shared>>) target_semaphore(%run_scoped3A : memref<!tpu.dma_semaphore, #tpu.memory_space<semaphore_mem>>)
        %dma_wait3A_158 = arith.constant 0 : i32
        %dma_wait3A_159 = arith.constant 0 : i32
        %dma_wait3A_160 = tpu.memref_slice %arg8[%dma_wait3A_158, %dma_wait3A_159] : memref<80x128xf32, #tpu.memory_space<vmem>> -> memref<80x128xf32, #tpu.memory_space<vmem>>
        %dma_wait3A_161 = arith.constant 0 : i32
        %dma_wait3A_162 = tpu.memref_slice %arg7[%mul3A_147, %dma_wait3A_161] : memref<10000x128xf32, #tpu.memory_space<vmem_shared>> -> memref<80x128xf32, #tpu.memory_space<vmem_shared>>
        %dma_wait3A_163 = arith.constant 0 : i32
        %dma_wait3A_164 = tpu.memref_slice %arg7[%mul3A_147, %dma_wait3A_163] : memref<10000x128xf32, #tpu.memory_space<vmem_shared>> -> memref<80x128xf32, #tpu.memory_space<vmem_shared>>
        %dma_wait3A_165 = arith.constant 0 : i32
        %dma_wait3A_166 = arith.constant 0 : i32
        %dma_wait3A_167 = tpu.memref_slice %arg8[%dma_wait3A_165, %dma_wait3A_166] : memref<80x128xf32, #tpu.memory_space<vmem>> -> memref<80x128xf32, #tpu.memory_space<vmem>>
        tpu.wait_dma2 semaphore(%run_scoped3A : memref<!tpu.dma_semaphore, #tpu.memory_space<semaphore_mem>>) src(%dma_wait3A_167 : memref<80x128xf32, #tpu.memory_space<vmem>>) dst(%dma_wait3A_164 : memref<80x128xf32, #tpu.memory_space<vmem_shared>>)
        tpu.yield
      }) : () -> ()
    } else {
    }
    %add3A_27 = arith.constant 48 : i32
    %add3A_28 = arith.addi %add3A_27, %arg1 : i32
    %lt3A_29 = arith.constant 125 : i32
    %lt3A_30 = arith.cmpi slt, %add3A_28, %lt3A_29 : i32
    %convert_element_type3A_31 = arith.extui %lt3A_30 : i1 to i32
    %cond3A_32 = arith.constant 0 : i32
    %cond3A_33 = arith.cmpi ne, %convert_element_type3A_31, %cond3A_32 : i32
    scf.if %cond3A_33 {
      %mul3A_146 = arith.constant 80 : i32
      %mul3A_147 = arith.muli %add3A_28, %mul3A_146 : i32
      "tpu.region"() ({
        %run_scoped3A = tpu.sem_alloc : memref<!tpu.dma_semaphore, #tpu.memory_space<semaphore_mem>>
        %dma_start3A_148 = arith.constant 0 : i32
        %dma_start3A_149 = arith.constant 0 : i32
        %dma_start3A_150 = tpu.memref_slice %arg8[%dma_start3A_148, %dma_start3A_149] : memref<80x128xf32, #tpu.memory_space<vmem>> -> memref<80x128xf32, #tpu.memory_space<vmem>>
        %dma_start3A_151 = arith.constant 0 : i32
        %dma_start3A_152 = tpu.memref_slice %arg7[%mul3A_147, %dma_start3A_151] : memref<10000x128xf32, #tpu.memory_space<vmem_shared>> -> memref<80x128xf32, #tpu.memory_space<vmem_shared>>
        %dma_start3A_153 = arith.constant 0 : i32
        %dma_start3A_154 = tpu.memref_slice %arg7[%mul3A_147, %dma_start3A_153] : memref<10000x128xf32, #tpu.memory_space<vmem_shared>> -> memref<80x128xf32, #tpu.memory_space<vmem_shared>>
        %dma_start3A_155 = arith.constant 0 : i32
        %dma_start3A_156 = arith.constant 0 : i32
        %dma_start3A_157 = tpu.memref_slice %arg8[%dma_start3A_155, %dma_start3A_156] : memref<80x128xf32, #tpu.memory_space<vmem>> -> memref<80x128xf32, #tpu.memory_space<vmem>>
        tpu.enqueue_dma source(%dma_start3A_157 : memref<80x128xf32, #tpu.memory_space<vmem>>) target(%dma_start3A_154 : memref<80x128xf32, #tpu.memory_space<vmem_shared>>) target_semaphore(%run_scoped3A : memref<!tpu.dma_semaphore, #tpu.memory_space<semaphore_mem>>)
        %dma_wait3A_158 = arith.constant 0 : i32
        %dma_wait3A_159 = arith.constant 0 : i32
        %dma_wait3A_160 = tpu.memref_slice %arg8[%dma_wait3A_158, %dma_wait3A_159] : memref<80x128xf32, #tpu.memory_space<vmem>> -> memref<80x128xf32, #tpu.memory_space<vmem>>
        %dma_wait3A_161 = arith.constant 0 : i32
        %dma_wait3A_162 = tpu.memref_slice %arg7[%mul3A_147, %dma_wait3A_161] : memref<10000x128xf32, #tpu.memory_space<vmem_shared>> -> memref<80x128xf32, #tpu.memory_space<vmem_shared>>
        %dma_wait3A_163 = arith.constant 0 : i32
        %dma_wait3A_164 = tpu.memref_slice %arg7[%mul3A_147, %dma_wait3A_163] : memref<10000x128xf32, #tpu.memory_space<vmem_shared>> -> memref<80x128xf32, #tpu.memory_space<vmem_shared>>
        %dma_wait3A_165 = arith.constant 0 : i32
        %dma_wait3A_166 = arith.constant 0 : i32
        %dma_wait3A_167 = tpu.memref_slice %arg8[%dma_wait3A_165, %dma_wait3A_166] : memref<80x128xf32, #tpu.memory_space<vmem>> -> memref<80x128xf32, #tpu.memory_space<vmem>>
        tpu.wait_dma2 semaphore(%run_scoped3A : memref<!tpu.dma_semaphore, #tpu.memory_space<semaphore_mem>>) src(%dma_wait3A_167 : memref<80x128xf32, #tpu.memory_space<vmem>>) dst(%dma_wait3A_164 : memref<80x128xf32, #tpu.memory_space<vmem_shared>>)
        tpu.yield
      }) : () -> ()
    } else {
    }
    %add3A_34 = arith.constant 64 : i32
    %add3A_35 = arith.addi %add3A_34, %arg1 : i32
    %lt3A_36 = arith.constant 125 : i32
    %lt3A_37 = arith.cmpi slt, %add3A_35, %lt3A_36 : i32
    %convert_element_type3A_38 = arith.extui %lt3A_37 : i1 to i32
    %cond3A_39 = arith.constant 0 : i32
    %cond3A_40 = arith.cmpi ne, %convert_element_type3A_38, %cond3A_39 : i32
    scf.if %cond3A_40 {
      %mul3A_146 = arith.constant 80 : i32
      %mul3A_147 = arith.muli %add3A_35, %mul3A_146 : i32
      "tpu.region"() ({
        %run_scoped3A = tpu.sem_alloc : memref<!tpu.dma_semaphore, #tpu.memory_space<semaphore_mem>>
        %dma_start3A_148 = arith.constant 0 : i32
        %dma_start3A_149 = arith.constant 0 : i32
        %dma_start3A_150 = tpu.memref_slice %arg8[%dma_start3A_148, %dma_start3A_149] : memref<80x128xf32, #tpu.memory_space<vmem>> -> memref<80x128xf32, #tpu.memory_space<vmem>>
        %dma_start3A_151 = arith.constant 0 : i32
        %dma_start3A_152 = tpu.memref_slice %arg7[%mul3A_147, %dma_start3A_151] : memref<10000x128xf32, #tpu.memory_space<vmem_shared>> -> memref<80x128xf32, #tpu.memory_space<vmem_shared>>
        %dma_start3A_153 = arith.constant 0 : i32
        %dma_start3A_154 = tpu.memref_slice %arg7[%mul3A_147, %dma_start3A_153] : memref<10000x128xf32, #tpu.memory_space<vmem_shared>> -> memref<80x128xf32, #tpu.memory_space<vmem_shared>>
        %dma_start3A_155 = arith.constant 0 : i32
        %dma_start3A_156 = arith.constant 0 : i32
        %dma_start3A_157 = tpu.memref_slice %arg8[%dma_start3A_155, %dma_start3A_156] : memref<80x128xf32, #tpu.memory_space<vmem>> -> memref<80x128xf32, #tpu.memory_space<vmem>>
        tpu.enqueue_dma source(%dma_start3A_157 : memref<80x128xf32, #tpu.memory_space<vmem>>) target(%dma_start3A_154 : memref<80x128xf32, #tpu.memory_space<vmem_shared>>) target_semaphore(%run_scoped3A : memref<!tpu.dma_semaphore, #tpu.memory_space<semaphore_mem>>)
        %dma_wait3A_158 = arith.constant 0 : i32
        %dma_wait3A_159 = arith.constant 0 : i32
        %dma_wait3A_160 = tpu.memref_slice %arg8[%dma_wait3A_158, %dma_wait3A_159] : memref<80x128xf32, #tpu.memory_space<vmem>> -> memref<80x128xf32, #tpu.memory_space<vmem>>
        %dma_wait3A_161 = arith.constant 0 : i32
        %dma_wait3A_162 = tpu.memref_slice %arg7[%mul3A_147, %dma_wait3A_161] : memref<10000x128xf32, #tpu.memory_space<vmem_shared>> -> memref<80x128xf32, #tpu.memory_space<vmem_shared>>
        %dma_wait3A_163 = arith.constant 0 : i32
        %dma_wait3A_164 = tpu.memref_slice %arg7[%mul3A_147, %dma_wait3A_163] : memref<10000x128xf32, #tpu.memory_space<vmem_shared>> -> memref<80x128xf32, #tpu.memory_space<vmem_shared>>
        %dma_wait3A_165 = arith.constant 0 : i32
        %dma_wait3A_166 = arith.constant 0 : i32
        %dma_wait3A_167 = tpu.memref_slice %arg8[%dma_wait3A_165, %dma_wait3A_166] : memref<80x128xf32, #tpu.memory_space<vmem>> -> memref<80x128xf32, #tpu.memory_space<vmem>>
        tpu.wait_dma2 semaphore(%run_scoped3A : memref<!tpu.dma_semaphore, #tpu.memory_space<semaphore_mem>>) src(%dma_wait3A_167 : memref<80x128xf32, #tpu.memory_space<vmem>>) dst(%dma_wait3A_164 : memref<80x128xf32, #tpu.memory_space<vmem_shared>>)
        tpu.yield
      }) : () -> ()
    } else {
    }
    %add3A_41 = arith.constant 80 : i32
    %add3A_42 = arith.addi %add3A_41, %arg1 : i32
    %lt3A_43 = arith.constant 125 : i32
    %lt3A_44 = arith.cmpi slt, %add3A_42, %lt3A_43 : i32
    %convert_element_type3A_45 = arith.extui %lt3A_44 : i1 to i32
    %cond3A_46 = arith.constant 0 : i32
    %cond3A_47 = arith.cmpi ne, %convert_element_type3A_45, %cond3A_46 : i32
    scf.if %cond3A_47 {
      %mul3A_146 = arith.constant 80 : i32
      %mul3A_147 = arith.muli %add3A_42, %mul3A_146 : i32
      "tpu.region"() ({
        %run_scoped3A = tpu.sem_alloc : memref<!tpu.dma_semaphore, #tpu.memory_space<semaphore_mem>>
        %dma_start3A_148 = arith.constant 0 : i32
        %dma_start3A_149 = arith.constant 0 : i32
        %dma_start3A_150 = tpu.memref_slice %arg8[%dma_start3A_148, %dma_start3A_149] : memref<80x128xf32, #tpu.memory_space<vmem>> -> memref<80x128xf32, #tpu.memory_space<vmem>>
        %dma_start3A_151 = arith.constant 0 : i32
        %dma_start3A_152 = tpu.memref_slice %arg7[%mul3A_147, %dma_start3A_151] : memref<10000x128xf32, #tpu.memory_space<vmem_shared>> -> memref<80x128xf32, #tpu.memory_space<vmem_shared>>
        %dma_start3A_153 = arith.constant 0 : i32
        %dma_start3A_154 = tpu.memref_slice %arg7[%mul3A_147, %dma_start3A_153] : memref<10000x128xf32, #tpu.memory_space<vmem_shared>> -> memref<80x128xf32, #tpu.memory_space<vmem_shared>>
        %dma_start3A_155 = arith.constant 0 : i32
        %dma_start3A_156 = arith.constant 0 : i32
        %dma_start3A_157 = tpu.memref_slice %arg8[%dma_start3A_155, %dma_start3A_156] : memref<80x128xf32, #tpu.memory_space<vmem>> -> memref<80x128xf32, #tpu.memory_space<vmem>>
        tpu.enqueue_dma source(%dma_start3A_157 : memref<80x128xf32, #tpu.memory_space<vmem>>) target(%dma_start3A_154 : memref<80x128xf32, #tpu.memory_space<vmem_shared>>) target_semaphore(%run_scoped3A : memref<!tpu.dma_semaphore, #tpu.memory_space<semaphore_mem>>)
        %dma_wait3A_158 = arith.constant 0 : i32
        %dma_wait3A_159 = arith.constant 0 : i32
        %dma_wait3A_160 = tpu.memref_slice %arg8[%dma_wait3A_158, %dma_wait3A_159] : memref<80x128xf32, #tpu.memory_space<vmem>> -> memref<80x128xf32, #tpu.memory_space<vmem>>
        %dma_wait3A_161 = arith.constant 0 : i32
        %dma_wait3A_162 = tpu.memref_slice %arg7[%mul3A_147, %dma_wait3A_161] : memref<10000x128xf32, #tpu.memory_space<vmem_shared>> -> memref<80x128xf32, #tpu.memory_space<vmem_shared>>
        %dma_wait3A_163 = arith.constant 0 : i32
        %dma_wait3A_164 = tpu.memref_slice %arg7[%mul3A_147, %dma_wait3A_163] : memref<10000x128xf32, #tpu.memory_space<vmem_shared>> -> memref<80x128xf32, #tpu.memory_space<vmem_shared>>
        %dma_wait3A_165 = arith.constant 0 : i32
        %dma_wait3A_166 = arith.constant 0 : i32
        %dma_wait3A_167 = tpu.memref_slice %arg8[%dma_wait3A_165, %dma_wait3A_166] : memref<80x128xf32, #tpu.memory_space<vmem>> -> memref<80x128xf32, #tpu.memory_space<vmem>>
        tpu.wait_dma2 semaphore(%run_scoped3A : memref<!tpu.dma_semaphore, #tpu.memory_space<semaphore_mem>>) src(%dma_wait3A_167 : memref<80x128xf32, #tpu.memory_space<vmem>>) dst(%dma_wait3A_164 : memref<80x128xf32, #tpu.memory_space<vmem_shared>>)
        tpu.yield
      }) : () -> ()
    } else {
    }
    %add3A_48 = arith.constant 96 : i32
    %add3A_49 = arith.addi %add3A_48, %arg1 : i32
    %lt3A_50 = arith.constant 125 : i32
    %lt3A_51 = arith.cmpi slt, %add3A_49, %lt3A_50 : i32
    %convert_element_type3A_52 = arith.extui %lt3A_51 : i1 to i32
    %cond3A_53 = arith.constant 0 : i32
    %cond3A_54 = arith.cmpi ne, %convert_element_type3A_52, %cond3A_53 : i32
    scf.if %cond3A_54 {
      %mul3A_146 = arith.constant 80 : i32
      %mul3A_147 = arith.muli %add3A_49, %mul3A_146 : i32
      "tpu.region"() ({
        %run_scoped3A = tpu.sem_alloc : memref<!tpu.dma_semaphore, #tpu.memory_space<semaphore_mem>>
        %dma_start3A_148 = arith.constant 0 : i32
        %dma_start3A_149 = arith.constant 0 : i32
        %dma_start3A_150 = tpu.memref_slice %arg8[%dma_start3A_148, %dma_start3A_149] : memref<80x128xf32, #tpu.memory_space<vmem>> -> memref<80x128xf32, #tpu.memory_space<vmem>>
        %dma_start3A_151 = arith.constant 0 : i32
        %dma_start3A_152 = tpu.memref_slice %arg7[%mul3A_147, %dma_start3A_151] : memref<10000x128xf32, #tpu.memory_space<vmem_shared>> -> memref<80x128xf32, #tpu.memory_space<vmem_shared>>
        %dma_start3A_153 = arith.constant 0 : i32
        %dma_start3A_154 = tpu.memref_slice %arg7[%mul3A_147, %dma_start3A_153] : memref<10000x128xf32, #tpu.memory_space<vmem_shared>> -> memref<80x128xf32, #tpu.memory_space<vmem_shared>>
        %dma_start3A_155 = arith.constant 0 : i32
        %dma_start3A_156 = arith.constant 0 : i32
        %dma_start3A_157 = tpu.memref_slice %arg8[%dma_start3A_155, %dma_start3A_156] : memref<80x128xf32, #tpu.memory_space<vmem>> -> memref<80x128xf32, #tpu.memory_space<vmem>>
        tpu.enqueue_dma source(%dma_start3A_157 : memref<80x128xf32, #tpu.memory_space<vmem>>) target(%dma_start3A_154 : memref<80x128xf32, #tpu.memory_space<vmem_shared>>) target_semaphore(%run_scoped3A : memref<!tpu.dma_semaphore, #tpu.memory_space<semaphore_mem>>)
        %dma_wait3A_158 = arith.constant 0 : i32
        %dma_wait3A_159 = arith.constant 0 : i32
        %dma_wait3A_160 = tpu.memref_slice %arg8[%dma_wait3A_158, %dma_wait3A_159] : memref<80x128xf32, #tpu.memory_space<vmem>> -> memref<80x128xf32, #tpu.memory_space<vmem>>
        %dma_wait3A_161 = arith.constant 0 : i32
        %dma_wait3A_162 = tpu.memref_slice %arg7[%mul3A_147, %dma_wait3A_161] : memref<10000x128xf32, #tpu.memory_space<vmem_shared>> -> memref<80x128xf32, #tpu.memory_space<vmem_shared>>
        %dma_wait3A_163 = arith.constant 0 : i32
        %dma_wait3A_164 = tpu.memref_slice %arg7[%mul3A_147, %dma_wait3A_163] : memref<10000x128xf32, #tpu.memory_space<vmem_shared>> -> memref<80x128xf32, #tpu.memory_space<vmem_shared>>
        %dma_wait3A_165 = arith.constant 0 : i32
        %dma_wait3A_166 = arith.constant 0 : i32
        %dma_wait3A_167 = tpu.memref_slice %arg8[%dma_wait3A_165, %dma_wait3A_166] : memref<80x128xf32, #tpu.memory_space<vmem>> -> memref<80x128xf32, #tpu.memory_space<vmem>>
        tpu.wait_dma2 semaphore(%run_scoped3A : memref<!tpu.dma_semaphore, #tpu.memory_space<semaphore_mem>>) src(%dma_wait3A_167 : memref<80x128xf32, #tpu.memory_space<vmem>>) dst(%dma_wait3A_164 : memref<80x128xf32, #tpu.memory_space<vmem_shared>>)
        tpu.yield
      }) : () -> ()
    } else {
    }
    %add3A_55 = arith.constant 112 : i32
    %add3A_56 = arith.addi %add3A_55, %arg1 : i32
    %lt3A_57 = arith.constant 125 : i32
    %lt3A_58 = arith.cmpi slt, %add3A_56, %lt3A_57 : i32
    %convert_element_type3A_59 = arith.extui %lt3A_58 : i1 to i32
    %cond3A_60 = arith.constant 0 : i32
    %cond3A_61 = arith.cmpi ne, %convert_element_type3A_59, %cond3A_60 : i32
    scf.if %cond3A_61 {
      %mul3A_146 = arith.constant 80 : i32
      %mul3A_147 = arith.muli %add3A_56, %mul3A_146 : i32
      "tpu.region"() ({
        %run_scoped3A = tpu.sem_alloc : memref<!tpu.dma_semaphore, #tpu.memory_space<semaphore_mem>>
        %dma_start3A_148 = arith.constant 0 : i32
        %dma_start3A_149 = arith.constant 0 : i32
        %dma_start3A_150 = tpu.memref_slice %arg8[%dma_start3A_148, %dma_start3A_149] : memref<80x128xf32, #tpu.memory_space<vmem>> -> memref<80x128xf32, #tpu.memory_space<vmem>>
        %dma_start3A_151 = arith.constant 0 : i32
        %dma_start3A_152 = tpu.memref_slice %arg7[%mul3A_147, %dma_start3A_151] : memref<10000x128xf32, #tpu.memory_space<vmem_shared>> -> memref<80x128xf32, #tpu.memory_space<vmem_shared>>
        %dma_start3A_153 = arith.constant 0 : i32
        %dma_start3A_154 = tpu.memref_slice %arg7[%mul3A_147, %dma_start3A_153] : memref<10000x128xf32, #tpu.memory_space<vmem_shared>> -> memref<80x128xf32, #tpu.memory_space<vmem_shared>>
        %dma_start3A_155 = arith.constant 0 : i32
        %dma_start3A_156 = arith.constant 0 : i32
        %dma_start3A_157 = tpu.memref_slice %arg8[%dma_start3A_155, %dma_start3A_156] : memref<80x128xf32, #tpu.memory_space<vmem>> -> memref<80x128xf32, #tpu.memory_space<vmem>>
        tpu.enqueue_dma source(%dma_start3A_157 : memref<80x128xf32, #tpu.memory_space<vmem>>) target(%dma_start3A_154 : memref<80x128xf32, #tpu.memory_space<vmem_shared>>) target_semaphore(%run_scoped3A : memref<!tpu.dma_semaphore, #tpu.memory_space<semaphore_mem>>)
        %dma_wait3A_158 = arith.constant 0 : i32
        %dma_wait3A_159 = arith.constant 0 : i32
        %dma_wait3A_160 = tpu.memref_slice %arg8[%dma_wait3A_158, %dma_wait3A_159] : memref<80x128xf32, #tpu.memory_space<vmem>> -> memref<80x128xf32, #tpu.memory_space<vmem>>
        %dma_wait3A_161 = arith.constant 0 : i32
        %dma_wait3A_162 = tpu.memref_slice %arg7[%mul3A_147, %dma_wait3A_161] : memref<10000x128xf32, #tpu.memory_space<vmem_shared>> -> memref<80x128xf32, #tpu.memory_space<vmem_shared>>
        %dma_wait3A_163 = arith.constant 0 : i32
        %dma_wait3A_164 = tpu.memref_slice %arg7[%mul3A_147, %dma_wait3A_163] : memref<10000x128xf32, #tpu.memory_space<vmem_shared>> -> memref<80x128xf32, #tpu.memory_space<vmem_shared>>
        %dma_wait3A_165 = arith.constant 0 : i32
        %dma_wait3A_166 = arith.constant 0 : i32
        %dma_wait3A_167 = tpu.memref_slice %arg8[%dma_wait3A_165, %dma_wait3A_166] : memref<80x128xf32, #tpu.memory_space<vmem>> -> memref<80x128xf32, #tpu.memory_space<vmem>>
        tpu.wait_dma2 semaphore(%run_scoped3A : memref<!tpu.dma_semaphore, #tpu.memory_space<semaphore_mem>>) src(%dma_wait3A_167 : memref<80x128xf32, #tpu.memory_space<vmem>>) dst(%dma_wait3A_164 : memref<80x128xf32, #tpu.memory_space<vmem_shared>>)
        tpu.yield
      }) : () -> ()
    } else {
    }
    %barrier3A = arith.constant 0 : index
    tpu.barrier barrier_id(%barrier3A)
    %dma_start3A = arith.constant 0 : i32
    %dma_start3A_62 = tpu.memref_slice %arg10[%dma_start3A] : memref<10000xi32, #tpu.memory_space<vmem>> -> memref<80xi32, #tpu.memory_space<vmem>>
    %dma_start3A_63 = arith.constant 0 : i32
    %dma_start3A_64 = arith.constant 0 : i32
    %dma_start3A_65 = tpu.memref_slice %arg2[%dma_start3A_63, %dma_start3A_64] : memref<10000x128xf32, #tpu.memory_space<hbm>> -> memref<10000x128xf32, #tpu.memory_space<hbm>>
    tpu.enqueue_indirect_dma source(%dma_start3A_65 : memref<10000x128xf32, #tpu.memory_space<hbm>>) target(%arg8 : memref<80x128xf32, #tpu.memory_space<vmem>>) offsets(%dma_start3A_62 : memref<80xi32, #tpu.memory_space<vmem>>) semaphore(%arg14 : memref<!tpu.dma_semaphore, #tpu.memory_space<semaphore_mem>>)
    %mul3A_66 = arith.constant 10000 : i32
    %mul3A_67 = arith.muli %add3A, %mul3A_66 : i32
    %add3A_68 = arith.constant 0 : i32
    %add3A_69 = arith.addi %mul3A_67, %add3A_68 : i32
    %dma_start3A_70 = tpu.memref_slice %arg4[%add3A_69] : memref<320000xi32, #tpu.memory_space<hbm>> -> memref<80xi32, #tpu.memory_space<hbm>>
    %dma_start3A_71 = tpu.memref_slice %arg4[%add3A_69] : memref<320000xi32, #tpu.memory_space<hbm>> -> memref<80xi32, #tpu.memory_space<hbm>>
    tpu.enqueue_dma source(%dma_start3A_71 : memref<80xi32, #tpu.memory_space<hbm>>) target(%arg11 : memref<80xi32, #tpu.memory_space<vmem>>) target_semaphore(%arg16 : memref<!tpu.dma_semaphore, #tpu.memory_space<semaphore_mem>>)
    %scan3A_72 = arith.constant 0 : i32
    %scan3A_73 = arith.constant 62 : i32
    %scan3A_74 = arith.addi %scan3A_72, %scan3A_73 : i32
    %scan3A_75 = arith.constant 1 : i32
    scf.for %scan3A_146 = %scan3A_72 to %scan3A_74 step %scan3A_75  : i32 {
      %mul3A_147 = arith.constant 2 : i32
      %mul3A_148 = arith.muli %scan3A_146, %mul3A_147 : i32
      %add3A_149 = arith.constant 0 : i32
      %add3A_150 = arith.addi %add3A_149, %mul3A_148 : i32
      %add3A_151 = arith.constant 1 : i32
      %add3A_152 = arith.addi %add3A_150, %add3A_151 : i32
      %mul3A_153 = arith.constant 80 : i32
      %mul3A_154 = arith.muli %add3A_152, %mul3A_153 : i32
      %dma_start3A_155 = tpu.memref_slice %arg10[%mul3A_154] : memref<10000xi32, #tpu.memory_space<vmem>> -> memref<80xi32, #tpu.memory_space<vmem>>
      %dma_start3A_156 = arith.constant 0 : i32
      %dma_start3A_157 = arith.constant 0 : i32
      %dma_start3A_158 = tpu.memref_slice %arg2[%dma_start3A_156, %dma_start3A_157] : memref<10000x128xf32, #tpu.memory_space<hbm>> -> memref<10000x128xf32, #tpu.memory_space<hbm>>
      tpu.enqueue_indirect_dma source(%dma_start3A_158 : memref<10000x128xf32, #tpu.memory_space<hbm>>) target(%arg9 : memref<80x128xf32, #tpu.memory_space<vmem>>) offsets(%dma_start3A_155 : memref<80xi32, #tpu.memory_space<vmem>>) semaphore(%arg15 : memref<!tpu.dma_semaphore, #tpu.memory_space<semaphore_mem>>)
      %add3A_159 = arith.constant 1 : i32
      %add3A_160 = arith.addi %add3A_150, %add3A_159 : i32
      %mul3A_161 = arith.constant 10000 : i32
      %mul3A_162 = arith.muli %add3A, %mul3A_161 : i32
      %mul3A_163 = arith.constant 80 : i32
      %mul3A_164 = arith.muli %add3A_160, %mul3A_163 : i32
      %add3A_165 = arith.addi %mul3A_162, %mul3A_164 : i32
      %dma_start3A_166 = tpu.memref_slice %arg4[%add3A_165] : memref<320000xi32, #tpu.memory_space<hbm>> -> memref<80xi32, #tpu.memory_space<hbm>>
      %dma_start3A_167 = tpu.memref_slice %arg4[%add3A_165] : memref<320000xi32, #tpu.memory_space<hbm>> -> memref<80xi32, #tpu.memory_space<hbm>>
      tpu.enqueue_dma source(%dma_start3A_167 : memref<80xi32, #tpu.memory_space<hbm>>) target(%arg12 : memref<80xi32, #tpu.memory_space<vmem>>) target_semaphore(%arg17 : memref<!tpu.dma_semaphore, #tpu.memory_space<semaphore_mem>>)
      %mul3A_168 = arith.constant 80 : i32
      %mul3A_169 = arith.muli %add3A_150, %mul3A_168 : i32
      %dma_wait3A_170 = tpu.memref_slice %arg10[%mul3A_169] : memref<10000xi32, #tpu.memory_space<vmem>> -> memref<80xi32, #tpu.memory_space<vmem>>
      %dma_wait3A_171 = arith.constant 0 : i32
      %dma_wait3A_172 = arith.constant 0 : i32
      %dma_wait3A_173 = tpu.memref_slice %arg2[%dma_wait3A_171, %dma_wait3A_172] : memref<10000x128xf32, #tpu.memory_space<hbm>> -> memref<10000x128xf32, #tpu.memory_space<hbm>>
      tpu.wait_indirect_dma semaphore(%arg14 : memref<!tpu.dma_semaphore, #tpu.memory_space<semaphore_mem>>) src(%dma_wait3A_173 : memref<10000x128xf32, #tpu.memory_space<hbm>>) dst(%arg8 : memref<80x128xf32, #tpu.memory_space<vmem>>)
      %parallel_loop3A_174 = arith.constant 0 : i32
      %parallel_loop3A_175 = arith.constant 80 : i32
      %parallel_loop3A_176 = arith.constant 1 : i32
      scf.for %parallel_loop3A_223 = %parallel_loop3A_174 to %parallel_loop3A_175 step %parallel_loop3A_176  : i32 {
        %parallel_loop3A_224 = arith.constant 80 : i32
        %parallel_loop3A_225 = arith.muli %add3A_150, %parallel_loop3A_224 : i32
        %parallel_loop3A_226 = arith.addi %parallel_loop3A_225, %parallel_loop3A_223 : i32
        %parallel_loop3A_227 = vector.broadcast %parallel_loop3A_226 : i32 to vector<16xi32>
        %parallel_loop3A_228 = tpu.vector_load_idx %arg13[%parallel_loop3A_227] : memref<10000xf32, #tpu.memory_space<vmem>>[vector<16xi32>], vector<16xf32>,
        %parallel_loop3A_229 = arith.index_cast %parallel_loop3A_223 : i32 to index
        %parallel_loop3A_230 = arith.constant 0 : index
        %parallel_loop3A_231 = tpu.vector_load %arg8[%parallel_loop3A_229, %parallel_loop3A_230] {strides = array<i32>} : memref<80x128xf32, #tpu.memory_space<vmem>>, vector<16xf32>,
        %parallel_loop3A_232 = arith.mulf %parallel_loop3A_231, %parallel_loop3A_228 : vector<16xf32>
        %parallel_loop3A_233 = arith.index_cast %parallel_loop3A_223 : i32 to index
        %parallel_loop3A_234 = arith.constant 0 : index
        %parallel_loop3A_235 = tpu.vector_load %arg8[%parallel_loop3A_233, %parallel_loop3A_234] {strides = array<i32>} : memref<80x128xf32, #tpu.memory_space<vmem>>, vector<16xf32>,
        tpu.vector_store %arg8[%parallel_loop3A_233, %parallel_loop3A_234], %parallel_loop3A_232 {strides = array<i32>} : memref<80x128xf32, #tpu.memory_space<vmem>>, vector<16xf32>,
        %parallel_loop3A_236 = arith.index_cast %parallel_loop3A_223 : i32 to index
        %parallel_loop3A_237 = arith.constant 16 : index
        %parallel_loop3A_238 = tpu.vector_load %arg8[%parallel_loop3A_236, %parallel_loop3A_237] {strides = array<i32>} : memref<80x128xf32, #tpu.memory_space<vmem>>, vector<16xf32>,
        %parallel_loop3A_239 = arith.mulf %parallel_loop3A_238, %parallel_loop3A_228 : vector<16xf32>
        %parallel_loop3A_240 = arith.index_cast %parallel_loop3A_223 : i32 to index
        %parallel_loop3A_241 = arith.constant 16 : index
        %parallel_loop3A_242 = tpu.vector_load %arg8[%parallel_loop3A_240, %parallel_loop3A_241] {strides = array<i32>} : memref<80x128xf32, #tpu.memory_space<vmem>>, vector<16xf32>,
        tpu.vector_store %arg8[%parallel_loop3A_240, %parallel_loop3A_241], %parallel_loop3A_239 {strides = array<i32>} : memref<80x128xf32, #tpu.memory_space<vmem>>, vector<16xf32>,
        %parallel_loop3A_243 = arith.index_cast %parallel_loop3A_223 : i32 to index
        %parallel_loop3A_244 = arith.constant 32 : index
        %parallel_loop3A_245 = tpu.vector_load %arg8[%parallel_loop3A_243, %parallel_loop3A_244] {strides = array<i32>} : memref<80x128xf32, #tpu.memory_space<vmem>>, vector<16xf32>,
        %parallel_loop3A_246 = arith.mulf %parallel_loop3A_245, %parallel_loop3A_228 : vector<16xf32>
        %parallel_loop3A_247 = arith.index_cast %parallel_loop3A_223 : i32 to index
        %parallel_loop3A_248 = arith.constant 32 : index
        %parallel_loop3A_249 = tpu.vector_load %arg8[%parallel_loop3A_247, %parallel_loop3A_248] {strides = array<i32>} : memref<80x128xf32, #tpu.memory_space<vmem>>, vector<16xf32>,
        tpu.vector_store %arg8[%parallel_loop3A_247, %parallel_loop3A_248], %parallel_loop3A_246 {strides = array<i32>} : memref<80x128xf32, #tpu.memory_space<vmem>>, vector<16xf32>,
        %parallel_loop3A_250 = arith.index_cast %parallel_loop3A_223 : i32 to index
        %parallel_loop3A_251 = arith.constant 48 : index
        %parallel_loop3A_252 = tpu.vector_load %arg8[%parallel_loop3A_250, %parallel_loop3A_251] {strides = array<i32>} : memref<80x128xf32, #tpu.memory_space<vmem>>, vector<16xf32>,
        %parallel_loop3A_253 = arith.mulf %parallel_loop3A_252, %parallel_loop3A_228 : vector<16xf32>
        %parallel_loop3A_254 = arith.index_cast %parallel_loop3A_223 : i32 to index
        %parallel_loop3A_255 = arith.constant 48 : index
        %parallel_loop3A_256 = tpu.vector_load %arg8[%parallel_loop3A_254, %parallel_loop3A_255] {strides = array<i32>} : memref<80x128xf32, #tpu.memory_space<vmem>>, vector<16xf32>,
        tpu.vector_store %arg8[%parallel_loop3A_254, %parallel_loop3A_255], %parallel_loop3A_253 {strides = array<i32>} : memref<80x128xf32, #tpu.memory_space<vmem>>, vector<16xf32>,
        %parallel_loop3A_257 = arith.index_cast %parallel_loop3A_223 : i32 to index
        %parallel_loop3A_258 = arith.constant 64 : index
        %parallel_loop3A_259 = tpu.vector_load %arg8[%parallel_loop3A_257, %parallel_loop3A_258] {strides = array<i32>} : memref<80x128xf32, #tpu.memory_space<vmem>>, vector<16xf32>,
        %parallel_loop3A_260 = arith.mulf %parallel_loop3A_259, %parallel_loop3A_228 : vector<16xf32>
        %parallel_loop3A_261 = arith.index_cast %parallel_loop3A_223 : i32 to index
        %parallel_loop3A_262 = arith.constant 64 : index
        %parallel_loop3A_263 = tpu.vector_load %arg8[%parallel_loop3A_261, %parallel_loop3A_262] {strides = array<i32>} : memref<80x128xf32, #tpu.memory_space<vmem>>, vector<16xf32>,
        tpu.vector_store %arg8[%parallel_loop3A_261, %parallel_loop3A_262], %parallel_loop3A_260 {strides = array<i32>} : memref<80x128xf32, #tpu.memory_space<vmem>>, vector<16xf32>,
        %parallel_loop3A_264 = arith.index_cast %parallel_loop3A_223 : i32 to index
        %parallel_loop3A_265 = arith.constant 80 : index
        %parallel_loop3A_266 = tpu.vector_load %arg8[%parallel_loop3A_264, %parallel_loop3A_265] {strides = array<i32>} : memref<80x128xf32, #tpu.memory_space<vmem>>, vector<16xf32>,
        %parallel_loop3A_267 = arith.mulf %parallel_loop3A_266, %parallel_loop3A_228 : vector<16xf32>
        %parallel_loop3A_268 = arith.index_cast %parallel_loop3A_223 : i32 to index
        %parallel_loop3A_269 = arith.constant 80 : index
        %parallel_loop3A_270 = tpu.vector_load %arg8[%parallel_loop3A_268, %parallel_loop3A_269] {strides = array<i32>} : memref<80x128xf32, #tpu.memory_space<vmem>>, vector<16xf32>,
        tpu.vector_store %arg8[%parallel_loop3A_268, %parallel_loop3A_269], %parallel_loop3A_267 {strides = array<i32>} : memref<80x128xf32, #tpu.memory_space<vmem>>, vector<16xf32>,
        %parallel_loop3A_271 = arith.index_cast %parallel_loop3A_223 : i32 to index
        %parallel_loop3A_272 = arith.constant 96 : index
        %parallel_loop3A_273 = tpu.vector_load %arg8[%parallel_loop3A_271, %parallel_loop3A_272] {strides = array<i32>} : memref<80x128xf32, #tpu.memory_space<vmem>>, vector<16xf32>,
        %parallel_loop3A_274 = arith.mulf %parallel_loop3A_273, %parallel_loop3A_228 : vector<16xf32>
        %parallel_loop3A_275 = arith.index_cast %parallel_loop3A_223 : i32 to index
        %parallel_loop3A_276 = arith.constant 96 : index
        %parallel_loop3A_277 = tpu.vector_load %arg8[%parallel_loop3A_275, %parallel_loop3A_276] {strides = array<i32>} : memref<80x128xf32, #tpu.memory_space<vmem>>, vector<16xf32>,
        tpu.vector_store %arg8[%parallel_loop3A_275, %parallel_loop3A_276], %parallel_loop3A_274 {strides = array<i32>} : memref<80x128xf32, #tpu.memory_space<vmem>>, vector<16xf32>,
        %parallel_loop3A_278 = arith.index_cast %parallel_loop3A_223 : i32 to index
        %parallel_loop3A_279 = arith.constant 112 : index
        %parallel_loop3A_280 = tpu.vector_load %arg8[%parallel_loop3A_278, %parallel_loop3A_279] {strides = array<i32>} : memref<80x128xf32, #tpu.memory_space<vmem>>, vector<16xf32>,
        %parallel_loop3A_281 = arith.mulf %parallel_loop3A_280, %parallel_loop3A_228 : vector<16xf32>
        %parallel_loop3A_282 = arith.index_cast %parallel_loop3A_223 : i32 to index
        %parallel_loop3A_283 = arith.constant 112 : index
        %parallel_loop3A_284 = tpu.vector_load %arg8[%parallel_loop3A_282, %parallel_loop3A_283] {strides = array<i32>} : memref<80x128xf32, #tpu.memory_space<vmem>>, vector<16xf32>,
        tpu.vector_store %arg8[%parallel_loop3A_282, %parallel_loop3A_283], %parallel_loop3A_281 {strides = array<i32>} : memref<80x128xf32, #tpu.memory_space<vmem>>, vector<16xf32>,
      } {sc.loop_unroll_factor = 4 : i64, sc.parallel_access}
      %mul3A_177 = arith.constant 10000 : i32
      %mul3A_178 = arith.muli %add3A, %mul3A_177 : i32
      %mul3A_179 = arith.constant 80 : i32
      %mul3A_180 = arith.muli %add3A_150, %mul3A_179 : i32
      %add3A_181 = arith.addi %mul3A_178, %mul3A_180 : i32
      %dma_wait3A_182 = tpu.memref_slice %arg4[%add3A_181] : memref<320000xi32, #tpu.memory_space<hbm>> -> memref<80xi32, #tpu.memory_space<hbm>>
      %dma_wait3A_183 = tpu.memref_slice %arg4[%add3A_181] : memref<320000xi32, #tpu.memory_space<hbm>> -> memref<80xi32, #tpu.memory_space<hbm>>
      tpu.wait_dma2 semaphore(%arg16 : memref<!tpu.dma_semaphore, #tpu.memory_space<semaphore_mem>>) src(%dma_wait3A_183 : memref<80xi32, #tpu.memory_space<hbm>>) dst(%arg11 : memref<80xi32, #tpu.memory_space<vmem>>)
      "tpu.region"() ({
        %run_scoped3A = tpu.sem_alloc : memref<!tpu.dma_semaphore, #tpu.memory_space<semaphore_mem>>
        %dma_start3A_223 = arith.constant 0 : i32
        %dma_start3A_224 = arith.constant 0 : i32
        %dma_start3A_225 = tpu.memref_slice %arg7[%dma_start3A_223, %dma_start3A_224] : memref<10000x128xf32, #tpu.memory_space<vmem_shared>> -> memref<10000x128xf32, #tpu.memory_space<vmem_shared>>
        tpu.enqueue_indirect_dma source(%arg8 : memref<80x128xf32, #tpu.memory_space<vmem>>) target(%dma_start3A_225 : memref<10000x128xf32, #tpu.memory_space<vmem_shared>>) offsets(%arg11 : memref<80xi32, #tpu.memory_space<vmem>>) semaphore(%run_scoped3A : memref<!tpu.dma_semaphore, #tpu.memory_space<semaphore_mem>>) {add = true}
        %dma_wait3A_226 = arith.constant 0 : i32
        %dma_wait3A_227 = arith.constant 0 : i32
        %dma_wait3A_228 = tpu.memref_slice %arg7[%dma_wait3A_226, %dma_wait3A_227] : memref<10000x128xf32, #tpu.memory_space<vmem_shared>> -> memref<10000x128xf32, #tpu.memory_space<vmem_shared>>
        tpu.wait_indirect_dma semaphore(%run_scoped3A : memref<!tpu.dma_semaphore, #tpu.memory_space<semaphore_mem>>) src(%arg8 : memref<80x128xf32, #tpu.memory_space<vmem>>) dst(%dma_wait3A_228 : memref<10000x128xf32, #tpu.memory_space<vmem_shared>>)
        tpu.yield
      }) : () -> ()
      %add3A_184 = arith.constant 2 : i32
      %add3A_185 = arith.addi %add3A_150, %add3A_184 : i32
      %mul3A_186 = arith.constant 80 : i32
      %mul3A_187 = arith.muli %add3A_185, %mul3A_186 : i32
      %dma_start3A_188 = tpu.memref_slice %arg10[%mul3A_187] : memref<10000xi32, #tpu.memory_space<vmem>> -> memref<80xi32, #tpu.memory_space<vmem>>
      %dma_start3A_189 = arith.constant 0 : i32
      %dma_start3A_190 = arith.constant 0 : i32
      %dma_start3A_191 = tpu.memref_slice %arg2[%dma_start3A_189, %dma_start3A_190] : memref<10000x128xf32, #tpu.memory_space<hbm>> -> memref<10000x128xf32, #tpu.memory_space<hbm>>
      tpu.enqueue_indirect_dma source(%dma_start3A_191 : memref<10000x128xf32, #tpu.memory_space<hbm>>) target(%arg8 : memref<80x128xf32, #tpu.memory_space<vmem>>) offsets(%dma_start3A_188 : memref<80xi32, #tpu.memory_space<vmem>>) semaphore(%arg14 : memref<!tpu.dma_semaphore, #tpu.memory_space<semaphore_mem>>)
      %add3A_192 = arith.constant 2 : i32
      %add3A_193 = arith.addi %add3A_150, %add3A_192 : i32
      %mul3A_194 = arith.constant 10000 : i32
      %mul3A_195 = arith.muli %add3A, %mul3A_194 : i32
      %mul3A_196 = arith.constant 80 : i32
      %mul3A_197 = arith.muli %add3A_193, %mul3A_196 : i32
      %add3A_198 = arith.addi %mul3A_195, %mul3A_197 : i32
      %dma_start3A_199 = tpu.memref_slice %arg4[%add3A_198] : memref<320000xi32, #tpu.memory_space<hbm>> -> memref<80xi32, #tpu.memory_space<hbm>>
      %dma_start3A_200 = tpu.memref_slice %arg4[%add3A_198] : memref<320000xi32, #tpu.memory_space<hbm>> -> memref<80xi32, #tpu.memory_space<hbm>>
      tpu.enqueue_dma source(%dma_start3A_200 : memref<80xi32, #tpu.memory_space<hbm>>) target(%arg11 : memref<80xi32, #tpu.memory_space<vmem>>) target_semaphore(%arg16 : memref<!tpu.dma_semaphore, #tpu.memory_space<semaphore_mem>>)
      %add3A_201 = arith.constant 1 : i32
      %add3A_202 = arith.addi %add3A_150, %add3A_201 : i32
      %mul3A_203 = arith.constant 80 : i32
      %mul3A_204 = arith.muli %add3A_202, %mul3A_203 : i32
      %dma_wait3A_205 = tpu.memref_slice %arg10[%mul3A_204] : memref<10000xi32, #tpu.memory_space<vmem>> -> memref<80xi32, #tpu.memory_space<vmem>>
      %dma_wait3A_206 = arith.constant 0 : i32
      %dma_wait3A_207 = arith.constant 0 : i32
      %dma_wait3A_208 = tpu.memref_slice %arg2[%dma_wait3A_206, %dma_wait3A_207] : memref<10000x128xf32, #tpu.memory_space<hbm>> -> memref<10000x128xf32, #tpu.memory_space<hbm>>
      tpu.wait_indirect_dma semaphore(%arg15 : memref<!tpu.dma_semaphore, #tpu.memory_space<semaphore_mem>>) src(%dma_wait3A_208 : memref<10000x128xf32, #tpu.memory_space<hbm>>) dst(%arg9 : memref<80x128xf32, #tpu.memory_space<vmem>>)
      %add3A_209 = arith.constant 1 : i32
      %add3A_210 = arith.addi %add3A_150, %add3A_209 : i32
      %parallel_loop3A_211 = arith.constant 0 : i32
      %parallel_loop3A_212 = arith.constant 80 : i32
      %parallel_loop3A_213 = arith.constant 1 : i32
      scf.for %parallel_loop3A_223 = %parallel_loop3A_211 to %parallel_loop3A_212 step %parallel_loop3A_213  : i32 {
        %parallel_loop3A_224 = arith.constant 80 : i32
        %parallel_loop3A_225 = arith.muli %add3A_210, %parallel_loop3A_224 : i32
        %parallel_loop3A_226 = arith.addi %parallel_loop3A_225, %parallel_loop3A_223 : i32
        %parallel_loop3A_227 = vector.broadcast %parallel_loop3A_226 : i32 to vector<16xi32>
        %parallel_loop3A_228 = tpu.vector_load_idx %arg13[%parallel_loop3A_227] : memref<10000xf32, #tpu.memory_space<vmem>>[vector<16xi32>], vector<16xf32>,
        %parallel_loop3A_229 = arith.index_cast %parallel_loop3A_223 : i32 to index
        %parallel_loop3A_230 = arith.constant 0 : index
        %parallel_loop3A_231 = tpu.vector_load %arg9[%parallel_loop3A_229, %parallel_loop3A_230] {strides = array<i32>} : memref<80x128xf32, #tpu.memory_space<vmem>>, vector<16xf32>,
        %parallel_loop3A_232 = arith.mulf %parallel_loop3A_231, %parallel_loop3A_228 : vector<16xf32>
        %parallel_loop3A_233 = arith.index_cast %parallel_loop3A_223 : i32 to index
        %parallel_loop3A_234 = arith.constant 0 : index
        %parallel_loop3A_235 = tpu.vector_load %arg9[%parallel_loop3A_233, %parallel_loop3A_234] {strides = array<i32>} : memref<80x128xf32, #tpu.memory_space<vmem>>, vector<16xf32>,
        tpu.vector_store %arg9[%parallel_loop3A_233, %parallel_loop3A_234], %parallel_loop3A_232 {strides = array<i32>} : memref<80x128xf32, #tpu.memory_space<vmem>>, vector<16xf32>,
        %parallel_loop3A_236 = arith.index_cast %parallel_loop3A_223 : i32 to index
        %parallel_loop3A_237 = arith.constant 16 : index
        %parallel_loop3A_238 = tpu.vector_load %arg9[%parallel_loop3A_236, %parallel_loop3A_237] {strides = array<i32>} : memref<80x128xf32, #tpu.memory_space<vmem>>, vector<16xf32>,
        %parallel_loop3A_239 = arith.mulf %parallel_loop3A_238, %parallel_loop3A_228 : vector<16xf32>
        %parallel_loop3A_240 = arith.index_cast %parallel_loop3A_223 : i32 to index
        %parallel_loop3A_241 = arith.constant 16 : index
        %parallel_loop3A_242 = tpu.vector_load %arg9[%parallel_loop3A_240, %parallel_loop3A_241] {strides = array<i32>} : memref<80x128xf32, #tpu.memory_space<vmem>>, vector<16xf32>,
        tpu.vector_store %arg9[%parallel_loop3A_240, %parallel_loop3A_241], %parallel_loop3A_239 {strides = array<i32>} : memref<80x128xf32, #tpu.memory_space<vmem>>, vector<16xf32>,
        %parallel_loop3A_243 = arith.index_cast %parallel_loop3A_223 : i32 to index
        %parallel_loop3A_244 = arith.constant 32 : index
        %parallel_loop3A_245 = tpu.vector_load %arg9[%parallel_loop3A_243, %parallel_loop3A_244] {strides = array<i32>} : memref<80x128xf32, #tpu.memory_space<vmem>>, vector<16xf32>,
        %parallel_loop3A_246 = arith.mulf %parallel_loop3A_245, %parallel_loop3A_228 : vector<16xf32>
        %parallel_loop3A_247 = arith.index_cast %parallel_loop3A_223 : i32 to index
        %parallel_loop3A_248 = arith.constant 32 : index
        %parallel_loop3A_249 = tpu.vector_load %arg9[%parallel_loop3A_247, %parallel_loop3A_248] {strides = array<i32>} : memref<80x128xf32, #tpu.memory_space<vmem>>, vector<16xf32>,
        tpu.vector_store %arg9[%parallel_loop3A_247, %parallel_loop3A_248], %parallel_loop3A_246 {strides = array<i32>} : memref<80x128xf32, #tpu.memory_space<vmem>>, vector<16xf32>,
        %parallel_loop3A_250 = arith.index_cast %parallel_loop3A_223 : i32 to index
        %parallel_loop3A_251 = arith.constant 48 : index
        %parallel_loop3A_252 = tpu.vector_load %arg9[%parallel_loop3A_250, %parallel_loop3A_251] {strides = array<i32>} : memref<80x128xf32, #tpu.memory_space<vmem>>, vector<16xf32>,
        %parallel_loop3A_253 = arith.mulf %parallel_loop3A_252, %parallel_loop3A_228 : vector<16xf32>
        %parallel_loop3A_254 = arith.index_cast %parallel_loop3A_223 : i32 to index
        %parallel_loop3A_255 = arith.constant 48 : index
        %parallel_loop3A_256 = tpu.vector_load %arg9[%parallel_loop3A_254, %parallel_loop3A_255] {strides = array<i32>} : memref<80x128xf32, #tpu.memory_space<vmem>>, vector<16xf32>,
        tpu.vector_store %arg9[%parallel_loop3A_254, %parallel_loop3A_255], %parallel_loop3A_253 {strides = array<i32>} : memref<80x128xf32, #tpu.memory_space<vmem>>, vector<16xf32>,
        %parallel_loop3A_257 = arith.index_cast %parallel_loop3A_223 : i32 to index
        %parallel_loop3A_258 = arith.constant 64 : index
        %parallel_loop3A_259 = tpu.vector_load %arg9[%parallel_loop3A_257, %parallel_loop3A_258] {strides = array<i32>} : memref<80x128xf32, #tpu.memory_space<vmem>>, vector<16xf32>,
        %parallel_loop3A_260 = arith.mulf %parallel_loop3A_259, %parallel_loop3A_228 : vector<16xf32>
        %parallel_loop3A_261 = arith.index_cast %parallel_loop3A_223 : i32 to index
        %parallel_loop3A_262 = arith.constant 64 : index
        %parallel_loop3A_263 = tpu.vector_load %arg9[%parallel_loop3A_261, %parallel_loop3A_262] {strides = array<i32>} : memref<80x128xf32, #tpu.memory_space<vmem>>, vector<16xf32>,
        tpu.vector_store %arg9[%parallel_loop3A_261, %parallel_loop3A_262], %parallel_loop3A_260 {strides = array<i32>} : memref<80x128xf32, #tpu.memory_space<vmem>>, vector<16xf32>,
        %parallel_loop3A_264 = arith.index_cast %parallel_loop3A_223 : i32 to index
        %parallel_loop3A_265 = arith.constant 80 : index
        %parallel_loop3A_266 = tpu.vector_load %arg9[%parallel_loop3A_264, %parallel_loop3A_265] {strides = array<i32>} : memref<80x128xf32, #tpu.memory_space<vmem>>, vector<16xf32>,
        %parallel_loop3A_267 = arith.mulf %parallel_loop3A_266, %parallel_loop3A_228 : vector<16xf32>
        %parallel_loop3A_268 = arith.index_cast %parallel_loop3A_223 : i32 to index
        %parallel_loop3A_269 = arith.constant 80 : index
        %parallel_loop3A_270 = tpu.vector_load %arg9[%parallel_loop3A_268, %parallel_loop3A_269] {strides = array<i32>} : memref<80x128xf32, #tpu.memory_space<vmem>>, vector<16xf32>,
        tpu.vector_store %arg9[%parallel_loop3A_268, %parallel_loop3A_269], %parallel_loop3A_267 {strides = array<i32>} : memref<80x128xf32, #tpu.memory_space<vmem>>, vector<16xf32>,
        %parallel_loop3A_271 = arith.index_cast %parallel_loop3A_223 : i32 to index
        %parallel_loop3A_272 = arith.constant 96 : index
        %parallel_loop3A_273 = tpu.vector_load %arg9[%parallel_loop3A_271, %parallel_loop3A_272] {strides = array<i32>} : memref<80x128xf32, #tpu.memory_space<vmem>>, vector<16xf32>,
        %parallel_loop3A_274 = arith.mulf %parallel_loop3A_273, %parallel_loop3A_228 : vector<16xf32>
        %parallel_loop3A_275 = arith.index_cast %parallel_loop3A_223 : i32 to index
        %parallel_loop3A_276 = arith.constant 96 : index
        %parallel_loop3A_277 = tpu.vector_load %arg9[%parallel_loop3A_275, %parallel_loop3A_276] {strides = array<i32>} : memref<80x128xf32, #tpu.memory_space<vmem>>, vector<16xf32>,
        tpu.vector_store %arg9[%parallel_loop3A_275, %parallel_loop3A_276], %parallel_loop3A_274 {strides = array<i32>} : memref<80x128xf32, #tpu.memory_space<vmem>>, vector<16xf32>,
        %parallel_loop3A_278 = arith.index_cast %parallel_loop3A_223 : i32 to index
        %parallel_loop3A_279 = arith.constant 112 : index
        %parallel_loop3A_280 = tpu.vector_load %arg9[%parallel_loop3A_278, %parallel_loop3A_279] {strides = array<i32>} : memref<80x128xf32, #tpu.memory_space<vmem>>, vector<16xf32>,
        %parallel_loop3A_281 = arith.mulf %parallel_loop3A_280, %parallel_loop3A_228 : vector<16xf32>
        %parallel_loop3A_282 = arith.index_cast %parallel_loop3A_223 : i32 to index
        %parallel_loop3A_283 = arith.constant 112 : index
        %parallel_loop3A_284 = tpu.vector_load %arg9[%parallel_loop3A_282, %parallel_loop3A_283] {strides = array<i32>} : memref<80x128xf32, #tpu.memory_space<vmem>>, vector<16xf32>,
        tpu.vector_store %arg9[%parallel_loop3A_282, %parallel_loop3A_283], %parallel_loop3A_281 {strides = array<i32>} : memref<80x128xf32, #tpu.memory_space<vmem>>, vector<16xf32>,
      } {sc.loop_unroll_factor = 4 : i64, sc.parallel_access}
      %add3A_214 = arith.constant 1 : i32
      %add3A_215 = arith.addi %add3A_150, %add3A_214 : i32
      %mul3A_216 = arith.constant 10000 : i32
      %mul3A_217 = arith.muli %add3A, %mul3A_216 : i32
      %mul3A_218 = arith.constant 80 : i32
      %mul3A_219 = arith.muli %add3A_215, %mul3A_218 : i32
      %add3A_220 = arith.addi %mul3A_217, %mul3A_219 : i32
      %dma_wait3A_221 = tpu.memref_slice %arg4[%add3A_220] : memref<320000xi32, #tpu.memory_space<hbm>> -> memref<80xi32, #tpu.memory_space<hbm>>
      %dma_wait3A_222 = tpu.memref_slice %arg4[%add3A_220] : memref<320000xi32, #tpu.memory_space<hbm>> -> memref<80xi32, #tpu.memory_space<hbm>>
      tpu.wait_dma2 semaphore(%arg17 : memref<!tpu.dma_semaphore, #tpu.memory_space<semaphore_mem>>) src(%dma_wait3A_222 : memref<80xi32, #tpu.memory_space<hbm>>) dst(%arg12 : memref<80xi32, #tpu.memory_space<vmem>>)
      "tpu.region"() ({
        %run_scoped3A = tpu.sem_alloc : memref<!tpu.dma_semaphore, #tpu.memory_space<semaphore_mem>>
        %dma_start3A_223 = arith.constant 0 : i32
        %dma_start3A_224 = arith.constant 0 : i32
        %dma_start3A_225 = tpu.memref_slice %arg7[%dma_start3A_223, %dma_start3A_224] : memref<10000x128xf32, #tpu.memory_space<vmem_shared>> -> memref<10000x128xf32, #tpu.memory_space<vmem_shared>>
        tpu.enqueue_indirect_dma source(%arg9 : memref<80x128xf32, #tpu.memory_space<vmem>>) target(%dma_start3A_225 : memref<10000x128xf32, #tpu.memory_space<vmem_shared>>) offsets(%arg12 : memref<80xi32, #tpu.memory_space<vmem>>) semaphore(%run_scoped3A : memref<!tpu.dma_semaphore, #tpu.memory_space<semaphore_mem>>) {add = true}
        %dma_wait3A_226 = arith.constant 0 : i32
        %dma_wait3A_227 = arith.constant 0 : i32
        %dma_wait3A_228 = tpu.memref_slice %arg7[%dma_wait3A_226, %dma_wait3A_227] : memref<10000x128xf32, #tpu.memory_space<vmem_shared>> -> memref<10000x128xf32, #tpu.memory_space<vmem_shared>>
        tpu.wait_indirect_dma semaphore(%run_scoped3A : memref<!tpu.dma_semaphore, #tpu.memory_space<semaphore_mem>>) src(%arg9 : memref<80x128xf32, #tpu.memory_space<vmem>>) dst(%dma_wait3A_228 : memref<10000x128xf32, #tpu.memory_space<vmem_shared>>)
        tpu.yield
      }) : () -> ()
    }
    %scan3A_76 = arith.constant 62 : i32
    %dma_wait3A = arith.constant 9920 : i32
    %dma_wait3A_77 = tpu.memref_slice %arg10[%dma_wait3A] : memref<10000xi32, #tpu.memory_space<vmem>> -> memref<80xi32, #tpu.memory_space<vmem>>
    %dma_wait3A_78 = arith.constant 0 : i32
    %dma_wait3A_79 = arith.constant 0 : i32
    %dma_wait3A_80 = tpu.memref_slice %arg2[%dma_wait3A_78, %dma_wait3A_79] : memref<10000x128xf32, #tpu.memory_space<hbm>> -> memref<10000x128xf32, #tpu.memory_space<hbm>>
    tpu.wait_indirect_dma semaphore(%arg14 : memref<!tpu.dma_semaphore, #tpu.memory_space<semaphore_mem>>) src(%dma_wait3A_80 : memref<10000x128xf32, #tpu.memory_space<hbm>>) dst(%arg8 : memref<80x128xf32, #tpu.memory_space<vmem>>)
    %parallel_loop3A = arith.constant 0 : i32
    %parallel_loop3A_81 = arith.constant 80 : i32
    %parallel_loop3A_82 = arith.constant 1 : i32
    scf.for %parallel_loop3A_146 = %parallel_loop3A to %parallel_loop3A_81 step %parallel_loop3A_82  : i32 {
      %parallel_loop3A_147 = arith.constant 9920 : i32
      %parallel_loop3A_148 = arith.addi %parallel_loop3A_147, %parallel_loop3A_146 : i32
      %parallel_loop3A_149 = vector.broadcast %parallel_loop3A_148 : i32 to vector<16xi32>
      %parallel_loop3A_150 = tpu.vector_load_idx %arg13[%parallel_loop3A_149] : memref<10000xf32, #tpu.memory_space<vmem>>[vector<16xi32>], vector<16xf32>,
      %parallel_loop3A_151 = arith.index_cast %parallel_loop3A_146 : i32 to index
      %parallel_loop3A_152 = arith.constant 0 : index
      %parallel_loop3A_153 = tpu.vector_load %arg8[%parallel_loop3A_151, %parallel_loop3A_152] {strides = array<i32>} : memref<80x128xf32, #tpu.memory_space<vmem>>, vector<16xf32>,
      %parallel_loop3A_154 = arith.mulf %parallel_loop3A_153, %parallel_loop3A_150 : vector<16xf32>
      %parallel_loop3A_155 = arith.index_cast %parallel_loop3A_146 : i32 to index
      %parallel_loop3A_156 = arith.constant 0 : index
      %parallel_loop3A_157 = tpu.vector_load %arg8[%parallel_loop3A_155, %parallel_loop3A_156] {strides = array<i32>} : memref<80x128xf32, #tpu.memory_space<vmem>>, vector<16xf32>,
      tpu.vector_store %arg8[%parallel_loop3A_155, %parallel_loop3A_156], %parallel_loop3A_154 {strides = array<i32>} : memref<80x128xf32, #tpu.memory_space<vmem>>, vector<16xf32>,
      %parallel_loop3A_158 = arith.index_cast %parallel_loop3A_146 : i32 to index
      %parallel_loop3A_159 = arith.constant 16 : index
      %parallel_loop3A_160 = tpu.vector_load %arg8[%parallel_loop3A_158, %parallel_loop3A_159] {strides = array<i32>} : memref<80x128xf32, #tpu.memory_space<vmem>>, vector<16xf32>,
      %parallel_loop3A_161 = arith.mulf %parallel_loop3A_160, %parallel_loop3A_150 : vector<16xf32>
      %parallel_loop3A_162 = arith.index_cast %parallel_loop3A_146 : i32 to index
      %parallel_loop3A_163 = arith.constant 16 : index
      %parallel_loop3A_164 = tpu.vector_load %arg8[%parallel_loop3A_162, %parallel_loop3A_163] {strides = array<i32>} : memref<80x128xf32, #tpu.memory_space<vmem>>, vector<16xf32>,
      tpu.vector_store %arg8[%parallel_loop3A_162, %parallel_loop3A_163], %parallel_loop3A_161 {strides = array<i32>} : memref<80x128xf32, #tpu.memory_space<vmem>>, vector<16xf32>,
      %parallel_loop3A_165 = arith.index_cast %parallel_loop3A_146 : i32 to index
      %parallel_loop3A_166 = arith.constant 32 : index
      %parallel_loop3A_167 = tpu.vector_load %arg8[%parallel_loop3A_165, %parallel_loop3A_166] {strides = array<i32>} : memref<80x128xf32, #tpu.memory_space<vmem>>, vector<16xf32>,
      %parallel_loop3A_168 = arith.mulf %parallel_loop3A_167, %parallel_loop3A_150 : vector<16xf32>
      %parallel_loop3A_169 = arith.index_cast %parallel_loop3A_146 : i32 to index
      %parallel_loop3A_170 = arith.constant 32 : index
      %parallel_loop3A_171 = tpu.vector_load %arg8[%parallel_loop3A_169, %parallel_loop3A_170] {strides = array<i32>} : memref<80x128xf32, #tpu.memory_space<vmem>>, vector<16xf32>,
      tpu.vector_store %arg8[%parallel_loop3A_169, %parallel_loop3A_170], %parallel_loop3A_168 {strides = array<i32>} : memref<80x128xf32, #tpu.memory_space<vmem>>, vector<16xf32>,
      %parallel_loop3A_172 = arith.index_cast %parallel_loop3A_146 : i32 to index
      %parallel_loop3A_173 = arith.constant 48 : index
      %parallel_loop3A_174 = tpu.vector_load %arg8[%parallel_loop3A_172, %parallel_loop3A_173] {strides = array<i32>} : memref<80x128xf32, #tpu.memory_space<vmem>>, vector<16xf32>,
      %parallel_loop3A_175 = arith.mulf %parallel_loop3A_174, %parallel_loop3A_150 : vector<16xf32>
      %parallel_loop3A_176 = arith.index_cast %parallel_loop3A_146 : i32 to index
      %parallel_loop3A_177 = arith.constant 48 : index
      %parallel_loop3A_178 = tpu.vector_load %arg8[%parallel_loop3A_176, %parallel_loop3A_177] {strides = array<i32>} : memref<80x128xf32, #tpu.memory_space<vmem>>, vector<16xf32>,
      tpu.vector_store %arg8[%parallel_loop3A_176, %parallel_loop3A_177], %parallel_loop3A_175 {strides = array<i32>} : memref<80x128xf32, #tpu.memory_space<vmem>>, vector<16xf32>,
      %parallel_loop3A_179 = arith.index_cast %parallel_loop3A_146 : i32 to index
      %parallel_loop3A_180 = arith.constant 64 : index
      %parallel_loop3A_181 = tpu.vector_load %arg8[%parallel_loop3A_179, %parallel_loop3A_180] {strides = array<i32>} : memref<80x128xf32, #tpu.memory_space<vmem>>, vector<16xf32>,
      %parallel_loop3A_182 = arith.mulf %parallel_loop3A_181, %parallel_loop3A_150 : vector<16xf32>
      %parallel_loop3A_183 = arith.index_cast %parallel_loop3A_146 : i32 to index
      %parallel_loop3A_184 = arith.constant 64 : index
      %parallel_loop3A_185 = tpu.vector_load %arg8[%parallel_loop3A_183, %parallel_loop3A_184] {strides = array<i32>} : memref<80x128xf32, #tpu.memory_space<vmem>>, vector<16xf32>,
      tpu.vector_store %arg8[%parallel_loop3A_183, %parallel_loop3A_184], %parallel_loop3A_182 {strides = array<i32>} : memref<80x128xf32, #tpu.memory_space<vmem>>, vector<16xf32>,
      %parallel_loop3A_186 = arith.index_cast %parallel_loop3A_146 : i32 to index
      %parallel_loop3A_187 = arith.constant 80 : index
      %parallel_loop3A_188 = tpu.vector_load %arg8[%parallel_loop3A_186, %parallel_loop3A_187] {strides = array<i32>} : memref<80x128xf32, #tpu.memory_space<vmem>>, vector<16xf32>,
      %parallel_loop3A_189 = arith.mulf %parallel_loop3A_188, %parallel_loop3A_150 : vector<16xf32>
      %parallel_loop3A_190 = arith.index_cast %parallel_loop3A_146 : i32 to index
      %parallel_loop3A_191 = arith.constant 80 : index
      %parallel_loop3A_192 = tpu.vector_load %arg8[%parallel_loop3A_190, %parallel_loop3A_191] {strides = array<i32>} : memref<80x128xf32, #tpu.memory_space<vmem>>, vector<16xf32>,
      tpu.vector_store %arg8[%parallel_loop3A_190, %parallel_loop3A_191], %parallel_loop3A_189 {strides = array<i32>} : memref<80x128xf32, #tpu.memory_space<vmem>>, vector<16xf32>,
      %parallel_loop3A_193 = arith.index_cast %parallel_loop3A_146 : i32 to index
      %parallel_loop3A_194 = arith.constant 96 : index
      %parallel_loop3A_195 = tpu.vector_load %arg8[%parallel_loop3A_193, %parallel_loop3A_194] {strides = array<i32>} : memref<80x128xf32, #tpu.memory_space<vmem>>, vector<16xf32>,
      %parallel_loop3A_196 = arith.mulf %parallel_loop3A_195, %parallel_loop3A_150 : vector<16xf32>
      %parallel_loop3A_197 = arith.index_cast %parallel_loop3A_146 : i32 to index
      %parallel_loop3A_198 = arith.constant 96 : index
      %parallel_loop3A_199 = tpu.vector_load %arg8[%parallel_loop3A_197, %parallel_loop3A_198] {strides = array<i32>} : memref<80x128xf32, #tpu.memory_space<vmem>>, vector<16xf32>,
      tpu.vector_store %arg8[%parallel_loop3A_197, %parallel_loop3A_198], %parallel_loop3A_196 {strides = array<i32>} : memref<80x128xf32, #tpu.memory_space<vmem>>, vector<16xf32>,
      %parallel_loop3A_200 = arith.index_cast %parallel_loop3A_146 : i32 to index
      %parallel_loop3A_201 = arith.constant 112 : index
      %parallel_loop3A_202 = tpu.vector_load %arg8[%parallel_loop3A_200, %parallel_loop3A_201] {strides = array<i32>} : memref<80x128xf32, #tpu.memory_space<vmem>>, vector<16xf32>,
      %parallel_loop3A_203 = arith.mulf %parallel_loop3A_202, %parallel_loop3A_150 : vector<16xf32>
      %parallel_loop3A_204 = arith.index_cast %parallel_loop3A_146 : i32 to index
      %parallel_loop3A_205 = arith.constant 112 : index
      %parallel_loop3A_206 = tpu.vector_load %arg8[%parallel_loop3A_204, %parallel_loop3A_205] {strides = array<i32>} : memref<80x128xf32, #tpu.memory_space<vmem>>, vector<16xf32>,
      tpu.vector_store %arg8[%parallel_loop3A_204, %parallel_loop3A_205], %parallel_loop3A_203 {strides = array<i32>} : memref<80x128xf32, #tpu.memory_space<vmem>>, vector<16xf32>,
    } {sc.loop_unroll_factor = 4 : i64, sc.parallel_access}
    %mul3A_83 = arith.constant 10000 : i32
    %mul3A_84 = arith.muli %add3A, %mul3A_83 : i32
    %add3A_85 = arith.constant 9920 : i32
    %add3A_86 = arith.addi %mul3A_84, %add3A_85 : i32
    %dma_wait3A_87 = tpu.memref_slice %arg4[%add3A_86] : memref<320000xi32, #tpu.memory_space<hbm>> -> memref<80xi32, #tpu.memory_space<hbm>>
    %dma_wait3A_88 = tpu.memref_slice %arg4[%add3A_86] : memref<320000xi32, #tpu.memory_space<hbm>> -> memref<80xi32, #tpu.memory_space<hbm>>
    tpu.wait_dma2 semaphore(%arg16 : memref<!tpu.dma_semaphore, #tpu.memory_space<semaphore_mem>>) src(%dma_wait3A_88 : memref<80xi32, #tpu.memory_space<hbm>>) dst(%arg11 : memref<80xi32, #tpu.memory_space<vmem>>)
    "tpu.region"() ({
      %run_scoped3A = tpu.sem_alloc : memref<!tpu.dma_semaphore, #tpu.memory_space<semaphore_mem>>
      %dma_start3A_146 = arith.constant 0 : i32
      %dma_start3A_147 = arith.constant 0 : i32
      %dma_start3A_148 = tpu.memref_slice %arg7[%dma_start3A_146, %dma_start3A_147] : memref<10000x128xf32, #tpu.memory_space<vmem_shared>> -> memref<10000x128xf32, #tpu.memory_space<vmem_shared>>
      tpu.enqueue_indirect_dma source(%arg8 : memref<80x128xf32, #tpu.memory_space<vmem>>) target(%dma_start3A_148 : memref<10000x128xf32, #tpu.memory_space<vmem_shared>>) offsets(%arg11 : memref<80xi32, #tpu.memory_space<vmem>>) semaphore(%run_scoped3A : memref<!tpu.dma_semaphore, #tpu.memory_space<semaphore_mem>>) {add = true}
      %dma_wait3A_149 = arith.constant 0 : i32
      %dma_wait3A_150 = arith.constant 0 : i32
      %dma_wait3A_151 = tpu.memref_slice %arg7[%dma_wait3A_149, %dma_wait3A_150] : memref<10000x128xf32, #tpu.memory_space<vmem_shared>> -> memref<10000x128xf32, #tpu.memory_space<vmem_shared>>
      tpu.wait_indirect_dma semaphore(%run_scoped3A : memref<!tpu.dma_semaphore, #tpu.memory_space<semaphore_mem>>) src(%arg8 : memref<80x128xf32, #tpu.memory_space<vmem>>) dst(%dma_wait3A_151 : memref<10000x128xf32, #tpu.memory_space<vmem_shared>>)
      tpu.yield
    }) : () -> ()
    %barrier3A_89 = arith.constant 0 : index
    tpu.barrier barrier_id(%barrier3A_89)
    %add3A_90 = arith.constant 0 : i32
    %add3A_91 = arith.addi %add3A_90, %arg1 : i32
    %lt3A_92 = arith.constant 125 : i32
    %lt3A_93 = arith.cmpi slt, %add3A_91, %lt3A_92 : i32
    %convert_element_type3A_94 = arith.extui %lt3A_93 : i1 to i32
    %cond3A_95 = arith.constant 0 : i32
    %cond3A_96 = arith.cmpi ne, %convert_element_type3A_94, %cond3A_95 : i32
    scf.if %cond3A_96 {
      %mul3A_146 = arith.constant 80 : i32
      %mul3A_147 = arith.muli %add3A_91, %mul3A_146 : i32
      %mul3A_148 = arith.constant 80 : i32
      %mul3A_149 = arith.muli %add3A_91, %mul3A_148 : i32
      "tpu.region"() ({
        %run_scoped3A = tpu.sem_alloc : memref<!tpu.dma_semaphore, #tpu.memory_space<semaphore_mem>>
        %dma_start3A_150 = arith.constant 0 : i32
        %dma_start3A_151 = tpu.memref_slice %arg6[%arg0, %mul3A_149, %dma_start3A_150] : memref<2x10000x128xf32, #tpu.memory_space<hbm>> -> memref<1x80x128xf32, #tpu.memory_space<hbm>>
        %dma_start3A_152 = tpu.memref_squeeze %dma_start3A_151 : memref<1x80x128xf32, #tpu.memory_space<hbm>> -> memref<80x128xf32, #tpu.memory_space<hbm>>
        %dma_start3A_153 = arith.constant 0 : i32
        %dma_start3A_154 = tpu.memref_slice %arg7[%mul3A_147, %dma_start3A_153] : memref<10000x128xf32, #tpu.memory_space<vmem_shared>> -> memref<80x128xf32, #tpu.memory_space<vmem_shared>>
        tpu.enqueue_dma source(%dma_start3A_154 : memref<80x128xf32, #tpu.memory_space<vmem_shared>>) target(%dma_start3A_152 : memref<80x128xf32, #tpu.memory_space<hbm>>) target_semaphore(%run_scoped3A : memref<!tpu.dma_semaphore, #tpu.memory_space<semaphore_mem>>)
        %dma_wait3A_155 = arith.constant 0 : i32
        %dma_wait3A_156 = tpu.memref_slice %arg6[%arg0, %mul3A_149, %dma_wait3A_155] : memref<2x10000x128xf32, #tpu.memory_space<hbm>> -> memref<1x80x128xf32, #tpu.memory_space<hbm>>
        %dma_wait3A_157 = tpu.memref_squeeze %dma_wait3A_156 : memref<1x80x128xf32, #tpu.memory_space<hbm>> -> memref<80x128xf32, #tpu.memory_space<hbm>>
        %dma_wait3A_158 = arith.constant 0 : i32
        %dma_wait3A_159 = tpu.memref_slice %arg7[%mul3A_147, %dma_wait3A_158] : memref<10000x128xf32, #tpu.memory_space<vmem_shared>> -> memref<80x128xf32, #tpu.memory_space<vmem_shared>>
        tpu.wait_dma2 semaphore(%run_scoped3A : memref<!tpu.dma_semaphore, #tpu.memory_space<semaphore_mem>>) src(%dma_wait3A_159 : memref<80x128xf32, #tpu.memory_space<vmem_shared>>) dst(%dma_wait3A_157 : memref<80x128xf32, #tpu.memory_space<hbm>>)
        tpu.yield
      }) : () -> ()
    } else {
    }
    %add3A_97 = arith.constant 16 : i32
    %add3A_98 = arith.addi %add3A_97, %arg1 : i32
    %lt3A_99 = arith.constant 125 : i32
    %lt3A_100 = arith.cmpi slt, %add3A_98, %lt3A_99 : i32
    %convert_element_type3A_101 = arith.extui %lt3A_100 : i1 to i32
    %cond3A_102 = arith.constant 0 : i32
    %cond3A_103 = arith.cmpi ne, %convert_element_type3A_101, %cond3A_102 : i32
    scf.if %cond3A_103 {
      %mul3A_146 = arith.constant 80 : i32
      %mul3A_147 = arith.muli %add3A_98, %mul3A_146 : i32
      %mul3A_148 = arith.constant 80 : i32
      %mul3A_149 = arith.muli %add3A_98, %mul3A_148 : i32
      "tpu.region"() ({
        %run_scoped3A = tpu.sem_alloc : memref<!tpu.dma_semaphore, #tpu.memory_space<semaphore_mem>>
        %dma_start3A_150 = arith.constant 0 : i32
        %dma_start3A_151 = tpu.memref_slice %arg6[%arg0, %mul3A_149, %dma_start3A_150] : memref<2x10000x128xf32, #tpu.memory_space<hbm>> -> memref<1x80x128xf32, #tpu.memory_space<hbm>>
        %dma_start3A_152 = tpu.memref_squeeze %dma_start3A_151 : memref<1x80x128xf32, #tpu.memory_space<hbm>> -> memref<80x128xf32, #tpu.memory_space<hbm>>
        %dma_start3A_153 = arith.constant 0 : i32
        %dma_start3A_154 = tpu.memref_slice %arg7[%mul3A_147, %dma_start3A_153] : memref<10000x128xf32, #tpu.memory_space<vmem_shared>> -> memref<80x128xf32, #tpu.memory_space<vmem_shared>>
        tpu.enqueue_dma source(%dma_start3A_154 : memref<80x128xf32, #tpu.memory_space<vmem_shared>>) target(%dma_start3A_152 : memref<80x128xf32, #tpu.memory_space<hbm>>) target_semaphore(%run_scoped3A : memref<!tpu.dma_semaphore, #tpu.memory_space<semaphore_mem>>)
        %dma_wait3A_155 = arith.constant 0 : i32
        %dma_wait3A_156 = tpu.memref_slice %arg6[%arg0, %mul3A_149, %dma_wait3A_155] : memref<2x10000x128xf32, #tpu.memory_space<hbm>> -> memref<1x80x128xf32, #tpu.memory_space<hbm>>
        %dma_wait3A_157 = tpu.memref_squeeze %dma_wait3A_156 : memref<1x80x128xf32, #tpu.memory_space<hbm>> -> memref<80x128xf32, #tpu.memory_space<hbm>>
        %dma_wait3A_158 = arith.constant 0 : i32
        %dma_wait3A_159 = tpu.memref_slice %arg7[%mul3A_147, %dma_wait3A_158] : memref<10000x128xf32, #tpu.memory_space<vmem_shared>> -> memref<80x128xf32, #tpu.memory_space<vmem_shared>>
        tpu.wait_dma2 semaphore(%run_scoped3A : memref<!tpu.dma_semaphore, #tpu.memory_space<semaphore_mem>>) src(%dma_wait3A_159 : memref<80x128xf32, #tpu.memory_space<vmem_shared>>) dst(%dma_wait3A_157 : memref<80x128xf32, #tpu.memory_space<hbm>>)
        tpu.yield
      }) : () -> ()
    } else {
    }
    %add3A_104 = arith.constant 32 : i32
    %add3A_105 = arith.addi %add3A_104, %arg1 : i32
    %lt3A_106 = arith.constant 125 : i32
    %lt3A_107 = arith.cmpi slt, %add3A_105, %lt3A_106 : i32
    %convert_element_type3A_108 = arith.extui %lt3A_107 : i1 to i32
    %cond3A_109 = arith.constant 0 : i32
    %cond3A_110 = arith.cmpi ne, %convert_element_type3A_108, %cond3A_109 : i32
    scf.if %cond3A_110 {
      %mul3A_146 = arith.constant 80 : i32
      %mul3A_147 = arith.muli %add3A_105, %mul3A_146 : i32
      %mul3A_148 = arith.constant 80 : i32
      %mul3A_149 = arith.muli %add3A_105, %mul3A_148 : i32
      "tpu.region"() ({
        %run_scoped3A = tpu.sem_alloc : memref<!tpu.dma_semaphore, #tpu.memory_space<semaphore_mem>>
        %dma_start3A_150 = arith.constant 0 : i32
        %dma_start3A_151 = tpu.memref_slice %arg6[%arg0, %mul3A_149, %dma_start3A_150] : memref<2x10000x128xf32, #tpu.memory_space<hbm>> -> memref<1x80x128xf32, #tpu.memory_space<hbm>>
        %dma_start3A_152 = tpu.memref_squeeze %dma_start3A_151 : memref<1x80x128xf32, #tpu.memory_space<hbm>> -> memref<80x128xf32, #tpu.memory_space<hbm>>
        %dma_start3A_153 = arith.constant 0 : i32
        %dma_start3A_154 = tpu.memref_slice %arg7[%mul3A_147, %dma_start3A_153] : memref<10000x128xf32, #tpu.memory_space<vmem_shared>> -> memref<80x128xf32, #tpu.memory_space<vmem_shared>>
        tpu.enqueue_dma source(%dma_start3A_154 : memref<80x128xf32, #tpu.memory_space<vmem_shared>>) target(%dma_start3A_152 : memref<80x128xf32, #tpu.memory_space<hbm>>) target_semaphore(%run_scoped3A : memref<!tpu.dma_semaphore, #tpu.memory_space<semaphore_mem>>)
        %dma_wait3A_155 = arith.constant 0 : i32
        %dma_wait3A_156 = tpu.memref_slice %arg6[%arg0, %mul3A_149, %dma_wait3A_155] : memref<2x10000x128xf32, #tpu.memory_space<hbm>> -> memref<1x80x128xf32, #tpu.memory_space<hbm>>
        %dma_wait3A_157 = tpu.memref_squeeze %dma_wait3A_156 : memref<1x80x128xf32, #tpu.memory_space<hbm>> -> memref<80x128xf32, #tpu.memory_space<hbm>>
        %dma_wait3A_158 = arith.constant 0 : i32
        %dma_wait3A_159 = tpu.memref_slice %arg7[%mul3A_147, %dma_wait3A_158] : memref<10000x128xf32, #tpu.memory_space<vmem_shared>> -> memref<80x128xf32, #tpu.memory_space<vmem_shared>>
        tpu.wait_dma2 semaphore(%run_scoped3A : memref<!tpu.dma_semaphore, #tpu.memory_space<semaphore_mem>>) src(%dma_wait3A_159 : memref<80x128xf32, #tpu.memory_space<vmem_shared>>) dst(%dma_wait3A_157 : memref<80x128xf32, #tpu.memory_space<hbm>>)
        tpu.yield
      }) : () -> ()
    } else {
    }
    %add3A_111 = arith.constant 48 : i32
    %add3A_112 = arith.addi %add3A_111, %arg1 : i32
    %lt3A_113 = arith.constant 125 : i32
    %lt3A_114 = arith.cmpi slt, %add3A_112, %lt3A_113 : i32
    %convert_element_type3A_115 = arith.extui %lt3A_114 : i1 to i32
    %cond3A_116 = arith.constant 0 : i32
    %cond3A_117 = arith.cmpi ne, %convert_element_type3A_115, %cond3A_116 : i32
    scf.if %cond3A_117 {
      %mul3A_146 = arith.constant 80 : i32
      %mul3A_147 = arith.muli %add3A_112, %mul3A_146 : i32
      %mul3A_148 = arith.constant 80 : i32
      %mul3A_149 = arith.muli %add3A_112, %mul3A_148 : i32
      "tpu.region"() ({
        %run_scoped3A = tpu.sem_alloc : memref<!tpu.dma_semaphore, #tpu.memory_space<semaphore_mem>>
        %dma_start3A_150 = arith.constant 0 : i32
        %dma_start3A_151 = tpu.memref_slice %arg6[%arg0, %mul3A_149, %dma_start3A_150] : memref<2x10000x128xf32, #tpu.memory_space<hbm>> -> memref<1x80x128xf32, #tpu.memory_space<hbm>>
        %dma_start3A_152 = tpu.memref_squeeze %dma_start3A_151 : memref<1x80x128xf32, #tpu.memory_space<hbm>> -> memref<80x128xf32, #tpu.memory_space<hbm>>
        %dma_start3A_153 = arith.constant 0 : i32
        %dma_start3A_154 = tpu.memref_slice %arg7[%mul3A_147, %dma_start3A_153] : memref<10000x128xf32, #tpu.memory_space<vmem_shared>> -> memref<80x128xf32, #tpu.memory_space<vmem_shared>>
        tpu.enqueue_dma source(%dma_start3A_154 : memref<80x128xf32, #tpu.memory_space<vmem_shared>>) target(%dma_start3A_152 : memref<80x128xf32, #tpu.memory_space<hbm>>) target_semaphore(%run_scoped3A : memref<!tpu.dma_semaphore, #tpu.memory_space<semaphore_mem>>)
        %dma_wait3A_155 = arith.constant 0 : i32
        %dma_wait3A_156 = tpu.memref_slice %arg6[%arg0, %mul3A_149, %dma_wait3A_155] : memref<2x10000x128xf32, #tpu.memory_space<hbm>> -> memref<1x80x128xf32, #tpu.memory_space<hbm>>
        %dma_wait3A_157 = tpu.memref_squeeze %dma_wait3A_156 : memref<1x80x128xf32, #tpu.memory_space<hbm>> -> memref<80x128xf32, #tpu.memory_space<hbm>>
        %dma_wait3A_158 = arith.constant 0 : i32
        %dma_wait3A_159 = tpu.memref_slice %arg7[%mul3A_147, %dma_wait3A_158] : memref<10000x128xf32, #tpu.memory_space<vmem_shared>> -> memref<80x128xf32, #tpu.memory_space<vmem_shared>>
        tpu.wait_dma2 semaphore(%run_scoped3A : memref<!tpu.dma_semaphore, #tpu.memory_space<semaphore_mem>>) src(%dma_wait3A_159 : memref<80x128xf32, #tpu.memory_space<vmem_shared>>) dst(%dma_wait3A_157 : memref<80x128xf32, #tpu.memory_space<hbm>>)
        tpu.yield
      }) : () -> ()
    } else {
    }
    %add3A_118 = arith.constant 64 : i32
    %add3A_119 = arith.addi %add3A_118, %arg1 : i32
    %lt3A_120 = arith.constant 125 : i32
    %lt3A_121 = arith.cmpi slt, %add3A_119, %lt3A_120 : i32
    %convert_element_type3A_122 = arith.extui %lt3A_121 : i1 to i32
    %cond3A_123 = arith.constant 0 : i32
    %cond3A_124 = arith.cmpi ne, %convert_element_type3A_122, %cond3A_123 : i32
    scf.if %cond3A_124 {
      %mul3A_146 = arith.constant 80 : i32
      %mul3A_147 = arith.muli %add3A_119, %mul3A_146 : i32
      %mul3A_148 = arith.constant 80 : i32
      %mul3A_149 = arith.muli %add3A_119, %mul3A_148 : i32
      "tpu.region"() ({
        %run_scoped3A = tpu.sem_alloc : memref<!tpu.dma_semaphore, #tpu.memory_space<semaphore_mem>>
        %dma_start3A_150 = arith.constant 0 : i32
        %dma_start3A_151 = tpu.memref_slice %arg6[%arg0, %mul3A_149, %dma_start3A_150] : memref<2x10000x128xf32, #tpu.memory_space<hbm>> -> memref<1x80x128xf32, #tpu.memory_space<hbm>>
        %dma_start3A_152 = tpu.memref_squeeze %dma_start3A_151 : memref<1x80x128xf32, #tpu.memory_space<hbm>> -> memref<80x128xf32, #tpu.memory_space<hbm>>
        %dma_start3A_153 = arith.constant 0 : i32
        %dma_start3A_154 = tpu.memref_slice %arg7[%mul3A_147, %dma_start3A_153] : memref<10000x128xf32, #tpu.memory_space<vmem_shared>> -> memref<80x128xf32, #tpu.memory_space<vmem_shared>>
        tpu.enqueue_dma source(%dma_start3A_154 : memref<80x128xf32, #tpu.memory_space<vmem_shared>>) target(%dma_start3A_152 : memref<80x128xf32, #tpu.memory_space<hbm>>) target_semaphore(%run_scoped3A : memref<!tpu.dma_semaphore, #tpu.memory_space<semaphore_mem>>)
        %dma_wait3A_155 = arith.constant 0 : i32
        %dma_wait3A_156 = tpu.memref_slice %arg6[%arg0, %mul3A_149, %dma_wait3A_155] : memref<2x10000x128xf32, #tpu.memory_space<hbm>> -> memref<1x80x128xf32, #tpu.memory_space<hbm>>
        %dma_wait3A_157 = tpu.memref_squeeze %dma_wait3A_156 : memref<1x80x128xf32, #tpu.memory_space<hbm>> -> memref<80x128xf32, #tpu.memory_space<hbm>>
        %dma_wait3A_158 = arith.constant 0 : i32
        %dma_wait3A_159 = tpu.memref_slice %arg7[%mul3A_147, %dma_wait3A_158] : memref<10000x128xf32, #tpu.memory_space<vmem_shared>> -> memref<80x128xf32, #tpu.memory_space<vmem_shared>>
        tpu.wait_dma2 semaphore(%run_scoped3A : memref<!tpu.dma_semaphore, #tpu.memory_space<semaphore_mem>>) src(%dma_wait3A_159 : memref<80x128xf32, #tpu.memory_space<vmem_shared>>) dst(%dma_wait3A_157 : memref<80x128xf32, #tpu.memory_space<hbm>>)
        tpu.yield
      }) : () -> ()
    } else {
    }
    %add3A_125 = arith.constant 80 : i32
    %add3A_126 = arith.addi %add3A_125, %arg1 : i32
    %lt3A_127 = arith.constant 125 : i32
    %lt3A_128 = arith.cmpi slt, %add3A_126, %lt3A_127 : i32
    %convert_element_type3A_129 = arith.extui %lt3A_128 : i1 to i32
    %cond3A_130 = arith.constant 0 : i32
    %cond3A_131 = arith.cmpi ne, %convert_element_type3A_129, %cond3A_130 : i32
    scf.if %cond3A_131 {
      %mul3A_146 = arith.constant 80 : i32
      %mul3A_147 = arith.muli %add3A_126, %mul3A_146 : i32
      %mul3A_148 = arith.constant 80 : i32
      %mul3A_149 = arith.muli %add3A_126, %mul3A_148 : i32
      "tpu.region"() ({
        %run_scoped3A = tpu.sem_alloc : memref<!tpu.dma_semaphore, #tpu.memory_space<semaphore_mem>>
        %dma_start3A_150 = arith.constant 0 : i32
        %dma_start3A_151 = tpu.memref_slice %arg6[%arg0, %mul3A_149, %dma_start3A_150] : memref<2x10000x128xf32, #tpu.memory_space<hbm>> -> memref<1x80x128xf32, #tpu.memory_space<hbm>>
        %dma_start3A_152 = tpu.memref_squeeze %dma_start3A_151 : memref<1x80x128xf32, #tpu.memory_space<hbm>> -> memref<80x128xf32, #tpu.memory_space<hbm>>
        %dma_start3A_153 = arith.constant 0 : i32
        %dma_start3A_154 = tpu.memref_slice %arg7[%mul3A_147, %dma_start3A_153] : memref<10000x128xf32, #tpu.memory_space<vmem_shared>> -> memref<80x128xf32, #tpu.memory_space<vmem_shared>>
        tpu.enqueue_dma source(%dma_start3A_154 : memref<80x128xf32, #tpu.memory_space<vmem_shared>>) target(%dma_start3A_152 : memref<80x128xf32, #tpu.memory_space<hbm>>) target_semaphore(%run_scoped3A : memref<!tpu.dma_semaphore, #tpu.memory_space<semaphore_mem>>)
        %dma_wait3A_155 = arith.constant 0 : i32
        %dma_wait3A_156 = tpu.memref_slice %arg6[%arg0, %mul3A_149, %dma_wait3A_155] : memref<2x10000x128xf32, #tpu.memory_space<hbm>> -> memref<1x80x128xf32, #tpu.memory_space<hbm>>
        %dma_wait3A_157 = tpu.memref_squeeze %dma_wait3A_156 : memref<1x80x128xf32, #tpu.memory_space<hbm>> -> memref<80x128xf32, #tpu.memory_space<hbm>>
        %dma_wait3A_158 = arith.constant 0 : i32
        %dma_wait3A_159 = tpu.memref_slice %arg7[%mul3A_147, %dma_wait3A_158] : memref<10000x128xf32, #tpu.memory_space<vmem_shared>> -> memref<80x128xf32, #tpu.memory_space<vmem_shared>>
        tpu.wait_dma2 semaphore(%run_scoped3A : memref<!tpu.dma_semaphore, #tpu.memory_space<semaphore_mem>>) src(%dma_wait3A_159 : memref<80x128xf32, #tpu.memory_space<vmem_shared>>) dst(%dma_wait3A_157 : memref<80x128xf32, #tpu.memory_space<hbm>>)
        tpu.yield
      }) : () -> ()
    } else {
    }
    %add3A_132 = arith.constant 96 : i32
    %add3A_133 = arith.addi %add3A_132, %arg1 : i32
    %lt3A_134 = arith.constant 125 : i32
    %lt3A_135 = arith.cmpi slt, %add3A_133, %lt3A_134 : i32
    %convert_element_type3A_136 = arith.extui %lt3A_135 : i1 to i32
    %cond3A_137 = arith.constant 0 : i32
    %cond3A_138 = arith.cmpi ne, %convert_element_type3A_136, %cond3A_137 : i32
    scf.if %cond3A_138 {
      %mul3A_146 = arith.constant 80 : i32
      %mul3A_147 = arith.muli %add3A_133, %mul3A_146 : i32
      %mul3A_148 = arith.constant 80 : i32
      %mul3A_149 = arith.muli %add3A_133, %mul3A_148 : i32
      "tpu.region"() ({
        %run_scoped3A = tpu.sem_alloc : memref<!tpu.dma_semaphore, #tpu.memory_space<semaphore_mem>>
        %dma_start3A_150 = arith.constant 0 : i32
        %dma_start3A_151 = tpu.memref_slice %arg6[%arg0, %mul3A_149, %dma_start3A_150] : memref<2x10000x128xf32, #tpu.memory_space<hbm>> -> memref<1x80x128xf32, #tpu.memory_space<hbm>>
        %dma_start3A_152 = tpu.memref_squeeze %dma_start3A_151 : memref<1x80x128xf32, #tpu.memory_space<hbm>> -> memref<80x128xf32, #tpu.memory_space<hbm>>
        %dma_start3A_153 = arith.constant 0 : i32
        %dma_start3A_154 = tpu.memref_slice %arg7[%mul3A_147, %dma_start3A_153] : memref<10000x128xf32, #tpu.memory_space<vmem_shared>> -> memref<80x128xf32, #tpu.memory_space<vmem_shared>>
        tpu.enqueue_dma source(%dma_start3A_154 : memref<80x128xf32, #tpu.memory_space<vmem_shared>>) target(%dma_start3A_152 : memref<80x128xf32, #tpu.memory_space<hbm>>) target_semaphore(%run_scoped3A : memref<!tpu.dma_semaphore, #tpu.memory_space<semaphore_mem>>)
        %dma_wait3A_155 = arith.constant 0 : i32
        %dma_wait3A_156 = tpu.memref_slice %arg6[%arg0, %mul3A_149, %dma_wait3A_155] : memref<2x10000x128xf32, #tpu.memory_space<hbm>> -> memref<1x80x128xf32, #tpu.memory_space<hbm>>
        %dma_wait3A_157 = tpu.memref_squeeze %dma_wait3A_156 : memref<1x80x128xf32, #tpu.memory_space<hbm>> -> memref<80x128xf32, #tpu.memory_space<hbm>>
        %dma_wait3A_158 = arith.constant 0 : i32
        %dma_wait3A_159 = tpu.memref_slice %arg7[%mul3A_147, %dma_wait3A_158] : memref<10000x128xf32, #tpu.memory_space<vmem_shared>> -> memref<80x128xf32, #tpu.memory_space<vmem_shared>>
        tpu.wait_dma2 semaphore(%run_scoped3A : memref<!tpu.dma_semaphore, #tpu.memory_space<semaphore_mem>>) src(%dma_wait3A_159 : memref<80x128xf32, #tpu.memory_space<vmem_shared>>) dst(%dma_wait3A_157 : memref<80x128xf32, #tpu.memory_space<hbm>>)
        tpu.yield
      }) : () -> ()
    } else {
    }
    %add3A_139 = arith.constant 112 : i32
    %add3A_140 = arith.addi %add3A_139, %arg1 : i32
    %lt3A_141 = arith.constant 125 : i32
    %lt3A_142 = arith.cmpi slt, %add3A_140, %lt3A_141 : i32
    %convert_element_type3A_143 = arith.extui %lt3A_142 : i1 to i32
    %cond3A_144 = arith.constant 0 : i32
    %cond3A_145 = arith.cmpi ne, %convert_element_type3A_143, %cond3A_144 : i32
    scf.if %cond3A_145 {
      %mul3A_146 = arith.constant 80 : i32
      %mul3A_147 = arith.muli %add3A_140, %mul3A_146 : i32
      %mul3A_148 = arith.constant 80 : i32
      %mul3A_149 = arith.muli %add3A_140, %mul3A_148 : i32
      "tpu.region"() ({
        %run_scoped3A = tpu.sem_alloc : memref<!tpu.dma_semaphore, #tpu.memory_space<semaphore_mem>>
        %dma_start3A_150 = arith.constant 0 : i32
        %dma_start3A_151 = tpu.memref_slice %arg6[%arg0, %mul3A_149, %dma_start3A_150] : memref<2x10000x128xf32, #tpu.memory_space<hbm>> -> memref<1x80x128xf32, #tpu.memory_space<hbm>>
        %dma_start3A_152 = tpu.memref_squeeze %dma_start3A_151 : memref<1x80x128xf32, #tpu.memory_space<hbm>> -> memref<80x128xf32, #tpu.memory_space<hbm>>
        %dma_start3A_153 = arith.constant 0 : i32
        %dma_start3A_154 = tpu.memref_slice %arg7[%mul3A_147, %dma_start3A_153] : memref<10000x128xf32, #tpu.memory_space<vmem_shared>> -> memref<80x128xf32, #tpu.memory_space<vmem_shared>>
        tpu.enqueue_dma source(%dma_start3A_154 : memref<80x128xf32, #tpu.memory_space<vmem_shared>>) target(%dma_start3A_152 : memref<80x128xf32, #tpu.memory_space<hbm>>) target_semaphore(%run_scoped3A : memref<!tpu.dma_semaphore, #tpu.memory_space<semaphore_mem>>)
        %dma_wait3A_155 = arith.constant 0 : i32
        %dma_wait3A_156 = tpu.memref_slice %arg6[%arg0, %mul3A_149, %dma_wait3A_155] : memref<2x10000x128xf32, #tpu.memory_space<hbm>> -> memref<1x80x128xf32, #tpu.memory_space<hbm>>
        %dma_wait3A_157 = tpu.memref_squeeze %dma_wait3A_156 : memref<1x80x128xf32, #tpu.memory_space<hbm>> -> memref<80x128xf32, #tpu.memory_space<hbm>>
        %dma_wait3A_158 = arith.constant 0 : i32
        %dma_wait3A_159 = tpu.memref_slice %arg7[%mul3A_147, %dma_wait3A_158] : memref<10000x128xf32, #tpu.memory_space<vmem_shared>> -> memref<80x128xf32, #tpu.memory_space<vmem_shared>>
        tpu.wait_dma2 semaphore(%run_scoped3A : memref<!tpu.dma_semaphore, #tpu.memory_space<semaphore_mem>>) src(%dma_wait3A_159 : memref<80x128xf32, #tpu.memory_space<vmem_shared>>) dst(%dma_wait3A_157 : memref<80x128xf32, #tpu.memory_space<hbm>>)
        tpu.yield
      }) : () -> ()
    } else {
    }
    return
  }
}

#map = affine_map<(d0, d1) -> (0, 0)>
#map1 = affine_map<(d0, d1) -> (0)>
#map2 = affine_map<(d0, d1) -> (0, 0, 0)>
module attributes {stable_mosaic.version = 14 : i64} {
  func.func @k(%arg0: i32, %arg1: i32, %arg2: memref<10000x128xf32, #tpu.memory_space<hbm>>, %arg3: memref<320000xi32, #tpu.memory_space<hbm>>, %arg4: memref<320000xi32, #tpu.memory_space<hbm>>, %arg5: memref<320000xf32, #tpu.memory_space<hbm>>, %arg6: memref<2x10000x128xf32, #tpu.memory_space<hbm>>, %arg7: memref<10000x128xf32, #tpu.memory_space<vmem_shared>>, %arg8: memref<80x128xf32, #tpu.memory_space<vmem>>, %arg9: memref<80x128xf32, #tpu.memory_space<vmem>>, %arg10: memref<10000xi32, #tpu.memory_space<vmem>>, %arg11: memref<80xi32, #tpu.memory_space<vmem>>, %arg12: memref<80xi32, #tpu.memory_space<vmem>>, %arg13: memref<10000xf32, #tpu.memory_space<vmem>>, %arg14: memref<!tpu.dma_semaphore, #tpu.memory_space<semaphore_mem>>, %arg15: memref<!tpu.dma_semaphore, #tpu.memory_space<semaphore_mem>>, %arg16: memref<!tpu.dma_semaphore, #tpu.memory_space<semaphore_mem>>, %arg17: memref<!tpu.dma_semaphore, #tpu.memory_space<semaphore_mem>>) attributes {dimension_semantics = [#tpu.dimension_semantics<core_parallel>, #tpu.dimension_semantics<subcore_parallel>], iteration_bounds = array<i64: 2, 16>, scalar_prefetch = 0 : i64, scratch_operands = 11 : i64, tpu.core_type = #tpu.core_type<sc_vector_subcore>, window_params = [{transform_indices = #map}, {transform_indices = #map1}, {transform_indices = #map1}, {transform_indices = #map1}, {transform_indices = #map2}]} {
    %mul3A = arith.constant 16 : i32
    %mul3A_0 = arith.muli %arg0, %mul3A : i32
    %add3A = arith.addi %mul3A_0, %arg1 : i32
    %mul3A_1 = arith.constant 10000 : i32
    %mul3A_2 = arith.muli %add3A, %mul3A_1 : i32
    "tpu.region"() ({
      %run_scoped3A = tpu.sem_alloc : memref<!tpu.dma_semaphore, #tpu.memory_space<semaphore_mem>>
      %dma_start3A_146 = tpu.memref_slice %arg3[%mul3A_2] : memref<320000xi32, #tpu.memory_space<hbm>> -> memref<10000xi32, #tpu.memory_space<hbm>>
      %dma_start3A_147 = tpu.memref_slice %arg3[%mul3A_2] : memref<320000xi32, #tpu.memory_space<hbm>> -> memref<10000xi32, #tpu.memory_space<hbm>>
      tpu.enqueue_dma source(%dma_start3A_147 : memref<10000xi32, #tpu.memory_space<hbm>>) target(%arg10 : memref<10000xi32, #tpu.memory_space<vmem>>) target_semaphore(%run_scoped3A : memref<!tpu.dma_semaphore, #tpu.memory_space<semaphore_mem>>)
      %dma_wait3A_148 = tpu.memref_slice %arg3[%mul3A_2] : memref<320000xi32, #tpu.memory_space<hbm>> -> memref<10000xi32, #tpu.memory_space<hbm>>
      %dma_wait3A_149 = tpu.memref_slice %arg3[%mul3A_2] : memref<320000xi32, #tpu.memory_space<hbm>> -> memref<10000xi32, #tpu.memory_space<hbm>>
      tpu.wait_dma2 semaphore(%run_scoped3A : memref<!tpu.dma_semaphore, #tpu.memory_space<semaphore_mem>>) src(%dma_wait3A_149 : memref<10000xi32, #tpu.memory_space<hbm>>) dst(%arg10 : memref<10000xi32, #tpu.memory_space<vmem>>)
      tpu.yield
    }) : () -> ()
    %mul3A_3 = arith.constant 10000 : i32
    %mul3A_4 = arith.muli %add3A, %mul3A_3 : i32
    "tpu.region"() ({
      %run_scoped3A = tpu.sem_alloc : memref<!tpu.dma_semaphore, #tpu.memory_space<semaphore_mem>>
      %dma_start3A_146 = tpu.memref_slice %arg5[%mul3A_4] : memref<320000xf32, #tpu.memory_space<hbm>> -> memref<10000xf32, #tpu.memory_space<hbm>>
      %dma_start3A_147 = tpu.memref_slice %arg5[%mul3A_4] : memref<320000xf32, #tpu.memory_space<hbm>> -> memref<10000xf32, #tpu.memory_space<hbm>>
      tpu.enqueue_dma source(%dma_start3A_147 : memref<10000xf32, #tpu.memory_space<hbm>>) target(%arg13 : memref<10000xf32, #tpu.memory_space<vmem>>) target_semaphore(%run_scoped3A : memref<!tpu.dma_semaphore, #tpu.memory_space<semaphore_mem>>)
      %dma_wait3A_148 = tpu.memref_slice %arg5[%mul3A_4] : memref<320000xf32, #tpu.memory_space<hbm>> -> memref<10000xf32, #tpu.memory_space<hbm>>
      %dma_wait3A_149 = tpu.memref_slice %arg5[%mul3A_4] : memref<320000xf32, #tpu.memory_space<hbm>> -> memref<10000xf32, #tpu.memory_space<hbm>>
      tpu.wait_dma2 semaphore(%run_scoped3A : memref<!tpu.dma_semaphore, #tpu.memory_space<semaphore_mem>>) src(%dma_wait3A_149 : memref<10000xf32, #tpu.memory_space<hbm>>) dst(%arg13 : memref<10000xf32, #tpu.memory_space<vmem>>)
      tpu.yield
    }) : () -> ()
    %scan3A = arith.constant 0 : i32
    %scan3A_5 = arith.constant 80 : i32
    %scan3A_6 = arith.addi %scan3A, %scan3A_5 : i32
    %scan3A_7 = arith.constant 1 : i32
    scf.for %scan3A_146 = %scan3A to %scan3A_6 step %scan3A_7  : i32 {
      %mul3A_147 = arith.constant 1 : i32
      %mul3A_148 = arith.muli %scan3A_146, %mul3A_147 : i32
      %add3A_149 = arith.constant 0 : i32
      %add3A_150 = arith.addi %add3A_149, %mul3A_148 : i32
      %broadcast_in_dim3A = arith.constant 0.000000e+00 : f32
      %broadcast_in_dim3A_151 = vector.broadcast %broadcast_in_dim3A : f32 to vector<16xf32>
      %swap3A = arith.index_cast %add3A_150 : i32 to index
      %swap3A_152 = arith.constant 0 : index
      %swap3A_153 = tpu.vector_load %arg8[%swap3A, %swap3A_152] {strides = array<i32>} : memref<80x128xf32, #tpu.memory_space<vmem>>, vector<16xf32>,
      tpu.vector_store %arg8[%swap3A, %swap3A_152], %broadcast_in_dim3A_151 {strides = array<i32>} : memref<80x128xf32, #tpu.memory_space<vmem>>, vector<16xf32>,
      %broadcast_in_dim3A_154 = arith.constant 0.000000e+00 : f32
      %broadcast_in_dim3A_155 = vector.broadcast %broadcast_in_dim3A_154 : f32 to vector<16xf32>
      %swap3A_156 = arith.index_cast %add3A_150 : i32 to index
      %swap3A_157 = arith.constant 16 : index
      %swap3A_158 = tpu.vector_load %arg8[%swap3A_156, %swap3A_157] {strides = array<i32>} : memref<80x128xf32, #tpu.memory_space<vmem>>, vector<16xf32>,
      tpu.vector_store %arg8[%swap3A_156, %swap3A_157], %broadcast_in_dim3A_155 {strides = array<i32>} : memref<80x128xf32, #tpu.memory_space<vmem>>, vector<16xf32>,
      %broadcast_in_dim3A_159 = arith.constant 0.000000e+00 : f32
      %broadcast_in_dim3A_160 = vector.broadcast %broadcast_in_dim3A_159 : f32 to vector<16xf32>
      %swap3A_161 = arith.index_cast %add3A_150 : i32 to index
      %swap3A_162 = arith.constant 32 : index
      %swap3A_163 = tpu.vector_load %arg8[%swap3A_161, %swap3A_162] {strides = array<i32>} : memref<80x128xf32, #tpu.memory_space<vmem>>, vector<16xf32>,
      tpu.vector_store %arg8[%swap3A_161, %swap3A_162], %broadcast_in_dim3A_160 {strides = array<i32>} : memref<80x128xf32, #tpu.memory_space<vmem>>, vector<16xf32>,
      %broadcast_in_dim3A_164 = arith.constant 0.000000e+00 : f32
      %broadcast_in_dim3A_165 = vector.broadcast %broadcast_in_dim3A_164 : f32 to vector<16xf32>
      %swap3A_166 = arith.index_cast %add3A_150 : i32 to index
      %swap3A_167 = arith.constant 48 : index
      %swap3A_168 = tpu.vector_load %arg8[%swap3A_166, %swap3A_167] {strides = array<i32>} : memref<80x128xf32, #tpu.memory_space<vmem>>, vector<16xf32>,
      tpu.vector_store %arg8[%swap3A_166, %swap3A_167], %broadcast_in_dim3A_165 {strides = array<i32>} : memref<80x128xf32, #tpu.memory_space<vmem>>, vector<16xf32>,
      %broadcast_in_dim3A_169 = arith.constant 0.000000e+00 : f32
      %broadcast_in_dim3A_170 = vector.broadcast %broadcast_in_dim3A_169 : f32 to vector<16xf32>
      %swap3A_171 = arith.index_cast %add3A_150 : i32 to index
      %swap3A_172 = arith.constant 64 : index
      %swap3A_173 = tpu.vector_load %arg8[%swap3A_171, %swap3A_172] {strides = array<i32>} : memref<80x128xf32, #tpu.memory_space<vmem>>, vector<16xf32>,
      tpu.vector_store %arg8[%swap3A_171, %swap3A_172], %broadcast_in_dim3A_170 {strides = array<i32>} : memref<80x128xf32, #tpu.memory_space<vmem>>, vector<16xf32>,
      %broadcast_in_dim3A_174 = arith.constant 0.000000e+00 : f32
      %broadcast_in_dim3A_175 = vector.broadcast %broadcast_in_dim3A_174 : f32 to vector<16xf32>
      %swap3A_176 = arith.index_cast %add3A_150 : i32 to index
      %swap3A_177 = arith.constant 80 : index
      %swap3A_178 = tpu.vector_load %arg8[%swap3A_176, %swap3A_177] {strides = array<i32>} : memref<80x128xf32, #tpu.memory_space<vmem>>, vector<16xf32>,
      tpu.vector_store %arg8[%swap3A_176, %swap3A_177], %broadcast_in_dim3A_175 {strides = array<i32>} : memref<80x128xf32, #tpu.memory_space<vmem>>, vector<16xf32>,
      %broadcast_in_dim3A_179 = arith.constant 0.000000e+00 : f32
      %broadcast_in_dim3A_180 = vector.broadcast %broadcast_in_dim3A_179 : f32 to vector<16xf32>
      %swap3A_181 = arith.index_cast %add3A_150 : i32 to index
      %swap3A_182 = arith.constant 96 : index
      %swap3A_183 = tpu.vector_load %arg8[%swap3A_181, %swap3A_182] {strides = array<i32>} : memref<80x128xf32, #tpu.memory_space<vmem>>, vector<16xf32>,
      tpu.vector_store %arg8[%swap3A_181, %swap3A_182], %broadcast_in_dim3A_180 {strides = array<i32>} : memref<80x128xf32, #tpu.memory_space<vmem>>, vector<16xf32>,
      %broadcast_in_dim3A_184 = arith.constant 0.000000e+00 : f32
      %broadcast_in_dim3A_185 = vector.broadcast %broadcast_in_dim3A_184 : f32 to vector<16xf32>
      %swap3A_186 = arith.index_cast %add3A_150 : i32 to index
      %swap3A_187 = arith.constant 112 : index
      %swap3A_188 = tpu.vector_load %arg8[%swap3A_186, %swap3A_187] {strides = array<i32>} : memref<80x128xf32, #tpu.memory_space<vmem>>, vector<16xf32>,
      tpu.vector_store %arg8[%swap3A_186, %swap3A_187], %broadcast_in_dim3A_185 {strides = array<i32>} : memref<80x128xf32, #tpu.memory_space<vmem>>, vector<16xf32>,
    }
    %scan3A_8 = arith.constant 80 : i32
    %add3A_9 = arith.constant 0 : i32
    %add3A_10 = arith.addi %add3A_9, %arg1 : i32
    %lt3A = arith.constant 125 : i32
    %lt3A_11 = arith.cmpi slt, %add3A_10, %lt3A : i32
    %convert_element_type3A = arith.extui %lt3A_11 : i1 to i32
    %cond3A = arith.constant 0 : i32
    %cond3A_12 = arith.cmpi ne, %convert_element_type3A, %cond3A : i32
    scf.if %cond3A_12 {
      %mul3A_146 = arith.constant 80 : i32
      %mul3A_147 = arith.muli %add3A_10, %mul3A_146 : i32
      "tpu.region"() ({
        %run_scoped3A = tpu.sem_alloc : memref<!tpu.dma_semaphore, #tpu.memory_space<semaphore_mem>>
        %dma_start3A_148 = arith.constant 0 : i32
        %dma_start3A_149 = arith.constant 0 : i32
        %dma_start3A_150 = tpu.memref_slice %arg8[%dma_start3A_148, %dma_start3A_149] : memref<80x128xf32, #tpu.memory_space<vmem>> -> memref<80x128xf32, #tpu.memory_space<vmem>>
        %dma_start3A_151 = arith.constant 0 : i32
        %dma_start3A_152 = tpu.memref_slice %arg7[%mul3A_147, %dma_start3A_151] : memref<10000x128xf32, #tpu.memory_space<vmem_shared>> -> memref<80x128xf32, #tpu.memory_space<vmem_shared>>
        %dma_start3A_153 = arith.constant 0 : i32
        %dma_start3A_154 = tpu.memref_slice %arg7[%mul3A_147, %dma_start3A_153] : memref<10000x128xf32, #tpu.memory_space<vmem_shared>> -> memref<80x128xf32, #tpu.memory_space<vmem_shared>>
        %dma_start3A_155 = arith.constant 0 : i32
        %dma_start3A_156 = arith.constant 0 : i32
        %dma_start3A_157 = tpu.memref_slice %arg8[%dma_start3A_155, %dma_start3A_156] : memref<80x128xf32, #tpu.memory_space<vmem>> -> memref<80x128xf32, #tpu.memory_space<vmem>>
        tpu.enqueue_dma source(%dma_start3A_157 : memref<80x128xf32, #tpu.memory_space<vmem>>) target(%dma_start3A_154 : memref<80x128xf32, #tpu.memory_space<vmem_shared>>) target_semaphore(%run_scoped3A : memref<!tpu.dma_semaphore, #tpu.memory_space<semaphore_mem>>)
        %dma_wait3A_158 = arith.constant 0 : i32
        %dma_wait3A_159 = arith.constant 0 : i32
        %dma_wait3A_160 = tpu.memref_slice %arg8[%dma_wait3A_158, %dma_wait3A_159] : memref<80x128xf32, #tpu.memory_space<vmem>> -> memref<80x128xf32, #tpu.memory_space<vmem>>
        %dma_wait3A_161 = arith.constant 0 : i32
        %dma_wait3A_162 = tpu.memref_slice %arg7[%mul3A_147, %dma_wait3A_161] : memref<10000x128xf32, #tpu.memory_space<vmem_shared>> -> memref<80x128xf32, #tpu.memory_space<vmem_shared>>
        %dma_wait3A_163 = arith.constant 0 : i32
        %dma_wait3A_164 = tpu.memref_slice %arg7[%mul3A_147, %dma_wait3A_163] : memref<10000x128xf32, #tpu.memory_space<vmem_shared>> -> memref<80x128xf32, #tpu.memory_space<vmem_shared>>
        %dma_wait3A_165 = arith.constant 0 : i32
        %dma_wait3A_166 = arith.constant 0 : i32
        %dma_wait3A_167 = tpu.memref_slice %arg8[%dma_wait3A_165, %dma_wait3A_166] : memref<80x128xf32, #tpu.memory_space<vmem>> -> memref<80x128xf32, #tpu.memory_space<vmem>>
        tpu.wait_dma2 semaphore(%run_scoped3A : memref<!tpu.dma_semaphore, #tpu.memory_space<semaphore_mem>>) src(%dma_wait3A_167 : memref<80x128xf32, #tpu.memory_space<vmem>>) dst(%dma_wait3A_164 : memref<80x128xf32, #tpu.memory_space<vmem_shared>>)
        tpu.yield
      }) : () -> ()
    } else {
    }
    %add3A_13 = arith.constant 16 : i32
    %add3A_14 = arith.addi %add3A_13, %arg1 : i32
    %lt3A_15 = arith.constant 125 : i32
    %lt3A_16 = arith.cmpi slt, %add3A_14, %lt3A_15 : i32
    %convert_element_type3A_17 = arith.extui %lt3A_16 : i1 to i32
    %cond3A_18 = arith.constant 0 : i32
    %cond3A_19 = arith.cmpi ne, %convert_element_type3A_17, %cond3A_18 : i32
    scf.if %cond3A_19 {
      %mul3A_146 = arith.constant 80 : i32
      %mul3A_147 = arith.muli %add3A_14, %mul3A_146 : i32
      "tpu.region"() ({
        %run_scoped3A = tpu.sem_alloc : memref<!tpu.dma_semaphore, #tpu.memory_space<semaphore_mem>>
        %dma_start3A_148 = arith.constant 0 : i32
        %dma_start3A_149 = arith.constant 0 : i32
        %dma_start3A_150 = tpu.memref_slice %arg8[%dma_start3A_148, %dma_start3A_149] : memref<80x128xf32, #tpu.memory_space<vmem>> -> memref<80x128xf32, #tpu.memory_space<vmem>>
        %dma_start3A_151 = arith.constant 0 : i32
        %dma_start3A_152 = tpu.memref_slice %arg7[%mul3A_147, %dma_start3A_151] : memref<10000x128xf32, #tpu.memory_space<vmem_shared>> -> memref<80x128xf32, #tpu.memory_space<vmem_shared>>
        %dma_start3A_153 = arith.constant 0 : i32
        %dma_start3A_154 = tpu.memref_slice %arg7[%mul3A_147, %dma_start3A_153] : memref<10000x128xf32, #tpu.memory_space<vmem_shared>> -> memref<80x128xf32, #tpu.memory_space<vmem_shared>>
        %dma_start3A_155 = arith.constant 0 : i32
        %dma_start3A_156 = arith.constant 0 : i32
        %dma_start3A_157 = tpu.memref_slice %arg8[%dma_start3A_155, %dma_start3A_156] : memref<80x128xf32, #tpu.memory_space<vmem>> -> memref<80x128xf32, #tpu.memory_space<vmem>>
        tpu.enqueue_dma source(%dma_start3A_157 : memref<80x128xf32, #tpu.memory_space<vmem>>) target(%dma_start3A_154 : memref<80x128xf32, #tpu.memory_space<vmem_shared>>) target_semaphore(%run_scoped3A : memref<!tpu.dma_semaphore, #tpu.memory_space<semaphore_mem>>)
        %dma_wait3A_158 = arith.constant 0 : i32
        %dma_wait3A_159 = arith.constant 0 : i32
        %dma_wait3A_160 = tpu.memref_slice %arg8[%dma_wait3A_158, %dma_wait3A_159] : memref<80x128xf32, #tpu.memory_space<vmem>> -> memref<80x128xf32, #tpu.memory_space<vmem>>
        %dma_wait3A_161 = arith.constant 0 : i32
        %dma_wait3A_162 = tpu.memref_slice %arg7[%mul3A_147, %dma_wait3A_161] : memref<10000x128xf32, #tpu.memory_space<vmem_shared>> -> memref<80x128xf32, #tpu.memory_space<vmem_shared>>
        %dma_wait3A_163 = arith.constant 0 : i32
        %dma_wait3A_164 = tpu.memref_slice %arg7[%mul3A_147, %dma_wait3A_163] : memref<10000x128xf32, #tpu.memory_space<vmem_shared>> -> memref<80x128xf32, #tpu.memory_space<vmem_shared>>
        %dma_wait3A_165 = arith.constant 0 : i32
        %dma_wait3A_166 = arith.constant 0 : i32
        %dma_wait3A_167 = tpu.memref_slice %arg8[%dma_wait3A_165, %dma_wait3A_166] : memref<80x128xf32, #tpu.memory_space<vmem>> -> memref<80x128xf32, #tpu.memory_space<vmem>>
        tpu.wait_dma2 semaphore(%run_scoped3A : memref<!tpu.dma_semaphore, #tpu.memory_space<semaphore_mem>>) src(%dma_wait3A_167 : memref<80x128xf32, #tpu.memory_space<vmem>>) dst(%dma_wait3A_164 : memref<80x128xf32, #tpu.memory_space<vmem_shared>>)
        tpu.yield
      }) : () -> ()
    } else {
    }
    %add3A_20 = arith.constant 32 : i32
    %add3A_21 = arith.addi %add3A_20, %arg1 : i32
    %lt3A_22 = arith.constant 125 : i32
    %lt3A_23 = arith.cmpi slt, %add3A_21, %lt3A_22 : i32
    %convert_element_type3A_24 = arith.extui %lt3A_23 : i1 to i32
    %cond3A_25 = arith.constant 0 : i32
    %cond3A_26 = arith.cmpi ne, %convert_element_type3A_24, %cond3A_25 : i32
    scf.if %cond3A_26 {
      %mul3A_146 = arith.constant 80 : i32
      %mul3A_147 = arith.muli %add3A_21, %mul3A_146 : i32
      "tpu.region"() ({
        %run_scoped3A = tpu.sem_alloc : memref<!tpu.dma_semaphore, #tpu.memory_space<semaphore_mem>>
        %dma_start3A_148 = arith.constant 0 : i32
        %dma_start3A_149 = arith.constant 0 : i32
        %dma_start3A_150 = tpu.memref_slice %arg8[%dma_start3A_148, %dma_start3A_149] : memref<80x128xf32, #tpu.memory_space<vmem>> -> memref<80x128xf32, #tpu.memory_space<vmem>>
        %dma_start3A_151 = arith.constant 0 : i32
        %dma_start3A_152 = tpu.memref_slice %arg7[%mul3A_147, %dma_start3A_151] : memref<10000x128xf32, #tpu.memory_space<vmem_shared>> -> memref<80x128xf32, #tpu.memory_space<vmem_shared>>
        %dma_start3A_153 = arith.constant 0 : i32
        %dma_start3A_154 = tpu.memref_slice %arg7[%mul3A_147, %dma_start3A_153] : memref<10000x128xf32, #tpu.memory_space<vmem_shared>> -> memref<80x128xf32, #tpu.memory_space<vmem_shared>>
        %dma_start3A_155 = arith.constant 0 : i32
        %dma_start3A_156 = arith.constant 0 : i32
        %dma_start3A_157 = tpu.memref_slice %arg8[%dma_start3A_155, %dma_start3A_156] : memref<80x128xf32, #tpu.memory_space<vmem>> -> memref<80x128xf32, #tpu.memory_space<vmem>>
        tpu.enqueue_dma source(%dma_start3A_157 : memref<80x128xf32, #tpu.memory_space<vmem>>) target(%dma_start3A_154 : memref<80x128xf32, #tpu.memory_space<vmem_shared>>) target_semaphore(%run_scoped3A : memref<!tpu.dma_semaphore, #tpu.memory_space<semaphore_mem>>)
        %dma_wait3A_158 = arith.constant 0 : i32
        %dma_wait3A_159 = arith.constant 0 : i32
        %dma_wait3A_160 = tpu.memref_slice %arg8[%dma_wait3A_158, %dma_wait3A_159] : memref<80x128xf32, #tpu.memory_space<vmem>> -> memref<80x128xf32, #tpu.memory_space<vmem>>
        %dma_wait3A_161 = arith.constant 0 : i32
        %dma_wait3A_162 = tpu.memref_slice %arg7[%mul3A_147, %dma_wait3A_161] : memref<10000x128xf32, #tpu.memory_space<vmem_shared>> -> memref<80x128xf32, #tpu.memory_space<vmem_shared>>
        %dma_wait3A_163 = arith.constant 0 : i32
        %dma_wait3A_164 = tpu.memref_slice %arg7[%mul3A_147, %dma_wait3A_163] : memref<10000x128xf32, #tpu.memory_space<vmem_shared>> -> memref<80x128xf32, #tpu.memory_space<vmem_shared>>
        %dma_wait3A_165 = arith.constant 0 : i32
        %dma_wait3A_166 = arith.constant 0 : i32
        %dma_wait3A_167 = tpu.memref_slice %arg8[%dma_wait3A_165, %dma_wait3A_166] : memref<80x128xf32, #tpu.memory_space<vmem>> -> memref<80x128xf32, #tpu.memory_space<vmem>>
        tpu.wait_dma2 semaphore(%run_scoped3A : memref<!tpu.dma_semaphore, #tpu.memory_space<semaphore_mem>>) src(%dma_wait3A_167 : memref<80x128xf32, #tpu.memory_space<vmem>>) dst(%dma_wait3A_164 : memref<80x128xf32, #tpu.memory_space<vmem_shared>>)
        tpu.yield
      }) : () -> ()
    } else {
    }
    %add3A_27 = arith.constant 48 : i32
    %add3A_28 = arith.addi %add3A_27, %arg1 : i32
    %lt3A_29 = arith.constant 125 : i32
    %lt3A_30 = arith.cmpi slt, %add3A_28, %lt3A_29 : i32
    %convert_element_type3A_31 = arith.extui %lt3A_30 : i1 to i32
    %cond3A_32 = arith.constant 0 : i32
    %cond3A_33 = arith.cmpi ne, %convert_element_type3A_31, %cond3A_32 : i32
    scf.if %cond3A_33 {
      %mul3A_146 = arith.constant 80 : i32
      %mul3A_147 = arith.muli %add3A_28, %mul3A_146 : i32
      "tpu.region"() ({
        %run_scoped3A = tpu.sem_alloc : memref<!tpu.dma_semaphore, #tpu.memory_space<semaphore_mem>>
        %dma_start3A_148 = arith.constant 0 : i32
        %dma_start3A_149 = arith.constant 0 : i32
        %dma_start3A_150 = tpu.memref_slice %arg8[%dma_start3A_148, %dma_start3A_149] : memref<80x128xf32, #tpu.memory_space<vmem>> -> memref<80x128xf32, #tpu.memory_space<vmem>>
        %dma_start3A_151 = arith.constant 0 : i32
        %dma_start3A_152 = tpu.memref_slice %arg7[%mul3A_147, %dma_start3A_151] : memref<10000x128xf32, #tpu.memory_space<vmem_shared>> -> memref<80x128xf32, #tpu.memory_space<vmem_shared>>
        %dma_start3A_153 = arith.constant 0 : i32
        %dma_start3A_154 = tpu.memref_slice %arg7[%mul3A_147, %dma_start3A_153] : memref<10000x128xf32, #tpu.memory_space<vmem_shared>> -> memref<80x128xf32, #tpu.memory_space<vmem_shared>>
        %dma_start3A_155 = arith.constant 0 : i32
        %dma_start3A_156 = arith.constant 0 : i32
        %dma_start3A_157 = tpu.memref_slice %arg8[%dma_start3A_155, %dma_start3A_156] : memref<80x128xf32, #tpu.memory_space<vmem>> -> memref<80x128xf32, #tpu.memory_space<vmem>>
        tpu.enqueue_dma source(%dma_start3A_157 : memref<80x128xf32, #tpu.memory_space<vmem>>) target(%dma_start3A_154 : memref<80x128xf32, #tpu.memory_space<vmem_shared>>) target_semaphore(%run_scoped3A : memref<!tpu.dma_semaphore, #tpu.memory_space<semaphore_mem>>)
        %dma_wait3A_158 = arith.constant 0 : i32
        %dma_wait3A_159 = arith.constant 0 : i32
        %dma_wait3A_160 = tpu.memref_slice %arg8[%dma_wait3A_158, %dma_wait3A_159] : memref<80x128xf32, #tpu.memory_space<vmem>> -> memref<80x128xf32, #tpu.memory_space<vmem>>
        %dma_wait3A_161 = arith.constant 0 : i32
        %dma_wait3A_162 = tpu.memref_slice %arg7[%mul3A_147, %dma_wait3A_161] : memref<10000x128xf32, #tpu.memory_space<vmem_shared>> -> memref<80x128xf32, #tpu.memory_space<vmem_shared>>
        %dma_wait3A_163 = arith.constant 0 : i32
        %dma_wait3A_164 = tpu.memref_slice %arg7[%mul3A_147, %dma_wait3A_163] : memref<10000x128xf32, #tpu.memory_space<vmem_shared>> -> memref<80x128xf32, #tpu.memory_space<vmem_shared>>
        %dma_wait3A_165 = arith.constant 0 : i32
        %dma_wait3A_166 = arith.constant 0 : i32
        %dma_wait3A_167 = tpu.memref_slice %arg8[%dma_wait3A_165, %dma_wait3A_166] : memref<80x128xf32, #tpu.memory_space<vmem>> -> memref<80x128xf32, #tpu.memory_space<vmem>>
        tpu.wait_dma2 semaphore(%run_scoped3A : memref<!tpu.dma_semaphore, #tpu.memory_space<semaphore_mem>>) src(%dma_wait3A_167 : memref<80x128xf32, #tpu.memory_space<vmem>>) dst(%dma_wait3A_164 : memref<80x128xf32, #tpu.memory_space<vmem_shared>>)
        tpu.yield
      }) : () -> ()
    } else {
    }
    %add3A_34 = arith.constant 64 : i32
    %add3A_35 = arith.addi %add3A_34, %arg1 : i32
    %lt3A_36 = arith.constant 125 : i32
    %lt3A_37 = arith.cmpi slt, %add3A_35, %lt3A_36 : i32
    %convert_element_type3A_38 = arith.extui %lt3A_37 : i1 to i32
    %cond3A_39 = arith.constant 0 : i32
    %cond3A_40 = arith.cmpi ne, %convert_element_type3A_38, %cond3A_39 : i32
    scf.if %cond3A_40 {
      %mul3A_146 = arith.constant 80 : i32
      %mul3A_147 = arith.muli %add3A_35, %mul3A_146 : i32
      "tpu.region"() ({
        %run_scoped3A = tpu.sem_alloc : memref<!tpu.dma_semaphore, #tpu.memory_space<semaphore_mem>>
        %dma_start3A_148 = arith.constant 0 : i32
        %dma_start3A_149 = arith.constant 0 : i32
        %dma_start3A_150 = tpu.memref_slice %arg8[%dma_start3A_148, %dma_start3A_149] : memref<80x128xf32, #tpu.memory_space<vmem>> -> memref<80x128xf32, #tpu.memory_space<vmem>>
        %dma_start3A_151 = arith.constant 0 : i32
        %dma_start3A_152 = tpu.memref_slice %arg7[%mul3A_147, %dma_start3A_151] : memref<10000x128xf32, #tpu.memory_space<vmem_shared>> -> memref<80x128xf32, #tpu.memory_space<vmem_shared>>
        %dma_start3A_153 = arith.constant 0 : i32
        %dma_start3A_154 = tpu.memref_slice %arg7[%mul3A_147, %dma_start3A_153] : memref<10000x128xf32, #tpu.memory_space<vmem_shared>> -> memref<80x128xf32, #tpu.memory_space<vmem_shared>>
        %dma_start3A_155 = arith.constant 0 : i32
        %dma_start3A_156 = arith.constant 0 : i32
        %dma_start3A_157 = tpu.memref_slice %arg8[%dma_start3A_155, %dma_start3A_156] : memref<80x128xf32, #tpu.memory_space<vmem>> -> memref<80x128xf32, #tpu.memory_space<vmem>>
        tpu.enqueue_dma source(%dma_start3A_157 : memref<80x128xf32, #tpu.memory_space<vmem>>) target(%dma_start3A_154 : memref<80x128xf32, #tpu.memory_space<vmem_shared>>) target_semaphore(%run_scoped3A : memref<!tpu.dma_semaphore, #tpu.memory_space<semaphore_mem>>)
        %dma_wait3A_158 = arith.constant 0 : i32
        %dma_wait3A_159 = arith.constant 0 : i32
        %dma_wait3A_160 = tpu.memref_slice %arg8[%dma_wait3A_158, %dma_wait3A_159] : memref<80x128xf32, #tpu.memory_space<vmem>> -> memref<80x128xf32, #tpu.memory_space<vmem>>
        %dma_wait3A_161 = arith.constant 0 : i32
        %dma_wait3A_162 = tpu.memref_slice %arg7[%mul3A_147, %dma_wait3A_161] : memref<10000x128xf32, #tpu.memory_space<vmem_shared>> -> memref<80x128xf32, #tpu.memory_space<vmem_shared>>
        %dma_wait3A_163 = arith.constant 0 : i32
        %dma_wait3A_164 = tpu.memref_slice %arg7[%mul3A_147, %dma_wait3A_163] : memref<10000x128xf32, #tpu.memory_space<vmem_shared>> -> memref<80x128xf32, #tpu.memory_space<vmem_shared>>
        %dma_wait3A_165 = arith.constant 0 : i32
        %dma_wait3A_166 = arith.constant 0 : i32
        %dma_wait3A_167 = tpu.memref_slice %arg8[%dma_wait3A_165, %dma_wait3A_166] : memref<80x128xf32, #tpu.memory_space<vmem>> -> memref<80x128xf32, #tpu.memory_space<vmem>>
        tpu.wait_dma2 semaphore(%run_scoped3A : memref<!tpu.dma_semaphore, #tpu.memory_space<semaphore_mem>>) src(%dma_wait3A_167 : memref<80x128xf32, #tpu.memory_space<vmem>>) dst(%dma_wait3A_164 : memref<80x128xf32, #tpu.memory_space<vmem_shared>>)
        tpu.yield
      }) : () -> ()
    } else {
    }
    %add3A_41 = arith.constant 80 : i32
    %add3A_42 = arith.addi %add3A_41, %arg1 : i32
    %lt3A_43 = arith.constant 125 : i32
    %lt3A_44 = arith.cmpi slt, %add3A_42, %lt3A_43 : i32
    %convert_element_type3A_45 = arith.extui %lt3A_44 : i1 to i32
    %cond3A_46 = arith.constant 0 : i32
    %cond3A_47 = arith.cmpi ne, %convert_element_type3A_45, %cond3A_46 : i32
    scf.if %cond3A_47 {
      %mul3A_146 = arith.constant 80 : i32
      %mul3A_147 = arith.muli %add3A_42, %mul3A_146 : i32
      "tpu.region"() ({
        %run_scoped3A = tpu.sem_alloc : memref<!tpu.dma_semaphore, #tpu.memory_space<semaphore_mem>>
        %dma_start3A_148 = arith.constant 0 : i32
        %dma_start3A_149 = arith.constant 0 : i32
        %dma_start3A_150 = tpu.memref_slice %arg8[%dma_start3A_148, %dma_start3A_149] : memref<80x128xf32, #tpu.memory_space<vmem>> -> memref<80x128xf32, #tpu.memory_space<vmem>>
        %dma_start3A_151 = arith.constant 0 : i32
        %dma_start3A_152 = tpu.memref_slice %arg7[%mul3A_147, %dma_start3A_151] : memref<10000x128xf32, #tpu.memory_space<vmem_shared>> -> memref<80x128xf32, #tpu.memory_space<vmem_shared>>
        %dma_start3A_153 = arith.constant 0 : i32
        %dma_start3A_154 = tpu.memref_slice %arg7[%mul3A_147, %dma_start3A_153] : memref<10000x128xf32, #tpu.memory_space<vmem_shared>> -> memref<80x128xf32, #tpu.memory_space<vmem_shared>>
        %dma_start3A_155 = arith.constant 0 : i32
        %dma_start3A_156 = arith.constant 0 : i32
        %dma_start3A_157 = tpu.memref_slice %arg8[%dma_start3A_155, %dma_start3A_156] : memref<80x128xf32, #tpu.memory_space<vmem>> -> memref<80x128xf32, #tpu.memory_space<vmem>>
        tpu.enqueue_dma source(%dma_start3A_157 : memref<80x128xf32, #tpu.memory_space<vmem>>) target(%dma_start3A_154 : memref<80x128xf32, #tpu.memory_space<vmem_shared>>) target_semaphore(%run_scoped3A : memref<!tpu.dma_semaphore, #tpu.memory_space<semaphore_mem>>)
        %dma_wait3A_158 = arith.constant 0 : i32
        %dma_wait3A_159 = arith.constant 0 : i32
        %dma_wait3A_160 = tpu.memref_slice %arg8[%dma_wait3A_158, %dma_wait3A_159] : memref<80x128xf32, #tpu.memory_space<vmem>> -> memref<80x128xf32, #tpu.memory_space<vmem>>
        %dma_wait3A_161 = arith.constant 0 : i32
        %dma_wait3A_162 = tpu.memref_slice %arg7[%mul3A_147, %dma_wait3A_161] : memref<10000x128xf32, #tpu.memory_space<vmem_shared>> -> memref<80x128xf32, #tpu.memory_space<vmem_shared>>
        %dma_wait3A_163 = arith.constant 0 : i32
        %dma_wait3A_164 = tpu.memref_slice %arg7[%mul3A_147, %dma_wait3A_163] : memref<10000x128xf32, #tpu.memory_space<vmem_shared>> -> memref<80x128xf32, #tpu.memory_space<vmem_shared>>
        %dma_wait3A_165 = arith.constant 0 : i32
        %dma_wait3A_166 = arith.constant 0 : i32
        %dma_wait3A_167 = tpu.memref_slice %arg8[%dma_wait3A_165, %dma_wait3A_166] : memref<80x128xf32, #tpu.memory_space<vmem>> -> memref<80x128xf32, #tpu.memory_space<vmem>>
        tpu.wait_dma2 semaphore(%run_scoped3A : memref<!tpu.dma_semaphore, #tpu.memory_space<semaphore_mem>>) src(%dma_wait3A_167 : memref<80x128xf32, #tpu.memory_space<vmem>>) dst(%dma_wait3A_164 : memref<80x128xf32, #tpu.memory_space<vmem_shared>>)
        tpu.yield
      }) : () -> ()
    } else {
    }
    %add3A_48 = arith.constant 96 : i32
    %add3A_49 = arith.addi %add3A_48, %arg1 : i32
    %lt3A_50 = arith.constant 125 : i32
    %lt3A_51 = arith.cmpi slt, %add3A_49, %lt3A_50 : i32
    %convert_element_type3A_52 = arith.extui %lt3A_51 : i1 to i32
    %cond3A_53 = arith.constant 0 : i32
    %cond3A_54 = arith.cmpi ne, %convert_element_type3A_52, %cond3A_53 : i32
    scf.if %cond3A_54 {
      %mul3A_146 = arith.constant 80 : i32
      %mul3A_147 = arith.muli %add3A_49, %mul3A_146 : i32
      "tpu.region"() ({
        %run_scoped3A = tpu.sem_alloc : memref<!tpu.dma_semaphore, #tpu.memory_space<semaphore_mem>>
        %dma_start3A_148 = arith.constant 0 : i32
        %dma_start3A_149 = arith.constant 0 : i32
        %dma_start3A_150 = tpu.memref_slice %arg8[%dma_start3A_148, %dma_start3A_149] : memref<80x128xf32, #tpu.memory_space<vmem>> -> memref<80x128xf32, #tpu.memory_space<vmem>>
        %dma_start3A_151 = arith.constant 0 : i32
        %dma_start3A_152 = tpu.memref_slice %arg7[%mul3A_147, %dma_start3A_151] : memref<10000x128xf32, #tpu.memory_space<vmem_shared>> -> memref<80x128xf32, #tpu.memory_space<vmem_shared>>
        %dma_start3A_153 = arith.constant 0 : i32
        %dma_start3A_154 = tpu.memref_slice %arg7[%mul3A_147, %dma_start3A_153] : memref<10000x128xf32, #tpu.memory_space<vmem_shared>> -> memref<80x128xf32, #tpu.memory_space<vmem_shared>>
        %dma_start3A_155 = arith.constant 0 : i32
        %dma_start3A_156 = arith.constant 0 : i32
        %dma_start3A_157 = tpu.memref_slice %arg8[%dma_start3A_155, %dma_start3A_156] : memref<80x128xf32, #tpu.memory_space<vmem>> -> memref<80x128xf32, #tpu.memory_space<vmem>>
        tpu.enqueue_dma source(%dma_start3A_157 : memref<80x128xf32, #tpu.memory_space<vmem>>) target(%dma_start3A_154 : memref<80x128xf32, #tpu.memory_space<vmem_shared>>) target_semaphore(%run_scoped3A : memref<!tpu.dma_semaphore, #tpu.memory_space<semaphore_mem>>)
        %dma_wait3A_158 = arith.constant 0 : i32
        %dma_wait3A_159 = arith.constant 0 : i32
        %dma_wait3A_160 = tpu.memref_slice %arg8[%dma_wait3A_158, %dma_wait3A_159] : memref<80x128xf32, #tpu.memory_space<vmem>> -> memref<80x128xf32, #tpu.memory_space<vmem>>
        %dma_wait3A_161 = arith.constant 0 : i32
        %dma_wait3A_162 = tpu.memref_slice %arg7[%mul3A_147, %dma_wait3A_161] : memref<10000x128xf32, #tpu.memory_space<vmem_shared>> -> memref<80x128xf32, #tpu.memory_space<vmem_shared>>
        %dma_wait3A_163 = arith.constant 0 : i32
        %dma_wait3A_164 = tpu.memref_slice %arg7[%mul3A_147, %dma_wait3A_163] : memref<10000x128xf32, #tpu.memory_space<vmem_shared>> -> memref<80x128xf32, #tpu.memory_space<vmem_shared>>
        %dma_wait3A_165 = arith.constant 0 : i32
        %dma_wait3A_166 = arith.constant 0 : i32
        %dma_wait3A_167 = tpu.memref_slice %arg8[%dma_wait3A_165, %dma_wait3A_166] : memref<80x128xf32, #tpu.memory_space<vmem>> -> memref<80x128xf32, #tpu.memory_space<vmem>>
        tpu.wait_dma2 semaphore(%run_scoped3A : memref<!tpu.dma_semaphore, #tpu.memory_space<semaphore_mem>>) src(%dma_wait3A_167 : memref<80x128xf32, #tpu.memory_space<vmem>>) dst(%dma_wait3A_164 : memref<80x128xf32, #tpu.memory_space<vmem_shared>>)
        tpu.yield
      }) : () -> ()
    } else {
    }
    %add3A_55 = arith.constant 112 : i32
    %add3A_56 = arith.addi %add3A_55, %arg1 : i32
    %lt3A_57 = arith.constant 125 : i32
    %lt3A_58 = arith.cmpi slt, %add3A_56, %lt3A_57 : i32
    %convert_element_type3A_59 = arith.extui %lt3A_58 : i1 to i32
    %cond3A_60 = arith.constant 0 : i32
    %cond3A_61 = arith.cmpi ne, %convert_element_type3A_59, %cond3A_60 : i32
    scf.if %cond3A_61 {
      %mul3A_146 = arith.constant 80 : i32
      %mul3A_147 = arith.muli %add3A_56, %mul3A_146 : i32
      "tpu.region"() ({
        %run_scoped3A = tpu.sem_alloc : memref<!tpu.dma_semaphore, #tpu.memory_space<semaphore_mem>>
        %dma_start3A_148 = arith.constant 0 : i32
        %dma_start3A_149 = arith.constant 0 : i32
        %dma_start3A_150 = tpu.memref_slice %arg8[%dma_start3A_148, %dma_start3A_149] : memref<80x128xf32, #tpu.memory_space<vmem>> -> memref<80x128xf32, #tpu.memory_space<vmem>>
        %dma_start3A_151 = arith.constant 0 : i32
        %dma_start3A_152 = tpu.memref_slice %arg7[%mul3A_147, %dma_start3A_151] : memref<10000x128xf32, #tpu.memory_space<vmem_shared>> -> memref<80x128xf32, #tpu.memory_space<vmem_shared>>
        %dma_start3A_153 = arith.constant 0 : i32
        %dma_start3A_154 = tpu.memref_slice %arg7[%mul3A_147, %dma_start3A_153] : memref<10000x128xf32, #tpu.memory_space<vmem_shared>> -> memref<80x128xf32, #tpu.memory_space<vmem_shared>>
        %dma_start3A_155 = arith.constant 0 : i32
        %dma_start3A_156 = arith.constant 0 : i32
        %dma_start3A_157 = tpu.memref_slice %arg8[%dma_start3A_155, %dma_start3A_156] : memref<80x128xf32, #tpu.memory_space<vmem>> -> memref<80x128xf32, #tpu.memory_space<vmem>>
        tpu.enqueue_dma source(%dma_start3A_157 : memref<80x128xf32, #tpu.memory_space<vmem>>) target(%dma_start3A_154 : memref<80x128xf32, #tpu.memory_space<vmem_shared>>) target_semaphore(%run_scoped3A : memref<!tpu.dma_semaphore, #tpu.memory_space<semaphore_mem>>)
        %dma_wait3A_158 = arith.constant 0 : i32
        %dma_wait3A_159 = arith.constant 0 : i32
        %dma_wait3A_160 = tpu.memref_slice %arg8[%dma_wait3A_158, %dma_wait3A_159] : memref<80x128xf32, #tpu.memory_space<vmem>> -> memref<80x128xf32, #tpu.memory_space<vmem>>
        %dma_wait3A_161 = arith.constant 0 : i32
        %dma_wait3A_162 = tpu.memref_slice %arg7[%mul3A_147, %dma_wait3A_161] : memref<10000x128xf32, #tpu.memory_space<vmem_shared>> -> memref<80x128xf32, #tpu.memory_space<vmem_shared>>
        %dma_wait3A_163 = arith.constant 0 : i32
        %dma_wait3A_164 = tpu.memref_slice %arg7[%mul3A_147, %dma_wait3A_163] : memref<10000x128xf32, #tpu.memory_space<vmem_shared>> -> memref<80x128xf32, #tpu.memory_space<vmem_shared>>
        %dma_wait3A_165 = arith.constant 0 : i32
        %dma_wait3A_166 = arith.constant 0 : i32
        %dma_wait3A_167 = tpu.memref_slice %arg8[%dma_wait3A_165, %dma_wait3A_166] : memref<80x128xf32, #tpu.memory_space<vmem>> -> memref<80x128xf32, #tpu.memory_space<vmem>>
        tpu.wait_dma2 semaphore(%run_scoped3A : memref<!tpu.dma_semaphore, #tpu.memory_space<semaphore_mem>>) src(%dma_wait3A_167 : memref<80x128xf32, #tpu.memory_space<vmem>>) dst(%dma_wait3A_164 : memref<80x128xf32, #tpu.memory_space<vmem_shared>>)
        tpu.yield
      }) : () -> ()
    } else {
    }
    %barrier3A = arith.constant 0 : index
    tpu.barrier barrier_id(%barrier3A)
    %dma_start3A = arith.constant 0 : i32
    %dma_start3A_62 = tpu.memref_slice %arg10[%dma_start3A] : memref<10000xi32, #tpu.memory_space<vmem>> -> memref<80xi32, #tpu.memory_space<vmem>>
    %dma_start3A_63 = arith.constant 0 : i32
    %dma_start3A_64 = arith.constant 0 : i32
    %dma_start3A_65 = tpu.memref_slice %arg2[%dma_start3A_63, %dma_start3A_64] : memref<10000x128xf32, #tpu.memory_space<hbm>> -> memref<10000x128xf32, #tpu.memory_space<hbm>>
    tpu.enqueue_indirect_dma source(%dma_start3A_65 : memref<10000x128xf32, #tpu.memory_space<hbm>>) target(%arg8 : memref<80x128xf32, #tpu.memory_space<vmem>>) offsets(%dma_start3A_62 : memref<80xi32, #tpu.memory_space<vmem>>) semaphore(%arg14 : memref<!tpu.dma_semaphore, #tpu.memory_space<semaphore_mem>>)
    %mul3A_66 = arith.constant 10000 : i32
    %mul3A_67 = arith.muli %add3A, %mul3A_66 : i32
    %add3A_68 = arith.constant 0 : i32
    %add3A_69 = arith.addi %mul3A_67, %add3A_68 : i32
    %dma_start3A_70 = tpu.memref_slice %arg4[%add3A_69] : memref<320000xi32, #tpu.memory_space<hbm>> -> memref<80xi32, #tpu.memory_space<hbm>>
    %dma_start3A_71 = tpu.memref_slice %arg4[%add3A_69] : memref<320000xi32, #tpu.memory_space<hbm>> -> memref<80xi32, #tpu.memory_space<hbm>>
    tpu.enqueue_dma source(%dma_start3A_71 : memref<80xi32, #tpu.memory_space<hbm>>) target(%arg11 : memref<80xi32, #tpu.memory_space<vmem>>) target_semaphore(%arg16 : memref<!tpu.dma_semaphore, #tpu.memory_space<semaphore_mem>>)
    %scan3A_72 = arith.constant 0 : i32
    %scan3A_73 = arith.constant 62 : i32
    %scan3A_74 = arith.addi %scan3A_72, %scan3A_73 : i32
    %scan3A_75 = arith.constant 1 : i32
    scf.for %scan3A_146 = %scan3A_72 to %scan3A_74 step %scan3A_75  : i32 {
      %mul3A_147 = arith.constant 2 : i32
      %mul3A_148 = arith.muli %scan3A_146, %mul3A_147 : i32
      %add3A_149 = arith.constant 0 : i32
      %add3A_150 = arith.addi %add3A_149, %mul3A_148 : i32
      %add3A_151 = arith.constant 1 : i32
      %add3A_152 = arith.addi %add3A_150, %add3A_151 : i32
      %mul3A_153 = arith.constant 80 : i32
      %mul3A_154 = arith.muli %add3A_152, %mul3A_153 : i32
      %dma_start3A_155 = tpu.memref_slice %arg10[%mul3A_154] : memref<10000xi32, #tpu.memory_space<vmem>> -> memref<80xi32, #tpu.memory_space<vmem>>
      %dma_start3A_156 = arith.constant 0 : i32
      %dma_start3A_157 = arith.constant 0 : i32
      %dma_start3A_158 = tpu.memref_slice %arg2[%dma_start3A_156, %dma_start3A_157] : memref<10000x128xf32, #tpu.memory_space<hbm>> -> memref<10000x128xf32, #tpu.memory_space<hbm>>
      tpu.enqueue_indirect_dma source(%dma_start3A_158 : memref<10000x128xf32, #tpu.memory_space<hbm>>) target(%arg9 : memref<80x128xf32, #tpu.memory_space<vmem>>) offsets(%dma_start3A_155 : memref<80xi32, #tpu.memory_space<vmem>>) semaphore(%arg15 : memref<!tpu.dma_semaphore, #tpu.memory_space<semaphore_mem>>)
      %add3A_159 = arith.constant 1 : i32
      %add3A_160 = arith.addi %add3A_150, %add3A_159 : i32
      %mul3A_161 = arith.constant 10000 : i32
      %mul3A_162 = arith.muli %add3A, %mul3A_161 : i32
      %mul3A_163 = arith.constant 80 : i32
      %mul3A_164 = arith.muli %add3A_160, %mul3A_163 : i32
      %add3A_165 = arith.addi %mul3A_162, %mul3A_164 : i32
      %dma_start3A_166 = tpu.memref_slice %arg4[%add3A_165] : memref<320000xi32, #tpu.memory_space<hbm>> -> memref<80xi32, #tpu.memory_space<hbm>>
      %dma_start3A_167 = tpu.memref_slice %arg4[%add3A_165] : memref<320000xi32, #tpu.memory_space<hbm>> -> memref<80xi32, #tpu.memory_space<hbm>>
      tpu.enqueue_dma source(%dma_start3A_167 : memref<80xi32, #tpu.memory_space<hbm>>) target(%arg12 : memref<80xi32, #tpu.memory_space<vmem>>) target_semaphore(%arg17 : memref<!tpu.dma_semaphore, #tpu.memory_space<semaphore_mem>>)
      %mul3A_168 = arith.constant 80 : i32
      %mul3A_169 = arith.muli %add3A_150, %mul3A_168 : i32
      %dma_wait3A_170 = tpu.memref_slice %arg10[%mul3A_169] : memref<10000xi32, #tpu.memory_space<vmem>> -> memref<80xi32, #tpu.memory_space<vmem>>
      %dma_wait3A_171 = arith.constant 0 : i32
      %dma_wait3A_172 = arith.constant 0 : i32
      %dma_wait3A_173 = tpu.memref_slice %arg2[%dma_wait3A_171, %dma_wait3A_172] : memref<10000x128xf32, #tpu.memory_space<hbm>> -> memref<10000x128xf32, #tpu.memory_space<hbm>>
      tpu.wait_indirect_dma semaphore(%arg14 : memref<!tpu.dma_semaphore, #tpu.memory_space<semaphore_mem>>) src(%dma_wait3A_173 : memref<10000x128xf32, #tpu.memory_space<hbm>>) dst(%arg8 : memref<80x128xf32, #tpu.memory_space<vmem>>)
      %parallel_loop3A_174 = arith.constant 0 : i32
      %parallel_loop3A_175 = arith.constant 80 : i32
      %parallel_loop3A_176 = arith.constant 1 : i32
      scf.for %parallel_loop3A_223 = %parallel_loop3A_174 to %parallel_loop3A_175 step %parallel_loop3A_176  : i32 {
        %parallel_loop3A_224 = arith.constant 80 : i32
        %parallel_loop3A_225 = arith.muli %add3A_150, %parallel_loop3A_224 : i32
        %parallel_loop3A_226 = arith.addi %parallel_loop3A_225, %parallel_loop3A_223 : i32
        %parallel_loop3A_227 = vector.broadcast %parallel_loop3A_226 : i32 to vector<16xi32>
        %parallel_loop3A_228 = tpu.vector_load_idx %arg13[%parallel_loop3A_227] : memref<10000xf32, #tpu.memory_space<vmem>>[vector<16xi32>], vector<16xf32>,
        %parallel_loop3A_229 = arith.index_cast %parallel_loop3A_223 : i32 to index
        %parallel_loop3A_230 = arith.constant 0 : index
        %parallel_loop3A_231 = tpu.vector_load %arg8[%parallel_loop3A_229, %parallel_loop3A_230] {strides = array<i32>} : memref<80x128xf32, #tpu.memory_space<vmem>>, vector<16xf32>,
        %parallel_loop3A_232 = arith.mulf %parallel_loop3A_231, %parallel_loop3A_228 : vector<16xf32>
        %parallel_loop3A_233 = arith.index_cast %parallel_loop3A_223 : i32 to index
        %parallel_loop3A_234 = arith.constant 0 : index
        %parallel_loop3A_235 = tpu.vector_load %arg8[%parallel_loop3A_233, %parallel_loop3A_234] {strides = array<i32>} : memref<80x128xf32, #tpu.memory_space<vmem>>, vector<16xf32>,
        tpu.vector_store %arg8[%parallel_loop3A_233, %parallel_loop3A_234], %parallel_loop3A_232 {strides = array<i32>} : memref<80x128xf32, #tpu.memory_space<vmem>>, vector<16xf32>,
        %parallel_loop3A_236 = arith.index_cast %parallel_loop3A_223 : i32 to index
        %parallel_loop3A_237 = arith.constant 16 : index
        %parallel_loop3A_238 = tpu.vector_load %arg8[%parallel_loop3A_236, %parallel_loop3A_237] {strides = array<i32>} : memref<80x128xf32, #tpu.memory_space<vmem>>, vector<16xf32>,
        %parallel_loop3A_239 = arith.mulf %parallel_loop3A_238, %parallel_loop3A_228 : vector<16xf32>
        %parallel_loop3A_240 = arith.index_cast %parallel_loop3A_223 : i32 to index
        %parallel_loop3A_241 = arith.constant 16 : index
        %parallel_loop3A_242 = tpu.vector_load %arg8[%parallel_loop3A_240, %parallel_loop3A_241] {strides = array<i32>} : memref<80x128xf32, #tpu.memory_space<vmem>>, vector<16xf32>,
        tpu.vector_store %arg8[%parallel_loop3A_240, %parallel_loop3A_241], %parallel_loop3A_239 {strides = array<i32>} : memref<80x128xf32, #tpu.memory_space<vmem>>, vector<16xf32>,
        %parallel_loop3A_243 = arith.index_cast %parallel_loop3A_223 : i32 to index
        %parallel_loop3A_244 = arith.constant 32 : index
        %parallel_loop3A_245 = tpu.vector_load %arg8[%parallel_loop3A_243, %parallel_loop3A_244] {strides = array<i32>} : memref<80x128xf32, #tpu.memory_space<vmem>>, vector<16xf32>,
        %parallel_loop3A_246 = arith.mulf %parallel_loop3A_245, %parallel_loop3A_228 : vector<16xf32>
        %parallel_loop3A_247 = arith.index_cast %parallel_loop3A_223 : i32 to index
        %parallel_loop3A_248 = arith.constant 32 : index
        %parallel_loop3A_249 = tpu.vector_load %arg8[%parallel_loop3A_247, %parallel_loop3A_248] {strides = array<i32>} : memref<80x128xf32, #tpu.memory_space<vmem>>, vector<16xf32>,
        tpu.vector_store %arg8[%parallel_loop3A_247, %parallel_loop3A_248], %parallel_loop3A_246 {strides = array<i32>} : memref<80x128xf32, #tpu.memory_space<vmem>>, vector<16xf32>,
        %parallel_loop3A_250 = arith.index_cast %parallel_loop3A_223 : i32 to index
        %parallel_loop3A_251 = arith.constant 48 : index
        %parallel_loop3A_252 = tpu.vector_load %arg8[%parallel_loop3A_250, %parallel_loop3A_251] {strides = array<i32>} : memref<80x128xf32, #tpu.memory_space<vmem>>, vector<16xf32>,
        %parallel_loop3A_253 = arith.mulf %parallel_loop3A_252, %parallel_loop3A_228 : vector<16xf32>
        %parallel_loop3A_254 = arith.index_cast %parallel_loop3A_223 : i32 to index
        %parallel_loop3A_255 = arith.constant 48 : index
        %parallel_loop3A_256 = tpu.vector_load %arg8[%parallel_loop3A_254, %parallel_loop3A_255] {strides = array<i32>} : memref<80x128xf32, #tpu.memory_space<vmem>>, vector<16xf32>,
        tpu.vector_store %arg8[%parallel_loop3A_254, %parallel_loop3A_255], %parallel_loop3A_253 {strides = array<i32>} : memref<80x128xf32, #tpu.memory_space<vmem>>, vector<16xf32>,
        %parallel_loop3A_257 = arith.index_cast %parallel_loop3A_223 : i32 to index
        %parallel_loop3A_258 = arith.constant 64 : index
        %parallel_loop3A_259 = tpu.vector_load %arg8[%parallel_loop3A_257, %parallel_loop3A_258] {strides = array<i32>} : memref<80x128xf32, #tpu.memory_space<vmem>>, vector<16xf32>,
        %parallel_loop3A_260 = arith.mulf %parallel_loop3A_259, %parallel_loop3A_228 : vector<16xf32>
        %parallel_loop3A_261 = arith.index_cast %parallel_loop3A_223 : i32 to index
        %parallel_loop3A_262 = arith.constant 64 : index
        %parallel_loop3A_263 = tpu.vector_load %arg8[%parallel_loop3A_261, %parallel_loop3A_262] {strides = array<i32>} : memref<80x128xf32, #tpu.memory_space<vmem>>, vector<16xf32>,
        tpu.vector_store %arg8[%parallel_loop3A_261, %parallel_loop3A_262], %parallel_loop3A_260 {strides = array<i32>} : memref<80x128xf32, #tpu.memory_space<vmem>>, vector<16xf32>,
        %parallel_loop3A_264 = arith.index_cast %parallel_loop3A_223 : i32 to index
        %parallel_loop3A_265 = arith.constant 80 : index
        %parallel_loop3A_266 = tpu.vector_load %arg8[%parallel_loop3A_264, %parallel_loop3A_265] {strides = array<i32>} : memref<80x128xf32, #tpu.memory_space<vmem>>, vector<16xf32>,
        %parallel_loop3A_267 = arith.mulf %parallel_loop3A_266, %parallel_loop3A_228 : vector<16xf32>
        %parallel_loop3A_268 = arith.index_cast %parallel_loop3A_223 : i32 to index
        %parallel_loop3A_269 = arith.constant 80 : index
        %parallel_loop3A_270 = tpu.vector_load %arg8[%parallel_loop3A_268, %parallel_loop3A_269] {strides = array<i32>} : memref<80x128xf32, #tpu.memory_space<vmem>>, vector<16xf32>,
        tpu.vector_store %arg8[%parallel_loop3A_268, %parallel_loop3A_269], %parallel_loop3A_267 {strides = array<i32>} : memref<80x128xf32, #tpu.memory_space<vmem>>, vector<16xf32>,
        %parallel_loop3A_271 = arith.index_cast %parallel_loop3A_223 : i32 to index
        %parallel_loop3A_272 = arith.constant 96 : index
        %parallel_loop3A_273 = tpu.vector_load %arg8[%parallel_loop3A_271, %parallel_loop3A_272] {strides = array<i32>} : memref<80x128xf32, #tpu.memory_space<vmem>>, vector<16xf32>,
        %parallel_loop3A_274 = arith.mulf %parallel_loop3A_273, %parallel_loop3A_228 : vector<16xf32>
        %parallel_loop3A_275 = arith.index_cast %parallel_loop3A_223 : i32 to index
        %parallel_loop3A_276 = arith.constant 96 : index
        %parallel_loop3A_277 = tpu.vector_load %arg8[%parallel_loop3A_275, %parallel_loop3A_276] {strides = array<i32>} : memref<80x128xf32, #tpu.memory_space<vmem>>, vector<16xf32>,
        tpu.vector_store %arg8[%parallel_loop3A_275, %parallel_loop3A_276], %parallel_loop3A_274 {strides = array<i32>} : memref<80x128xf32, #tpu.memory_space<vmem>>, vector<16xf32>,
        %parallel_loop3A_278 = arith.index_cast %parallel_loop3A_223 : i32 to index
        %parallel_loop3A_279 = arith.constant 112 : index
        %parallel_loop3A_280 = tpu.vector_load %arg8[%parallel_loop3A_278, %parallel_loop3A_279] {strides = array<i32>} : memref<80x128xf32, #tpu.memory_space<vmem>>, vector<16xf32>,
        %parallel_loop3A_281 = arith.mulf %parallel_loop3A_280, %parallel_loop3A_228 : vector<16xf32>
        %parallel_loop3A_282 = arith.index_cast %parallel_loop3A_223 : i32 to index
        %parallel_loop3A_283 = arith.constant 112 : index
        %parallel_loop3A_284 = tpu.vector_load %arg8[%parallel_loop3A_282, %parallel_loop3A_283] {strides = array<i32>} : memref<80x128xf32, #tpu.memory_space<vmem>>, vector<16xf32>,
        tpu.vector_store %arg8[%parallel_loop3A_282, %parallel_loop3A_283], %parallel_loop3A_281 {strides = array<i32>} : memref<80x128xf32, #tpu.memory_space<vmem>>, vector<16xf32>,
      } {sc.loop_unroll_factor = 4 : i64, sc.parallel_access}
      %mul3A_177 = arith.constant 10000 : i32
      %mul3A_178 = arith.muli %add3A, %mul3A_177 : i32
      %mul3A_179 = arith.constant 80 : i32
      %mul3A_180 = arith.muli %add3A_150, %mul3A_179 : i32
      %add3A_181 = arith.addi %mul3A_178, %mul3A_180 : i32
      %dma_wait3A_182 = tpu.memref_slice %arg4[%add3A_181] : memref<320000xi32, #tpu.memory_space<hbm>> -> memref<80xi32, #tpu.memory_space<hbm>>
      %dma_wait3A_183 = tpu.memref_slice %arg4[%add3A_181] : memref<320000xi32, #tpu.memory_space<hbm>> -> memref<80xi32, #tpu.memory_space<hbm>>
      tpu.wait_dma2 semaphore(%arg16 : memref<!tpu.dma_semaphore, #tpu.memory_space<semaphore_mem>>) src(%dma_wait3A_183 : memref<80xi32, #tpu.memory_space<hbm>>) dst(%arg11 : memref<80xi32, #tpu.memory_space<vmem>>)
      "tpu.region"() ({
        %run_scoped3A = tpu.sem_alloc : memref<!tpu.dma_semaphore, #tpu.memory_space<semaphore_mem>>
        %dma_start3A_223 = arith.constant 0 : i32
        %dma_start3A_224 = arith.constant 0 : i32
        %dma_start3A_225 = tpu.memref_slice %arg7[%dma_start3A_223, %dma_start3A_224] : memref<10000x128xf32, #tpu.memory_space<vmem_shared>> -> memref<10000x128xf32, #tpu.memory_space<vmem_shared>>
        tpu.enqueue_indirect_dma source(%arg8 : memref<80x128xf32, #tpu.memory_space<vmem>>) target(%dma_start3A_225 : memref<10000x128xf32, #tpu.memory_space<vmem_shared>>) offsets(%arg11 : memref<80xi32, #tpu.memory_space<vmem>>) semaphore(%run_scoped3A : memref<!tpu.dma_semaphore, #tpu.memory_space<semaphore_mem>>) {add = true}
        %dma_wait3A_226 = arith.constant 0 : i32
        %dma_wait3A_227 = arith.constant 0 : i32
        %dma_wait3A_228 = tpu.memref_slice %arg7[%dma_wait3A_226, %dma_wait3A_227] : memref<10000x128xf32, #tpu.memory_space<vmem_shared>> -> memref<10000x128xf32, #tpu.memory_space<vmem_shared>>
        tpu.wait_indirect_dma semaphore(%run_scoped3A : memref<!tpu.dma_semaphore, #tpu.memory_space<semaphore_mem>>) src(%arg8 : memref<80x128xf32, #tpu.memory_space<vmem>>) dst(%dma_wait3A_228 : memref<10000x128xf32, #tpu.memory_space<vmem_shared>>)
        tpu.yield
      }) : () -> ()
      %add3A_184 = arith.constant 2 : i32
      %add3A_185 = arith.addi %add3A_150, %add3A_184 : i32
      %mul3A_186 = arith.constant 80 : i32
      %mul3A_187 = arith.muli %add3A_185, %mul3A_186 : i32
      %dma_start3A_188 = tpu.memref_slice %arg10[%mul3A_187] : memref<10000xi32, #tpu.memory_space<vmem>> -> memref<80xi32, #tpu.memory_space<vmem>>
      %dma_start3A_189 = arith.constant 0 : i32
      %dma_start3A_190 = arith.constant 0 : i32
      %dma_start3A_191 = tpu.memref_slice %arg2[%dma_start3A_189, %dma_start3A_190] : memref<10000x128xf32, #tpu.memory_space<hbm>> -> memref<10000x128xf32, #tpu.memory_space<hbm>>
      tpu.enqueue_indirect_dma source(%dma_start3A_191 : memref<10000x128xf32, #tpu.memory_space<hbm>>) target(%arg8 : memref<80x128xf32, #tpu.memory_space<vmem>>) offsets(%dma_start3A_188 : memref<80xi32, #tpu.memory_space<vmem>>) semaphore(%arg14 : memref<!tpu.dma_semaphore, #tpu.memory_space<semaphore_mem>>)
      %add3A_192 = arith.constant 2 : i32
      %add3A_193 = arith.addi %add3A_150, %add3A_192 : i32
      %mul3A_194 = arith.constant 10000 : i32
      %mul3A_195 = arith.muli %add3A, %mul3A_194 : i32
      %mul3A_196 = arith.constant 80 : i32
      %mul3A_197 = arith.muli %add3A_193, %mul3A_196 : i32
      %add3A_198 = arith.addi %mul3A_195, %mul3A_197 : i32
      %dma_start3A_199 = tpu.memref_slice %arg4[%add3A_198] : memref<320000xi32, #tpu.memory_space<hbm>> -> memref<80xi32, #tpu.memory_space<hbm>>
      %dma_start3A_200 = tpu.memref_slice %arg4[%add3A_198] : memref<320000xi32, #tpu.memory_space<hbm>> -> memref<80xi32, #tpu.memory_space<hbm>>
      tpu.enqueue_dma source(%dma_start3A_200 : memref<80xi32, #tpu.memory_space<hbm>>) target(%arg11 : memref<80xi32, #tpu.memory_space<vmem>>) target_semaphore(%arg16 : memref<!tpu.dma_semaphore, #tpu.memory_space<semaphore_mem>>)
      %add3A_201 = arith.constant 1 : i32
      %add3A_202 = arith.addi %add3A_150, %add3A_201 : i32
      %mul3A_203 = arith.constant 80 : i32
      %mul3A_204 = arith.muli %add3A_202, %mul3A_203 : i32
      %dma_wait3A_205 = tpu.memref_slice %arg10[%mul3A_204] : memref<10000xi32, #tpu.memory_space<vmem>> -> memref<80xi32, #tpu.memory_space<vmem>>
      %dma_wait3A_206 = arith.constant 0 : i32
      %dma_wait3A_207 = arith.constant 0 : i32
      %dma_wait3A_208 = tpu.memref_slice %arg2[%dma_wait3A_206, %dma_wait3A_207] : memref<10000x128xf32, #tpu.memory_space<hbm>> -> memref<10000x128xf32, #tpu.memory_space<hbm>>
      tpu.wait_indirect_dma semaphore(%arg15 : memref<!tpu.dma_semaphore, #tpu.memory_space<semaphore_mem>>) src(%dma_wait3A_208 : memref<10000x128xf32, #tpu.memory_space<hbm>>) dst(%arg9 : memref<80x128xf32, #tpu.memory_space<vmem>>)
      %add3A_209 = arith.constant 1 : i32
      %add3A_210 = arith.addi %add3A_150, %add3A_209 : i32
      %parallel_loop3A_211 = arith.constant 0 : i32
      %parallel_loop3A_212 = arith.constant 80 : i32
      %parallel_loop3A_213 = arith.constant 1 : i32
      scf.for %parallel_loop3A_223 = %parallel_loop3A_211 to %parallel_loop3A_212 step %parallel_loop3A_213  : i32 {
        %parallel_loop3A_224 = arith.constant 80 : i32
        %parallel_loop3A_225 = arith.muli %add3A_210, %parallel_loop3A_224 : i32
        %parallel_loop3A_226 = arith.addi %parallel_loop3A_225, %parallel_loop3A_223 : i32
        %parallel_loop3A_227 = vector.broadcast %parallel_loop3A_226 : i32 to vector<16xi32>
        %parallel_loop3A_228 = tpu.vector_load_idx %arg13[%parallel_loop3A_227] : memref<10000xf32, #tpu.memory_space<vmem>>[vector<16xi32>], vector<16xf32>,
        %parallel_loop3A_229 = arith.index_cast %parallel_loop3A_223 : i32 to index
        %parallel_loop3A_230 = arith.constant 0 : index
        %parallel_loop3A_231 = tpu.vector_load %arg9[%parallel_loop3A_229, %parallel_loop3A_230] {strides = array<i32>} : memref<80x128xf32, #tpu.memory_space<vmem>>, vector<16xf32>,
        %parallel_loop3A_232 = arith.mulf %parallel_loop3A_231, %parallel_loop3A_228 : vector<16xf32>
        %parallel_loop3A_233 = arith.index_cast %parallel_loop3A_223 : i32 to index
        %parallel_loop3A_234 = arith.constant 0 : index
        %parallel_loop3A_235 = tpu.vector_load %arg9[%parallel_loop3A_233, %parallel_loop3A_234] {strides = array<i32>} : memref<80x128xf32, #tpu.memory_space<vmem>>, vector<16xf32>,
        tpu.vector_store %arg9[%parallel_loop3A_233, %parallel_loop3A_234], %parallel_loop3A_232 {strides = array<i32>} : memref<80x128xf32, #tpu.memory_space<vmem>>, vector<16xf32>,
        %parallel_loop3A_236 = arith.index_cast %parallel_loop3A_223 : i32 to index
        %parallel_loop3A_237 = arith.constant 16 : index
        %parallel_loop3A_238 = tpu.vector_load %arg9[%parallel_loop3A_236, %parallel_loop3A_237] {strides = array<i32>} : memref<80x128xf32, #tpu.memory_space<vmem>>, vector<16xf32>,
        %parallel_loop3A_239 = arith.mulf %parallel_loop3A_238, %parallel_loop3A_228 : vector<16xf32>
        %parallel_loop3A_240 = arith.index_cast %parallel_loop3A_223 : i32 to index
        %parallel_loop3A_241 = arith.constant 16 : index
        %parallel_loop3A_242 = tpu.vector_load %arg9[%parallel_loop3A_240, %parallel_loop3A_241] {strides = array<i32>} : memref<80x128xf32, #tpu.memory_space<vmem>>, vector<16xf32>,
        tpu.vector_store %arg9[%parallel_loop3A_240, %parallel_loop3A_241], %parallel_loop3A_239 {strides = array<i32>} : memref<80x128xf32, #tpu.memory_space<vmem>>, vector<16xf32>,
        %parallel_loop3A_243 = arith.index_cast %parallel_loop3A_223 : i32 to index
        %parallel_loop3A_244 = arith.constant 32 : index
        %parallel_loop3A_245 = tpu.vector_load %arg9[%parallel_loop3A_243, %parallel_loop3A_244] {strides = array<i32>} : memref<80x128xf32, #tpu.memory_space<vmem>>, vector<16xf32>,
        %parallel_loop3A_246 = arith.mulf %parallel_loop3A_245, %parallel_loop3A_228 : vector<16xf32>
        %parallel_loop3A_247 = arith.index_cast %parallel_loop3A_223 : i32 to index
        %parallel_loop3A_248 = arith.constant 32 : index
        %parallel_loop3A_249 = tpu.vector_load %arg9[%parallel_loop3A_247, %parallel_loop3A_248] {strides = array<i32>} : memref<80x128xf32, #tpu.memory_space<vmem>>, vector<16xf32>,
        tpu.vector_store %arg9[%parallel_loop3A_247, %parallel_loop3A_248], %parallel_loop3A_246 {strides = array<i32>} : memref<80x128xf32, #tpu.memory_space<vmem>>, vector<16xf32>,
        %parallel_loop3A_250 = arith.index_cast %parallel_loop3A_223 : i32 to index
        %parallel_loop3A_251 = arith.constant 48 : index
        %parallel_loop3A_252 = tpu.vector_load %arg9[%parallel_loop3A_250, %parallel_loop3A_251] {strides = array<i32>} : memref<80x128xf32, #tpu.memory_space<vmem>>, vector<16xf32>,
        %parallel_loop3A_253 = arith.mulf %parallel_loop3A_252, %parallel_loop3A_228 : vector<16xf32>
        %parallel_loop3A_254 = arith.index_cast %parallel_loop3A_223 : i32 to index
        %parallel_loop3A_255 = arith.constant 48 : index
        %parallel_loop3A_256 = tpu.vector_load %arg9[%parallel_loop3A_254, %parallel_loop3A_255] {strides = array<i32>} : memref<80x128xf32, #tpu.memory_space<vmem>>, vector<16xf32>,
        tpu.vector_store %arg9[%parallel_loop3A_254, %parallel_loop3A_255], %parallel_loop3A_253 {strides = array<i32>} : memref<80x128xf32, #tpu.memory_space<vmem>>, vector<16xf32>,
        %parallel_loop3A_257 = arith.index_cast %parallel_loop3A_223 : i32 to index
        %parallel_loop3A_258 = arith.constant 64 : index
        %parallel_loop3A_259 = tpu.vector_load %arg9[%parallel_loop3A_257, %parallel_loop3A_258] {strides = array<i32>} : memref<80x128xf32, #tpu.memory_space<vmem>>, vector<16xf32>,
        %parallel_loop3A_260 = arith.mulf %parallel_loop3A_259, %parallel_loop3A_228 : vector<16xf32>
        %parallel_loop3A_261 = arith.index_cast %parallel_loop3A_223 : i32 to index
        %parallel_loop3A_262 = arith.constant 64 : index
        %parallel_loop3A_263 = tpu.vector_load %arg9[%parallel_loop3A_261, %parallel_loop3A_262] {strides = array<i32>} : memref<80x128xf32, #tpu.memory_space<vmem>>, vector<16xf32>,
        tpu.vector_store %arg9[%parallel_loop3A_261, %parallel_loop3A_262], %parallel_loop3A_260 {strides = array<i32>} : memref<80x128xf32, #tpu.memory_space<vmem>>, vector<16xf32>,
        %parallel_loop3A_264 = arith.index_cast %parallel_loop3A_223 : i32 to index
        %parallel_loop3A_265 = arith.constant 80 : index
        %parallel_loop3A_266 = tpu.vector_load %arg9[%parallel_loop3A_264, %parallel_loop3A_265] {strides = array<i32>} : memref<80x128xf32, #tpu.memory_space<vmem>>, vector<16xf32>,
        %parallel_loop3A_267 = arith.mulf %parallel_loop3A_266, %parallel_loop3A_228 : vector<16xf32>
        %parallel_loop3A_268 = arith.index_cast %parallel_loop3A_223 : i32 to index
        %parallel_loop3A_269 = arith.constant 80 : index
        %parallel_loop3A_270 = tpu.vector_load %arg9[%parallel_loop3A_268, %parallel_loop3A_269] {strides = array<i32>} : memref<80x128xf32, #tpu.memory_space<vmem>>, vector<16xf32>,
        tpu.vector_store %arg9[%parallel_loop3A_268, %parallel_loop3A_269], %parallel_loop3A_267 {strides = array<i32>} : memref<80x128xf32, #tpu.memory_space<vmem>>, vector<16xf32>,
        %parallel_loop3A_271 = arith.index_cast %parallel_loop3A_223 : i32 to index
        %parallel_loop3A_272 = arith.constant 96 : index
        %parallel_loop3A_273 = tpu.vector_load %arg9[%parallel_loop3A_271, %parallel_loop3A_272] {strides = array<i32>} : memref<80x128xf32, #tpu.memory_space<vmem>>, vector<16xf32>,
        %parallel_loop3A_274 = arith.mulf %parallel_loop3A_273, %parallel_loop3A_228 : vector<16xf32>
        %parallel_loop3A_275 = arith.index_cast %parallel_loop3A_223 : i32 to index
        %parallel_loop3A_276 = arith.constant 96 : index
        %parallel_loop3A_277 = tpu.vector_load %arg9[%parallel_loop3A_275, %parallel_loop3A_276] {strides = array<i32>} : memref<80x128xf32, #tpu.memory_space<vmem>>, vector<16xf32>,
        tpu.vector_store %arg9[%parallel_loop3A_275, %parallel_loop3A_276], %parallel_loop3A_274 {strides = array<i32>} : memref<80x128xf32, #tpu.memory_space<vmem>>, vector<16xf32>,
        %parallel_loop3A_278 = arith.index_cast %parallel_loop3A_223 : i32 to index
        %parallel_loop3A_279 = arith.constant 112 : index
        %parallel_loop3A_280 = tpu.vector_load %arg9[%parallel_loop3A_278, %parallel_loop3A_279] {strides = array<i32>} : memref<80x128xf32, #tpu.memory_space<vmem>>, vector<16xf32>,
        %parallel_loop3A_281 = arith.mulf %parallel_loop3A_280, %parallel_loop3A_228 : vector<16xf32>
        %parallel_loop3A_282 = arith.index_cast %parallel_loop3A_223 : i32 to index
        %parallel_loop3A_283 = arith.constant 112 : index
        %parallel_loop3A_284 = tpu.vector_load %arg9[%parallel_loop3A_282, %parallel_loop3A_283] {strides = array<i32>} : memref<80x128xf32, #tpu.memory_space<vmem>>, vector<16xf32>,
        tpu.vector_store %arg9[%parallel_loop3A_282, %parallel_loop3A_283], %parallel_loop3A_281 {strides = array<i32>} : memref<80x128xf32, #tpu.memory_space<vmem>>, vector<16xf32>,
      } {sc.loop_unroll_factor = 4 : i64, sc.parallel_access}
      %add3A_214 = arith.constant 1 : i32
      %add3A_215 = arith.addi %add3A_150, %add3A_214 : i32
      %mul3A_216 = arith.constant 10000 : i32
      %mul3A_217 = arith.muli %add3A, %mul3A_216 : i32
      %mul3A_218 = arith.constant 80 : i32
      %mul3A_219 = arith.muli %add3A_215, %mul3A_218 : i32
      %add3A_220 = arith.addi %mul3A_217, %mul3A_219 : i32
      %dma_wait3A_221 = tpu.memref_slice %arg4[%add3A_220] : memref<320000xi32, #tpu.memory_space<hbm>> -> memref<80xi32, #tpu.memory_space<hbm>>
      %dma_wait3A_222 = tpu.memref_slice %arg4[%add3A_220] : memref<320000xi32, #tpu.memory_space<hbm>> -> memref<80xi32, #tpu.memory_space<hbm>>
      tpu.wait_dma2 semaphore(%arg17 : memref<!tpu.dma_semaphore, #tpu.memory_space<semaphore_mem>>) src(%dma_wait3A_222 : memref<80xi32, #tpu.memory_space<hbm>>) dst(%arg12 : memref<80xi32, #tpu.memory_space<vmem>>)
      "tpu.region"() ({
        %run_scoped3A = tpu.sem_alloc : memref<!tpu.dma_semaphore, #tpu.memory_space<semaphore_mem>>
        %dma_start3A_223 = arith.constant 0 : i32
        %dma_start3A_224 = arith.constant 0 : i32
        %dma_start3A_225 = tpu.memref_slice %arg7[%dma_start3A_223, %dma_start3A_224] : memref<10000x128xf32, #tpu.memory_space<vmem_shared>> -> memref<10000x128xf32, #tpu.memory_space<vmem_shared>>
        tpu.enqueue_indirect_dma source(%arg9 : memref<80x128xf32, #tpu.memory_space<vmem>>) target(%dma_start3A_225 : memref<10000x128xf32, #tpu.memory_space<vmem_shared>>) offsets(%arg12 : memref<80xi32, #tpu.memory_space<vmem>>) semaphore(%run_scoped3A : memref<!tpu.dma_semaphore, #tpu.memory_space<semaphore_mem>>) {add = true}
        %dma_wait3A_226 = arith.constant 0 : i32
        %dma_wait3A_227 = arith.constant 0 : i32
        %dma_wait3A_228 = tpu.memref_slice %arg7[%dma_wait3A_226, %dma_wait3A_227] : memref<10000x128xf32, #tpu.memory_space<vmem_shared>> -> memref<10000x128xf32, #tpu.memory_space<vmem_shared>>
        tpu.wait_indirect_dma semaphore(%run_scoped3A : memref<!tpu.dma_semaphore, #tpu.memory_space<semaphore_mem>>) src(%arg9 : memref<80x128xf32, #tpu.memory_space<vmem>>) dst(%dma_wait3A_228 : memref<10000x128xf32, #tpu.memory_space<vmem_shared>>)
        tpu.yield
      }) : () -> ()
    }
    %scan3A_76 = arith.constant 62 : i32
    %dma_wait3A = arith.constant 9920 : i32
    %dma_wait3A_77 = tpu.memref_slice %arg10[%dma_wait3A] : memref<10000xi32, #tpu.memory_space<vmem>> -> memref<80xi32, #tpu.memory_space<vmem>>
    %dma_wait3A_78 = arith.constant 0 : i32
    %dma_wait3A_79 = arith.constant 0 : i32
    %dma_wait3A_80 = tpu.memref_slice %arg2[%dma_wait3A_78, %dma_wait3A_79] : memref<10000x128xf32, #tpu.memory_space<hbm>> -> memref<10000x128xf32, #tpu.memory_space<hbm>>
    tpu.wait_indirect_dma semaphore(%arg14 : memref<!tpu.dma_semaphore, #tpu.memory_space<semaphore_mem>>) src(%dma_wait3A_80 : memref<10000x128xf32, #tpu.memory_space<hbm>>) dst(%arg8 : memref<80x128xf32, #tpu.memory_space<vmem>>)
    %parallel_loop3A = arith.constant 0 : i32
    %parallel_loop3A_81 = arith.constant 80 : i32
    %parallel_loop3A_82 = arith.constant 1 : i32
    scf.for %parallel_loop3A_146 = %parallel_loop3A to %parallel_loop3A_81 step %parallel_loop3A_82  : i32 {
      %parallel_loop3A_147 = arith.constant 9920 : i32
      %parallel_loop3A_148 = arith.addi %parallel_loop3A_147, %parallel_loop3A_146 : i32
      %parallel_loop3A_149 = vector.broadcast %parallel_loop3A_148 : i32 to vector<16xi32>
      %parallel_loop3A_150 = tpu.vector_load_idx %arg13[%parallel_loop3A_149] : memref<10000xf32, #tpu.memory_space<vmem>>[vector<16xi32>], vector<16xf32>,
      %parallel_loop3A_151 = arith.index_cast %parallel_loop3A_146 : i32 to index
      %parallel_loop3A_152 = arith.constant 0 : index
      %parallel_loop3A_153 = tpu.vector_load %arg8[%parallel_loop3A_151, %parallel_loop3A_152] {strides = array<i32>} : memref<80x128xf32, #tpu.memory_space<vmem>>, vector<16xf32>,
      %parallel_loop3A_154 = arith.mulf %parallel_loop3A_153, %parallel_loop3A_150 : vector<16xf32>
      %parallel_loop3A_155 = arith.index_cast %parallel_loop3A_146 : i32 to index
      %parallel_loop3A_156 = arith.constant 0 : index
      %parallel_loop3A_157 = tpu.vector_load %arg8[%parallel_loop3A_155, %parallel_loop3A_156] {strides = array<i32>} : memref<80x128xf32, #tpu.memory_space<vmem>>, vector<16xf32>,
      tpu.vector_store %arg8[%parallel_loop3A_155, %parallel_loop3A_156], %parallel_loop3A_154 {strides = array<i32>} : memref<80x128xf32, #tpu.memory_space<vmem>>, vector<16xf32>,
      %parallel_loop3A_158 = arith.index_cast %parallel_loop3A_146 : i32 to index
      %parallel_loop3A_159 = arith.constant 16 : index
      %parallel_loop3A_160 = tpu.vector_load %arg8[%parallel_loop3A_158, %parallel_loop3A_159] {strides = array<i32>} : memref<80x128xf32, #tpu.memory_space<vmem>>, vector<16xf32>,
      %parallel_loop3A_161 = arith.mulf %parallel_loop3A_160, %parallel_loop3A_150 : vector<16xf32>
      %parallel_loop3A_162 = arith.index_cast %parallel_loop3A_146 : i32 to index
      %parallel_loop3A_163 = arith.constant 16 : index
      %parallel_loop3A_164 = tpu.vector_load %arg8[%parallel_loop3A_162, %parallel_loop3A_163] {strides = array<i32>} : memref<80x128xf32, #tpu.memory_space<vmem>>, vector<16xf32>,
      tpu.vector_store %arg8[%parallel_loop3A_162, %parallel_loop3A_163], %parallel_loop3A_161 {strides = array<i32>} : memref<80x128xf32, #tpu.memory_space<vmem>>, vector<16xf32>,
      %parallel_loop3A_165 = arith.index_cast %parallel_loop3A_146 : i32 to index
      %parallel_loop3A_166 = arith.constant 32 : index
      %parallel_loop3A_167 = tpu.vector_load %arg8[%parallel_loop3A_165, %parallel_loop3A_166] {strides = array<i32>} : memref<80x128xf32, #tpu.memory_space<vmem>>, vector<16xf32>,
      %parallel_loop3A_168 = arith.mulf %parallel_loop3A_167, %parallel_loop3A_150 : vector<16xf32>
      %parallel_loop3A_169 = arith.index_cast %parallel_loop3A_146 : i32 to index
      %parallel_loop3A_170 = arith.constant 32 : index
      %parallel_loop3A_171 = tpu.vector_load %arg8[%parallel_loop3A_169, %parallel_loop3A_170] {strides = array<i32>} : memref<80x128xf32, #tpu.memory_space<vmem>>, vector<16xf32>,
      tpu.vector_store %arg8[%parallel_loop3A_169, %parallel_loop3A_170], %parallel_loop3A_168 {strides = array<i32>} : memref<80x128xf32, #tpu.memory_space<vmem>>, vector<16xf32>,
      %parallel_loop3A_172 = arith.index_cast %parallel_loop3A_146 : i32 to index
      %parallel_loop3A_173 = arith.constant 48 : index
      %parallel_loop3A_174 = tpu.vector_load %arg8[%parallel_loop3A_172, %parallel_loop3A_173] {strides = array<i32>} : memref<80x128xf32, #tpu.memory_space<vmem>>, vector<16xf32>,
      %parallel_loop3A_175 = arith.mulf %parallel_loop3A_174, %parallel_loop3A_150 : vector<16xf32>
      %parallel_loop3A_176 = arith.index_cast %parallel_loop3A_146 : i32 to index
      %parallel_loop3A_177 = arith.constant 48 : index
      %parallel_loop3A_178 = tpu.vector_load %arg8[%parallel_loop3A_176, %parallel_loop3A_177] {strides = array<i32>} : memref<80x128xf32, #tpu.memory_space<vmem>>, vector<16xf32>,
      tpu.vector_store %arg8[%parallel_loop3A_176, %parallel_loop3A_177], %parallel_loop3A_175 {strides = array<i32>} : memref<80x128xf32, #tpu.memory_space<vmem>>, vector<16xf32>,
      %parallel_loop3A_179 = arith.index_cast %parallel_loop3A_146 : i32 to index
      %parallel_loop3A_180 = arith.constant 64 : index
      %parallel_loop3A_181 = tpu.vector_load %arg8[%parallel_loop3A_179, %parallel_loop3A_180] {strides = array<i32>} : memref<80x128xf32, #tpu.memory_space<vmem>>, vector<16xf32>,
      %parallel_loop3A_182 = arith.mulf %parallel_loop3A_181, %parallel_loop3A_150 : vector<16xf32>
      %parallel_loop3A_183 = arith.index_cast %parallel_loop3A_146 : i32 to index
      %parallel_loop3A_184 = arith.constant 64 : index
      %parallel_loop3A_185 = tpu.vector_load %arg8[%parallel_loop3A_183, %parallel_loop3A_184] {strides = array<i32>} : memref<80x128xf32, #tpu.memory_space<vmem>>, vector<16xf32>,
      tpu.vector_store %arg8[%parallel_loop3A_183, %parallel_loop3A_184], %parallel_loop3A_182 {strides = array<i32>} : memref<80x128xf32, #tpu.memory_space<vmem>>, vector<16xf32>,
      %parallel_loop3A_186 = arith.index_cast %parallel_loop3A_146 : i32 to index
      %parallel_loop3A_187 = arith.constant 80 : index
      %parallel_loop3A_188 = tpu.vector_load %arg8[%parallel_loop3A_186, %parallel_loop3A_187] {strides = array<i32>} : memref<80x128xf32, #tpu.memory_space<vmem>>, vector<16xf32>,
      %parallel_loop3A_189 = arith.mulf %parallel_loop3A_188, %parallel_loop3A_150 : vector<16xf32>
      %parallel_loop3A_190 = arith.index_cast %parallel_loop3A_146 : i32 to index
      %parallel_loop3A_191 = arith.constant 80 : index
      %parallel_loop3A_192 = tpu.vector_load %arg8[%parallel_loop3A_190, %parallel_loop3A_191] {strides = array<i32>} : memref<80x128xf32, #tpu.memory_space<vmem>>, vector<16xf32>,
      tpu.vector_store %arg8[%parallel_loop3A_190, %parallel_loop3A_191], %parallel_loop3A_189 {strides = array<i32>} : memref<80x128xf32, #tpu.memory_space<vmem>>, vector<16xf32>,
      %parallel_loop3A_193 = arith.index_cast %parallel_loop3A_146 : i32 to index
      %parallel_loop3A_194 = arith.constant 96 : index
      %parallel_loop3A_195 = tpu.vector_load %arg8[%parallel_loop3A_193, %parallel_loop3A_194] {strides = array<i32>} : memref<80x128xf32, #tpu.memory_space<vmem>>, vector<16xf32>,
      %parallel_loop3A_196 = arith.mulf %parallel_loop3A_195, %parallel_loop3A_150 : vector<16xf32>
      %parallel_loop3A_197 = arith.index_cast %parallel_loop3A_146 : i32 to index
      %parallel_loop3A_198 = arith.constant 96 : index
      %parallel_loop3A_199 = tpu.vector_load %arg8[%parallel_loop3A_197, %parallel_loop3A_198] {strides = array<i32>} : memref<80x128xf32, #tpu.memory_space<vmem>>, vector<16xf32>,
      tpu.vector_store %arg8[%parallel_loop3A_197, %parallel_loop3A_198], %parallel_loop3A_196 {strides = array<i32>} : memref<80x128xf32, #tpu.memory_space<vmem>>, vector<16xf32>,
      %parallel_loop3A_200 = arith.index_cast %parallel_loop3A_146 : i32 to index
      %parallel_loop3A_201 = arith.constant 112 : index
      %parallel_loop3A_202 = tpu.vector_load %arg8[%parallel_loop3A_200, %parallel_loop3A_201] {strides = array<i32>} : memref<80x128xf32, #tpu.memory_space<vmem>>, vector<16xf32>,
      %parallel_loop3A_203 = arith.mulf %parallel_loop3A_202, %parallel_loop3A_150 : vector<16xf32>
      %parallel_loop3A_204 = arith.index_cast %parallel_loop3A_146 : i32 to index
      %parallel_loop3A_205 = arith.constant 112 : index
      %parallel_loop3A_206 = tpu.vector_load %arg8[%parallel_loop3A_204, %parallel_loop3A_205] {strides = array<i32>} : memref<80x128xf32, #tpu.memory_space<vmem>>, vector<16xf32>,
      tpu.vector_store %arg8[%parallel_loop3A_204, %parallel_loop3A_205], %parallel_loop3A_203 {strides = array<i32>} : memref<80x128xf32, #tpu.memory_space<vmem>>, vector<16xf32>,
    } {sc.loop_unroll_factor = 4 : i64, sc.parallel_access}
    %mul3A_83 = arith.constant 10000 : i32
    %mul3A_84 = arith.muli %add3A, %mul3A_83 : i32
    %add3A_85 = arith.constant 9920 : i32
    %add3A_86 = arith.addi %mul3A_84, %add3A_85 : i32
    %dma_wait3A_87 = tpu.memref_slice %arg4[%add3A_86] : memref<320000xi32, #tpu.memory_space<hbm>> -> memref<80xi32, #tpu.memory_space<hbm>>
    %dma_wait3A_88 = tpu.memref_slice %arg4[%add3A_86] : memref<320000xi32, #tpu.memory_space<hbm>> -> memref<80xi32, #tpu.memory_space<hbm>>
    tpu.wait_dma2 semaphore(%arg16 : memref<!tpu.dma_semaphore, #tpu.memory_space<semaphore_mem>>) src(%dma_wait3A_88 : memref<80xi32, #tpu.memory_space<hbm>>) dst(%arg11 : memref<80xi32, #tpu.memory_space<vmem>>)
    "tpu.region"() ({
      %run_scoped3A = tpu.sem_alloc : memref<!tpu.dma_semaphore, #tpu.memory_space<semaphore_mem>>
      %dma_start3A_146 = arith.constant 0 : i32
      %dma_start3A_147 = arith.constant 0 : i32
      %dma_start3A_148 = tpu.memref_slice %arg7[%dma_start3A_146, %dma_start3A_147] : memref<10000x128xf32, #tpu.memory_space<vmem_shared>> -> memref<10000x128xf32, #tpu.memory_space<vmem_shared>>
      tpu.enqueue_indirect_dma source(%arg8 : memref<80x128xf32, #tpu.memory_space<vmem>>) target(%dma_start3A_148 : memref<10000x128xf32, #tpu.memory_space<vmem_shared>>) offsets(%arg11 : memref<80xi32, #tpu.memory_space<vmem>>) semaphore(%run_scoped3A : memref<!tpu.dma_semaphore, #tpu.memory_space<semaphore_mem>>) {add = true}
      %dma_wait3A_149 = arith.constant 0 : i32
      %dma_wait3A_150 = arith.constant 0 : i32
      %dma_wait3A_151 = tpu.memref_slice %arg7[%dma_wait3A_149, %dma_wait3A_150] : memref<10000x128xf32, #tpu.memory_space<vmem_shared>> -> memref<10000x128xf32, #tpu.memory_space<vmem_shared>>
      tpu.wait_indirect_dma semaphore(%run_scoped3A : memref<!tpu.dma_semaphore, #tpu.memory_space<semaphore_mem>>) src(%arg8 : memref<80x128xf32, #tpu.memory_space<vmem>>) dst(%dma_wait3A_151 : memref<10000x128xf32, #tpu.memory_space<vmem_shared>>)
      tpu.yield
    }) : () -> ()
    %barrier3A_89 = arith.constant 0 : index
    tpu.barrier barrier_id(%barrier3A_89)
    %add3A_90 = arith.constant 0 : i32
    %add3A_91 = arith.addi %add3A_90, %arg1 : i32
    %lt3A_92 = arith.constant 125 : i32
    %lt3A_93 = arith.cmpi slt, %add3A_91, %lt3A_92 : i32
    %convert_element_type3A_94 = arith.extui %lt3A_93 : i1 to i32
    %cond3A_95 = arith.constant 0 : i32
    %cond3A_96 = arith.cmpi ne, %convert_element_type3A_94, %cond3A_95 : i32
    scf.if %cond3A_96 {
      %mul3A_146 = arith.constant 80 : i32
      %mul3A_147 = arith.muli %add3A_91, %mul3A_146 : i32
      %mul3A_148 = arith.constant 80 : i32
      %mul3A_149 = arith.muli %add3A_91, %mul3A_148 : i32
      "tpu.region"() ({
        %run_scoped3A = tpu.sem_alloc : memref<!tpu.dma_semaphore, #tpu.memory_space<semaphore_mem>>
        %dma_start3A_150 = arith.constant 0 : i32
        %dma_start3A_151 = tpu.memref_slice %arg6[%arg0, %mul3A_149, %dma_start3A_150] : memref<2x10000x128xf32, #tpu.memory_space<hbm>> -> memref<1x80x128xf32, #tpu.memory_space<hbm>>
        %dma_start3A_152 = tpu.memref_squeeze %dma_start3A_151 : memref<1x80x128xf32, #tpu.memory_space<hbm>> -> memref<80x128xf32, #tpu.memory_space<hbm>>
        %dma_start3A_153 = arith.constant 0 : i32
        %dma_start3A_154 = tpu.memref_slice %arg7[%mul3A_147, %dma_start3A_153] : memref<10000x128xf32, #tpu.memory_space<vmem_shared>> -> memref<80x128xf32, #tpu.memory_space<vmem_shared>>
        tpu.enqueue_dma source(%dma_start3A_154 : memref<80x128xf32, #tpu.memory_space<vmem_shared>>) target(%dma_start3A_152 : memref<80x128xf32, #tpu.memory_space<hbm>>) target_semaphore(%run_scoped3A : memref<!tpu.dma_semaphore, #tpu.memory_space<semaphore_mem>>)
        %dma_wait3A_155 = arith.constant 0 : i32
        %dma_wait3A_156 = tpu.memref_slice %arg6[%arg0, %mul3A_149, %dma_wait3A_155] : memref<2x10000x128xf32, #tpu.memory_space<hbm>> -> memref<1x80x128xf32, #tpu.memory_space<hbm>>
        %dma_wait3A_157 = tpu.memref_squeeze %dma_wait3A_156 : memref<1x80x128xf32, #tpu.memory_space<hbm>> -> memref<80x128xf32, #tpu.memory_space<hbm>>
        %dma_wait3A_158 = arith.constant 0 : i32
        %dma_wait3A_159 = tpu.memref_slice %arg7[%mul3A_147, %dma_wait3A_158] : memref<10000x128xf32, #tpu.memory_space<vmem_shared>> -> memref<80x128xf32, #tpu.memory_space<vmem_shared>>
        tpu.wait_dma2 semaphore(%run_scoped3A : memref<!tpu.dma_semaphore, #tpu.memory_space<semaphore_mem>>) src(%dma_wait3A_159 : memref<80x128xf32, #tpu.memory_space<vmem_shared>>) dst(%dma_wait3A_157 : memref<80x128xf32, #tpu.memory_space<hbm>>)
        tpu.yield
      }) : () -> ()
    } else {
    }
    %add3A_97 = arith.constant 16 : i32
    %add3A_98 = arith.addi %add3A_97, %arg1 : i32
    %lt3A_99 = arith.constant 125 : i32
    %lt3A_100 = arith.cmpi slt, %add3A_98, %lt3A_99 : i32
    %convert_element_type3A_101 = arith.extui %lt3A_100 : i1 to i32
    %cond3A_102 = arith.constant 0 : i32
    %cond3A_103 = arith.cmpi ne, %convert_element_type3A_101, %cond3A_102 : i32
    scf.if %cond3A_103 {
      %mul3A_146 = arith.constant 80 : i32
      %mul3A_147 = arith.muli %add3A_98, %mul3A_146 : i32
      %mul3A_148 = arith.constant 80 : i32
      %mul3A_149 = arith.muli %add3A_98, %mul3A_148 : i32
      "tpu.region"() ({
        %run_scoped3A = tpu.sem_alloc : memref<!tpu.dma_semaphore, #tpu.memory_space<semaphore_mem>>
        %dma_start3A_150 = arith.constant 0 : i32
        %dma_start3A_151 = tpu.memref_slice %arg6[%arg0, %mul3A_149, %dma_start3A_150] : memref<2x10000x128xf32, #tpu.memory_space<hbm>> -> memref<1x80x128xf32, #tpu.memory_space<hbm>>
        %dma_start3A_152 = tpu.memref_squeeze %dma_start3A_151 : memref<1x80x128xf32, #tpu.memory_space<hbm>> -> memref<80x128xf32, #tpu.memory_space<hbm>>
        %dma_start3A_153 = arith.constant 0 : i32
        %dma_start3A_154 = tpu.memref_slice %arg7[%mul3A_147, %dma_start3A_153] : memref<10000x128xf32, #tpu.memory_space<vmem_shared>> -> memref<80x128xf32, #tpu.memory_space<vmem_shared>>
        tpu.enqueue_dma source(%dma_start3A_154 : memref<80x128xf32, #tpu.memory_space<vmem_shared>>) target(%dma_start3A_152 : memref<80x128xf32, #tpu.memory_space<hbm>>) target_semaphore(%run_scoped3A : memref<!tpu.dma_semaphore, #tpu.memory_space<semaphore_mem>>)
        %dma_wait3A_155 = arith.constant 0 : i32
        %dma_wait3A_156 = tpu.memref_slice %arg6[%arg0, %mul3A_149, %dma_wait3A_155] : memref<2x10000x128xf32, #tpu.memory_space<hbm>> -> memref<1x80x128xf32, #tpu.memory_space<hbm>>
        %dma_wait3A_157 = tpu.memref_squeeze %dma_wait3A_156 : memref<1x80x128xf32, #tpu.memory_space<hbm>> -> memref<80x128xf32, #tpu.memory_space<hbm>>
        %dma_wait3A_158 = arith.constant 0 : i32
        %dma_wait3A_159 = tpu.memref_slice %arg7[%mul3A_147, %dma_wait3A_158] : memref<10000x128xf32, #tpu.memory_space<vmem_shared>> -> memref<80x128xf32, #tpu.memory_space<vmem_shared>>
        tpu.wait_dma2 semaphore(%run_scoped3A : memref<!tpu.dma_semaphore, #tpu.memory_space<semaphore_mem>>) src(%dma_wait3A_159 : memref<80x128xf32, #tpu.memory_space<vmem_shared>>) dst(%dma_wait3A_157 : memref<80x128xf32, #tpu.memory_space<hbm>>)
        tpu.yield
      }) : () -> ()
    } else {
    }
    %add3A_104 = arith.constant 32 : i32
    %add3A_105 = arith.addi %add3A_104, %arg1 : i32
    %lt3A_106 = arith.constant 125 : i32
    %lt3A_107 = arith.cmpi slt, %add3A_105, %lt3A_106 : i32
    %convert_element_type3A_108 = arith.extui %lt3A_107 : i1 to i32
    %cond3A_109 = arith.constant 0 : i32
    %cond3A_110 = arith.cmpi ne, %convert_element_type3A_108, %cond3A_109 : i32
    scf.if %cond3A_110 {
      %mul3A_146 = arith.constant 80 : i32
      %mul3A_147 = arith.muli %add3A_105, %mul3A_146 : i32
      %mul3A_148 = arith.constant 80 : i32
      %mul3A_149 = arith.muli %add3A_105, %mul3A_148 : i32
      "tpu.region"() ({
        %run_scoped3A = tpu.sem_alloc : memref<!tpu.dma_semaphore, #tpu.memory_space<semaphore_mem>>
        %dma_start3A_150 = arith.constant 0 : i32
        %dma_start3A_151 = tpu.memref_slice %arg6[%arg0, %mul3A_149, %dma_start3A_150] : memref<2x10000x128xf32, #tpu.memory_space<hbm>> -> memref<1x80x128xf32, #tpu.memory_space<hbm>>
        %dma_start3A_152 = tpu.memref_squeeze %dma_start3A_151 : memref<1x80x128xf32, #tpu.memory_space<hbm>> -> memref<80x128xf32, #tpu.memory_space<hbm>>
        %dma_start3A_153 = arith.constant 0 : i32
        %dma_start3A_154 = tpu.memref_slice %arg7[%mul3A_147, %dma_start3A_153] : memref<10000x128xf32, #tpu.memory_space<vmem_shared>> -> memref<80x128xf32, #tpu.memory_space<vmem_shared>>
        tpu.enqueue_dma source(%dma_start3A_154 : memref<80x128xf32, #tpu.memory_space<vmem_shared>>) target(%dma_start3A_152 : memref<80x128xf32, #tpu.memory_space<hbm>>) target_semaphore(%run_scoped3A : memref<!tpu.dma_semaphore, #tpu.memory_space<semaphore_mem>>)
        %dma_wait3A_155 = arith.constant 0 : i32
        %dma_wait3A_156 = tpu.memref_slice %arg6[%arg0, %mul3A_149, %dma_wait3A_155] : memref<2x10000x128xf32, #tpu.memory_space<hbm>> -> memref<1x80x128xf32, #tpu.memory_space<hbm>>
        %dma_wait3A_157 = tpu.memref_squeeze %dma_wait3A_156 : memref<1x80x128xf32, #tpu.memory_space<hbm>> -> memref<80x128xf32, #tpu.memory_space<hbm>>
        %dma_wait3A_158 = arith.constant 0 : i32
        %dma_wait3A_159 = tpu.memref_slice %arg7[%mul3A_147, %dma_wait3A_158] : memref<10000x128xf32, #tpu.memory_space<vmem_shared>> -> memref<80x128xf32, #tpu.memory_space<vmem_shared>>
        tpu.wait_dma2 semaphore(%run_scoped3A : memref<!tpu.dma_semaphore, #tpu.memory_space<semaphore_mem>>) src(%dma_wait3A_159 : memref<80x128xf32, #tpu.memory_space<vmem_shared>>) dst(%dma_wait3A_157 : memref<80x128xf32, #tpu.memory_space<hbm>>)
        tpu.yield
      }) : () -> ()
    } else {
    }
    %add3A_111 = arith.constant 48 : i32
    %add3A_112 = arith.addi %add3A_111, %arg1 : i32
    %lt3A_113 = arith.constant 125 : i32
    %lt3A_114 = arith.cmpi slt, %add3A_112, %lt3A_113 : i32
    %convert_element_type3A_115 = arith.extui %lt3A_114 : i1 to i32
    %cond3A_116 = arith.constant 0 : i32
    %cond3A_117 = arith.cmpi ne, %convert_element_type3A_115, %cond3A_116 : i32
    scf.if %cond3A_117 {
      %mul3A_146 = arith.constant 80 : i32
      %mul3A_147 = arith.muli %add3A_112, %mul3A_146 : i32
      %mul3A_148 = arith.constant 80 : i32
      %mul3A_149 = arith.muli %add3A_112, %mul3A_148 : i32
      "tpu.region"() ({
        %run_scoped3A = tpu.sem_alloc : memref<!tpu.dma_semaphore, #tpu.memory_space<semaphore_mem>>
        %dma_start3A_150 = arith.constant 0 : i32
        %dma_start3A_151 = tpu.memref_slice %arg6[%arg0, %mul3A_149, %dma_start3A_150] : memref<2x10000x128xf32, #tpu.memory_space<hbm>> -> memref<1x80x128xf32, #tpu.memory_space<hbm>>
        %dma_start3A_152 = tpu.memref_squeeze %dma_start3A_151 : memref<1x80x128xf32, #tpu.memory_space<hbm>> -> memref<80x128xf32, #tpu.memory_space<hbm>>
        %dma_start3A_153 = arith.constant 0 : i32
        %dma_start3A_154 = tpu.memref_slice %arg7[%mul3A_147, %dma_start3A_153] : memref<10000x128xf32, #tpu.memory_space<vmem_shared>> -> memref<80x128xf32, #tpu.memory_space<vmem_shared>>
        tpu.enqueue_dma source(%dma_start3A_154 : memref<80x128xf32, #tpu.memory_space<vmem_shared>>) target(%dma_start3A_152 : memref<80x128xf32, #tpu.memory_space<hbm>>) target_semaphore(%run_scoped3A : memref<!tpu.dma_semaphore, #tpu.memory_space<semaphore_mem>>)
        %dma_wait3A_155 = arith.constant 0 : i32
        %dma_wait3A_156 = tpu.memref_slice %arg6[%arg0, %mul3A_149, %dma_wait3A_155] : memref<2x10000x128xf32, #tpu.memory_space<hbm>> -> memref<1x80x128xf32, #tpu.memory_space<hbm>>
        %dma_wait3A_157 = tpu.memref_squeeze %dma_wait3A_156 : memref<1x80x128xf32, #tpu.memory_space<hbm>> -> memref<80x128xf32, #tpu.memory_space<hbm>>
        %dma_wait3A_158 = arith.constant 0 : i32
        %dma_wait3A_159 = tpu.memref_slice %arg7[%mul3A_147, %dma_wait3A_158] : memref<10000x128xf32, #tpu.memory_space<vmem_shared>> -> memref<80x128xf32, #tpu.memory_space<vmem_shared>>
        tpu.wait_dma2 semaphore(%run_scoped3A : memref<!tpu.dma_semaphore, #tpu.memory_space<semaphore_mem>>) src(%dma_wait3A_159 : memref<80x128xf32, #tpu.memory_space<vmem_shared>>) dst(%dma_wait3A_157 : memref<80x128xf32, #tpu.memory_space<hbm>>)
        tpu.yield
      }) : () -> ()
    } else {
    }
    %add3A_118 = arith.constant 64 : i32
    %add3A_119 = arith.addi %add3A_118, %arg1 : i32
    %lt3A_120 = arith.constant 125 : i32
    %lt3A_121 = arith.cmpi slt, %add3A_119, %lt3A_120 : i32
    %convert_element_type3A_122 = arith.extui %lt3A_121 : i1 to i32
    %cond3A_123 = arith.constant 0 : i32
    %cond3A_124 = arith.cmpi ne, %convert_element_type3A_122, %cond3A_123 : i32
    scf.if %cond3A_124 {
      %mul3A_146 = arith.constant 80 : i32
      %mul3A_147 = arith.muli %add3A_119, %mul3A_146 : i32
      %mul3A_148 = arith.constant 80 : i32
      %mul3A_149 = arith.muli %add3A_119, %mul3A_148 : i32
      "tpu.region"() ({
        %run_scoped3A = tpu.sem_alloc : memref<!tpu.dma_semaphore, #tpu.memory_space<semaphore_mem>>
        %dma_start3A_150 = arith.constant 0 : i32
        %dma_start3A_151 = tpu.memref_slice %arg6[%arg0, %mul3A_149, %dma_start3A_150] : memref<2x10000x128xf32, #tpu.memory_space<hbm>> -> memref<1x80x128xf32, #tpu.memory_space<hbm>>
        %dma_start3A_152 = tpu.memref_squeeze %dma_start3A_151 : memref<1x80x128xf32, #tpu.memory_space<hbm>> -> memref<80x128xf32, #tpu.memory_space<hbm>>
        %dma_start3A_153 = arith.constant 0 : i32
        %dma_start3A_154 = tpu.memref_slice %arg7[%mul3A_147, %dma_start3A_153] : memref<10000x128xf32, #tpu.memory_space<vmem_shared>> -> memref<80x128xf32, #tpu.memory_space<vmem_shared>>
        tpu.enqueue_dma source(%dma_start3A_154 : memref<80x128xf32, #tpu.memory_space<vmem_shared>>) target(%dma_start3A_152 : memref<80x128xf32, #tpu.memory_space<hbm>>) target_semaphore(%run_scoped3A : memref<!tpu.dma_semaphore, #tpu.memory_space<semaphore_mem>>)
        %dma_wait3A_155 = arith.constant 0 : i32
        %dma_wait3A_156 = tpu.memref_slice %arg6[%arg0, %mul3A_149, %dma_wait3A_155] : memref<2x10000x128xf32, #tpu.memory_space<hbm>> -> memref<1x80x128xf32, #tpu.memory_space<hbm>>
        %dma_wait3A_157 = tpu.memref_squeeze %dma_wait3A_156 : memref<1x80x128xf32, #tpu.memory_space<hbm>> -> memref<80x128xf32, #tpu.memory_space<hbm>>
        %dma_wait3A_158 = arith.constant 0 : i32
        %dma_wait3A_159 = tpu.memref_slice %arg7[%mul3A_147, %dma_wait3A_158] : memref<10000x128xf32, #tpu.memory_space<vmem_shared>> -> memref<80x128xf32, #tpu.memory_space<vmem_shared>>
        tpu.wait_dma2 semaphore(%run_scoped3A : memref<!tpu.dma_semaphore, #tpu.memory_space<semaphore_mem>>) src(%dma_wait3A_159 : memref<80x128xf32, #tpu.memory_space<vmem_shared>>) dst(%dma_wait3A_157 : memref<80x128xf32, #tpu.memory_space<hbm>>)
        tpu.yield
      }) : () -> ()
    } else {
    }
    %add3A_125 = arith.constant 80 : i32
    %add3A_126 = arith.addi %add3A_125, %arg1 : i32
    %lt3A_127 = arith.constant 125 : i32
    %lt3A_128 = arith.cmpi slt, %add3A_126, %lt3A_127 : i32
    %convert_element_type3A_129 = arith.extui %lt3A_128 : i1 to i32
    %cond3A_130 = arith.constant 0 : i32
    %cond3A_131 = arith.cmpi ne, %convert_element_type3A_129, %cond3A_130 : i32
    scf.if %cond3A_131 {
      %mul3A_146 = arith.constant 80 : i32
      %mul3A_147 = arith.muli %add3A_126, %mul3A_146 : i32
      %mul3A_148 = arith.constant 80 : i32
      %mul3A_149 = arith.muli %add3A_126, %mul3A_148 : i32
      "tpu.region"() ({
        %run_scoped3A = tpu.sem_alloc : memref<!tpu.dma_semaphore, #tpu.memory_space<semaphore_mem>>
        %dma_start3A_150 = arith.constant 0 : i32
        %dma_start3A_151 = tpu.memref_slice %arg6[%arg0, %mul3A_149, %dma_start3A_150] : memref<2x10000x128xf32, #tpu.memory_space<hbm>> -> memref<1x80x128xf32, #tpu.memory_space<hbm>>
        %dma_start3A_152 = tpu.memref_squeeze %dma_start3A_151 : memref<1x80x128xf32, #tpu.memory_space<hbm>> -> memref<80x128xf32, #tpu.memory_space<hbm>>
        %dma_start3A_153 = arith.constant 0 : i32
        %dma_start3A_154 = tpu.memref_slice %arg7[%mul3A_147, %dma_start3A_153] : memref<10000x128xf32, #tpu.memory_space<vmem_shared>> -> memref<80x128xf32, #tpu.memory_space<vmem_shared>>
        tpu.enqueue_dma source(%dma_start3A_154 : memref<80x128xf32, #tpu.memory_space<vmem_shared>>) target(%dma_start3A_152 : memref<80x128xf32, #tpu.memory_space<hbm>>) target_semaphore(%run_scoped3A : memref<!tpu.dma_semaphore, #tpu.memory_space<semaphore_mem>>)
        %dma_wait3A_155 = arith.constant 0 : i32
        %dma_wait3A_156 = tpu.memref_slice %arg6[%arg0, %mul3A_149, %dma_wait3A_155] : memref<2x10000x128xf32, #tpu.memory_space<hbm>> -> memref<1x80x128xf32, #tpu.memory_space<hbm>>
        %dma_wait3A_157 = tpu.memref_squeeze %dma_wait3A_156 : memref<1x80x128xf32, #tpu.memory_space<hbm>> -> memref<80x128xf32, #tpu.memory_space<hbm>>
        %dma_wait3A_158 = arith.constant 0 : i32
        %dma_wait3A_159 = tpu.memref_slice %arg7[%mul3A_147, %dma_wait3A_158] : memref<10000x128xf32, #tpu.memory_space<vmem_shared>> -> memref<80x128xf32, #tpu.memory_space<vmem_shared>>
        tpu.wait_dma2 semaphore(%run_scoped3A : memref<!tpu.dma_semaphore, #tpu.memory_space<semaphore_mem>>) src(%dma_wait3A_159 : memref<80x128xf32, #tpu.memory_space<vmem_shared>>) dst(%dma_wait3A_157 : memref<80x128xf32, #tpu.memory_space<hbm>>)
        tpu.yield
      }) : () -> ()
    } else {
    }
    %add3A_132 = arith.constant 96 : i32
    %add3A_133 = arith.addi %add3A_132, %arg1 : i32
    %lt3A_134 = arith.constant 125 : i32
    %lt3A_135 = arith.cmpi slt, %add3A_133, %lt3A_134 : i32
    %convert_element_type3A_136 = arith.extui %lt3A_135 : i1 to i32
    %cond3A_137 = arith.constant 0 : i32
    %cond3A_138 = arith.cmpi ne, %convert_element_type3A_136, %cond3A_137 : i32
    scf.if %cond3A_138 {
      %mul3A_146 = arith.constant 80 : i32
      %mul3A_147 = arith.muli %add3A_133, %mul3A_146 : i32
      %mul3A_148 = arith.constant 80 : i32
      %mul3A_149 = arith.muli %add3A_133, %mul3A_148 : i32
      "tpu.region"() ({
        %run_scoped3A = tpu.sem_alloc : memref<!tpu.dma_semaphore, #tpu.memory_space<semaphore_mem>>
        %dma_start3A_150 = arith.constant 0 : i32
        %dma_start3A_151 = tpu.memref_slice %arg6[%arg0, %mul3A_149, %dma_start3A_150] : memref<2x10000x128xf32, #tpu.memory_space<hbm>> -> memref<1x80x128xf32, #tpu.memory_space<hbm>>
        %dma_start3A_152 = tpu.memref_squeeze %dma_start3A_151 : memref<1x80x128xf32, #tpu.memory_space<hbm>> -> memref<80x128xf32, #tpu.memory_space<hbm>>
        %dma_start3A_153 = arith.constant 0 : i32
        %dma_start3A_154 = tpu.memref_slice %arg7[%mul3A_147, %dma_start3A_153] : memref<10000x128xf32, #tpu.memory_space<vmem_shared>> -> memref<80x128xf32, #tpu.memory_space<vmem_shared>>
        tpu.enqueue_dma source(%dma_start3A_154 : memref<80x128xf32, #tpu.memory_space<vmem_shared>>) target(%dma_start3A_152 : memref<80x128xf32, #tpu.memory_space<hbm>>) target_semaphore(%run_scoped3A : memref<!tpu.dma_semaphore, #tpu.memory_space<semaphore_mem>>)
        %dma_wait3A_155 = arith.constant 0 : i32
        %dma_wait3A_156 = tpu.memref_slice %arg6[%arg0, %mul3A_149, %dma_wait3A_155] : memref<2x10000x128xf32, #tpu.memory_space<hbm>> -> memref<1x80x128xf32, #tpu.memory_space<hbm>>
        %dma_wait3A_157 = tpu.memref_squeeze %dma_wait3A_156 : memref<1x80x128xf32, #tpu.memory_space<hbm>> -> memref<80x128xf32, #tpu.memory_space<hbm>>
        %dma_wait3A_158 = arith.constant 0 : i32
        %dma_wait3A_159 = tpu.memref_slice %arg7[%mul3A_147, %dma_wait3A_158] : memref<10000x128xf32, #tpu.memory_space<vmem_shared>> -> memref<80x128xf32, #tpu.memory_space<vmem_shared>>
        tpu.wait_dma2 semaphore(%run_scoped3A : memref<!tpu.dma_semaphore, #tpu.memory_space<semaphore_mem>>) src(%dma_wait3A_159 : memref<80x128xf32, #tpu.memory_space<vmem_shared>>) dst(%dma_wait3A_157 : memref<80x128xf32, #tpu.memory_space<hbm>>)
        tpu.yield
      }) : () -> ()
    } else {
    }
    %add3A_139 = arith.constant 112 : i32
    %add3A_140 = arith.addi %add3A_139, %arg1 : i32
    %lt3A_141 = arith.constant 125 : i32
    %lt3A_142 = arith.cmpi slt, %add3A_140, %lt3A_141 : i32
    %convert_element_type3A_143 = arith.extui %lt3A_142 : i1 to i32
    %cond3A_144 = arith.constant 0 : i32
    %cond3A_145 = arith.cmpi ne, %convert_element_type3A_143, %cond3A_144 : i32
    scf.if %cond3A_145 {
      %mul3A_146 = arith.constant 80 : i32
      %mul3A_147 = arith.muli %add3A_140, %mul3A_146 : i32
      %mul3A_148 = arith.constant 80 : i32
      %mul3A_149 = arith.muli %add3A_140, %mul3A_148 : i32
      "tpu.region"() ({
        %run_scoped3A = tpu.sem_alloc : memref<!tpu.dma_semaphore, #tpu.memory_space<semaphore_mem>>
        %dma_start3A_150 = arith.constant 0 : i32
        %dma_start3A_151 = tpu.memref_slice %arg6[%arg0, %mul3A_149, %dma_start3A_150] : memref<2x10000x128xf32, #tpu.memory_space<hbm>> -> memref<1x80x128xf32, #tpu.memory_space<hbm>>
        %dma_start3A_152 = tpu.memref_squeeze %dma_start3A_151 : memref<1x80x128xf32, #tpu.memory_space<hbm>> -> memref<80x128xf32, #tpu.memory_space<hbm>>
        %dma_start3A_153 = arith.constant 0 : i32
        %dma_start3A_154 = tpu.memref_slice %arg7[%mul3A_147, %dma_start3A_153] : memref<10000x128xf32, #tpu.memory_space<vmem_shared>> -> memref<80x128xf32, #tpu.memory_space<vmem_shared>>
        tpu.enqueue_dma source(%dma_start3A_154 : memref<80x128xf32, #tpu.memory_space<vmem_shared>>) target(%dma_start3A_152 : memref<80x128xf32, #tpu.memory_space<hbm>>) target_semaphore(%run_scoped3A : memref<!tpu.dma_semaphore, #tpu.memory_space<semaphore_mem>>)
        %dma_wait3A_155 = arith.constant 0 : i32
        %dma_wait3A_156 = tpu.memref_slice %arg6[%arg0, %mul3A_149, %dma_wait3A_155] : memref<2x10000x128xf32, #tpu.memory_space<hbm>> -> memref<1x80x128xf32, #tpu.memory_space<hbm>>
        %dma_wait3A_157 = tpu.memref_squeeze %dma_wait3A_156 : memref<1x80x128xf32, #tpu.memory_space<hbm>> -> memref<80x128xf32, #tpu.memory_space<hbm>>
        %dma_wait3A_158 = arith.constant 0 : i32
        %dma_wait3A_159 = tpu.memref_slice %arg7[%mul3A_147, %dma_wait3A_158] : memref<10000x128xf32, #tpu.memory_space<vmem_shared>> -> memref<80x128xf32, #tpu.memory_space<vmem_shared>>
        tpu.wait_dma2 semaphore(%run_scoped3A : memref<!tpu.dma_semaphore, #tpu.memory_space<semaphore_mem>>) src(%dma_wait3A_159 : memref<80x128xf32, #tpu.memory_space<vmem_shared>>) dst(%dma_wait3A_157 : memref<80x128xf32, #tpu.memory_space<hbm>>)
        tpu.yield
      }) : () -> ()
    } else {
    }
    return
  }
}

module attributes {stable_mosaic.version = 14 : i64} {
  func.func @body(%arg0: i32, %arg1: memref<2x2000x128xf32, #tpu.memory_space<vmem>>, %arg2: memref<2000x128xf32, #tpu.memory_space<vmem>>) attributes {dimension_semantics = [#tpu.dimension_semantics<arbitrary>], iteration_bounds = array<i64: 5>, scalar_prefetch = 0 : i64, scratch_operands = 0 : i64, tpu.core_type = #tpu.core_type<tc>, window_params = [{transform_indices = @transform_0, window_bounds = array<i64: 2, 2000, 128>}, {transform_indices = @transform_1, window_bounds = array<i64: 2000, 128>}]} {
    %get3A = arith.constant 0 : index
    %get3A_0 = arith.constant 0 : index
    %get3A_1 = arith.constant 0 : index
    %get3A_2 = vector.load %arg1[%get3A, %get3A_0, %get3A_1] : memref<2x2000x128xf32, #tpu.memory_space<vmem>>, vector<1x2000x128xf32>
    %get3A_3 = vector.shape_cast %get3A_2 : vector<1x2000x128xf32> to vector<2000x128xf32>
    %get3A_4 = arith.constant 1 : index
    %get3A_5 = arith.constant 0 : index
    %get3A_6 = arith.constant 0 : index
    %get3A_7 = vector.load %arg1[%get3A_4, %get3A_5, %get3A_6] : memref<2x2000x128xf32, #tpu.memory_space<vmem>>, vector<1x2000x128xf32>
    %get3A_8 = vector.shape_cast %get3A_7 : vector<1x2000x128xf32> to vector<2000x128xf32>
    %add3A = arith.addf %get3A_3, %get3A_8 : vector<2000x128xf32>
    %swap3A = arith.constant 0 : index
    %swap3A_9 = arith.constant 0 : index
    %swap3A_10 = vector.load %arg2[%swap3A, %swap3A_9] : memref<2000x128xf32, #tpu.memory_space<vmem>>, vector<2000x128xf32>
    tpu.vector_store %arg2[%swap3A, %swap3A_9], %add3A {strides = array<i32>} : memref<2000x128xf32, #tpu.memory_space<vmem>>, vector<2000x128xf32>,
    return
  }
  func.func @transform_0(%arg0: i32) -> (i32, i32, i32) {
    %c0_i32 = arith.constant 0 : i32
    %c0_i32_0 = arith.constant 0 : i32
    %c0_i32_1 = arith.constant 0 : i32
    return %c0_i32, %arg0, %c0_i32_0 : i32, i32, i32
  }
  func.func @transform_1(%arg0: i32) -> (i32, i32) {
    %c0_i32 = arith.constant 0 : i32
    %c0_i32_0 = arith.constant 0 : i32
    return %arg0, %c0_i32 : i32, i32
  }
}

module attributes {stable_mosaic.version = 14 : i64} {
  func.func @body(%arg0: i32, %arg1: memref<2000x128xf32, #tpu.memory_space<vmem>>, %arg2: memref<2000x128xf32, #tpu.memory_space<vmem>>, %arg3: memref<2x2000x128xf32, #tpu.memory_space<vmem>>, %arg4: memref<128x128xf32, #tpu.memory_space<vmem>>, %arg5: memref<1x128xf32, #tpu.memory_space<vmem>>, %arg6: memref<2000x128xf32, #tpu.memory_space<vmem>>) attributes {dimension_semantics = [#tpu.dimension_semantics<arbitrary>], iteration_bounds = array<i64: 5>, scalar_prefetch = 0 : i64, scratch_operands = 0 : i64, tpu.core_type = #tpu.core_type<tc>, window_params = [{transform_indices = @transform_0, window_bounds = array<i64: 2000, 128>}, {transform_indices = @transform_1, window_bounds = array<i64: 2000, 128>}, {transform_indices = @transform_2, window_bounds = array<i64: 2, 2000, 128>}, {pipeline_mode = #tpu.pipeline_mode<synchronous>, transform_indices = @transform_3, window_bounds = array<i64: 128, 128>}, {pipeline_mode = #tpu.pipeline_mode<synchronous>, transform_indices = @transform_4, window_bounds = array<i64: 1, 128>}, {transform_indices = @transform_5, window_bounds = array<i64: 2000, 128>}]} {
    %get3A = arith.constant 0 : index
    %get3A_0 = arith.constant 0 : index
    %get3A_1 = vector.load %arg1[%get3A, %get3A_0] : memref<2000x128xf32, #tpu.memory_space<vmem>>, vector<2000x128xf32>
    %get3A_2 = arith.constant 0 : index
    %get3A_3 = arith.constant 0 : index
    %get3A_4 = vector.load %arg2[%get3A_2, %get3A_3] : memref<2000x128xf32, #tpu.memory_space<vmem>>, vector<2000x128xf32>
    %add3A = arith.addf %get3A_1, %get3A_4 : vector<2000x128xf32>
    %get3A_5 = arith.constant 0 : index
    %get3A_6 = arith.constant 0 : index
    %get3A_7 = arith.constant 0 : index
    %get3A_8 = vector.load %arg3[%get3A_5, %get3A_6, %get3A_7] : memref<2x2000x128xf32, #tpu.memory_space<vmem>>, vector<1x2000x128xf32>
    %get3A_9 = vector.shape_cast %get3A_8 : vector<1x2000x128xf32> to vector<2000x128xf32>
    %add3A_10 = arith.addf %add3A, %get3A_9 : vector<2000x128xf32>
    %get3A_11 = arith.constant 1 : index
    %get3A_12 = arith.constant 0 : index
    %get3A_13 = arith.constant 0 : index
    %get3A_14 = vector.load %arg3[%get3A_11, %get3A_12, %get3A_13] : memref<2x2000x128xf32, #tpu.memory_space<vmem>>, vector<1x2000x128xf32>
    %get3A_15 = vector.shape_cast %get3A_14 : vector<1x2000x128xf32> to vector<2000x128xf32>
    %add3A_16 = arith.addf %add3A_10, %get3A_15 : vector<2000x128xf32>
    %mul3A = arith.constant 0.333333343 : f32
    %mul3A_17 = vector.broadcast %mul3A : f32 to vector<2000x128xf32>
    %mul3A_18 = arith.mulf %add3A_16, %mul3A_17 : vector<2000x128xf32>
    %get3A_19 = arith.constant 0 : index
    %get3A_20 = arith.constant 0 : index
    %get3A_21 = vector.load %arg4[%get3A_19, %get3A_20] : memref<128x128xf32, #tpu.memory_space<vmem>>, vector<128x128xf32>
    %dot_general3A = arith.constant dense<0.000000e+00> : vector<2000x128xf32>
    %dot_general3A_22 = tpu.matmul %mul3A_18, %get3A_21, %dot_general3A {dimension_numbers = #tpu.dot_dimension_numbers<[1], [1], [0], [0], [0, 0, 1, 0], [], []>, precision = #tpu.contract_precision<fp32>, transpose_lhs_hint = false} : vector<2000x128xf32>, vector<128x128xf32>, vector<2000x128xf32> -> vector<2000x128xf32>
    %get3A_23 = arith.constant 0 : index
    %get3A_24 = arith.constant 0 : index
    %get3A_25 = vector.load %arg5[%get3A_23, %get3A_24] : memref<1x128xf32, #tpu.memory_space<vmem>>, vector<1x128xf32>
    %add3A_26 = vector.broadcast %get3A_25 : vector<1x128xf32> to vector<2000x128xf32>
    %add3A_27 = arith.addf %dot_general3A_22, %add3A_26 : vector<2000x128xf32>
    %swap3A = arith.constant 0 : index
    %swap3A_28 = arith.constant 0 : index
    %swap3A_29 = vector.load %arg6[%swap3A, %swap3A_28] : memref<2000x128xf32, #tpu.memory_space<vmem>>, vector<2000x128xf32>
    tpu.vector_store %arg6[%swap3A, %swap3A_28], %add3A_27 {strides = array<i32>} : memref<2000x128xf32, #tpu.memory_space<vmem>>, vector<2000x128xf32>,
    return
  }
  func.func @transform_0(%arg0: i32) -> (i32, i32) {
    %c0_i32 = arith.constant 0 : i32
    %c0_i32_0 = arith.constant 0 : i32
    return %arg0, %c0_i32 : i32, i32
  }
  func.func @transform_1(%arg0: i32) -> (i32, i32) {
    %c0_i32 = arith.constant 0 : i32
    %c0_i32_0 = arith.constant 0 : i32
    return %arg0, %c0_i32 : i32, i32
  }
  func.func @transform_2(%arg0: i32) -> (i32, i32, i32) {
    %c0_i32 = arith.constant 0 : i32
    %c0_i32_0 = arith.constant 0 : i32
    %c0_i32_1 = arith.constant 0 : i32
    return %c0_i32, %arg0, %c0_i32_0 : i32, i32, i32
  }
  func.func @transform_3(%arg0: i32) -> (i32, i32) {
    %c0_i32 = arith.constant 0 : i32
    %c0_i32_0 = arith.constant 0 : i32
    %c0_i32_1 = arith.constant 0 : i32
    return %c0_i32, %c0_i32_0 : i32, i32
  }
  func.func @transform_4(%arg0: i32) -> (i32, i32) {
    %c0_i32 = arith.constant 0 : i32
    %c0_i32_0 = arith.constant 0 : i32
    %c0_i32_1 = arith.constant 0 : i32
    return %c0_i32, %c0_i32_0 : i32, i32
  }
  func.func @transform_5(%arg0: i32) -> (i32, i32) {
    %c0_i32 = arith.constant 0 : i32
    %c0_i32_0 = arith.constant 0 : i32
    return %arg0, %c0_i32 : i32, i32
  }
}

</mosaic_0001>

<sc_bundles>
// kernel: kernel.6.cloned.1.call-start
scs
__scs_entry_jumppad:
0x0: {  	(pc) =	sbr.rel $0x88, $3  }
0x1: {  	(tag) =	ssettag $0x0;
	lr =	simm.s32 $0x1  }
0x2: {  	[smem:$0x3F9C] =	sst lr;
	_ =	strace $0xD0000000  }
0x3: {  	_ = 	snop  }
0x4: {  	_ = 	snop  }
0x5: {  	_ = 	snop  }
0x6: {  	_ = 	snop  }
0x7: {  	_ = 	snop  }
__scs_overlays_trampoline_lowered:
0x8: {  	[smem:$0x3FAB] =	sst s0  }
0x9: {  	[smem:$0x3FAC] =	sst s1  }
0xa: {  	[smem:$0x3FAD] =	sst s2  }
0xb: {  	[smem:$0x3FAE] =	sst s3  }
0xc: {  	[smem:$0x3FAF] =	sst s4  }
0xd: {  	[smem:$0x3FB0] =	sst s5  }
0xe: {  	[smem:$0x3FB1] =	sst s6  }
0xf: {  	[smem:$0x3FB2] =	sst s7  }
0x10: {  	[smem:$0x3FB3] =	sst s8  }
0x11: {  	[smem:$0x3FB4] =	sst s9;
	s0 =	simm.s32 @!p0 $0x0  }
0x12: {  	s1 =	sld [smem:$0x3F9A];
	s0 =	simm.s32 @p0 $0x1  }
0x13: {  	[smem:$0x3FB5] =	sst s0;
	s0 =	simm.s32 @!p1 $0x0  }
0x14: {  	s2 =	sld [smem:$0x3F99];
	s0 =	simm.s32 @p1 $0x1  }
0x15: {  	[smem:$0x3FB6] =	sst s0;
	s0 =	simm.s32 @!p2 $0x0  }
0x16: {  	s3 =	sld [smem:$0x3FDB];
	s0 =	simm.s32 @p2 $0x1  }
0x17: {  	s4 =	simm.s32 $0x1BF5;
	[smem:$0x3FB8] =	sst s0  }
0x18: {  	s0 =	sld [smem:$0x3F9B];
	_ =	swait.ge [sflag:s4], $0x0  }
0x19: {  	s7 =	sld [smem:$0x3F9C]  }
0x1a: {  	s8 =	sadd.s32 $0xFFFFE003, lr  }
0x1b: {  	s9 =	sadd.s32 $0xFFFFFEF7, lr;
	s5 =	simm.s32 $0xFFFFFFFF;
	p2 =	slt.u32 s8, $0xFFFFF086  }
0x1c: {  	p1 =	slt.u32 s9, $0xF7A;
	s5 =	simm.s32 @!p2 $0x0  }
0x1d: {  	s5 =	simm.s32 @p1 $0x1;
	p0 =	seq.s32 s7, s2  }
0x1e: {  	s7 =	smul.u32 @!p0 $0xF7A, s2;
	p2 =	seq.s32 @!p0 s5, $0x0  }
0x1f: {  	s9 =	smul.u32 $0xF7A, s1;
	s8 =	simm.s32 @!p0 $0x1BF5;
	p2 =	por !p2, p0  }
0x20: {  	[sflag:s8] =	ssyncset.s32 @!p0 $0xFFFFF086;
	s6 =	sadd.s32 @!p0 s3, s7;
	s7 =	simm.s32 @!p0 $0x108  }
0x21: {  	s3 =	sadd.s32 s3, s9;
	s6 =	sadd.s32 @!p0 $0x88, s6;
	s7 =	simm.s32 @p2 $0x1082  }
0x22: {  	[simem:s7], [sflag:s8] =	dma.local @!p0 [hbm:s6], $0xF7A  }
0x23: {  	s9 =	sor.u32 $0xD0000000, s2;
	s6 =	simm.s32 $0x108;
	_ =	swait.ge @!p0 [sflag:s8], $0x0  }
0x24: {  	s3 =	sadd.s32 $0x88, s3;
	s6 =	simm.s32 @!p1 $0x1082;
	[sflag:s4] =	ssyncset.s32 $0xFFFFF086  }
0x25: {  	[simem:s6], [sflag:s4] =	dma.local [hbm:s3], $0xF7A  }
0x26: {  	[smem:$0x3F9C] =	sst s1;
	(tag) =	ssettag s2;
	_ =	strace s9  }
0x27: {  	s1 =	sld [smem:$0x3FAC]  }
0x28: {  	s2 =	sld [smem:$0x3FAD]  }
0x29: {  	s4 =	sld [smem:$0x3FAF]  }
0x2a: {  	p0 =	seq.s32 s5, $0x0;
	s5 =	sld [smem:$0x3FB0]  }
0x2b: {  	s6 =	sld [smem:$0x3FB1]  }
0x2c: {  	s7 =	sld [smem:$0x3FB2]  }
0x2d: {  	s3 =	simm.s32 $0x108;
	s8 =	sld [smem:$0x3FB3]  }
0x2e: {  	s3 =	simm.s32 @!p0 $0x1082;
	s9 =	sld [smem:$0x3FB4]  }
0x2f: {  	lr =	sadd.s32 s0, s3;
	s0 =	sld [smem:$0x3FAB]  }
0x30: {  	s3 =	sld [smem:$0x3FAE]  }
0x31: {  	[smem:$0x3FB7] =	sst s10  }
0x32: {  	s10 =	sld [smem:$0x3FB5];
	_ =	sdelay $0x3  }
0x33: {  	p0 =	seq.s32 s10, $0x1;
	s10 =	sld [smem:$0x3FB7];
	_ =	sdelay $0x3  }
0x34: {  	[smem:$0x3FB7] =	sst s10  }
0x35: {  	s10 =	sld [smem:$0x3FB6];
	_ =	sdelay $0x3  }
0x36: {  	p1 =	seq.s32 s10, $0x1;
	s10 =	sld [smem:$0x3FB7];
	_ =	sdelay $0x3  }
0x37: {  	[smem:$0x3FB7] =	sst s10  }
0x38: {  	s10 =	sld [smem:$0x3FB8]  }
0x39: {  	_ = 	snop;
	(pc) =	sbr.ind lr, $3  }
0x3a: {  	_ = 	snop  }
0x3b: {  	_ = 	snop  }
0x3c: {  	p2 =	seq.s32 s10, $0x1;
	s10 =	sld [smem:$0x3FB7]  }
0x3d: {  	_ =	shalt  }
0x3e: {  	_ =	shalt  }
0x3f: {  	_ =	shalt  }
0x40: {  	_ =	shalt  }
0x41: {  	_ =	shalt  }
0x42: {  	_ =	shalt  }
0x43: {  	_ =	shalt  }
0x44: {  	_ =	shalt  }
0x45: {  	_ =	shalt  }
0x46: {  	_ =	shalt  }
0x47: {  	_ =	shalt  }
0x48: {  	_ =	shalt  }
0x49: {  	_ =	shalt  }
0x4a: {  	_ =	shalt  }
0x4b: {  	_ =	shalt  }
0x4c: {  	_ =	shalt  }
0x4d: {  	_ =	shalt  }
0x4e: {  	_ =	shalt  }
0x4f: {  	_ =	shalt  }
0x50: {  	_ =	shalt  }
0x51: {  	_ =	shalt  }
0x52: {  	_ =	shalt  }
0x53: {  	_ =	shalt  }
0x54: {  	_ =	shalt  }
0x55: {  	_ =	shalt  }
0x56: {  	_ =	shalt  }
0x57: {  	_ =	shalt  }
0x58: {  	_ =	shalt  }
0x59: {  	_ =	shalt  }
0x5a: {  	_ =	shalt  }
0x5b: {  	_ =	shalt  }
0x5c: {  	_ =	shalt  }
0x5d: {  	_ =	shalt  }
0x5e: {  	_ =	shalt  }
0x5f: {  	_ =	shalt  }
0x60: {  	_ =	shalt  }
0x61: {  	_ =	shalt  }
0x62: {  	_ =	shalt  }
0x63: {  	_ =	shalt  }
0x64: {  	_ =	shalt  }
0x65: {  	_ =	shalt  }
0x66: {  	_ =	shalt  }
0x67: {  	_ =	shalt  }
0x68: {  	_ =	shalt  }
0x69: {  	_ =	shalt  }
0x6a: {  	_ =	shalt  }
0x6b: {  	_ =	shalt  }
0x6c: {  	_ =	shalt  }
0x6d: {  	_ =	shalt  }
0x6e: {  	_ =	shalt  }
0x6f: {  	_ =	shalt  }
0x70: {  	_ =	shalt  }
0x71: {  	_ =	shalt  }
0x72: {  	_ =	shalt  }
0x73: {  	_ =	shalt  }
0x74: {  	_ =	shalt  }
0x75: {  	_ =	shalt  }
0x76: {  	_ =	shalt  }
0x77: {  	_ =	shalt  }
0x78: {  	_ =	shalt  }
0x79: {  	_ =	shalt  }
0x7a: {  	_ =	shalt  }
0x7b: {  	_ =	shalt  }
0x7c: {  	_ =	shalt  }
0x7d: {  	_ =	shalt  }
0x7e: {  	_ =	shalt  }
0x7f: {  	_ =	shalt  }
0x80: {  	_ =	shalt  }
0x81: {  	_ =	shalt  }
0x82: {  	_ =	shalt  }
0x83: {  	_ =	shalt  }
0x84: {  	_ =	shalt  }
0x85: {  	_ =	shalt  }
0x86: {  	_ =	shalt  }
0x87: {  	_ =	shalt  }
.Lfunc_end0:
.L_simem_size_0:
called_computation_lowered:
.L_overlay_start_0:
0x88: {  	s2 =	sld [smem:$0x3FD9]  }
0x89: {  	s3 =	sld [smem:$0x3FFE];
	_ =	sdelay $0x1  }
0x8a: {  	s1 =	srdreg.scid  }
0x8b: {  	s0 =	sand.u32 $0x1, s1  }
0x8c: {  	s17 =	sshll.u32 s0, $0xA;
	s2 =	sadd.s32 s3, s2  }
0x8d: {  	s2 =	sadd.s32 s2, s17  }
0x8e: {  	[smem:$0x3FC3] =	sst s2  }
0x8f: {  	_ = 	snop  }
0x90: {  	s2 =	sld [smem:$0x3FC9]  }
0x91: {  	s18 =	sld [smem:$0x3FC7];
	(tm) =	ssettm $0x1  }
0x92: {  	s4 =	sld [smem:$0x3FFB];
	_ =	sdelay $0x3  }
0x93: {  	_ =	strace s4  }
0x94: {  	s4 =	sld [smem:$0x3FFC];
	_ =	sdelay $0x3  }
0x95: {  	_ =	strace s4  }
0x96: {  	s4 =	sld [smem:$0x3FFD];
	_ =	sdelay $0x3  }
0x97: {  	_ =	strace s4  }
0x98: {  	_ =	strace $0x8FFFFFFF  }
0x99: {  	s19 =	sld [smem:$0x3FDB];
	_ =	sdelay $0x1  }
0x9a: {  	s5 =	simm.s32 $_scs_section_size  }
0x9b: {  	s6 =	simm.s32 $_size__tile_overlayer_lowered;
	s7 =	simm.s32 $_tile_overlayer_lowered  }
0x9c: {  	s22 =	simm.s32 $0x1BFF;
	s21 =	sshll.u32 s7, $0x1;
	s4 =	sadd.s32 s5, s19  }
0x9d: {  	s8 =	simm.s32 $0x0;
	s20 =	sshll.u32 s6, $0x1;
	s6 =	sadd.s32 s21, s4  }
0x9e: {  	[timem:s8], [sflag:s22] =	dma.local [hbm:s6], s20  }
0x9f: {  	_ =	swait.ge [sflag:s22], s20  }
0xa0: {  	s5 =	ssub.s32 $0x0, s20;
	[sflag:s22] =	ssyncset.done $0x0  }
0xa1: {  	[sflag:s22] =	ssyncadd.s32 s5;
	_ =	sdelay $0x1  }
0xa2: {  	s23 =	simm.s32 $0x1B8B  }
0xa3: {  	_ =	swait.ge [sflag:s23], $0x1  }
0xa4: {  	[sflag:s23] =	ssyncset.done $0x0  }
0xa5: {  	s25 =	simm.s32 $0x1B8E;
	s24 =	sld [smem:$0x3FFE];
	[sflag:s23] =	ssyncadd.s32 $0xFFFFFFFF  }
0xa6: {  	s26 =	simm.s32 $execute0_lowered;
	[smem:$0x3FD2] =	sst s25  }
0xa7: {  	s6 =	sshll.u32 s26, $0x1;
	_ =	strace $0x80000046;
	[dreg:$0x1] =	wrdreg $0xFFFFFFFF  }
0xa8: {  	s28 =	simm.s32 $_size_execute0_lowered;
	s4 =	sadd.s32 s4, s6;
	[dreg:$0x0] =	wrdreg $0x0  }
0xa9: {  	s6 =	sshll.u32 s28, $0x1;
	[dreg:$0x2] =	wrdreg s4  }
0xaa: {  	[dreg:$0x3] =	wrdreg s6  }
0xab: {  	[dreg:$0x4] =	wrdreg $0xC0  }
0xac: {  	_ =	task [dreg:s8], $0x5FFFF  }
0xad: {  	[dreg:$0x1] =	wrdreg $0xFFFFFFFF  }
0xae: {  	[dreg:$0x0] =	wrdreg $0x60  }
0xaf: {  	[dreg:$0x2] =	wrdreg s2  }
0xb0: {  	[dreg:$0x3] =	wrdreg s24  }
0xb1: {  	[dreg:$0x4] =	wrdreg s18  }
0xb2: {  	[dreg:$0x5] =	wrdreg $0x0  }
0xb3: {  	[dreg:$0x6] =	wrdreg $0x9  }
0xb4: {  	_ =	task.clear_ibuf [dreg:s8], $0x7FFFF;
	_ =	strace $0x90000046  }
0xb5: {  	s29 =	simm.s32 $0x9;
	_ =	strace $0x80000048  }
0xb6: {  	_ =	swait.ge [sflag:s29], $0x1  }
0xb7: {  	[sflag:s29] =	ssyncadd.s32 $0xFFFFFFFF  }
0xb8: {  	_ =	strace $0x90000048  }
0xb9: {  	_ =	sfence  }
0xba: {  	s30 =	sld [smem:$0x0];
	_ =	sdelay $0x2  }
0xbb: {  	s31 =	sshll.u32 s1, $0xD;
	s1 =	sshrl.u32 s1, $0x2  }
0xbc: {  	s3 =	sand.u32 $0x4000, s31;
	s1 =	sadd.s32 s1, s30  }
0xbd: {  	s0 =	sor.u32 s3, s0;
	s1 =	sshll.u32 s1, $0x11  }
0xbe: {  	s0 =	sor.u32 s1, s0  }
0xbf: {  	s0 =	sadd.s32 $0x8F2B, s0  }
0xc0: {  	[sflag:s0] =	ssyncadd.remote.s32 $0x1  }
0xc1: {  	_ =	sfence.sel $0xFFFF  }
0xc2: {  	[dreg:$0x0] =	wrdreg $0xFFFFFFFF;
	(pc) =	sbr.abs _section_cstart, $3  }
0xc3: {  	[dreg:$0x1] =	wrdreg $0xFFFFFFFF  }
0xc4: {  	_ =	task.clear_ibuf [dreg:s8], $0x2FFFF;
	_ =	strace $0x9FFFFFFF  }
0xc5: {  	(tm) =	ssettm $0x7FFFFFFF  }
tec
execute0_lowered:
.L_overlay_start_1:
0x0: {  	(tag) =	ssettag $0x1  }
0x1: {  	s0 =	srdreg.scid;
	s1 =	rddreg [dreg:$0x0]  }
0x2: {  	s2 =	rddreg [dreg:$0x1];
	s25 =	stileid.u32  }
0x3: {  	s6 =	rddreg [dreg:$0x2];
	s0 =	sand.u32 $0x1, s0;
	s9 =	smul.u32 $0x2800, s25  }
0x4: {  	s5 =	simm.s32 $0x0;
	s8 =	sor.u32 $0x10, s25;
	s7 =	smul.u32 $0x138800, s0  }
0x5: {  	s29 =	simm.s32 $0x5;
	s10 =	sor.u32 $0x20, s25;
	s11 =	smul.u32 $0x2800, s8  }
0x6: {  	s30 =	simm.s32 $0x1B100;
	s13 =	sor.u32 $0x30, s25;
	s14 =	smul.u32 $0x2800, s10  }
0x7: {  	s31 =	simm.s32 $0x13880;
	s15 =	sor.u32 $0x40, s25;
	s16 =	smul.u32 $0x2800, s13  }
0x8: {  	[smem:$0x7FF] =	sst s5;
	s18 =	sor.u32 $0x50, s25;
	s19 =	smul.u32 $0x2800, s15  }
0x9: {  	s12 =	sadd.s32 $0x15000, s2;
	s21 =	sor.u32 $0x70, s25;
	s20 =	smul.u32 $0x2800, s18  }
0xa: {  	p0 =	sgt.u32 s25, $0xC;
	s3 =	sshll.u32 s0, $0x4;
	s23 =	smul.u32 $0x2800, s21  }
0xb: {  	s0 =	ssub.s32 $0x2, s0;
	s8 =	smul.u32 $0xA000, s8;
	s4 =	sor.u32 s25, s3  }
0xc: {  	s3 =	rddreg [dreg:$0x3];
	_ =	strace $0x80000047;
	s17 =	sshrl.u32 s0, $0x1  }
0xd: {  	s4 =	smul.u32 $0x2710, s4;
	s0 =	ssub.s32 s0, s17;
	s17 =	sor.u32 $0x60, s25  }
0xe: {  	s9 =	sadd.s32 s9, s7;
	s11 =	sadd.s32 s7, s11;
	s14 =	sadd.s32 s7, s14  }
0xf: {  	s16 =	sadd.s32 s7, s16;
	s19 =	sadd.s32 s7, s19;
	s20 =	sadd.s32 s7, s20  }
0x10: {  	s8 =	sshrl.u32 s8, $0x2;
	s22 =	smul.u32 $0x2800, s17;
	s9 =	sshrl.u32 s9, $0x3  }
0x11: {  	s11 =	sshrl.u32 s11, $0x3;
	s14 =	sshrl.u32 s14, $0x3;
	s24 =	sshrl.u32 s16, $0x3  }
0x12: {  	s0 =	smax.u32 s0, $0x1;
	s9 =	sadd.s32 s12, s9;
	s26 =	sadd.s32 s12, s24  }
0x13: {  	[dreg:$0x14] =	wrdreg s0;
	s0 =	simm.s32 $0x1B000;
	s22 =	sadd.s32 s7, s22  }
0x14: {  	s7 =	sadd.s32 s7, s23;
	s23 =	smul.u32 $0xA000, s25;
	[dreg:$0x5] =	wrdreg s9  }
0x15: {  	s9 =	sadd.s32 s12, s11;
	[dreg:$0x8] =	wrdreg s26;
	s26 =	smul.u32 $0xA000, s13  }
0x16: {  	s11 =	sshrl.u32 s19, $0x3;
	s13 =	smul.u32 $0xA000, s17;
	[dreg:$0x6] =	wrdreg s9  }
0x17: {  	s9 =	sadd.s32 s12, s14;
	s14 =	sshrl.u32 s20, $0x3;
	s16 =	sshrl.u32 s22, $0x3  }
0x18: {  	s7 =	sshrl.u32 s7, $0x3;
	s22 =	smul.u32 $0xA000, s10;
	s10 =	simm.s32 $0x2  }
0x19: {  	[dreg:$0x7] =	wrdreg s9;
	s9 =	sadd.s32 s12, s11;
	s19 =	sadd.s32 s12, s16  }
0x1a: {  	s7 =	sadd.s32 s12, s7;
	s24 =	sshrl.u32 s23, $0x2;
	[dreg:$0x9] =	wrdreg s9  }
0x1b: {  	s11 =	smul.u32 $0xA000, s15;
	s15 =	sshrl.u32 s26, $0x2;
	[dreg:$0xb] =	wrdreg s19  }
0x1c: {  	s16 =	smul.u32 $0xA000, s21;
	s9 =	sadd.s32 s12, s14;
	[dreg:$0xc] =	wrdreg s7  }
0x1d: {  	s7 =	sshrl.u32 s4, $0x3;
	s14 =	sadd.s32 $0x1400, s2;
	s19 =	sadd.s32 s24, s3  }
0x1e: {  	s12 =	smul.u32 $0xA000, s18;
	s18 =	sadd.s32 s8, s3;
	s17 =	sadd.s32 s15, s3  }
0x1f: {  	s8 =	simm.s32 $0x1;
	[dreg:$0xa] =	wrdreg s9;
	s20 =	sadd.s32 s7, s2  }
0x20: {  	s6 =	sadd.s32 s6, s7;
	s2 =	sshrl.u32 s22, $0x2;
	s22 =	sshrl.u32 s16, $0x2  }
0x21: {  	s24 =	sadd.s32 s14, s7;
	s16 =	simm.s32 $0x18880;
	s7 =	simm.s32 $0x1B080  }
0x22: {  	s9 =	sadd.s32 $0xB200, s20;
	[dreg:$0xe] =	wrdreg s6;
	s20 =	sadd.s32 s2, s3  }
0x23: {  	s6 =	sshrl.u32 s11, $0x2;
	s21 =	sshrl.u32 s12, $0x2;
	[dreg:$0x13] =	wrdreg s24  }
0x24: {  	s2 =	sshrl.u32 s13, $0x2;
	s23 =	sadd.s32 s22, s3;
	[dreg:$0xd] =	wrdreg s9  }
0x25: {  	s11 =	simm.s32 $0x4;
	s2 =	sadd.s32 s2, s3;
	[dreg:$0x12] =	wrdreg s23  }
0x26: {  	s12 =	simm.s32 $0x0;
	s26 =	sadd.s32 s6, s3;
	[dreg:$0x11] =	wrdreg s2  }
0x27: {  	s28 =	sadd.s32 s21, s3;
	s6 =	simm.s32 $0x16080;
	[dreg:$0xf] =	wrdreg s26  }
0x28: {  	v0 =	vimm.f32 $0.0e+00;
	s9 =	simm.s32 $0x3;
	s2 =	simm.s32 $0x50;
	[dreg:$0x10] =	wrdreg s28  }
.LBB2_1:
0x29: {  	s13 =	rddreg [dreg:$0xd]  }
0x2a: {  	[tilespmem:s16], [sflag:$0x5] =	stream.linear.gather [hbm4b:s13+s5], $0x2710, $0x38;
	[tilespmem:$0x1D880] =	vst v63  }
0x2b: {  	_ =	swait.ge [sflag:s29], $0x2710  }
0x2c: {  	[sflag:s29] =	ssyncset.done $0x0  }
0x2d: {  	s25 =	rddreg [dreg:$0xe];
	[sflag:s29] =	ssyncadd.s32 $0xFFFFD8F0  }
0x2e: {  	[tilespmem:s30], [sflag:$0x5] =	stream.linear.gather [hbm4b:s25+s5], $0x2710, $0x38;
	[tilespmem:$0x1D880] =	vst v63  }
0x2f: {  	_ =	swait.ge [sflag:s29], $0x2710  }
0x30: {  	[sflag:s29] =	ssyncset.done $0x0  }
0x31: {  	s15 =	simm.s32 $0x200;
	s13 =	simm.s32 $0x0;
	[sflag:s29] =	ssyncadd.s32 $0xFFFFD8F0  }
.LBB2_2:
0x32: {  	p1 =	sne.s32 s15, $0x9E00;
	[tilespmem:s13+$0x138F0] =	vst v0  }
0x33: {  	[tilespmem:s13+$0x13880] =	vst v0  }
0x34: {  	[tilespmem:s13+$0x13890] =	vst v0  }
.Ltmp0:
0x35: {  	[tilespmem:s13+$0x138A0] =	vst v0;
	(pc) =	sbr.rel @p1 .LBB2_2-.Ltmp0, $4  }
0x36: {  	[tilespmem:s13+$0x138B0] =	vst v0  }
0x37: {  	[tilespmem:s13+$0x138C0] =	vst v0  }
0x38: {  	[tilespmem:s13+$0x138D0] =	vst v0  }
0x39: {  	[tilespmem:s13+$0x138E0] =	vst v0;
	s13 =	sshra.s32 s15, $0x2;
	s15 =	sadd.s32 $0x200, s15  }
0x3a: {  	[tilespmem:s13+$0x138F0] =	vst v0  }
0x3b: {  	[tilespmem:s13+$0x13880] =	vst v0  }
0x3c: {  	[tilespmem:s13+$0x13890] =	vst v0  }
0x3d: {  	[tilespmem:s13+$0x138A0] =	vst v0  }
0x3e: {  	[tilespmem:s13+$0x138B0] =	vst v0  }
0x3f: {  	[tilespmem:s13+$0x138C0] =	vst v0  }
0x40: {  	[tilespmem:s13+$0x138D0] =	vst v0  }
0x41: {  	[tilespmem:s13+$0x138E0] =	vst v0  }
0x42: {  	[spmem:s19] =	stream.linear.scatter [tilespmem:s31], [sflag:$0x5], $0x2800, $0x38;
	[tilespmem:$0x1D880] =	vst v63  }
0x43: {  	_ =	swait.ge [sflag:s29], $0x2800  }
0x44: {  	[sflag:s29] =	ssyncset.done $0x0  }
0x45: {  	[sflag:s29] =	ssyncadd.s32 $0xFFFFD800  }
0x46: {  	[spmem:s18] =	stream.linear.scatter [tilespmem:s31], [sflag:$0x5], $0x2800, $0x38;
	[tilespmem:$0x1D880] =	vst v63  }
0x47: {  	_ =	swait.ge [sflag:s29], $0x2800  }
0x48: {  	[sflag:s29] =	ssyncset.done $0x0  }
0x49: {  	[sflag:s29] =	ssyncadd.s32 $0xFFFFD800  }
0x4a: {  	[spmem:s20] =	stream.linear.scatter [tilespmem:s31], [sflag:$0x5], $0x2800, $0x38;
	[tilespmem:$0x1D880] =	vst v63  }
0x4b: {  	_ =	swait.ge [sflag:s29], $0x2800  }
0x4c: {  	[sflag:s29] =	ssyncset.done $0x0  }
0x4d: {  	[sflag:s29] =	ssyncadd.s32 $0xFFFFD800  }
0x4e: {  	[spmem:s17] =	stream.linear.scatter [tilespmem:s31], [sflag:$0x5], $0x2800, $0x38;
	[tilespmem:$0x1D880] =	vst v63  }
0x4f: {  	_ =	swait.ge [sflag:s29], $0x2800  }
0x50: {  	[sflag:s29] =	ssyncset.done $0x0  }
0x51: {  	[sflag:s29] =	ssyncadd.s32 $0xFFFFD800  }
0x52: {  	[spmem:s26] =	stream.linear.scatter [tilespmem:s31], [sflag:$0x5], $0x2800, $0x38;
	[tilespmem:$0x1D880] =	vst v63  }
0x53: {  	_ =	swait.ge [sflag:s29], $0x2800  }
0x54: {  	[sflag:s29] =	ssyncset.done $0x0  }
0x55: {  	[sflag:s29] =	ssyncadd.s32 $0xFFFFD800  }
0x56: {  	[spmem:s28] =	stream.linear.scatter [tilespmem:s31], [sflag:$0x5], $0x2800, $0x38;
	[tilespmem:$0x1D880] =	vst v63  }
0x57: {  	_ =	swait.ge [sflag:s29], $0x2800  }
0x58: {  	[sflag:s29] =	ssyncset.done $0x0  }
0x59: {  	s26 =	rddreg [dreg:$0x11];
	[sflag:s29] =	ssyncadd.s32 $0xFFFFD800  }
0x5a: {  	[spmem:s26] =	stream.linear.scatter [tilespmem:s31], [sflag:$0x5], $0x2800, $0x38;
	[tilespmem:$0x1D880] =	vst v63  }
0x5b: {  	_ =	swait.ge [sflag:s29], $0x2800  }
0x5c: {  	[sflag:s29] =	ssyncset.done $0x0  }
0x5d: {  	s13 =	simm.s32 @!p0 $0x13880;
	s15 =	rddreg [dreg:$0x12];
	[sflag:s29] =	ssyncadd.s32 $0xFFFFD800  }
0x5e: {  	[spmem:s15] =	stream.linear.scatter @!p0 [tilespmem:s13], [sflag:$0x5], $0x2800, $0x38;
	[tilespmem:$0x1D880] =	vst v63  }
0x5f: {  	s13 =	simm.s32 @!p0 $0x5  }
0x60: {  	_ =	swait.ge @!p0 [sflag:s13], $0x2800  }
0x61: {  	[sflag:s13] =	ssyncset.done @!p0 $0x0  }
0x62: {  	s21 =	smov.u32 s19;
	s22 =	smov.u32 s18;
	[sflag:s13] =	ssyncadd.s32 @!p0 $0xFFFFD800  }
0x63: {  	s23 =	smov.u32 s20;
	s24 =	smov.u32 s17;
	[bflag:$0x0] =	sbarrier.arrive $0xFFFF  }
0x64: {  	[tilespmem:s31], [sflag:$0x1] =	stream.indirect.gather [hbm4b:s1+s2], $0x80, s16, s2, $0xb8;
	[tilespmem:$0x1D880] =	vst v63  }
0x65: {  	s15 =	simm.s32 $0x0;
	s13 =	simm.s32 $0x0;
	s28 =	rddreg [dreg:$0x13]  }
0x66: {  	[tilespmem:s0], [sflag:$0x3] =	stream.linear.gather [hbm4b:s28+s13], $0x50, $0x38;
	[tilespmem:$0x1D880] =	vst v63  }
.LBB2_4:
0x67: {  	s16 =	smul.u32 $0xA0, s15  }
0x68: {  	s17 =	sadd.s32 $0xFFFFFFFC, s13  }
0x69: {  	s28 =	sadd.s32 $0x6, s17;
	s25 =	sadd.s32 s4, s16;
	s26 =	sadd.s32 $0x188D0, s16  }
0x6a: {  	v1 =	vmov s28;
	[tilespmem:s6], [sflag:$0x2] =	stream.indirect.gather [hbm4b:s1+s2], $0x80, s26, s2, $0xb8;
	[tilespmem:$0x1D880] =	vst v63  }
0x6b: {  	s19 =	sadd.s32 $0x4, s17;
	s25 =	sshrl.u32 s25, $0x3;
	v1 =	vand.u32 $0xFFFFFFFE, v1  }
0x6c: {  	v2 =	vmov s19;
	s28 =	sadd.s32 s14, s25;
	v1 =	vbroadcast v1, $0x0  }
0x6d: {  	v2 =	vand.u32 $0xFFFFFFFC, v2;
	s25 =	sadd.s32 $0xA, s28  }
0x6e: {  	v2 =	vbroadcast v2, $0x0;
	[tilespmem:s7], [sflag:$0x4] =	stream.linear.gather [hbm4b:s25+s5], $0x50, $0x38;
	[tilespmem:$0x1D880] =	vst v63  }
0x6f: {  	_ =	swait.ge [sflag:s8], $0x2800  }
0x70: {  	[sflag:s8] =	ssyncset.done $0x0  }
0x71: {  	[sflag:s8] =	ssyncadd.s32 $0xFFFFD800  }
0x72: {  	s25 =	simm.s32 $0x13980;
	v1 =	vld.idx.msk [tilespmem:v1+s30+$0x0], $0xffff  }
0x73: {  	s20 =	sadd.s32 $0x5, s17;
	v3 =	vld [tilespmem:s25+$0x70]  }
0x74: {  	v4 =	vmov s20;
	v2 =	vld.idx.msk [tilespmem:v2+s30+$0x0], $0xffff  }
0x75: {  	v4 =	vand.u32 $0xFFFFFFFD, v4;
	v5 =	vld [tilespmem:s25+$0xFFFFFF00]  }
0x76: {  	v4 =	vbroadcast v4, $0x0;
	v6 =	vld [tilespmem:s25+$0xFFFFFF10]  }
0x77: {  	v7 =	vld [tilespmem:s25+$0xFFFFFF20]  }
0x78: {  	v8 =	vld [tilespmem:s25+$0xFFFFFF30]  }
0x79: {  	v9 =	vld [tilespmem:s25+$0xFFFFFF40]  }
0x7a: {  	v10 =	vld [tilespmem:s25+$0xFFFFFF50]  }
0x7b: {  	v11 =	vld [tilespmem:s25+$0xFFFFFF60];
	v5 =	vmul.f32 v5, v2  }
0x7c: {  	v4 =	vld.idx.msk [tilespmem:v4+s30+$0x0], $0xffff;
	v3 =	vmul.f32 v3, v1  }
0x7d: {  	v13 =	vld [tilespmem:s25+$0xFFFFFFD0];
	[tilespmem:s25+$0xFFFFFF00] =	vst v5;
	v5 =	vmul.f32 v6, v2  }
0x7e: {  	v6 =	vld [tilespmem:s25+$0xFFFFFF70];
	[tilespmem:s25+$0x70] =	vst v3;
	v3 =	vmul.f32 v7, v2  }
0x7f: {  	s17 =	sadd.s32 $0x7, s17;
	v7 =	vld [tilespmem:s25+$0xFFFFFF80];
	[tilespmem:s25+$0xFFFFFF10] =	vst v5;
	v5 =	vmul.f32 v8, v2  }
0x80: {  	v12 =	vmov s17;
	v8 =	vld [tilespmem:s25+$0xFFFFFF90];
	[tilespmem:s25+$0xFFFFFF20] =	vst v3;
	v3 =	vmul.f32 v9, v2  }
0x81: {  	v9 =	vld [tilespmem:s25+$0xFFFFFFA0];
	[tilespmem:s25+$0xFFFFFF30] =	vst v5;
	v5 =	vmul.f32 v10, v2  }
0x82: {  	v10 =	vld [tilespmem:s25+$0xFFFFFFB0];
	[tilespmem:s25+$0xFFFFFF40] =	vst v3;
	v3 =	vmul.f32 v11, v2  }
0x83: {  	v11 =	vld [tilespmem:s25+$0xFFFFFFC0];
	v6 =	vmul.f32 v6, v2;
	[tilespmem:s25+$0xFFFFFF50] =	vst v5  }
0x84: {  	v14 =	vld [tilespmem:s25+$0xFFFFFFE0];
	v5 =	vmul.f32 v7, v4;
	[tilespmem:s25+$0xFFFFFF60] =	vst v3  }
0x85: {  	v2 =	vld.idx.msk [tilespmem:v12+s30+$0x0], $0xffff;
	v3 =	vmul.f32 v8, v4;
	[tilespmem:s25+$0xFFFFFF70] =	vst v6  }
0x86: {  	v8 =	vld [tilespmem:s25+$0xFFFFFFF0];
	[tilespmem:s25+$0xFFFFFF80] =	vst v5;
	v5 =	vmul.f32 v9, v4  }
0x87: {  	v7 =	vld [tilespmem:s25+$0x0];
	[tilespmem:s25+$0xFFFFFF90] =	vst v3;
	v3 =	vmul.f32 v10, v4  }
0x88: {  	v6 =	vld [tilespmem:s25+$0x10];
	v9 =	vmul.f32 v11, v4;
	[tilespmem:s25+$0xFFFFFFA0] =	vst v5  }
0x89: {  	v10 =	vmul.f32 v13, v4;
	v5 =	vld [tilespmem:s25+$0x20];
	[tilespmem:s25+$0xFFFFFFB0] =	vst v3  }
0x8a: {  	[tilespmem:s25+$0xFFFFFFC0] =	vst v9;
	v3 =	vld [tilespmem:s25+$0x30];
	v9 =	vmul.f32 v14, v4  }
0x8b: {  	s17 =	simm.s32 $0x0;
	s26 =	simm.s32 $0x13980;
	[tilespmem:s25+$0xFFFFFFD0] =	vst v10;
	v8 =	vmul.f32 v8, v4;
	v4 =	vld [tilespmem:s25+$0x40]  }
.LBB2_5:
0x8c: {  	s18 =	sadd.s32 s17, s13;
	s17 =	sadd.s32 $0x4, s17;
	[tilespmem:s25+$0xFFFFFFE0] =	vst v9;
	v7 =	vmul.f32 v7, v1;
	v9 =	vld [tilespmem:s25+$0x50]  }
0x8d: {  	s19 =	sadd.s32 $0x4, s18;
	s20 =	sadd.s32 $0x6, s18;
	p1 =	slt.u32 s17, $0x4C;
	[tilespmem:s25+$0xFFFFFFF0] =	vst v8;
	v6 =	vmul.f32 v6, v1;
	v8 =	vld [tilespmem:s25+$0x60]  }
0x8e: {  	v10 =	vmov s19;
	s19 =	sadd.s32 $0x5, s18;
	v11 =	vmov s20;
	s18 =	sadd.s32 $0x7, s18;
	[tilespmem:s25+$0x0] =	vst v7;
	v5 =	vmul.f32 v5, v1;
	v7 =	vld [tilespmem:s25+$0x80]  }
0x8f: {  	v10 =	vand.u32 $0xFFFFFFFC, v10;
	v12 =	vmov s19;
	v11 =	vand.u32 $0xFFFFFFFE, v11;
	[tilespmem:s25+$0x10] =	vst v6;
	v6 =	vld [tilespmem:s25+$0x90]  }
0x90: {  	v10 =	vbroadcast v10, $0x0;
	v12 =	vand.u32 $0xFFFFFFFD, v12;
	v11 =	vbroadcast v11, $0x0;
	[tilespmem:s25+$0x20] =	vst v5;
	v5 =	vld [tilespmem:s25+$0xA0]  }
0x91: {  	v13 =	vmov s18;
	v3 =	vmul.f32 v3, v1;
	v12 =	vbroadcast v12, $0x0;
	v14 =	vld [tilespmem:s25+$0xB0]  }
0x92: {  	v4 =	vmul.f32 v4, v1;
	v9 =	vmul.f32 v9, v1;
	v15 =	vld [tilespmem:s25+$0xC0]  }
0x93: {  	[tilespmem:s25+$0x30] =	vst v3;
	v3 =	vmul.f32 v8, v1;
	v7 =	vmul.f32 v7, v2;
	v8 =	vld [tilespmem:s25+$0xD0]  }
0x94: {  	[tilespmem:s25+$0x40] =	vst v4;
	v4 =	vmul.f32 v6, v2;
	v6 =	vld [tilespmem:s25+$0xE0]  }
0x95: {  	[tilespmem:s25+$0x50] =	vst v9;
	v5 =	vmul.f32 v5, v2;
	v9 =	vld [tilespmem:s25+$0xF0]  }
0x96: {  	s25 =	sadd.s32 $0x200, s25;
	v1 =	vld.idx.msk [tilespmem:v11+s30+$0x0], $0xffff;
	[tilespmem:s26+$0x60] =	vst v3;
	v3 =	vmul.f32 v14, v2  }
0x97: {  	v11 =	vld [tilespmem:s25+$0x70];
	[tilespmem:s26+$0x80] =	vst v7;
	v7 =	vmul.f32 v15, v2  }
0x98: {  	v10 =	vld.idx.msk [tilespmem:v10+s30+$0x0], $0xffff;
	[tilespmem:s26+$0x90] =	vst v4;
	v4 =	vmul.f32 v8, v2  }
0x99: {  	v8 =	vld.idx.msk [tilespmem:v12+s30+$0x0], $0xffff;
	[tilespmem:s26+$0xA0] =	vst v5;
	v5 =	vmul.f32 v6, v2  }
0x9a: {  	[tilespmem:s26+$0xB0] =	vst v3;
	v3 =	vmul.f32 v9, v2;
	v2 =	vld.idx.msk [tilespmem:v13+s30+$0x0], $0xffff  }
0x9b: {  	v6 =	vld [tilespmem:s25+$0xFFFFFF00];
	[tilespmem:s26+$0xC0] =	vst v7  }
0x9c: {  	v7 =	vld [tilespmem:s25+$0xFFFFFF10];
	v9 =	vmul.f32 v11, v1;
	[tilespmem:s26+$0xD0] =	vst v4  }
0x9d: {  	v4 =	vld [tilespmem:s25+$0xFFFFFF20];
	[tilespmem:s26+$0xE0] =	vst v5  }
0x9e: {  	v5 =	vld [tilespmem:s25+$0xFFFFFF30];
	[tilespmem:s25+$0x70] =	vst v9  }
0x9f: {  	v9 =	vld [tilespmem:s25+$0xFFFFFF40];
	[tilespmem:s26+$0xF0] =	vst v3;
	s26 =	smov.u32 s25  }
0xa0: {  	v3 =	vmul.f32 v6, v10;
	v6 =	vld [tilespmem:s25+$0xFFFFFF50]  }
0xa1: {  	v7 =	vmul.f32 v7, v10;
	v11 =	vld [tilespmem:s25+$0xFFFFFF60]  }
0xa2: {  	[tilespmem:s25+$0xFFFFFF00] =	vst v3;
	v3 =	vmul.f32 v4, v10;
	v4 =	vld [tilespmem:s25+$0xFFFFFF70]  }
0xa3: {  	[tilespmem:s25+$0xFFFFFF10] =	vst v7;
	v5 =	vmul.f32 v5, v10;
	v7 =	vld [tilespmem:s25+$0xFFFFFF80]  }
0xa4: {  	[tilespmem:s25+$0xFFFFFF20] =	vst v3;
	v3 =	vmul.f32 v9, v10;
	v9 =	vld [tilespmem:s25+$0xFFFFFF90]  }
0xa5: {  	[tilespmem:s25+$0xFFFFFF30] =	vst v5;
	v5 =	vmul.f32 v6, v10;
	v6 =	vld [tilespmem:s25+$0xFFFFFFA0]  }
0xa6: {  	[tilespmem:s25+$0xFFFFFF40] =	vst v3;
	v3 =	vmul.f32 v11, v10;
	v11 =	vld [tilespmem:s25+$0xFFFFFFB0]  }
0xa7: {  	[tilespmem:s25+$0xFFFFFF50] =	vst v5;
	v4 =	vmul.f32 v4, v10;
	v5 =	vld [tilespmem:s25+$0xFFFFFFC0]  }
0xa8: {  	[tilespmem:s25+$0xFFFFFF60] =	vst v3;
	v3 =	vmul.f32 v7, v8;
	v10 =	vld [tilespmem:s25+$0xFFFFFFD0]  }
0xa9: {  	[tilespmem:s25+$0xFFFFFF70] =	vst v4;
	v4 =	vmul.f32 v9, v8;
	v9 =	vld [tilespmem:s25+$0xFFFFFFE0]  }
0xaa: {  	[tilespmem:s25+$0xFFFFFF80] =	vst v3;
	v3 =	vmul.f32 v6, v8;
	v12 =	vld [tilespmem:s25+$0xFFFFFFF0]  }
.Ltmp1:
0xab: {  	[tilespmem:s25+$0xFFFFFF90] =	vst v4;
	v4 =	vmul.f32 v11, v8;
	v7 =	vld [tilespmem:s25+$0x0];
	(pc) =	sbr.rel @p1 .LBB2_5-.Ltmp1, $4  }
0xac: {  	[tilespmem:s25+$0xFFFFFFA0] =	vst v3;
	v3 =	vmul.f32 v5, v8;
	v6 =	vld [tilespmem:s25+$0x10]  }
0xad: {  	[tilespmem:s25+$0xFFFFFFB0] =	vst v4;
	v4 =	vmul.f32 v10, v8;
	v5 =	vld [tilespmem:s25+$0x20]  }
0xae: {  	[tilespmem:s25+$0xFFFFFFC0] =	vst v3;
	v9 =	vmul.f32 v9, v8;
	v3 =	vld [tilespmem:s25+$0x30]  }
0xaf: {  	[tilespmem:s25+$0xFFFFFFD0] =	vst v4;
	v8 =	vmul.f32 v12, v8;
	v4 =	vld [tilespmem:s25+$0x40]  }
0xb0: {  	v10 =	vld [tilespmem:s25+$0x50];
	[tilespmem:s25+$0xFFFFFFE0] =	vst v9;
	v7 =	vmul.f32 v7, v1  }
0xb1: {  	v9 =	vld [tilespmem:s25+$0x60];
	[tilespmem:s25+$0xFFFFFFF0] =	vst v8;
	v6 =	vmul.f32 v6, v1  }
0xb2: {  	v8 =	vld [tilespmem:s25+$0x80];
	[tilespmem:s25+$0x0] =	vst v7;
	v5 =	vmul.f32 v5, v1  }
0xb3: {  	v7 =	vld [tilespmem:s25+$0x90];
	[tilespmem:s25+$0x10] =	vst v6;
	v3 =	vmul.f32 v3, v1  }
0xb4: {  	v6 =	vld [tilespmem:s25+$0xA0];
	[tilespmem:s25+$0x20] =	vst v5;
	v4 =	vmul.f32 v4, v1  }
0xb5: {  	v5 =	vld [tilespmem:s25+$0xB0];
	v10 =	vmul.f32 v10, v1;
	[tilespmem:s25+$0x30] =	vst v3  }
0xb6: {  	v11 =	vld [tilespmem:s25+$0xC0];
	v1 =	vmul.f32 v9, v1;
	[tilespmem:s25+$0x40] =	vst v4  }
0xb7: {  	v3 =	vld [tilespmem:s25+$0xD0];
	v4 =	vmul.f32 v8, v2;
	[tilespmem:s25+$0x50] =	vst v10  }
0xb8: {  	v8 =	vld [tilespmem:s25+$0xE0];
	v7 =	vmul.f32 v7, v2;
	[tilespmem:s26+$0x60] =	vst v1  }
0xb9: {  	v9 =	vld [tilespmem:s25+$0xF0];
	v1 =	vmul.f32 v6, v2;
	[tilespmem:s26+$0x80] =	vst v4  }
0xba: {  	v4 =	vmul.f32 v5, v2;
	[tilespmem:s26+$0x90] =	vst v7  }
0xbb: {  	v5 =	vmul.f32 v11, v2;
	[tilespmem:s26+$0xA0] =	vst v1  }
0xbc: {  	v1 =	vmul.f32 v3, v2;
	[tilespmem:s26+$0xB0] =	vst v4  }
0xbd: {  	v3 =	vmul.f32 v8, v2;
	[tilespmem:s26+$0xC0] =	vst v5  }
0xbe: {  	v2 =	vmul.f32 v9, v2;
	[tilespmem:s26+$0xD0] =	vst v1  }
0xbf: {  	[tilespmem:s26+$0xE0] =	vst v3  }
0xc0: {  	[tilespmem:s26+$0xF0] =	vst v2  }
0xc1: {  	_ =	swait.ge [sflag:s9], $0x50  }
0xc2: {  	[sflag:s9] =	ssyncset.done $0x0  }
0xc3: {  	s17 =	sadd.s32 $0xFFFFFFFC, s13;
	[sflag:s9] =	ssyncadd.s32 $0xFFFFFFB0  }
0xc4: {  	[spmem:s3] =	stream.indirect.scatter.add.f32 [tilespmem:s31], [sflag:$0x5], $0x80, s0, s2, $0xb8;
	[tilespmem:$0x1D880] =	vst v63  }
0xc5: {  	s18 =	sadd.s32 $0x56, s17;
	_ =	swait.ge [sflag:s29], $0x2800  }
0xc6: {  	v1 =	vmov s18;
	[sflag:s29] =	ssyncset.done $0x0  }
0xc7: {  	s16 =	sadd.s32 $0x18920, s16;
	s25 =	sadd.s32 $0x54, s17;
	v1 =	vand.u32 $0xFFFFFFFE, v1;
	[sflag:s29] =	ssyncadd.s32 $0xFFFFD800  }
0xc8: {  	v2 =	vmov s25;
	v1 =	vbroadcast v1, $0x0;
	[tilespmem:s31], [sflag:$0x1] =	stream.indirect.gather [hbm4b:s1+s2], $0x80, s16, s2, $0xb8;
	[tilespmem:$0x1D880] =	vst v63  }
0xc9: {  	s26 =	sadd.s32 $0x14, s28;
	v2 =	vand.u32 $0xFFFFFFFC, v2  }
0xca: {  	v2 =	vbroadcast v2, $0x0;
	[tilespmem:s0], [sflag:$0x3] =	stream.linear.gather [hbm4b:s26+s5], $0x50, $0x38;
	[tilespmem:$0x1D880] =	vst v63  }
0xcb: {  	_ =	swait.ge [sflag:s10], $0x2800  }
0xcc: {  	[sflag:s10] =	ssyncset.done $0x0  }
0xcd: {  	[sflag:s10] =	ssyncadd.s32 $0xFFFFD800  }
0xce: {  	s16 =	simm.s32 $0x16180;
	v1 =	vld.idx.msk [tilespmem:v1+s30+$0x0], $0xffff  }
0xcf: {  	s28 =	sadd.s32 $0x55, s17;
	v3 =	vld [tilespmem:s16+$0x70]  }
0xd0: {  	v4 =	vmov s28;
	v2 =	vld.idx.msk [tilespmem:v2+s30+$0x0], $0xffff  }
0xd1: {  	v4 =	vand.u32 $0xFFFFFFFD, v4;
	v5 =	vld [tilespmem:s16+$0xFFFFFF00]  }
0xd2: {  	v4 =	vbroadcast v4, $0x0;
	v6 =	vld [tilespmem:s16+$0xFFFFFF10]  }
0xd3: {  	v7 =	vld [tilespmem:s16+$0xFFFFFF20]  }
0xd4: {  	v8 =	vld [tilespmem:s16+$0xFFFFFF30]  }
0xd5: {  	v9 =	vld [tilespmem:s16+$0xFFFFFF40]  }
0xd6: {  	v10 =	vld [tilespmem:s16+$0xFFFFFF50]  }
0xd7: {  	v11 =	vld [tilespmem:s16+$0xFFFFFF60];
	v5 =	vmul.f32 v5, v2  }
0xd8: {  	v4 =	vld.idx.msk [tilespmem:v4+s30+$0x0], $0xffff;
	v3 =	vmul.f32 v3, v1  }
0xd9: {  	v13 =	vld [tilespmem:s16+$0xFFFFFFD0];
	[tilespmem:s16+$0xFFFFFF00] =	vst v5;
	v5 =	vmul.f32 v6, v2  }
0xda: {  	v6 =	vld [tilespmem:s16+$0xFFFFFF70];
	[tilespmem:s16+$0x70] =	vst v3;
	v3 =	vmul.f32 v7, v2  }
0xdb: {  	s17 =	sadd.s32 $0x57, s17;
	v7 =	vld [tilespmem:s16+$0xFFFFFF80];
	[tilespmem:s16+$0xFFFFFF10] =	vst v5;
	v5 =	vmul.f32 v8, v2  }
0xdc: {  	v12 =	vmov s17;
	v8 =	vld [tilespmem:s16+$0xFFFFFF90];
	[tilespmem:s16+$0xFFFFFF20] =	vst v3;
	v3 =	vmul.f32 v9, v2  }
0xdd: {  	v9 =	vld [tilespmem:s16+$0xFFFFFFA0];
	[tilespmem:s16+$0xFFFFFF30] =	vst v5;
	v5 =	vmul.f32 v10, v2  }
0xde: {  	v10 =	vld [tilespmem:s16+$0xFFFFFFB0];
	[tilespmem:s16+$0xFFFFFF40] =	vst v3;
	v3 =	vmul.f32 v11, v2  }
0xdf: {  	v11 =	vld [tilespmem:s16+$0xFFFFFFC0];
	v6 =	vmul.f32 v6, v2;
	[tilespmem:s16+$0xFFFFFF50] =	vst v5  }
0xe0: {  	v14 =	vld [tilespmem:s16+$0xFFFFFFE0];
	v5 =	vmul.f32 v7, v4;
	[tilespmem:s16+$0xFFFFFF60] =	vst v3  }
0xe1: {  	v2 =	vld.idx.msk [tilespmem:v12+s30+$0x0], $0xffff;
	v3 =	vmul.f32 v8, v4;
	[tilespmem:s16+$0xFFFFFF70] =	vst v6  }
0xe2: {  	v8 =	vld [tilespmem:s16+$0xFFFFFFF0];
	[tilespmem:s16+$0xFFFFFF80] =	vst v5;
	v5 =	vmul.f32 v9, v4  }
0xe3: {  	v7 =	vld [tilespmem:s16+$0x0];
	[tilespmem:s16+$0xFFFFFF90] =	vst v3;
	v3 =	vmul.f32 v10, v4  }
0xe4: {  	v6 =	vld [tilespmem:s16+$0x10];
	v9 =	vmul.f32 v11, v4;
	[tilespmem:s16+$0xFFFFFFA0] =	vst v5  }
0xe5: {  	v10 =	vmul.f32 v13, v4;
	v5 =	vld [tilespmem:s16+$0x20];
	[tilespmem:s16+$0xFFFFFFB0] =	vst v3  }
0xe6: {  	[tilespmem:s16+$0xFFFFFFC0] =	vst v9;
	v3 =	vld [tilespmem:s16+$0x30];
	v9 =	vmul.f32 v14, v4  }
0xe7: {  	s25 =	simm.s32 $0x16180;
	s17 =	simm.s32 $0x0;
	[tilespmem:s16+$0xFFFFFFD0] =	vst v10;
	v8 =	vmul.f32 v8, v4;
	v4 =	vld [tilespmem:s16+$0x40]  }
.LBB2_7:
0xe8: {  	s18 =	sadd.s32 s17, s13;
	s17 =	sadd.s32 $0x4, s17;
	[tilespmem:s16+$0xFFFFFFE0] =	vst v9;
	v7 =	vmul.f32 v7, v1;
	v9 =	vld [tilespmem:s16+$0x50]  }
0xe9: {  	s19 =	sadd.s32 $0x54, s18;
	s20 =	sadd.s32 $0x56, s18;
	p1 =	slt.u32 s17, $0x4C;
	[tilespmem:s16+$0xFFFFFFF0] =	vst v8;
	v6 =	vmul.f32 v6, v1;
	v8 =	vld [tilespmem:s16+$0x60]  }
0xea: {  	v10 =	vmov s19;
	s19 =	sadd.s32 $0x55, s18;
	v11 =	vmov s20;
	s18 =	sadd.s32 $0x57, s18;
	[tilespmem:s16+$0x0] =	vst v7;
	v5 =	vmul.f32 v5, v1;
	v7 =	vld [tilespmem:s16+$0x80]  }
0xeb: {  	v10 =	vand.u32 $0xFFFFFFFC, v10;
	v12 =	vmov s19;
	v11 =	vand.u32 $0xFFFFFFFE, v11;
	[tilespmem:s16+$0x10] =	vst v6;
	v6 =	vld [tilespmem:s16+$0x90]  }
0xec: {  	v10 =	vbroadcast v10, $0x0;
	v12 =	vand.u32 $0xFFFFFFFD, v12;
	v11 =	vbroadcast v11, $0x0;
	[tilespmem:s16+$0x20] =	vst v5;
	v5 =	vld [tilespmem:s16+$0xA0]  }
0xed: {  	v13 =	vmov s18;
	v3 =	vmul.f32 v3, v1;
	v12 =	vbroadcast v12, $0x0;
	v14 =	vld [tilespmem:s16+$0xB0]  }
0xee: {  	v4 =	vmul.f32 v4, v1;
	v9 =	vmul.f32 v9, v1;
	v15 =	vld [tilespmem:s16+$0xC0]  }
0xef: {  	[tilespmem:s16+$0x30] =	vst v3;
	v3 =	vmul.f32 v8, v1;
	v7 =	vmul.f32 v7, v2;
	v8 =	vld [tilespmem:s16+$0xD0]  }
0xf0: {  	[tilespmem:s16+$0x40] =	vst v4;
	v4 =	vmul.f32 v6, v2;
	v6 =	vld [tilespmem:s16+$0xE0]  }
0xf1: {  	[tilespmem:s16+$0x50] =	vst v9;
	v5 =	vmul.f32 v5, v2;
	v9 =	vld [tilespmem:s16+$0xF0]  }
0xf2: {  	s16 =	sadd.s32 $0x200, s16;
	v1 =	vld.idx.msk [tilespmem:v11+s30+$0x0], $0xffff;
	[tilespmem:s25+$0x60] =	vst v3;
	v3 =	vmul.f32 v14, v2  }
0xf3: {  	v11 =	vld [tilespmem:s16+$0x70];
	[tilespmem:s25+$0x80] =	vst v7;
	v7 =	vmul.f32 v15, v2  }
0xf4: {  	v10 =	vld.idx.msk [tilespmem:v10+s30+$0x0], $0xffff;
	[tilespmem:s25+$0x90] =	vst v4;
	v4 =	vmul.f32 v8, v2  }
0xf5: {  	v8 =	vld.idx.msk [tilespmem:v12+s30+$0x0], $0xffff;
	[tilespmem:s25+$0xA0] =	vst v5;
	v5 =	vmul.f32 v6, v2  }
0xf6: {  	[tilespmem:s25+$0xB0] =	vst v3;
	v3 =	vmul.f32 v9, v2;
	v2 =	vld.idx.msk [tilespmem:v13+s30+$0x0], $0xffff  }
0xf7: {  	v6 =	vld [tilespmem:s16+$0xFFFFFF00];
	[tilespmem:s25+$0xC0] =	vst v7  }
0xf8: {  	v7 =	vld [tilespmem:s16+$0xFFFFFF10];
	v9 =	vmul.f32 v11, v1;
	[tilespmem:s25+$0xD0] =	vst v4  }
0xf9: {  	v4 =	vld [tilespmem:s16+$0xFFFFFF20];
	[tilespmem:s25+$0xE0] =	vst v5  }
0xfa: {  	v5 =	vld [tilespmem:s16+$0xFFFFFF30];
	[tilespmem:s16+$0x70] =	vst v9  }
0xfb: {  	v9 =	vld [tilespmem:s16+$0xFFFFFF40];
	[tilespmem:s25+$0xF0] =	vst v3;
	s25 =	smov.u32 s16  }
0xfc: {  	v3 =	vmul.f32 v6, v10;
	v6 =	vld [tilespmem:s16+$0xFFFFFF50]  }
0xfd: {  	v7 =	vmul.f32 v7, v10;
	v11 =	vld [tilespmem:s16+$0xFFFFFF60]  }
0xfe: {  	[tilespmem:s16+$0xFFFFFF00] =	vst v3;
	v3 =	vmul.f32 v4, v10;
	v4 =	vld [tilespmem:s16+$0xFFFFFF70]  }
0xff: {  	[tilespmem:s16+$0xFFFFFF10] =	vst v7;
	v5 =	vmul.f32 v5, v10;
	v7 =	vld [tilespmem:s16+$0xFFFFFF80]  }
0x100: {  	[tilespmem:s16+$0xFFFFFF20] =	vst v3;
	v3 =	vmul.f32 v9, v10;
	v9 =	vld [tilespmem:s16+$0xFFFFFF90]  }
0x101: {  	[tilespmem:s16+$0xFFFFFF30] =	vst v5;
	v5 =	vmul.f32 v6, v10;
	v6 =	vld [tilespmem:s16+$0xFFFFFFA0]  }
0x102: {  	[tilespmem:s16+$0xFFFFFF40] =	vst v3;
	v3 =	vmul.f32 v11, v10;
	v11 =	vld [tilespmem:s16+$0xFFFFFFB0]  }
0x103: {  	[tilespmem:s16+$0xFFFFFF50] =	vst v5;
	v4 =	vmul.f32 v4, v10;
	v5 =	vld [tilespmem:s16+$0xFFFFFFC0]  }
0x104: {  	[tilespmem:s16+$0xFFFFFF60] =	vst v3;
	v3 =	vmul.f32 v7, v8;
	v10 =	vld [tilespmem:s16+$0xFFFFFFD0]  }
0x105: {  	[tilespmem:s16+$0xFFFFFF70] =	vst v4;
	v4 =	vmul.f32 v9, v8;
	v9 =	vld [tilespmem:s16+$0xFFFFFFE0]  }
0x106: {  	[tilespmem:s16+$0xFFFFFF80] =	vst v3;
	v3 =	vmul.f32 v6, v8;
	v12 =	vld [tilespmem:s16+$0xFFFFFFF0]  }
.Ltmp2:
0x107: {  	[tilespmem:s16+$0xFFFFFF90] =	vst v4;
	v4 =	vmul.f32 v11, v8;
	v7 =	vld [tilespmem:s16+$0x0];
	(pc) =	sbr.rel @p1 .LBB2_7-.Ltmp2, $4  }
0x108: {  	[tilespmem:s16+$0xFFFFFFA0] =	vst v3;
	v3 =	vmul.f32 v5, v8;
	v6 =	vld [tilespmem:s16+$0x10]  }
0x109: {  	[tilespmem:s16+$0xFFFFFFB0] =	vst v4;
	v4 =	vmul.f32 v10, v8;
	v5 =	vld [tilespmem:s16+$0x20]  }
0x10a: {  	[tilespmem:s16+$0xFFFFFFC0] =	vst v3;
	v9 =	vmul.f32 v9, v8;
	v3 =	vld [tilespmem:s16+$0x30]  }
0x10b: {  	[tilespmem:s16+$0xFFFFFFD0] =	vst v4;
	v8 =	vmul.f32 v12, v8;
	v4 =	vld [tilespmem:s16+$0x40]  }
0x10c: {  	v10 =	vld [tilespmem:s16+$0x50]  }
0x10d: {  	[tilespmem:s16+$0xFFFFFFE0] =	vst v9;
	v7 =	vmul.f32 v7, v1;
	v54 =	vld [tilespmem:s16+$0x60]  }
0x10e: {  	v55 =	vld [tilespmem:s16+$0x80];
	[tilespmem:s16+$0xFFFFFFF0] =	vst v8;
	v6 =	vmul.f32 v6, v1  }
0x10f: {  	v56 =	vld [tilespmem:s16+$0x90];
	[tilespmem:s16+$0x0] =	vst v7;
	v5 =	vmul.f32 v5, v1  }
0x110: {  	v57 =	vld [tilespmem:s16+$0xA0];
	[tilespmem:s16+$0x10] =	vst v6;
	v3 =	vmul.f32 v3, v1  }
0x111: {  	v58 =	vld [tilespmem:s16+$0xB0];
	[tilespmem:s16+$0x20] =	vst v5;
	v4 =	vmul.f32 v4, v1  }
0x112: {  	v11 =	vld [tilespmem:s16+$0xC0];
	v10 =	vmul.f32 v10, v1;
	[tilespmem:s16+$0x30] =	vst v3  }
0x113: {  	v60 =	vld [tilespmem:s16+$0xE0];
	v59 =	vmul.f32 v55, v2;
	[tilespmem:s16+$0x40] =	vst v4  }
0x114: {  	v3 =	vld [tilespmem:s16+$0xD0];
	v7 =	vmul.f32 v56, v2;
	[tilespmem:s16+$0x50] =	vst v10  }
0x115: {  	v61 =	vld [tilespmem:s16+$0xF0];
	v1 =	vmul.f32 v54, v1;
	[tilespmem:s25+$0x80] =	vst v59  }
0x116: {  	v62 =	vmul.f32 v58, v2;
	[tilespmem:s25+$0x90] =	vst v7  }
0x117: {  	[tilespmem:s25+$0x60] =	vst v1;
	v1 =	vmul.f32 v57, v2  }
0x118: {  	v63 =	vmul.f32 v11, v2;
	[tilespmem:s25+$0xB0] =	vst v62  }
0x119: {  	[tilespmem:s25+$0xA0] =	vst v1;
	v1 =	vmul.f32 v3, v2  }
0x11a: {  	[tilespmem:s25+$0xC0] =	vst v63;
	v3 =	vmul.f32 v60, v2  }
0x11b: {  	v2 =	vmul.f32 v61, v2;
	[tilespmem:s25+$0xD0] =	vst v1  }
0x11c: {  	[tilespmem:s25+$0xE0] =	vst v3  }
0x11d: {  	[tilespmem:s25+$0xF0] =	vst v2  }
0x11e: {  	s15 =	sadd.s32 $0x1, s15;
	_ =	swait.ge [sflag:s11], $0x50  }
0x11f: {  	p1 =	sne.s32 s15, $0x3E;
	[sflag:s11] =	ssyncset.done $0x0  }
.Ltmp3:
0x120: {  	[sflag:s11] =	ssyncadd.s32 $0xFFFFFFB0;
	(pc) =	sbr.rel @p1 .LBB2_4-.Ltmp3, $4  }
0x121: {  	[spmem:s3] =	stream.indirect.scatter.add.f32 [tilespmem:s6], [sflag:$0x5], $0x80, s7, s2, $0xb8;
	[tilespmem:$0x1D880] =	vst v63  }
0x122: {  	_ =	swait.ge [sflag:s29], $0x2800  }
0x123: {  	[sflag:s29] =	ssyncset.done $0x0  }
0x124: {  	s13 =	sadd.s32 $0xA0, s13;
	[sflag:s29] =	ssyncadd.s32 $0xFFFFD800  }
0x125: {  	s13 =	simm.s32 $0x26C0  }
0x126: {  	s26 =	simm.s32 $0x26C2;
	v1 =	vmov s13  }
0x127: {  	v2 =	vmov s26;
	v1 =	vand.u32 $0xFFFFFFFC, v1  }
0x128: {  	v2 =	vand.u32 $0xFFFFFFFE, v2;
	v1 =	vbroadcast v1, $0x0  }
0x129: {  	v2 =	vbroadcast v2, $0x0  }
0x12a: {  	_ =	swait.ge [sflag:s8], $0x2800  }
0x12b: {  	[sflag:s8] =	ssyncset.done $0x0  }
0x12c: {  	s13 =	simm.s32 $0x13980;
	[sflag:s8] =	ssyncadd.s32 $0xFFFFD800  }
0x12d: {  	v4 =	vld [tilespmem:s13+$0x70]  }
0x12e: {  	s15 =	simm.s32 $0x26C1;
	v3 =	vld.idx.msk [tilespmem:v1+s30+$0x0], $0xffff  }
0x12f: {  	v1 =	vld.idx.msk [tilespmem:v2+s30+$0x0], $0xffff;
	v2 =	vmov s15  }
0x130: {  	v5 =	vld [tilespmem:s13+$0xFFFFFF00];
	v2 =	vand.u32 $0xFFFFFFFD, v2  }
0x131: {  	v6 =	vld [tilespmem:s13+$0xFFFFFF10];
	v2 =	vbroadcast v2, $0x0  }
0x132: {  	v7 =	vld [tilespmem:s13+$0xFFFFFF20]  }
0x133: {  	v8 =	vld [tilespmem:s13+$0xFFFFFF30]  }
0x134: {  	v9 =	vld [tilespmem:s13+$0xFFFFFF40]  }
0x135: {  	v10 =	vld [tilespmem:s13+$0xFFFFFF50]  }
0x136: {  	v11 =	vld [tilespmem:s13+$0xFFFFFF60];
	v5 =	vmul.f32 v5, v3  }
0x137: {  	v12 =	vld.idx.msk [tilespmem:v2+s30+$0x0], $0xffff;
	v2 =	vmul.f32 v4, v1  }
0x138: {  	[tilespmem:s13+$0xFFFFFF00] =	vst v5;
	v5 =	vld [tilespmem:s13+$0xFFFFFF70];
	v4 =	vmul.f32 v6, v3  }
0x139: {  	v6 =	vld [tilespmem:s13+$0xFFFFFF80];
	[tilespmem:s13+$0x70] =	vst v2;
	v2 =	vmul.f32 v7, v3  }
0x13a: {  	s28 =	simm.s32 $0x26C3;
	[tilespmem:s13+$0xFFFFFF10] =	vst v4;
	v4 =	vmul.f32 v8, v3;
	v7 =	vld [tilespmem:s13+$0xFFFFFF90]  }
0x13b: {  	v8 =	vmov s28;
	[tilespmem:s13+$0xFFFFFF20] =	vst v2;
	v2 =	vmul.f32 v9, v3;
	v9 =	vld [tilespmem:s13+$0xFFFFFFA0]  }
0x13c: {  	[tilespmem:s13+$0xFFFFFF30] =	vst v4;
	v4 =	vmul.f32 v10, v3;
	v10 =	vld [tilespmem:s13+$0xFFFFFFB0]  }
0x13d: {  	[tilespmem:s13+$0xFFFFFF40] =	vst v2;
	v2 =	vmul.f32 v11, v3;
	v11 =	vld [tilespmem:s13+$0xFFFFFFC0]  }
0x13e: {  	[tilespmem:s13+$0xFFFFFF50] =	vst v4;
	v4 =	vmul.f32 v6, v12;
	v6 =	vld [tilespmem:s13+$0xFFFFFFD0]  }
0x13f: {  	v3 =	vmul.f32 v5, v3;
	v5 =	vld [tilespmem:s13+$0xFFFFFFE0];
	[tilespmem:s13+$0xFFFFFF60] =	vst v2  }
0x140: {  	v7 =	vmul.f32 v7, v12;
	v2 =	vld.idx.msk [tilespmem:v8+s30+$0x0], $0xffff;
	[tilespmem:s13+$0xFFFFFF80] =	vst v4  }
0x141: {  	[tilespmem:s13+$0xFFFFFF70] =	vst v3;
	v8 =	vld [tilespmem:s13+$0xFFFFFFF0];
	v3 =	vmul.f32 v9, v12  }
0x142: {  	[tilespmem:s13+$0xFFFFFF90] =	vst v7;
	v4 =	vmul.f32 v10, v12;
	v10 =	vld [tilespmem:s13+$0x0]  }
0x143: {  	v7 =	vld [tilespmem:s13+$0x10];
	[tilespmem:s13+$0xFFFFFFA0] =	vst v3;
	v3 =	vmul.f32 v11, v12  }
0x144: {  	[tilespmem:s13+$0xFFFFFFB0] =	vst v4;
	v4 =	vmul.f32 v6, v12;
	v6 =	vld [tilespmem:s13+$0x20]  }
0x145: {  	[tilespmem:s13+$0xFFFFFFC0] =	vst v3;
	v3 =	vmul.f32 v5, v12;
	v5 =	vld [tilespmem:s13+$0x30]  }
0x146: {  	[tilespmem:s13+$0xFFFFFFD0] =	vst v4;
	v4 =	vld [tilespmem:s13+$0x40];
	v9 =	vmul.f32 v8, v12  }
0x147: {  	s16 =	simm.s32 $0x0;
	s15 =	simm.s32 $0x13980;
	v8 =	vmul.f32 v10, v1;
	[tilespmem:s13+$0xFFFFFFE0] =	vst v3;
	v3 =	vld [tilespmem:s13+$0x50]  }
.LBB2_10:
0x148: {  	s17 =	sadd.s32 $0x26C7, s16;
	[tilespmem:s13+$0xFFFFFFF0] =	vst v9;
	v7 =	vmul.f32 v7, v1;
	v9 =	vld [tilespmem:s13+$0x60]  }
0x149: {  	s18 =	sadd.s32 $0x26C4, s16;
	s19 =	sadd.s32 $0x26C5, s16;
	v10 =	vmov s17;
	[tilespmem:s13+$0x0] =	vst v8;
	v6 =	vmul.f32 v6, v1;
	v8 =	vld [tilespmem:s13+$0x80]  }
0x14a: {  	v11 =	vmov s18;
	v12 =	vmov s19;
	[tilespmem:s13+$0x10] =	vst v7;
	v5 =	vmul.f32 v5, v1;
	v7 =	vld [tilespmem:s13+$0x90]  }
0x14b: {  	s17 =	sadd.s32 $0x26C6, s16;
	s16 =	sadd.s32 $0x4, s16;
	v11 =	vand.u32 $0xFFFFFFFC, v11;
	v12 =	vand.u32 $0xFFFFFFFD, v12;
	[tilespmem:s13+$0x20] =	vst v6;
	v4 =	vmul.f32 v4, v1;
	v6 =	vld [tilespmem:s13+$0xA0]  }
0x14c: {  	v13 =	vmov s17;
	p1 =	slt.u32 s16, $0x4C;
	v11 =	vbroadcast v11, $0x0;
	[tilespmem:s13+$0x30] =	vst v5;
	v3 =	vmul.f32 v3, v1;
	v5 =	vld [tilespmem:s13+$0xB0]  }
0x14d: {  	v12 =	vbroadcast v12, $0x0;
	v13 =	vand.u32 $0xFFFFFFFE, v13;
	[tilespmem:s13+$0x40] =	vst v4;
	v1 =	vmul.f32 v9, v1;
	v4 =	vld [tilespmem:s13+$0xC0]  }
0x14e: {  	v9 =	vbroadcast v13, $0x0;
	[tilespmem:s13+$0x50] =	vst v3;
	v3 =	vmul.f32 v8, v2;
	v8 =	vld [tilespmem:s13+$0xD0]  }
0x14f: {  	[tilespmem:s13+$0x60] =	vst v1;
	v1 =	vmul.f32 v7, v2;
	v7 =	vld [tilespmem:s13+$0xE0]  }
0x150: {  	[tilespmem:s13+$0x80] =	vst v3;
	v3 =	vmul.f32 v6, v2;
	v6 =	vld [tilespmem:s13+$0xF0]  }
0x151: {  	v10 =	vld.idx.msk [tilespmem:v10+s30+$0x0], $0xffff;
	[tilespmem:s13+$0x90] =	vst v1;
	v1 =	vmul.f32 v5, v2  }
0x152: {  	v5 =	vld.idx.msk [tilespmem:v11+s30+$0x0], $0xffff;
	[tilespmem:s13+$0xA0] =	vst v3;
	v3 =	vmul.f32 v4, v2  }
0x153: {  	v4 =	vld.idx.msk [tilespmem:v12+s30+$0x0], $0xffff;
	[tilespmem:s13+$0xB0] =	vst v1;
	v8 =	vmul.f32 v8, v2  }
0x154: {  	s13 =	sadd.s32 $0x200, s13;
	v1 =	vld.idx.msk [tilespmem:v9+s30+$0x0], $0xffff;
	[tilespmem:s15+$0xC0] =	vst v3;
	v3 =	vmul.f32 v7, v2  }
0x155: {  	v7 =	vld [tilespmem:s13+$0x70];
	[tilespmem:s15+$0xD0] =	vst v8;
	v8 =	vmul.f32 v6, v2  }
0x156: {  	v6 =	vld [tilespmem:s13+$0xFFFFFF00];
	[tilespmem:s15+$0xE0] =	vst v3  }
0x157: {  	v2 =	vmov v10;
	v3 =	vld [tilespmem:s13+$0xFFFFFF10];
	[tilespmem:s15+$0xF0] =	vst v8;
	s15 =	smov.u32 s13  }
0x158: {  	v8 =	vld [tilespmem:s13+$0xFFFFFF20]  }
0x159: {  	v9 =	vld [tilespmem:s13+$0xFFFFFF30]  }
0x15a: {  	v10 =	vld [tilespmem:s13+$0xFFFFFF40];
	v7 =	vmul.f32 v7, v1  }
0x15b: {  	v6 =	vmul.f32 v6, v5;
	v11 =	vld [tilespmem:s13+$0xFFFFFF50]  }
0x15c: {  	v3 =	vmul.f32 v3, v5;
	v12 =	vld [tilespmem:s13+$0xFFFFFF60];
	[tilespmem:s13+$0x70] =	vst v7  }
0x15d: {  	[tilespmem:s13+$0xFFFFFF00] =	vst v6;
	v6 =	vmul.f32 v8, v5;
	v7 =	vld [tilespmem:s13+$0xFFFFFF70]  }
0x15e: {  	[tilespmem:s13+$0xFFFFFF10] =	vst v3;
	v3 =	vmul.f32 v9, v5;
	v8 =	vld [tilespmem:s13+$0xFFFFFF80]  }
0x15f: {  	[tilespmem:s13+$0xFFFFFF20] =	vst v6;
	v6 =	vmul.f32 v10, v5;
	v9 =	vld [tilespmem:s13+$0xFFFFFF90]  }
0x160: {  	[tilespmem:s13+$0xFFFFFF30] =	vst v3;
	v3 =	vmul.f32 v11, v5;
	v10 =	vld [tilespmem:s13+$0xFFFFFFA0]  }
0x161: {  	[tilespmem:s13+$0xFFFFFF40] =	vst v6;
	v6 =	vmul.f32 v12, v5;
	v11 =	vld [tilespmem:s13+$0xFFFFFFB0]  }
0x162: {  	[tilespmem:s13+$0xFFFFFF50] =	vst v3;
	v3 =	vmul.f32 v7, v5;
	v5 =	vld [tilespmem:s13+$0xFFFFFFC0]  }
0x163: {  	[tilespmem:s13+$0xFFFFFF60] =	vst v6;
	v6 =	vmul.f32 v8, v4;
	v8 =	vld [tilespmem:s13+$0xFFFFFFD0]  }
0x164: {  	[tilespmem:s13+$0xFFFFFF70] =	vst v3;
	v3 =	vmul.f32 v9, v4;
	v9 =	vld [tilespmem:s13+$0xFFFFFFE0]  }
0x165: {  	[tilespmem:s13+$0xFFFFFF80] =	vst v6;
	v6 =	vmul.f32 v10, v4;
	v10 =	vld [tilespmem:s13+$0xFFFFFFF0]  }
0x166: {  	[tilespmem:s13+$0xFFFFFF90] =	vst v3;
	v3 =	vmul.f32 v11, v4;
	v11 =	vld [tilespmem:s13+$0x0]  }
.Ltmp4:
0x167: {  	[tilespmem:s13+$0xFFFFFFA0] =	vst v6;
	v5 =	vmul.f32 v5, v4;
	v7 =	vld [tilespmem:s13+$0x10];
	(pc) =	sbr.rel @p1 .LBB2_10-.Ltmp4, $4  }
0x168: {  	[tilespmem:s13+$0xFFFFFFB0] =	vst v3;
	v3 =	vmul.f32 v8, v4;
	v6 =	vld [tilespmem:s13+$0x20]  }
0x169: {  	[tilespmem:s13+$0xFFFFFFC0] =	vst v5;
	v8 =	vmul.f32 v9, v4;
	v5 =	vld [tilespmem:s13+$0x30]  }
0x16a: {  	[tilespmem:s13+$0xFFFFFFD0] =	vst v3;
	v9 =	vmul.f32 v10, v4;
	v4 =	vld [tilespmem:s13+$0x40]  }
0x16b: {  	[tilespmem:s13+$0xFFFFFFE0] =	vst v8;
	v8 =	vmul.f32 v11, v1;
	v3 =	vld [tilespmem:s13+$0x50]  }
0x16c: {  	[tilespmem:s13+$0xFFFFFFF0] =	vst v9;
	v7 =	vmul.f32 v7, v1;
	v55 =	vld [tilespmem:s13+$0x80]  }
0x16d: {  	v10 =	vld [tilespmem:s13+$0x60];
	[tilespmem:s13+$0x0] =	vst v8;
	v6 =	vmul.f32 v6, v1  }
0x16e: {  	v56 =	vld [tilespmem:s13+$0x90];
	[tilespmem:s13+$0x10] =	vst v7;
	v5 =	vmul.f32 v5, v1  }
0x16f: {  	v57 =	vld [tilespmem:s13+$0xA0];
	[tilespmem:s13+$0x20] =	vst v6;
	v4 =	vmul.f32 v4, v1  }
0x170: {  	v58 =	vld [tilespmem:s13+$0xB0];
	[tilespmem:s13+$0x30] =	vst v5;
	v3 =	vmul.f32 v3, v1  }
0x171: {  	v59 =	vld [tilespmem:s13+$0xC0];
	[tilespmem:s13+$0x40] =	vst v4;
	v60 =	vmul.f32 v55, v2  }
0x172: {  	v61 =	vld [tilespmem:s13+$0xD0];
	v1 =	vmul.f32 v10, v1;
	[tilespmem:s13+$0x50] =	vst v3  }
0x173: {  	v8 =	vmul.f32 v56, v2;
	v3 =	vld [tilespmem:s13+$0xE0];
	[tilespmem:s13+$0x80] =	vst v60  }
0x174: {  	v62 =	vld [tilespmem:s13+$0xF0];
	[tilespmem:s13+$0x60] =	vst v1;
	v1 =	vmul.f32 v57, v2  }
0x175: {  	v6 =	vmul.f32 v58, v2;
	[tilespmem:s13+$0x90] =	vst v8  }
0x176: {  	[tilespmem:s13+$0xA0] =	vst v1;
	v1 =	vmul.f32 v59, v2  }
0x177: {  	v63 =	vmul.f32 v61, v2;
	[tilespmem:s13+$0xB0] =	vst v6  }
0x178: {  	[tilespmem:s15+$0xC0] =	vst v1;
	v1 =	vmul.f32 v3, v2  }
0x179: {  	[tilespmem:s15+$0xD0] =	vst v63;
	v2 =	vmul.f32 v62, v2  }
0x17a: {  	[tilespmem:s15+$0xE0] =	vst v1  }
0x17b: {  	[tilespmem:s15+$0xF0] =	vst v2  }
0x17c: {  	_ =	swait.ge [sflag:s9], $0x50  }
0x17d: {  	[sflag:s9] =	ssyncset.done $0x0  }
0x17e: {  	[sflag:s9] =	ssyncadd.s32 $0xFFFFFFB0  }
0x17f: {  	[spmem:s3] =	stream.indirect.scatter.add.f32 [tilespmem:s31], [sflag:$0x5], $0x80, s0, s2, $0xb8;
	[tilespmem:$0x1D880] =	vst v63  }
0x180: {  	_ =	swait.ge [sflag:s29], $0x2800  }
0x181: {  	[sflag:s29] =	ssyncset.done $0x0  }
0x182: {  	s20 =	stileid.u32;
	[sflag:s29] =	ssyncadd.s32 $0xFFFFD800  }
0x183: {  	s19 =	smov.u32 s21;
	s13 =	sshll.u32 s20, $0x6;
	[bflag:$0x0] =	sbarrier.arrive $0xFFFF  }
0x184: {  	s21 =	sshrl.u32 s21, $0x3;
	s13 =	sor.u32 $0x1C05, s13;
	s16 =	rddreg [dreg:$0x5]  }
0x185: {  	[hbm:s16], [sflag:s13] =	dma.local [spmem:s21], $0x500  }
0x186: {  	_ =	swait.ge [sflag:s29], $0x500  }
0x187: {  	[sflag:s29] =	ssyncset.done $0x0  }
0x188: {  	s25 =	sshrl.u32 s22, $0x3;
	s26 =	rddreg [dreg:$0x6];
	[sflag:s29] =	ssyncadd.s32 $0xFFFFFB00  }
0x189: {  	[hbm:s26], [sflag:s13] =	dma.local [spmem:s25], $0x500  }
0x18a: {  	_ =	swait.ge [sflag:s29], $0x500  }
0x18b: {  	[sflag:s29] =	ssyncset.done $0x0  }
0x18c: {  	s17 =	sshrl.u32 s23, $0x3;
	s21 =	rddreg [dreg:$0x7];
	[sflag:s29] =	ssyncadd.s32 $0xFFFFFB00  }
0x18d: {  	[hbm:s21], [sflag:s13] =	dma.local [spmem:s17], $0x500  }
0x18e: {  	_ =	swait.ge [sflag:s29], $0x500  }
0x18f: {  	s18 =	smov.u32 s22;
	s22 =	sshrl.u32 s24, $0x3;
	[sflag:s29] =	ssyncset.done $0x0  }
0x190: {  	s20 =	smov.u32 s23;
	s23 =	rddreg [dreg:$0x8];
	[sflag:s29] =	ssyncadd.s32 $0xFFFFFB00  }
0x191: {  	[hbm:s23], [sflag:s13] =	dma.local [spmem:s22], $0x500  }
0x192: {  	_ =	swait.ge [sflag:s29], $0x500  }
0x193: {  	s17 =	smov.u32 s24;
	[sflag:s29] =	ssyncset.done $0x0;
	s26 =	rddreg [dreg:$0xf]  }
0x194: {  	s25 =	rddreg [dreg:$0x9];
	[sflag:s29] =	ssyncadd.s32 $0xFFFFFB00;
	s24 =	sshrl.u32 s26, $0x3  }
0x195: {  	[hbm:s25], [sflag:s13] =	dma.local [spmem:s24], $0x500  }
0x196: {  	_ =	swait.ge [sflag:s29], $0x500  }
0x197: {  	[sflag:s29] =	ssyncset.done $0x0;
	s28 =	rddreg [dreg:$0x10]  }
0x198: {  	s22 =	rddreg [dreg:$0xa];
	[sflag:s29] =	ssyncadd.s32 $0xFFFFFB00;
	s21 =	sshrl.u32 s28, $0x3  }
0x199: {  	[hbm:s22], [sflag:s13] =	dma.local [spmem:s21], $0x500  }
0x19a: {  	_ =	swait.ge [sflag:s29], $0x500  }
0x19b: {  	[sflag:s29] =	ssyncset.done $0x0;
	s23 =	rddreg [dreg:$0x11]  }
0x19c: {  	s24 =	rddreg [dreg:$0xb];
	[sflag:s29] =	ssyncadd.s32 $0xFFFFFB00;
	s15 =	sshrl.u32 s23, $0x3  }
0x19d: {  	[hbm:s24], [sflag:s13] =	dma.local [spmem:s15], $0x500  }
0x19e: {  	_ =	swait.ge [sflag:s29], $0x500  }
0x19f: {  	[sflag:s29] =	ssyncset.done $0x0;
	s15 =	rddreg [dreg:$0x12]  }
0x1a0: {  	s16 =	rddreg [dreg:$0xc];
	[sflag:s29] =	ssyncadd.s32 $0xFFFFFB00;
	s15 =	sshrl.u32 @!p0 s15, $0x3  }
0x1a1: {  	[hbm:s16], [sflag:s13] =	dma.local @!p0 [spmem:s15], $0x500  }
0x1a2: {  	s13 =	simm.s32 @!p0 $0x5  }
0x1a3: {  	_ =	swait.ge @!p0 [sflag:s13], $0x500  }
0x1a4: {  	s12 =	sadd.s32 $0x1, s12;
	s25 =	rddreg [dreg:$0x14]  }
0x1a5: {  	p1 =	sne.s32 s12, s25  }
.Ltmp5:
0x1a6: {  	_ = 	snop;
	(pc) =	sbr.rel @p1 .LBB2_1-.Ltmp5, $3  }
0x1a7: {  	_ =	sdelay $0x1  }
0x1a8: {  	[sflag:s13] =	ssyncset.done @!p0 $0x0  }
0x1a9: {  	s16 =	simm.s32 $0x18880;
	[sflag:s13] =	ssyncadd.s32 @!p0 $0xFFFFFB00  }
0x1aa: {  	_ =	sfence.sel $0x180000  }
0x1ab: {  	[bflag:$0x0] =	sbarrier.arrive $0xFFFF  }
0x1ac: {  	_ =	strace $0x90000047  }
0x1ad: {  	s0 =	stileid.u32;
	[bflag:$0x2] =	sbarrier.arrive $0xFFFF  }
0x1ae: {  	p0 =	sne.s32 s0, $0x0;
	s0 =	rddreg [dreg:$0x4]  }
0x1af: {  	s0 =	sadd.s32 @!p0 $0x100000, s0  }
0x1b0: {  	[sflag:s0] =	ssyncadd.tile.s32 @!p0 $0x1;
	_ =	shalt  }
.Lfunc_end2:
_tile_overlayer_lowered:
.L_overlay_start_2:
0x1b1: {  	(tag) =	ssettag $0x2  }
0x1b2: {  	s0 =	rddreg [dreg:$0x0];
	s2 =	stileid.u32  }
0x1b3: {  	s1 =	rddreg [dreg:$0x1];
	p0 =	sne.s32 s2, $0x0  }
0x1b4: {  	s3 =	rddreg [dreg:$0x2];
	[bflag:$0x3] =	sbarrier.arrive $0xFFFF;
	s2 =	simm.s32 @!p0 $0x1C05  }
0x1b5: {  	[timem:s3], [sflag:s2] =	dma.local @!p0 [hbm:s0], s1  }
0x1b6: {  	s0 =	simm.s32 @!p0 $0x5  }
0x1b7: {  	_ =	swait.ge @!p0 [sflag:s0], s1  }
0x1b8: {  	s1 =	ssub.s32 @!p0 $0x0, s1;
	[sflag:s0] =	ssyncset.done @!p0 $0x0  }
0x1b9: {  	[sflag:s0] =	ssyncadd.s32 @!p0 s1  }
0x1ba: {  	[bflag:$0x3] =	sbarrier.arrive $0xFFFF  }
0x1bb: {  	_ =	shalt  }

// kernel: kernel.9.cloned.1.call-start
scs
__scs_entry_jumppad:
0x0: {  	(pc) =	sbr.rel $0x88, $3  }
0x1: {  	(tag) =	ssettag $0x0;
	lr =	simm.s32 $0x1  }
0x2: {  	[smem:$0x3F9C] =	sst lr;
	_ =	strace $0xD0000000  }
0x3: {  	_ = 	snop  }
0x4: {  	_ = 	snop  }
0x5: {  	_ = 	snop  }
0x6: {  	_ = 	snop  }
0x7: {  	_ = 	snop  }
__scs_overlays_trampoline_lowered:
0x8: {  	[smem:$0x3FAB] =	sst s0  }
0x9: {  	[smem:$0x3FAC] =	sst s1  }
0xa: {  	[smem:$0x3FAD] =	sst s2  }
0xb: {  	[smem:$0x3FAE] =	sst s3  }
0xc: {  	[smem:$0x3FAF] =	sst s4  }
0xd: {  	[smem:$0x3FB0] =	sst s5  }
0xe: {  	[smem:$0x3FB1] =	sst s6  }
0xf: {  	[smem:$0x3FB2] =	sst s7  }
0x10: {  	[smem:$0x3FB3] =	sst s8  }
0x11: {  	[smem:$0x3FB4] =	sst s9;
	s0 =	simm.s32 @!p0 $0x0  }
0x12: {  	s1 =	sld [smem:$0x3F9A];
	s0 =	simm.s32 @p0 $0x1  }
0x13: {  	[smem:$0x3FB5] =	sst s0;
	s0 =	simm.s32 @!p1 $0x0  }
0x14: {  	s2 =	sld [smem:$0x3F99];
	s0 =	simm.s32 @p1 $0x1  }
0x15: {  	[smem:$0x3FB6] =	sst s0;
	s0 =	simm.s32 @!p2 $0x0  }
0x16: {  	s3 =	sld [smem:$0x3FDB];
	s0 =	simm.s32 @p2 $0x1  }
0x17: {  	s4 =	simm.s32 $0x1BF5;
	[smem:$0x3FB8] =	sst s0  }
0x18: {  	s0 =	sld [smem:$0x3F9B];
	_ =	swait.ge [sflag:s4], $0x0  }
0x19: {  	s7 =	sld [smem:$0x3F9C]  }
0x1a: {  	s8 =	sadd.s32 $0xFFFFE003, lr  }
0x1b: {  	s9 =	sadd.s32 $0xFFFFFEF7, lr;
	s5 =	simm.s32 $0xFFFFFFFF;
	p2 =	slt.u32 s8, $0xFFFFF086  }
0x1c: {  	p1 =	slt.u32 s9, $0xF7A;
	s5 =	simm.s32 @!p2 $0x0  }
0x1d: {  	s5 =	simm.s32 @p1 $0x1;
	p0 =	seq.s32 s7, s2  }
0x1e: {  	s7 =	smul.u32 @!p0 $0xF7A, s2;
	p2 =	seq.s32 @!p0 s5, $0x0  }
0x1f: {  	s9 =	smul.u32 $0xF7A, s1;
	s8 =	simm.s32 @!p0 $0x1BF5;
	p2 =	por !p2, p0  }
0x20: {  	[sflag:s8] =	ssyncset.s32 @!p0 $0xFFFFF086;
	s6 =	sadd.s32 @!p0 s3, s7;
	s7 =	simm.s32 @!p0 $0x108  }
0x21: {  	s3 =	sadd.s32 s3, s9;
	s6 =	sadd.s32 @!p0 $0x88, s6;
	s7 =	simm.s32 @p2 $0x1082  }
0x22: {  	[simem:s7], [sflag:s8] =	dma.local @!p0 [hbm:s6], $0xF7A  }
0x23: {  	s9 =	sor.u32 $0xD0000000, s2;
	s6 =	simm.s32 $0x108;
	_ =	swait.ge @!p0 [sflag:s8], $0x0  }
0x24: {  	s3 =	sadd.s32 $0x88, s3;
	s6 =	simm.s32 @!p1 $0x1082;
	[sflag:s4] =	ssyncset.s32 $0xFFFFF086  }
0x25: {  	[simem:s6], [sflag:s4] =	dma.local [hbm:s3], $0xF7A  }
0x26: {  	[smem:$0x3F9C] =	sst s1;
	(tag) =	ssettag s2;
	_ =	strace s9  }
0x27: {  	s1 =	sld [smem:$0x3FAC]  }
0x28: {  	s2 =	sld [smem:$0x3FAD]  }
0x29: {  	s4 =	sld [smem:$0x3FAF]  }
0x2a: {  	p0 =	seq.s32 s5, $0x0;
	s5 =	sld [smem:$0x3FB0]  }
0x2b: {  	s6 =	sld [smem:$0x3FB1]  }
0x2c: {  	s7 =	sld [smem:$0x3FB2]  }
0x2d: {  	s3 =	simm.s32 $0x108;
	s8 =	sld [smem:$0x3FB3]  }
0x2e: {  	s3 =	simm.s32 @!p0 $0x1082;
	s9 =	sld [smem:$0x3FB4]  }
0x2f: {  	lr =	sadd.s32 s0, s3;
	s0 =	sld [smem:$0x3FAB]  }
0x30: {  	s3 =	sld [smem:$0x3FAE]  }
0x31: {  	[smem:$0x3FB7] =	sst s10  }
0x32: {  	s10 =	sld [smem:$0x3FB5];
	_ =	sdelay $0x3  }
0x33: {  	p0 =	seq.s32 s10, $0x1;
	s10 =	sld [smem:$0x3FB7];
	_ =	sdelay $0x3  }
0x34: {  	[smem:$0x3FB7] =	sst s10  }
0x35: {  	s10 =	sld [smem:$0x3FB6];
	_ =	sdelay $0x3  }
0x36: {  	p1 =	seq.s32 s10, $0x1;
	s10 =	sld [smem:$0x3FB7];
	_ =	sdelay $0x3  }
0x37: {  	[smem:$0x3FB7] =	sst s10  }
0x38: {  	s10 =	sld [smem:$0x3FB8]  }
0x39: {  	_ = 	snop;
	(pc) =	sbr.ind lr, $3  }
0x3a: {  	_ = 	snop  }
0x3b: {  	_ = 	snop  }
0x3c: {  	p2 =	seq.s32 s10, $0x1;
	s10 =	sld [smem:$0x3FB7]  }
0x3d: {  	_ =	shalt  }
0x3e: {  	_ =	shalt  }
0x3f: {  	_ =	shalt  }
0x40: {  	_ =	shalt  }
0x41: {  	_ =	shalt  }
0x42: {  	_ =	shalt  }
0x43: {  	_ =	shalt  }
0x44: {  	_ =	shalt  }
0x45: {  	_ =	shalt  }
0x46: {  	_ =	shalt  }
0x47: {  	_ =	shalt  }
0x48: {  	_ =	shalt  }
0x49: {  	_ =	shalt  }
0x4a: {  	_ =	shalt  }
0x4b: {  	_ =	shalt  }
0x4c: {  	_ =	shalt  }
0x4d: {  	_ =	shalt  }
0x4e: {  	_ =	shalt  }
0x4f: {  	_ =	shalt  }
0x50: {  	_ =	shalt  }
0x51: {  	_ =	shalt  }
0x52: {  	_ =	shalt  }
0x53: {  	_ =	shalt  }
0x54: {  	_ =	shalt  }
0x55: {  	_ =	shalt  }
0x56: {  	_ =	shalt  }
0x57: {  	_ =	shalt  }
0x58: {  	_ =	shalt  }
0x59: {  	_ =	shalt  }
0x5a: {  	_ =	shalt  }
0x5b: {  	_ =	shalt  }
0x5c: {  	_ =	shalt  }
0x5d: {  	_ =	shalt  }
0x5e: {  	_ =	shalt  }
0x5f: {  	_ =	shalt  }
0x60: {  	_ =	shalt  }
0x61: {  	_ =	shalt  }
0x62: {  	_ =	shalt  }
0x63: {  	_ =	shalt  }
0x64: {  	_ =	shalt  }
0x65: {  	_ =	shalt  }
0x66: {  	_ =	shalt  }
0x67: {  	_ =	shalt  }
0x68: {  	_ =	shalt  }
0x69: {  	_ =	shalt  }
0x6a: {  	_ =	shalt  }
0x6b: {  	_ =	shalt  }
0x6c: {  	_ =	shalt  }
0x6d: {  	_ =	shalt  }
0x6e: {  	_ =	shalt  }
0x6f: {  	_ =	shalt  }
0x70: {  	_ =	shalt  }
0x71: {  	_ =	shalt  }
0x72: {  	_ =	shalt  }
0x73: {  	_ =	shalt  }
0x74: {  	_ =	shalt  }
0x75: {  	_ =	shalt  }
0x76: {  	_ =	shalt  }
0x77: {  	_ =	shalt  }
0x78: {  	_ =	shalt  }
0x79: {  	_ =	shalt  }
0x7a: {  	_ =	shalt  }
0x7b: {  	_ =	shalt  }
0x7c: {  	_ =	shalt  }
0x7d: {  	_ =	shalt  }
0x7e: {  	_ =	shalt  }
0x7f: {  	_ =	shalt  }
0x80: {  	_ =	shalt  }
0x81: {  	_ =	shalt  }
0x82: {  	_ =	shalt  }
0x83: {  	_ =	shalt  }
0x84: {  	_ =	shalt  }
0x85: {  	_ =	shalt  }
0x86: {  	_ =	shalt  }
0x87: {  	_ =	shalt  }
.Lfunc_end0:
.L_simem_size_0:
called_computation.1_lowered:
.L_overlay_start_0:
0x88: {  	s2 =	sld [smem:$0x3FD9]  }
0x89: {  	s3 =	sld [smem:$0x3FFE];
	_ =	sdelay $0x1  }
0x8a: {  	s1 =	srdreg.scid  }
0x8b: {  	s0 =	sand.u32 $0x1, s1  }
0x8c: {  	s17 =	sshll.u32 s0, $0xA;
	s2 =	sadd.s32 s3, s2  }
0x8d: {  	s2 =	sadd.s32 s2, s17  }
0x8e: {  	[smem:$0x3FC3] =	sst s2  }
0x8f: {  	_ = 	snop  }
0x90: {  	s2 =	sld [smem:$0x3FC7]  }
0x91: {  	s18 =	sld [smem:$0x3FD0];
	(tm) =	ssettm $0x1  }
0x92: {  	s4 =	sld [smem:$0x3FFB];
	_ =	sdelay $0x3  }
0x93: {  	_ =	strace s4  }
0x94: {  	s4 =	sld [smem:$0x3FFC];
	_ =	sdelay $0x3  }
0x95: {  	_ =	strace s4  }
0x96: {  	s4 =	sld [smem:$0x3FFD];
	_ =	sdelay $0x3  }
0x97: {  	_ =	strace s4  }
0x98: {  	_ =	strace $0x8FFFFFFF  }
0x99: {  	s19 =	sld [smem:$0x3FDB];
	_ =	sdelay $0x1  }
0x9a: {  	s5 =	simm.s32 $_scs_section_size  }
0x9b: {  	s6 =	simm.s32 $_size__tile_overlayer_lowered;
	s7 =	simm.s32 $_tile_overlayer_lowered  }
0x9c: {  	s22 =	simm.s32 $0x1BFF;
	s21 =	sshll.u32 s7, $0x1;
	s4 =	sadd.s32 s5, s19  }
0x9d: {  	s8 =	simm.s32 $0x0;
	s20 =	sshll.u32 s6, $0x1;
	s6 =	sadd.s32 s21, s4  }
0x9e: {  	[timem:s8], [sflag:s22] =	dma.local [hbm:s6], s20  }
0x9f: {  	_ =	swait.ge [sflag:s22], s20  }
0xa0: {  	s5 =	ssub.s32 $0x0, s20;
	[sflag:s22] =	ssyncset.done $0x0  }
0xa1: {  	[sflag:s22] =	ssyncadd.s32 s5;
	_ =	sdelay $0x1  }
0xa2: {  	s23 =	simm.s32 $0x1B8B  }
0xa3: {  	_ =	swait.ge [sflag:s23], $0x1  }
0xa4: {  	[sflag:s23] =	ssyncset.done $0x0  }
0xa5: {  	s25 =	simm.s32 $0x1B8E;
	s24 =	sld [smem:$0x3FFE];
	[sflag:s23] =	ssyncadd.s32 $0xFFFFFFFF  }
0xa6: {  	s26 =	simm.s32 $execute0_lowered;
	[smem:$0x3FD2] =	sst s25  }
0xa7: {  	s6 =	sshll.u32 s26, $0x1;
	_ =	strace $0x80000049;
	[dreg:$0x1] =	wrdreg $0xFFFFFFFF  }
0xa8: {  	s28 =	simm.s32 $_size_execute0_lowered;
	s4 =	sadd.s32 s4, s6;
	[dreg:$0x0] =	wrdreg $0x0  }
0xa9: {  	s6 =	sshll.u32 s28, $0x1;
	[dreg:$0x2] =	wrdreg s4  }
0xaa: {  	[dreg:$0x3] =	wrdreg s6  }
0xab: {  	[dreg:$0x4] =	wrdreg $0xC0  }
0xac: {  	_ =	task [dreg:s8], $0x5FFFF  }
0xad: {  	[dreg:$0x1] =	wrdreg $0xFFFFFFFF  }
0xae: {  	[dreg:$0x0] =	wrdreg $0x60  }
0xaf: {  	[dreg:$0x2] =	wrdreg s18  }
0xb0: {  	[dreg:$0x3] =	wrdreg s24  }
0xb1: {  	[dreg:$0x4] =	wrdreg s2  }
0xb2: {  	[dreg:$0x5] =	wrdreg $0x0  }
0xb3: {  	[dreg:$0x6] =	wrdreg $0x9  }
0xb4: {  	_ =	task.clear_ibuf [dreg:s8], $0x7FFFF;
	_ =	strace $0x90000049  }
0xb5: {  	s29 =	simm.s32 $0x9;
	_ =	strace $0x8000004B  }
0xb6: {  	_ =	swait.ge [sflag:s29], $0x1  }
0xb7: {  	[sflag:s29] =	ssyncadd.s32 $0xFFFFFFFF  }
0xb8: {  	_ =	strace $0x9000004B  }
0xb9: {  	_ =	sfence  }
0xba: {  	s30 =	sld [smem:$0x0];
	_ =	sdelay $0x2  }
0xbb: {  	s31 =	sshll.u32 s1, $0xD;
	s1 =	sshrl.u32 s1, $0x2  }
0xbc: {  	s3 =	sand.u32 $0x4000, s31;
	s1 =	sadd.s32 s1, s30  }
0xbd: {  	s0 =	sor.u32 s3, s0;
	s1 =	sshll.u32 s1, $0x11  }
0xbe: {  	s0 =	sor.u32 s1, s0  }
0xbf: {  	s0 =	sadd.s32 $0x8F2B, s0  }
0xc0: {  	[sflag:s0] =	ssyncadd.remote.s32 $0x1  }
0xc1: {  	_ =	sfence.sel $0xFFFF  }
0xc2: {  	[dreg:$0x0] =	wrdreg $0xFFFFFFFF;
	(pc) =	sbr.abs _section_cstart, $3  }
0xc3: {  	[dreg:$0x1] =	wrdreg $0xFFFFFFFF  }
0xc4: {  	_ =	task.clear_ibuf [dreg:s8], $0x2FFFF;
	_ =	strace $0x9FFFFFFF  }
0xc5: {  	(tm) =	ssettm $0x7FFFFFFF  }
tec
execute0_lowered:
.L_overlay_start_1:
0x0: {  	(tag) =	ssettag $0x1  }
0x1: {  	s0 =	srdreg.scid;
	s1 =	rddreg [dreg:$0x0]  }
0x2: {  	s2 =	rddreg [dreg:$0x1];
	s25 =	stileid.u32  }
0x3: {  	s6 =	rddreg [dreg:$0x2];
	s0 =	sand.u32 $0x1, s0;
	s9 =	smul.u32 $0x2800, s25  }
0x4: {  	s5 =	simm.s32 $0x0;
	s8 =	sor.u32 $0x10, s25;
	s7 =	smul.u32 $0x138800, s0  }
0x5: {  	s29 =	simm.s32 $0x5;
	s10 =	sor.u32 $0x20, s25;
	s11 =	smul.u32 $0x2800, s8  }
0x6: {  	s30 =	simm.s32 $0x1B100;
	s13 =	sor.u32 $0x30, s25;
	s14 =	smul.u32 $0x2800, s10  }
0x7: {  	s31 =	simm.s32 $0x13880;
	s15 =	sor.u32 $0x40, s25;
	s16 =	smul.u32 $0x2800, s13  }
0x8: {  	[smem:$0x7FF] =	sst s5;
	s18 =	sor.u32 $0x50, s25;
	s19 =	smul.u32 $0x2800, s15  }
0x9: {  	s12 =	sadd.s32 $0x15000, s2;
	s21 =	sor.u32 $0x70, s25;
	s20 =	smul.u32 $0x2800, s18  }
0xa: {  	p0 =	sgt.u32 s25, $0xC;
	s3 =	sshll.u32 s0, $0x4;
	s23 =	smul.u32 $0x2800, s21  }
0xb: {  	s0 =	ssub.s32 $0x2, s0;
	s8 =	smul.u32 $0xA000, s8;
	s4 =	sor.u32 s25, s3  }
0xc: {  	s3 =	rddreg [dreg:$0x3];
	_ =	strace $0x8000004A;
	s17 =	sshrl.u32 s0, $0x1  }
0xd: {  	s4 =	smul.u32 $0x2710, s4;
	s0 =	ssub.s32 s0, s17;
	s17 =	sor.u32 $0x60, s25  }
0xe: {  	s9 =	sadd.s32 s9, s7;
	s11 =	sadd.s32 s7, s11;
	s14 =	sadd.s32 s7, s14  }
0xf: {  	s16 =	sadd.s32 s7, s16;
	s19 =	sadd.s32 s7, s19;
	s20 =	sadd.s32 s7, s20  }
0x10: {  	s8 =	sshrl.u32 s8, $0x2;
	s22 =	smul.u32 $0x2800, s17;
	s9 =	sshrl.u32 s9, $0x3  }
0x11: {  	s11 =	sshrl.u32 s11, $0x3;
	s14 =	sshrl.u32 s14, $0x3;
	s24 =	sshrl.u32 s16, $0x3  }
0x12: {  	s0 =	smax.u32 s0, $0x1;
	s9 =	sadd.s32 s12, s9;
	s26 =	sadd.s32 s12, s24  }
0x13: {  	[dreg:$0x14] =	wrdreg s0;
	s0 =	simm.s32 $0x1B000;
	s22 =	sadd.s32 s7, s22  }
0x14: {  	s7 =	sadd.s32 s7, s23;
	s23 =	smul.u32 $0xA000, s25;
	[dreg:$0x5] =	wrdreg s9  }
0x15: {  	s9 =	sadd.s32 s12, s11;
	[dreg:$0x8] =	wrdreg s26;
	s26 =	smul.u32 $0xA000, s13  }
0x16: {  	s11 =	sshrl.u32 s19, $0x3;
	s13 =	smul.u32 $0xA000, s17;
	[dreg:$0x6] =	wrdreg s9  }
0x17: {  	s9 =	sadd.s32 s12, s14;
	s14 =	sshrl.u32 s20, $0x3;
	s16 =	sshrl.u32 s22, $0x3  }
0x18: {  	s7 =	sshrl.u32 s7, $0x3;
	s22 =	smul.u32 $0xA000, s10;
	s10 =	simm.s32 $0x2  }
0x19: {  	[dreg:$0x7] =	wrdreg s9;
	s9 =	sadd.s32 s12, s11;
	s19 =	sadd.s32 s12, s16  }
0x1a: {  	s7 =	sadd.s32 s12, s7;
	s24 =	sshrl.u32 s23, $0x2;
	[dreg:$0x9] =	wrdreg s9  }
0x1b: {  	s11 =	smul.u32 $0xA000, s15;
	s15 =	sshrl.u32 s26, $0x2;
	[dreg:$0xb] =	wrdreg s19  }
0x1c: {  	s16 =	smul.u32 $0xA000, s21;
	s9 =	sadd.s32 s12, s14;
	[dreg:$0xc] =	wrdreg s7  }
0x1d: {  	s7 =	sshrl.u32 s4, $0x3;
	s14 =	sadd.s32 $0x1400, s2;
	s19 =	sadd.s32 s24, s3  }
0x1e: {  	s12 =	smul.u32 $0xA000, s18;
	s18 =	sadd.s32 s8, s3;
	s17 =	sadd.s32 s15, s3  }
0x1f: {  	s8 =	simm.s32 $0x1;
	[dreg:$0xa] =	wrdreg s9;
	s20 =	sadd.s32 s7, s2  }
0x20: {  	s6 =	sadd.s32 s6, s7;
	s2 =	sshrl.u32 s22, $0x2;
	s22 =	sshrl.u32 s16, $0x2  }
0x21: {  	s24 =	sadd.s32 s14, s7;
	s16 =	simm.s32 $0x18880;
	s7 =	simm.s32 $0x1B080  }
0x22: {  	s9 =	sadd.s32 $0xB200, s20;
	[dreg:$0xe] =	wrdreg s6;
	s20 =	sadd.s32 s2, s3  }
0x23: {  	s6 =	sshrl.u32 s11, $0x2;
	s21 =	sshrl.u32 s12, $0x2;
	[dreg:$0x13] =	wrdreg s24  }
0x24: {  	s2 =	sshrl.u32 s13, $0x2;
	s23 =	sadd.s32 s22, s3;
	[dreg:$0xd] =	wrdreg s9  }
0x25: {  	s11 =	simm.s32 $0x4;
	s2 =	sadd.s32 s2, s3;
	[dreg:$0x12] =	wrdreg s23  }
0x26: {  	s12 =	simm.s32 $0x0;
	s26 =	sadd.s32 s6, s3;
	[dreg:$0x11] =	wrdreg s2  }
0x27: {  	s28 =	sadd.s32 s21, s3;
	s6 =	simm.s32 $0x16080;
	[dreg:$0xf] =	wrdreg s26  }
0x28: {  	v0 =	vimm.f32 $0.0e+00;
	s9 =	simm.s32 $0x3;
	s2 =	simm.s32 $0x50;
	[dreg:$0x10] =	wrdreg s28  }
.LBB2_1:
0x29: {  	s13 =	rddreg [dreg:$0xd]  }
0x2a: {  	[tilespmem:s16], [sflag:$0x5] =	stream.linear.gather [hbm4b:s13+s5], $0x2710, $0x38;
	[tilespmem:$0x1D880] =	vst v63  }
0x2b: {  	_ =	swait.ge [sflag:s29], $0x2710  }
0x2c: {  	[sflag:s29] =	ssyncset.done $0x0  }
0x2d: {  	s25 =	rddreg [dreg:$0xe];
	[sflag:s29] =	ssyncadd.s32 $0xFFFFD8F0  }
0x2e: {  	[tilespmem:s30], [sflag:$0x5] =	stream.linear.gather [hbm4b:s25+s5], $0x2710, $0x38;
	[tilespmem:$0x1D880] =	vst v63  }
0x2f: {  	_ =	swait.ge [sflag:s29], $0x2710  }
0x30: {  	[sflag:s29] =	ssyncset.done $0x0  }
0x31: {  	s15 =	simm.s32 $0x200;
	s13 =	simm.s32 $0x0;
	[sflag:s29] =	ssyncadd.s32 $0xFFFFD8F0  }
.LBB2_2:
0x32: {  	p1 =	sne.s32 s15, $0x9E00;
	[tilespmem:s13+$0x138F0] =	vst v0  }
0x33: {  	[tilespmem:s13+$0x13880] =	vst v0  }
0x34: {  	[tilespmem:s13+$0x13890] =	vst v0  }
.Ltmp0:
0x35: {  	[tilespmem:s13+$0x138A0] =	vst v0;
	(pc) =	sbr.rel @p1 .LBB2_2-.Ltmp0, $4  }
0x36: {  	[tilespmem:s13+$0x138B0] =	vst v0  }
0x37: {  	[tilespmem:s13+$0x138C0] =	vst v0  }
0x38: {  	[tilespmem:s13+$0x138D0] =	vst v0  }
0x39: {  	[tilespmem:s13+$0x138E0] =	vst v0;
	s13 =	sshra.s32 s15, $0x2;
	s15 =	sadd.s32 $0x200, s15  }
0x3a: {  	[tilespmem:s13+$0x138F0] =	vst v0  }
0x3b: {  	[tilespmem:s13+$0x13880] =	vst v0  }
0x3c: {  	[tilespmem:s13+$0x13890] =	vst v0  }
0x3d: {  	[tilespmem:s13+$0x138A0] =	vst v0  }
0x3e: {  	[tilespmem:s13+$0x138B0] =	vst v0  }
0x3f: {  	[tilespmem:s13+$0x138C0] =	vst v0  }
0x40: {  	[tilespmem:s13+$0x138D0] =	vst v0  }
0x41: {  	[tilespmem:s13+$0x138E0] =	vst v0  }
0x42: {  	[spmem:s19] =	stream.linear.scatter [tilespmem:s31], [sflag:$0x5], $0x2800, $0x38;
	[tilespmem:$0x1D880] =	vst v63  }
0x43: {  	_ =	swait.ge [sflag:s29], $0x2800  }
0x44: {  	[sflag:s29] =	ssyncset.done $0x0  }
0x45: {  	[sflag:s29] =	ssyncadd.s32 $0xFFFFD800  }
0x46: {  	[spmem:s18] =	stream.linear.scatter [tilespmem:s31], [sflag:$0x5], $0x2800, $0x38;
	[tilespmem:$0x1D880] =	vst v63  }
0x47: {  	_ =	swait.ge [sflag:s29], $0x2800  }
0x48: {  	[sflag:s29] =	ssyncset.done $0x0  }
0x49: {  	[sflag:s29] =	ssyncadd.s32 $0xFFFFD800  }
0x4a: {  	[spmem:s20] =	stream.linear.scatter [tilespmem:s31], [sflag:$0x5], $0x2800, $0x38;
	[tilespmem:$0x1D880] =	vst v63  }
0x4b: {  	_ =	swait.ge [sflag:s29], $0x2800  }
0x4c: {  	[sflag:s29] =	ssyncset.done $0x0  }
0x4d: {  	[sflag:s29] =	ssyncadd.s32 $0xFFFFD800  }
0x4e: {  	[spmem:s17] =	stream.linear.scatter [tilespmem:s31], [sflag:$0x5], $0x2800, $0x38;
	[tilespmem:$0x1D880] =	vst v63  }
0x4f: {  	_ =	swait.ge [sflag:s29], $0x2800  }
0x50: {  	[sflag:s29] =	ssyncset.done $0x0  }
0x51: {  	[sflag:s29] =	ssyncadd.s32 $0xFFFFD800  }
0x52: {  	[spmem:s26] =	stream.linear.scatter [tilespmem:s31], [sflag:$0x5], $0x2800, $0x38;
	[tilespmem:$0x1D880] =	vst v63  }
0x53: {  	_ =	swait.ge [sflag:s29], $0x2800  }
0x54: {  	[sflag:s29] =	ssyncset.done $0x0  }
0x55: {  	[sflag:s29] =	ssyncadd.s32 $0xFFFFD800  }
0x56: {  	[spmem:s28] =	stream.linear.scatter [tilespmem:s31], [sflag:$0x5], $0x2800, $0x38;
	[tilespmem:$0x1D880] =	vst v63  }
0x57: {  	_ =	swait.ge [sflag:s29], $0x2800  }
0x58: {  	[sflag:s29] =	ssyncset.done $0x0  }
0x59: {  	s26 =	rddreg [dreg:$0x11];
	[sflag:s29] =	ssyncadd.s32 $0xFFFFD800  }
0x5a: {  	[spmem:s26] =	stream.linear.scatter [tilespmem:s31], [sflag:$0x5], $0x2800, $0x38;
	[tilespmem:$0x1D880] =	vst v63  }
0x5b: {  	_ =	swait.ge [sflag:s29], $0x2800  }
0x5c: {  	[sflag:s29] =	ssyncset.done $0x0  }
0x5d: {  	s13 =	simm.s32 @!p0 $0x13880;
	s15 =	rddreg [dreg:$0x12];
	[sflag:s29] =	ssyncadd.s32 $0xFFFFD800  }
0x5e: {  	[spmem:s15] =	stream.linear.scatter @!p0 [tilespmem:s13], [sflag:$0x5], $0x2800, $0x38;
	[tilespmem:$0x1D880] =	vst v63  }
0x5f: {  	s13 =	simm.s32 @!p0 $0x5  }
0x60: {  	_ =	swait.ge @!p0 [sflag:s13], $0x2800  }
0x61: {  	[sflag:s13] =	ssyncset.done @!p0 $0x0  }
0x62: {  	s21 =	smov.u32 s19;
	s22 =	smov.u32 s18;
	[sflag:s13] =	ssyncadd.s32 @!p0 $0xFFFFD800  }
0x63: {  	s23 =	smov.u32 s20;
	s24 =	smov.u32 s17;
	[bflag:$0x0] =	sbarrier.arrive $0xFFFF  }
0x64: {  	[tilespmem:s31], [sflag:$0x1] =	stream.indirect.gather [hbm4b:s1+s2], $0x80, s16, s2, $0xb8;
	[tilespmem:$0x1D880] =	vst v63  }
0x65: {  	s15 =	simm.s32 $0x0;
	s13 =	simm.s32 $0x0;
	s28 =	rddreg [dreg:$0x13]  }
0x66: {  	[tilespmem:s0], [sflag:$0x3] =	stream.linear.gather [hbm4b:s28+s13], $0x50, $0x38;
	[tilespmem:$0x1D880] =	vst v63  }
.LBB2_4:
0x67: {  	s16 =	smul.u32 $0xA0, s15  }
0x68: {  	s17 =	sadd.s32 $0xFFFFFFFC, s13  }
0x69: {  	s28 =	sadd.s32 $0x6, s17;
	s25 =	sadd.s32 s4, s16;
	s26 =	sadd.s32 $0x188D0, s16  }
0x6a: {  	v1 =	vmov s28;
	[tilespmem:s6], [sflag:$0x2] =	stream.indirect.gather [hbm4b:s1+s2], $0x80, s26, s2, $0xb8;
	[tilespmem:$0x1D880] =	vst v63  }
0x6b: {  	s19 =	sadd.s32 $0x4, s17;
	s25 =	sshrl.u32 s25, $0x3;
	v1 =	vand.u32 $0xFFFFFFFE, v1  }
0x6c: {  	v2 =	vmov s19;
	s28 =	sadd.s32 s14, s25;
	v1 =	vbroadcast v1, $0x0  }
0x6d: {  	v2 =	vand.u32 $0xFFFFFFFC, v2;
	s25 =	sadd.s32 $0xA, s28  }
0x6e: {  	v2 =	vbroadcast v2, $0x0;
	[tilespmem:s7], [sflag:$0x4] =	stream.linear.gather [hbm4b:s25+s5], $0x50, $0x38;
	[tilespmem:$0x1D880] =	vst v63  }
0x6f: {  	_ =	swait.ge [sflag:s8], $0x2800  }
0x70: {  	[sflag:s8] =	ssyncset.done $0x0  }
0x71: {  	[sflag:s8] =	ssyncadd.s32 $0xFFFFD800  }
0x72: {  	s25 =	simm.s32 $0x13980;
	v1 =	vld.idx.msk [tilespmem:v1+s30+$0x0], $0xffff  }
0x73: {  	s20 =	sadd.s32 $0x5, s17;
	v3 =	vld [tilespmem:s25+$0x70]  }
0x74: {  	v4 =	vmov s20;
	v2 =	vld.idx.msk [tilespmem:v2+s30+$0x0], $0xffff  }
0x75: {  	v4 =	vand.u32 $0xFFFFFFFD, v4;
	v5 =	vld [tilespmem:s25+$0xFFFFFF00]  }
0x76: {  	v4 =	vbroadcast v4, $0x0;
	v6 =	vld [tilespmem:s25+$0xFFFFFF10]  }
0x77: {  	v7 =	vld [tilespmem:s25+$0xFFFFFF20]  }
0x78: {  	v8 =	vld [tilespmem:s25+$0xFFFFFF30]  }
0x79: {  	v9 =	vld [tilespmem:s25+$0xFFFFFF40]  }
0x7a: {  	v10 =	vld [tilespmem:s25+$0xFFFFFF50]  }
0x7b: {  	v11 =	vld [tilespmem:s25+$0xFFFFFF60];
	v5 =	vmul.f32 v5, v2  }
0x7c: {  	v4 =	vld.idx.msk [tilespmem:v4+s30+$0x0], $0xffff;
	v3 =	vmul.f32 v3, v1  }
0x7d: {  	v13 =	vld [tilespmem:s25+$0xFFFFFFD0];
	[tilespmem:s25+$0xFFFFFF00] =	vst v5;
	v5 =	vmul.f32 v6, v2  }
0x7e: {  	v6 =	vld [tilespmem:s25+$0xFFFFFF70];
	[tilespmem:s25+$0x70] =	vst v3;
	v3 =	vmul.f32 v7, v2  }
0x7f: {  	s17 =	sadd.s32 $0x7, s17;
	v7 =	vld [tilespmem:s25+$0xFFFFFF80];
	[tilespmem:s25+$0xFFFFFF10] =	vst v5;
	v5 =	vmul.f32 v8, v2  }
0x80: {  	v12 =	vmov s17;
	v8 =	vld [tilespmem:s25+$0xFFFFFF90];
	[tilespmem:s25+$0xFFFFFF20] =	vst v3;
	v3 =	vmul.f32 v9, v2  }
0x81: {  	v9 =	vld [tilespmem:s25+$0xFFFFFFA0];
	[tilespmem:s25+$0xFFFFFF30] =	vst v5;
	v5 =	vmul.f32 v10, v2  }
0x82: {  	v10 =	vld [tilespmem:s25+$0xFFFFFFB0];
	[tilespmem:s25+$0xFFFFFF40] =	vst v3;
	v3 =	vmul.f32 v11, v2  }
0x83: {  	v11 =	vld [tilespmem:s25+$0xFFFFFFC0];
	v6 =	vmul.f32 v6, v2;
	[tilespmem:s25+$0xFFFFFF50] =	vst v5  }
0x84: {  	v14 =	vld [tilespmem:s25+$0xFFFFFFE0];
	v5 =	vmul.f32 v7, v4;
	[tilespmem:s25+$0xFFFFFF60] =	vst v3  }
0x85: {  	v2 =	vld.idx.msk [tilespmem:v12+s30+$0x0], $0xffff;
	v3 =	vmul.f32 v8, v4;
	[tilespmem:s25+$0xFFFFFF70] =	vst v6  }
0x86: {  	v8 =	vld [tilespmem:s25+$0xFFFFFFF0];
	[tilespmem:s25+$0xFFFFFF80] =	vst v5;
	v5 =	vmul.f32 v9, v4  }
0x87: {  	v7 =	vld [tilespmem:s25+$0x0];
	[tilespmem:s25+$0xFFFFFF90] =	vst v3;
	v3 =	vmul.f32 v10, v4  }
0x88: {  	v6 =	vld [tilespmem:s25+$0x10];
	v9 =	vmul.f32 v11, v4;
	[tilespmem:s25+$0xFFFFFFA0] =	vst v5  }
0x89: {  	v10 =	vmul.f32 v13, v4;
	v5 =	vld [tilespmem:s25+$0x20];
	[tilespmem:s25+$0xFFFFFFB0] =	vst v3  }
0x8a: {  	[tilespmem:s25+$0xFFFFFFC0] =	vst v9;
	v3 =	vld [tilespmem:s25+$0x30];
	v9 =	vmul.f32 v14, v4  }
0x8b: {  	s17 =	simm.s32 $0x0;
	s26 =	simm.s32 $0x13980;
	[tilespmem:s25+$0xFFFFFFD0] =	vst v10;
	v8 =	vmul.f32 v8, v4;
	v4 =	vld [tilespmem:s25+$0x40]  }
.LBB2_5:
0x8c: {  	s18 =	sadd.s32 s17, s13;
	s17 =	sadd.s32 $0x4, s17;
	[tilespmem:s25+$0xFFFFFFE0] =	vst v9;
	v7 =	vmul.f32 v7, v1;
	v9 =	vld [tilespmem:s25+$0x50]  }
0x8d: {  	s19 =	sadd.s32 $0x4, s18;
	s20 =	sadd.s32 $0x6, s18;
	p1 =	slt.u32 s17, $0x4C;
	[tilespmem:s25+$0xFFFFFFF0] =	vst v8;
	v6 =	vmul.f32 v6, v1;
	v8 =	vld [tilespmem:s25+$0x60]  }
0x8e: {  	v10 =	vmov s19;
	s19 =	sadd.s32 $0x5, s18;
	v11 =	vmov s20;
	s18 =	sadd.s32 $0x7, s18;
	[tilespmem:s25+$0x0] =	vst v7;
	v5 =	vmul.f32 v5, v1;
	v7 =	vld [tilespmem:s25+$0x80]  }
0x8f: {  	v10 =	vand.u32 $0xFFFFFFFC, v10;
	v12 =	vmov s19;
	v11 =	vand.u32 $0xFFFFFFFE, v11;
	[tilespmem:s25+$0x10] =	vst v6;
	v6 =	vld [tilespmem:s25+$0x90]  }
0x90: {  	v10 =	vbroadcast v10, $0x0;
	v12 =	vand.u32 $0xFFFFFFFD, v12;
	v11 =	vbroadcast v11, $0x0;
	[tilespmem:s25+$0x20] =	vst v5;
	v5 =	vld [tilespmem:s25+$0xA0]  }
0x91: {  	v13 =	vmov s18;
	v3 =	vmul.f32 v3, v1;
	v12 =	vbroadcast v12, $0x0;
	v14 =	vld [tilespmem:s25+$0xB0]  }
0x92: {  	v4 =	vmul.f32 v4, v1;
	v9 =	vmul.f32 v9, v1;
	v15 =	vld [tilespmem:s25+$0xC0]  }
0x93: {  	[tilespmem:s25+$0x30] =	vst v3;
	v3 =	vmul.f32 v8, v1;
	v7 =	vmul.f32 v7, v2;
	v8 =	vld [tilespmem:s25+$0xD0]  }
0x94: {  	[tilespmem:s25+$0x40] =	vst v4;
	v4 =	vmul.f32 v6, v2;
	v6 =	vld [tilespmem:s25+$0xE0]  }
0x95: {  	[tilespmem:s25+$0x50] =	vst v9;
	v5 =	vmul.f32 v5, v2;
	v9 =	vld [tilespmem:s25+$0xF0]  }
0x96: {  	s25 =	sadd.s32 $0x200, s25;
	v1 =	vld.idx.msk [tilespmem:v11+s30+$0x0], $0xffff;
	[tilespmem:s26+$0x60] =	vst v3;
	v3 =	vmul.f32 v14, v2  }
0x97: {  	v11 =	vld [tilespmem:s25+$0x70];
	[tilespmem:s26+$0x80] =	vst v7;
	v7 =	vmul.f32 v15, v2  }
0x98: {  	v10 =	vld.idx.msk [tilespmem:v10+s30+$0x0], $0xffff;
	[tilespmem:s26+$0x90] =	vst v4;
	v4 =	vmul.f32 v8, v2  }
0x99: {  	v8 =	vld.idx.msk [tilespmem:v12+s30+$0x0], $0xffff;
	[tilespmem:s26+$0xA0] =	vst v5;
	v5 =	vmul.f32 v6, v2  }
0x9a: {  	[tilespmem:s26+$0xB0] =	vst v3;
	v3 =	vmul.f32 v9, v2;
	v2 =	vld.idx.msk [tilespmem:v13+s30+$0x0], $0xffff  }
0x9b: {  	v6 =	vld [tilespmem:s25+$0xFFFFFF00];
	[tilespmem:s26+$0xC0] =	vst v7  }
0x9c: {  	v7 =	vld [tilespmem:s25+$0xFFFFFF10];
	v9 =	vmul.f32 v11, v1;
	[tilespmem:s26+$0xD0] =	vst v4  }
0x9d: {  	v4 =	vld [tilespmem:s25+$0xFFFFFF20];
	[tilespmem:s26+$0xE0] =	vst v5  }
0x9e: {  	v5 =	vld [tilespmem:s25+$0xFFFFFF30];
	[tilespmem:s25+$0x70] =	vst v9  }
0x9f: {  	v9 =	vld [tilespmem:s25+$0xFFFFFF40];
	[tilespmem:s26+$0xF0] =	vst v3;
	s26 =	smov.u32 s25  }
0xa0: {  	v3 =	vmul.f32 v6, v10;
	v6 =	vld [tilespmem:s25+$0xFFFFFF50]  }
0xa1: {  	v7 =	vmul.f32 v7, v10;
	v11 =	vld [tilespmem:s25+$0xFFFFFF60]  }
0xa2: {  	[tilespmem:s25+$0xFFFFFF00] =	vst v3;
	v3 =	vmul.f32 v4, v10;
	v4 =	vld [tilespmem:s25+$0xFFFFFF70]  }
0xa3: {  	[tilespmem:s25+$0xFFFFFF10] =	vst v7;
	v5 =	vmul.f32 v5, v10;
	v7 =	vld [tilespmem:s25+$0xFFFFFF80]  }
0xa4: {  	[tilespmem:s25+$0xFFFFFF20] =	vst v3;
	v3 =	vmul.f32 v9, v10;
	v9 =	vld [tilespmem:s25+$0xFFFFFF90]  }
0xa5: {  	[tilespmem:s25+$0xFFFFFF30] =	vst v5;
	v5 =	vmul.f32 v6, v10;
	v6 =	vld [tilespmem:s25+$0xFFFFFFA0]  }
0xa6: {  	[tilespmem:s25+$0xFFFFFF40] =	vst v3;
	v3 =	vmul.f32 v11, v10;
	v11 =	vld [tilespmem:s25+$0xFFFFFFB0]  }
0xa7: {  	[tilespmem:s25+$0xFFFFFF50] =	vst v5;
	v4 =	vmul.f32 v4, v10;
	v5 =	vld [tilespmem:s25+$0xFFFFFFC0]  }
0xa8: {  	[tilespmem:s25+$0xFFFFFF60] =	vst v3;
	v3 =	vmul.f32 v7, v8;
	v10 =	vld [tilespmem:s25+$0xFFFFFFD0]  }
0xa9: {  	[tilespmem:s25+$0xFFFFFF70] =	vst v4;
	v4 =	vmul.f32 v9, v8;
	v9 =	vld [tilespmem:s25+$0xFFFFFFE0]  }
0xaa: {  	[tilespmem:s25+$0xFFFFFF80] =	vst v3;
	v3 =	vmul.f32 v6, v8;
	v12 =	vld [tilespmem:s25+$0xFFFFFFF0]  }
.Ltmp1:
0xab: {  	[tilespmem:s25+$0xFFFFFF90] =	vst v4;
	v4 =	vmul.f32 v11, v8;
	v7 =	vld [tilespmem:s25+$0x0];
	(pc) =	sbr.rel @p1 .LBB2_5-.Ltmp1, $4  }
0xac: {  	[tilespmem:s25+$0xFFFFFFA0] =	vst v3;
	v3 =	vmul.f32 v5, v8;
	v6 =	vld [tilespmem:s25+$0x10]  }
0xad: {  	[tilespmem:s25+$0xFFFFFFB0] =	vst v4;
	v4 =	vmul.f32 v10, v8;
	v5 =	vld [tilespmem:s25+$0x20]  }
0xae: {  	[tilespmem:s25+$0xFFFFFFC0] =	vst v3;
	v9 =	vmul.f32 v9, v8;
	v3 =	vld [tilespmem:s25+$0x30]  }
0xaf: {  	[tilespmem:s25+$0xFFFFFFD0] =	vst v4;
	v8 =	vmul.f32 v12, v8;
	v4 =	vld [tilespmem:s25+$0x40]  }
0xb0: {  	v10 =	vld [tilespmem:s25+$0x50];
	[tilespmem:s25+$0xFFFFFFE0] =	vst v9;
	v7 =	vmul.f32 v7, v1  }
0xb1: {  	v9 =	vld [tilespmem:s25+$0x60];
	[tilespmem:s25+$0xFFFFFFF0] =	vst v8;
	v6 =	vmul.f32 v6, v1  }
0xb2: {  	v8 =	vld [tilespmem:s25+$0x80];
	[tilespmem:s25+$0x0] =	vst v7;
	v5 =	vmul.f32 v5, v1  }
0xb3: {  	v7 =	vld [tilespmem:s25+$0x90];
	[tilespmem:s25+$0x10] =	vst v6;
	v3 =	vmul.f32 v3, v1  }
0xb4: {  	v6 =	vld [tilespmem:s25+$0xA0];
	[tilespmem:s25+$0x20] =	vst v5;
	v4 =	vmul.f32 v4, v1  }
0xb5: {  	v5 =	vld [tilespmem:s25+$0xB0];
	v10 =	vmul.f32 v10, v1;
	[tilespmem:s25+$0x30] =	vst v3  }
0xb6: {  	v11 =	vld [tilespmem:s25+$0xC0];
	v1 =	vmul.f32 v9, v1;
	[tilespmem:s25+$0x40] =	vst v4  }
0xb7: {  	v3 =	vld [tilespmem:s25+$0xD0];
	v4 =	vmul.f32 v8, v2;
	[tilespmem:s25+$0x50] =	vst v10  }
0xb8: {  	v8 =	vld [tilespmem:s25+$0xE0];
	v7 =	vmul.f32 v7, v2;
	[tilespmem:s26+$0x60] =	vst v1  }
0xb9: {  	v9 =	vld [tilespmem:s25+$0xF0];
	v1 =	vmul.f32 v6, v2;
	[tilespmem:s26+$0x80] =	vst v4  }
0xba: {  	v4 =	vmul.f32 v5, v2;
	[tilespmem:s26+$0x90] =	vst v7  }
0xbb: {  	v5 =	vmul.f32 v11, v2;
	[tilespmem:s26+$0xA0] =	vst v1  }
0xbc: {  	v1 =	vmul.f32 v3, v2;
	[tilespmem:s26+$0xB0] =	vst v4  }
0xbd: {  	v3 =	vmul.f32 v8, v2;
	[tilespmem:s26+$0xC0] =	vst v5  }
0xbe: {  	v2 =	vmul.f32 v9, v2;
	[tilespmem:s26+$0xD0] =	vst v1  }
0xbf: {  	[tilespmem:s26+$0xE0] =	vst v3  }
0xc0: {  	[tilespmem:s26+$0xF0] =	vst v2  }
0xc1: {  	_ =	swait.ge [sflag:s9], $0x50  }
0xc2: {  	[sflag:s9] =	ssyncset.done $0x0  }
0xc3: {  	s17 =	sadd.s32 $0xFFFFFFFC, s13;
	[sflag:s9] =	ssyncadd.s32 $0xFFFFFFB0  }
0xc4: {  	[spmem:s3] =	stream.indirect.scatter.add.f32 [tilespmem:s31], [sflag:$0x5], $0x80, s0, s2, $0xb8;
	[tilespmem:$0x1D880] =	vst v63  }
0xc5: {  	s18 =	sadd.s32 $0x56, s17;
	_ =	swait.ge [sflag:s29], $0x2800  }
0xc6: {  	v1 =	vmov s18;
	[sflag:s29] =	ssyncset.done $0x0  }
0xc7: {  	s16 =	sadd.s32 $0x18920, s16;
	s25 =	sadd.s32 $0x54, s17;
	v1 =	vand.u32 $0xFFFFFFFE, v1;
	[sflag:s29] =	ssyncadd.s32 $0xFFFFD800  }
0xc8: {  	v2 =	vmov s25;
	v1 =	vbroadcast v1, $0x0;
	[tilespmem:s31], [sflag:$0x1] =	stream.indirect.gather [hbm4b:s1+s2], $0x80, s16, s2, $0xb8;
	[tilespmem:$0x1D880] =	vst v63  }
0xc9: {  	s26 =	sadd.s32 $0x14, s28;
	v2 =	vand.u32 $0xFFFFFFFC, v2  }
0xca: {  	v2 =	vbroadcast v2, $0x0;
	[tilespmem:s0], [sflag:$0x3] =	stream.linear.gather [hbm4b:s26+s5], $0x50, $0x38;
	[tilespmem:$0x1D880] =	vst v63  }
0xcb: {  	_ =	swait.ge [sflag:s10], $0x2800  }
0xcc: {  	[sflag:s10] =	ssyncset.done $0x0  }
0xcd: {  	[sflag:s10] =	ssyncadd.s32 $0xFFFFD800  }
0xce: {  	s16 =	simm.s32 $0x16180;
	v1 =	vld.idx.msk [tilespmem:v1+s30+$0x0], $0xffff  }
0xcf: {  	s28 =	sadd.s32 $0x55, s17;
	v3 =	vld [tilespmem:s16+$0x70]  }
0xd0: {  	v4 =	vmov s28;
	v2 =	vld.idx.msk [tilespmem:v2+s30+$0x0], $0xffff  }
0xd1: {  	v4 =	vand.u32 $0xFFFFFFFD, v4;
	v5 =	vld [tilespmem:s16+$0xFFFFFF00]  }
0xd2: {  	v4 =	vbroadcast v4, $0x0;
	v6 =	vld [tilespmem:s16+$0xFFFFFF10]  }
0xd3: {  	v7 =	vld [tilespmem:s16+$0xFFFFFF20]  }
0xd4: {  	v8 =	vld [tilespmem:s16+$0xFFFFFF30]  }
0xd5: {  	v9 =	vld [tilespmem:s16+$0xFFFFFF40]  }
0xd6: {  	v10 =	vld [tilespmem:s16+$0xFFFFFF50]  }
0xd7: {  	v11 =	vld [tilespmem:s16+$0xFFFFFF60];
	v5 =	vmul.f32 v5, v2  }
0xd8: {  	v4 =	vld.idx.msk [tilespmem:v4+s30+$0x0], $0xffff;
	v3 =	vmul.f32 v3, v1  }
0xd9: {  	v13 =	vld [tilespmem:s16+$0xFFFFFFD0];
	[tilespmem:s16+$0xFFFFFF00] =	vst v5;
	v5 =	vmul.f32 v6, v2  }
0xda: {  	v6 =	vld [tilespmem:s16+$0xFFFFFF70];
	[tilespmem:s16+$0x70] =	vst v3;
	v3 =	vmul.f32 v7, v2  }
0xdb: {  	s17 =	sadd.s32 $0x57, s17;
	v7 =	vld [tilespmem:s16+$0xFFFFFF80];
	[tilespmem:s16+$0xFFFFFF10] =	vst v5;
	v5 =	vmul.f32 v8, v2  }
0xdc: {  	v12 =	vmov s17;
	v8 =	vld [tilespmem:s16+$0xFFFFFF90];
	[tilespmem:s16+$0xFFFFFF20] =	vst v3;
	v3 =	vmul.f32 v9, v2  }
0xdd: {  	v9 =	vld [tilespmem:s16+$0xFFFFFFA0];
	[tilespmem:s16+$0xFFFFFF30] =	vst v5;
	v5 =	vmul.f32 v10, v2  }
0xde: {  	v10 =	vld [tilespmem:s16+$0xFFFFFFB0];
	[tilespmem:s16+$0xFFFFFF40] =	vst v3;
	v3 =	vmul.f32 v11, v2  }
0xdf: {  	v11 =	vld [tilespmem:s16+$0xFFFFFFC0];
	v6 =	vmul.f32 v6, v2;
	[tilespmem:s16+$0xFFFFFF50] =	vst v5  }
0xe0: {  	v14 =	vld [tilespmem:s16+$0xFFFFFFE0];
	v5 =	vmul.f32 v7, v4;
	[tilespmem:s16+$0xFFFFFF60] =	vst v3  }
0xe1: {  	v2 =	vld.idx.msk [tilespmem:v12+s30+$0x0], $0xffff;
	v3 =	vmul.f32 v8, v4;
	[tilespmem:s16+$0xFFFFFF70] =	vst v6  }
0xe2: {  	v8 =	vld [tilespmem:s16+$0xFFFFFFF0];
	[tilespmem:s16+$0xFFFFFF80] =	vst v5;
	v5 =	vmul.f32 v9, v4  }
0xe3: {  	v7 =	vld [tilespmem:s16+$0x0];
	[tilespmem:s16+$0xFFFFFF90] =	vst v3;
	v3 =	vmul.f32 v10, v4  }
0xe4: {  	v6 =	vld [tilespmem:s16+$0x10];
	v9 =	vmul.f32 v11, v4;
	[tilespmem:s16+$0xFFFFFFA0] =	vst v5  }
0xe5: {  	v10 =	vmul.f32 v13, v4;
	v5 =	vld [tilespmem:s16+$0x20];
	[tilespmem:s16+$0xFFFFFFB0] =	vst v3  }
0xe6: {  	[tilespmem:s16+$0xFFFFFFC0] =	vst v9;
	v3 =	vld [tilespmem:s16+$0x30];
	v9 =	vmul.f32 v14, v4  }
0xe7: {  	s25 =	simm.s32 $0x16180;
	s17 =	simm.s32 $0x0;
	[tilespmem:s16+$0xFFFFFFD0] =	vst v10;
	v8 =	vmul.f32 v8, v4;
	v4 =	vld [tilespmem:s16+$0x40]  }
.LBB2_7:
0xe8: {  	s18 =	sadd.s32 s17, s13;
	s17 =	sadd.s32 $0x4, s17;
	[tilespmem:s16+$0xFFFFFFE0] =	vst v9;
	v7 =	vmul.f32 v7, v1;
	v9 =	vld [tilespmem:s16+$0x50]  }
0xe9: {  	s19 =	sadd.s32 $0x54, s18;
	s20 =	sadd.s32 $0x56, s18;
	p1 =	slt.u32 s17, $0x4C;
	[tilespmem:s16+$0xFFFFFFF0] =	vst v8;
	v6 =	vmul.f32 v6, v1;
	v8 =	vld [tilespmem:s16+$0x60]  }
0xea: {  	v10 =	vmov s19;
	s19 =	sadd.s32 $0x55, s18;
	v11 =	vmov s20;
	s18 =	sadd.s32 $0x57, s18;
	[tilespmem:s16+$0x0] =	vst v7;
	v5 =	vmul.f32 v5, v1;
	v7 =	vld [tilespmem:s16+$0x80]  }
0xeb: {  	v10 =	vand.u32 $0xFFFFFFFC, v10;
	v12 =	vmov s19;
	v11 =	vand.u32 $0xFFFFFFFE, v11;
	[tilespmem:s16+$0x10] =	vst v6;
	v6 =	vld [tilespmem:s16+$0x90]  }
0xec: {  	v10 =	vbroadcast v10, $0x0;
	v12 =	vand.u32 $0xFFFFFFFD, v12;
	v11 =	vbroadcast v11, $0x0;
	[tilespmem:s16+$0x20] =	vst v5;
	v5 =	vld [tilespmem:s16+$0xA0]  }
0xed: {  	v13 =	vmov s18;
	v3 =	vmul.f32 v3, v1;
	v12 =	vbroadcast v12, $0x0;
	v14 =	vld [tilespmem:s16+$0xB0]  }
0xee: {  	v4 =	vmul.f32 v4, v1;
	v9 =	vmul.f32 v9, v1;
	v15 =	vld [tilespmem:s16+$0xC0]  }
0xef: {  	[tilespmem:s16+$0x30] =	vst v3;
	v3 =	vmul.f32 v8, v1;
	v7 =	vmul.f32 v7, v2;
	v8 =	vld [tilespmem:s16+$0xD0]  }
0xf0: {  	[tilespmem:s16+$0x40] =	vst v4;
	v4 =	vmul.f32 v6, v2;
	v6 =	vld [tilespmem:s16+$0xE0]  }
0xf1: {  	[tilespmem:s16+$0x50] =	vst v9;
	v5 =	vmul.f32 v5, v2;
	v9 =	vld [tilespmem:s16+$0xF0]  }
0xf2: {  	s16 =	sadd.s32 $0x200, s16;
	v1 =	vld.idx.msk [tilespmem:v11+s30+$0x0], $0xffff;
	[tilespmem:s25+$0x60] =	vst v3;
	v3 =	vmul.f32 v14, v2  }
0xf3: {  	v11 =	vld [tilespmem:s16+$0x70];
	[tilespmem:s25+$0x80] =	vst v7;
	v7 =	vmul.f32 v15, v2  }
0xf4: {  	v10 =	vld.idx.msk [tilespmem:v10+s30+$0x0], $0xffff;
	[tilespmem:s25+$0x90] =	vst v4;
	v4 =	vmul.f32 v8, v2  }
0xf5: {  	v8 =	vld.idx.msk [tilespmem:v12+s30+$0x0], $0xffff;
	[tilespmem:s25+$0xA0] =	vst v5;
	v5 =	vmul.f32 v6, v2  }
0xf6: {  	[tilespmem:s25+$0xB0] =	vst v3;
	v3 =	vmul.f32 v9, v2;
	v2 =	vld.idx.msk [tilespmem:v13+s30+$0x0], $0xffff  }
0xf7: {  	v6 =	vld [tilespmem:s16+$0xFFFFFF00];
	[tilespmem:s25+$0xC0] =	vst v7  }
0xf8: {  	v7 =	vld [tilespmem:s16+$0xFFFFFF10];
	v9 =	vmul.f32 v11, v1;
	[tilespmem:s25+$0xD0] =	vst v4  }
0xf9: {  	v4 =	vld [tilespmem:s16+$0xFFFFFF20];
	[tilespmem:s25+$0xE0] =	vst v5  }
0xfa: {  	v5 =	vld [tilespmem:s16+$0xFFFFFF30];
	[tilespmem:s16+$0x70] =	vst v9  }
0xfb: {  	v9 =	vld [tilespmem:s16+$0xFFFFFF40];
	[tilespmem:s25+$0xF0] =	vst v3;
	s25 =	smov.u32 s16  }
0xfc: {  	v3 =	vmul.f32 v6, v10;
	v6 =	vld [tilespmem:s16+$0xFFFFFF50]  }
0xfd: {  	v7 =	vmul.f32 v7, v10;
	v11 =	vld [tilespmem:s16+$0xFFFFFF60]  }
0xfe: {  	[tilespmem:s16+$0xFFFFFF00] =	vst v3;
	v3 =	vmul.f32 v4, v10;
	v4 =	vld [tilespmem:s16+$0xFFFFFF70]  }
0xff: {  	[tilespmem:s16+$0xFFFFFF10] =	vst v7;
	v5 =	vmul.f32 v5, v10;
	v7 =	vld [tilespmem:s16+$0xFFFFFF80]  }
0x100: {  	[tilespmem:s16+$0xFFFFFF20] =	vst v3;
	v3 =	vmul.f32 v9, v10;
	v9 =	vld [tilespmem:s16+$0xFFFFFF90]  }
0x101: {  	[tilespmem:s16+$0xFFFFFF30] =	vst v5;
	v5 =	vmul.f32 v6, v10;
	v6 =	vld [tilespmem:s16+$0xFFFFFFA0]  }
0x102: {  	[tilespmem:s16+$0xFFFFFF40] =	vst v3;
	v3 =	vmul.f32 v11, v10;
	v11 =	vld [tilespmem:s16+$0xFFFFFFB0]  }
0x103: {  	[tilespmem:s16+$0xFFFFFF50] =	vst v5;
	v4 =	vmul.f32 v4, v10;
	v5 =	vld [tilespmem:s16+$0xFFFFFFC0]  }
0x104: {  	[tilespmem:s16+$0xFFFFFF60] =	vst v3;
	v3 =	vmul.f32 v7, v8;
	v10 =	vld [tilespmem:s16+$0xFFFFFFD0]  }
0x105: {  	[tilespmem:s16+$0xFFFFFF70] =	vst v4;
	v4 =	vmul.f32 v9, v8;
	v9 =	vld [tilespmem:s16+$0xFFFFFFE0]  }
0x106: {  	[tilespmem:s16+$0xFFFFFF80] =	vst v3;
	v3 =	vmul.f32 v6, v8;
	v12 =	vld [tilespmem:s16+$0xFFFFFFF0]  }
.Ltmp2:
0x107: {  	[tilespmem:s16+$0xFFFFFF90] =	vst v4;
	v4 =	vmul.f32 v11, v8;
	v7 =	vld [tilespmem:s16+$0x0];
	(pc) =	sbr.rel @p1 .LBB2_7-.Ltmp2, $4  }
0x108: {  	[tilespmem:s16+$0xFFFFFFA0] =	vst v3;
	v3 =	vmul.f32 v5, v8;
	v6 =	vld [tilespmem:s16+$0x10]  }
0x109: {  	[tilespmem:s16+$0xFFFFFFB0] =	vst v4;
	v4 =	vmul.f32 v10, v8;
	v5 =	vld [tilespmem:s16+$0x20]  }
0x10a: {  	[tilespmem:s16+$0xFFFFFFC0] =	vst v3;
	v9 =	vmul.f32 v9, v8;
	v3 =	vld [tilespmem:s16+$0x30]  }
0x10b: {  	[tilespmem:s16+$0xFFFFFFD0] =	vst v4;
	v8 =	vmul.f32 v12, v8;
	v4 =	vld [tilespmem:s16+$0x40]  }
0x10c: {  	v10 =	vld [tilespmem:s16+$0x50]  }
0x10d: {  	[tilespmem:s16+$0xFFFFFFE0] =	vst v9;
	v7 =	vmul.f32 v7, v1;
	v54 =	vld [tilespmem:s16+$0x60]  }
0x10e: {  	v55 =	vld [tilespmem:s16+$0x80];
	[tilespmem:s16+$0xFFFFFFF0] =	vst v8;
	v6 =	vmul.f32 v6, v1  }
0x10f: {  	v56 =	vld [tilespmem:s16+$0x90];
	[tilespmem:s16+$0x0] =	vst v7;
	v5 =	vmul.f32 v5, v1  }
0x110: {  	v57 =	vld [tilespmem:s16+$0xA0];
	[tilespmem:s16+$0x10] =	vst v6;
	v3 =	vmul.f32 v3, v1  }
0x111: {  	v58 =	vld [tilespmem:s16+$0xB0];
	[tilespmem:s16+$0x20] =	vst v5;
	v4 =	vmul.f32 v4, v1  }
0x112: {  	v11 =	vld [tilespmem:s16+$0xC0];
	v10 =	vmul.f32 v10, v1;
	[tilespmem:s16+$0x30] =	vst v3  }
0x113: {  	v60 =	vld [tilespmem:s16+$0xE0];
	v59 =	vmul.f32 v55, v2;
	[tilespmem:s16+$0x40] =	vst v4  }
0x114: {  	v3 =	vld [tilespmem:s16+$0xD0];
	v7 =	vmul.f32 v56, v2;
	[tilespmem:s16+$0x50] =	vst v10  }
0x115: {  	v61 =	vld [tilespmem:s16+$0xF0];
	v1 =	vmul.f32 v54, v1;
	[tilespmem:s25+$0x80] =	vst v59  }
0x116: {  	v62 =	vmul.f32 v58, v2;
	[tilespmem:s25+$0x90] =	vst v7  }
0x117: {  	[tilespmem:s25+$0x60] =	vst v1;
	v1 =	vmul.f32 v57, v2  }
0x118: {  	v63 =	vmul.f32 v11, v2;
	[tilespmem:s25+$0xB0] =	vst v62  }
0x119: {  	[tilespmem:s25+$0xA0] =	vst v1;
	v1 =	vmul.f32 v3, v2  }
0x11a: {  	[tilespmem:s25+$0xC0] =	vst v63;
	v3 =	vmul.f32 v60, v2  }
0x11b: {  	v2 =	vmul.f32 v61, v2;
	[tilespmem:s25+$0xD0] =	vst v1  }
0x11c: {  	[tilespmem:s25+$0xE0] =	vst v3  }
0x11d: {  	[tilespmem:s25+$0xF0] =	vst v2  }
0x11e: {  	s15 =	sadd.s32 $0x1, s15;
	_ =	swait.ge [sflag:s11], $0x50  }
0x11f: {  	p1 =	sne.s32 s15, $0x3E;
	[sflag:s11] =	ssyncset.done $0x0  }
.Ltmp3:
0x120: {  	[sflag:s11] =	ssyncadd.s32 $0xFFFFFFB0;
	(pc) =	sbr.rel @p1 .LBB2_4-.Ltmp3, $4  }
0x121: {  	[spmem:s3] =	stream.indirect.scatter.add.f32 [tilespmem:s6], [sflag:$0x5], $0x80, s7, s2, $0xb8;
	[tilespmem:$0x1D880] =	vst v63  }
0x122: {  	_ =	swait.ge [sflag:s29], $0x2800  }
0x123: {  	[sflag:s29] =	ssyncset.done $0x0  }
0x124: {  	s13 =	sadd.s32 $0xA0, s13;
	[sflag:s29] =	ssyncadd.s32 $0xFFFFD800  }
0x125: {  	s13 =	simm.s32 $0x26C0  }
0x126: {  	s26 =	simm.s32 $0x26C2;
	v1 =	vmov s13  }
0x127: {  	v2 =	vmov s26;
	v1 =	vand.u32 $0xFFFFFFFC, v1  }
0x128: {  	v2 =	vand.u32 $0xFFFFFFFE, v2;
	v1 =	vbroadcast v1, $0x0  }
0x129: {  	v2 =	vbroadcast v2, $0x0  }
0x12a: {  	_ =	swait.ge [sflag:s8], $0x2800  }
0x12b: {  	[sflag:s8] =	ssyncset.done $0x0  }
0x12c: {  	s13 =	simm.s32 $0x13980;
	[sflag:s8] =	ssyncadd.s32 $0xFFFFD800  }
0x12d: {  	v4 =	vld [tilespmem:s13+$0x70]  }
0x12e: {  	s15 =	simm.s32 $0x26C1;
	v3 =	vld.idx.msk [tilespmem:v1+s30+$0x0], $0xffff  }
0x12f: {  	v1 =	vld.idx.msk [tilespmem:v2+s30+$0x0], $0xffff;
	v2 =	vmov s15  }
0x130: {  	v5 =	vld [tilespmem:s13+$0xFFFFFF00];
	v2 =	vand.u32 $0xFFFFFFFD, v2  }
0x131: {  	v6 =	vld [tilespmem:s13+$0xFFFFFF10];
	v2 =	vbroadcast v2, $0x0  }
0x132: {  	v7 =	vld [tilespmem:s13+$0xFFFFFF20]  }
0x133: {  	v8 =	vld [tilespmem:s13+$0xFFFFFF30]  }
0x134: {  	v9 =	vld [tilespmem:s13+$0xFFFFFF40]  }
0x135: {  	v10 =	vld [tilespmem:s13+$0xFFFFFF50]  }
0x136: {  	v11 =	vld [tilespmem:s13+$0xFFFFFF60];
	v5 =	vmul.f32 v5, v3  }
0x137: {  	v12 =	vld.idx.msk [tilespmem:v2+s30+$0x0], $0xffff;
	v2 =	vmul.f32 v4, v1  }
0x138: {  	[tilespmem:s13+$0xFFFFFF00] =	vst v5;
	v5 =	vld [tilespmem:s13+$0xFFFFFF70];
	v4 =	vmul.f32 v6, v3  }
0x139: {  	v6 =	vld [tilespmem:s13+$0xFFFFFF80];
	[tilespmem:s13+$0x70] =	vst v2;
	v2 =	vmul.f32 v7, v3  }
0x13a: {  	s28 =	simm.s32 $0x26C3;
	[tilespmem:s13+$0xFFFFFF10] =	vst v4;
	v4 =	vmul.f32 v8, v3;
	v7 =	vld [tilespmem:s13+$0xFFFFFF90]  }
0x13b: {  	v8 =	vmov s28;
	[tilespmem:s13+$0xFFFFFF20] =	vst v2;
	v2 =	vmul.f32 v9, v3;
	v9 =	vld [tilespmem:s13+$0xFFFFFFA0]  }
0x13c: {  	[tilespmem:s13+$0xFFFFFF30] =	vst v4;
	v4 =	vmul.f32 v10, v3;
	v10 =	vld [tilespmem:s13+$0xFFFFFFB0]  }
0x13d: {  	[tilespmem:s13+$0xFFFFFF40] =	vst v2;
	v2 =	vmul.f32 v11, v3;
	v11 =	vld [tilespmem:s13+$0xFFFFFFC0]  }
0x13e: {  	[tilespmem:s13+$0xFFFFFF50] =	vst v4;
	v4 =	vmul.f32 v6, v12;
	v6 =	vld [tilespmem:s13+$0xFFFFFFD0]  }
0x13f: {  	v3 =	vmul.f32 v5, v3;
	v5 =	vld [tilespmem:s13+$0xFFFFFFE0];
	[tilespmem:s13+$0xFFFFFF60] =	vst v2  }
0x140: {  	v7 =	vmul.f32 v7, v12;
	v2 =	vld.idx.msk [tilespmem:v8+s30+$0x0], $0xffff;
	[tilespmem:s13+$0xFFFFFF80] =	vst v4  }
0x141: {  	[tilespmem:s13+$0xFFFFFF70] =	vst v3;
	v8 =	vld [tilespmem:s13+$0xFFFFFFF0];
	v3 =	vmul.f32 v9, v12  }
0x142: {  	[tilespmem:s13+$0xFFFFFF90] =	vst v7;
	v4 =	vmul.f32 v10, v12;
	v10 =	vld [tilespmem:s13+$0x0]  }
0x143: {  	v7 =	vld [tilespmem:s13+$0x10];
	[tilespmem:s13+$0xFFFFFFA0] =	vst v3;
	v3 =	vmul.f32 v11, v12  }
0x144: {  	[tilespmem:s13+$0xFFFFFFB0] =	vst v4;
	v4 =	vmul.f32 v6, v12;
	v6 =	vld [tilespmem:s13+$0x20]  }
0x145: {  	[tilespmem:s13+$0xFFFFFFC0] =	vst v3;
	v3 =	vmul.f32 v5, v12;
	v5 =	vld [tilespmem:s13+$0x30]  }
0x146: {  	[tilespmem:s13+$0xFFFFFFD0] =	vst v4;
	v4 =	vld [tilespmem:s13+$0x40];
	v9 =	vmul.f32 v8, v12  }
0x147: {  	s16 =	simm.s32 $0x0;
	s15 =	simm.s32 $0x13980;
	v8 =	vmul.f32 v10, v1;
	[tilespmem:s13+$0xFFFFFFE0] =	vst v3;
	v3 =	vld [tilespmem:s13+$0x50]  }
.LBB2_10:
0x148: {  	s17 =	sadd.s32 $0x26C7, s16;
	[tilespmem:s13+$0xFFFFFFF0] =	vst v9;
	v7 =	vmul.f32 v7, v1;
	v9 =	vld [tilespmem:s13+$0x60]  }
0x149: {  	s18 =	sadd.s32 $0x26C4, s16;
	s19 =	sadd.s32 $0x26C5, s16;
	v10 =	vmov s17;
	[tilespmem:s13+$0x0] =	vst v8;
	v6 =	vmul.f32 v6, v1;
	v8 =	vld [tilespmem:s13+$0x80]  }
0x14a: {  	v11 =	vmov s18;
	v12 =	vmov s19;
	[tilespmem:s13+$0x10] =	vst v7;
	v5 =	vmul.f32 v5, v1;
	v7 =	vld [tilespmem:s13+$0x90]  }
0x14b: {  	s17 =	sadd.s32 $0x26C6, s16;
	s16 =	sadd.s32 $0x4, s16;
	v11 =	vand.u32 $0xFFFFFFFC, v11;
	v12 =	vand.u32 $0xFFFFFFFD, v12;
	[tilespmem:s13+$0x20] =	vst v6;
	v4 =	vmul.f32 v4, v1;
	v6 =	vld [tilespmem:s13+$0xA0]  }
0x14c: {  	v13 =	vmov s17;
	p1 =	slt.u32 s16, $0x4C;
	v11 =	vbroadcast v11, $0x0;
	[tilespmem:s13+$0x30] =	vst v5;
	v3 =	vmul.f32 v3, v1;
	v5 =	vld [tilespmem:s13+$0xB0]  }
0x14d: {  	v12 =	vbroadcast v12, $0x0;
	v13 =	vand.u32 $0xFFFFFFFE, v13;
	[tilespmem:s13+$0x40] =	vst v4;
	v1 =	vmul.f32 v9, v1;
	v4 =	vld [tilespmem:s13+$0xC0]  }
0x14e: {  	v9 =	vbroadcast v13, $0x0;
	[tilespmem:s13+$0x50] =	vst v3;
	v3 =	vmul.f32 v8, v2;
	v8 =	vld [tilespmem:s13+$0xD0]  }
0x14f: {  	[tilespmem:s13+$0x60] =	vst v1;
	v1 =	vmul.f32 v7, v2;
	v7 =	vld [tilespmem:s13+$0xE0]  }
0x150: {  	[tilespmem:s13+$0x80] =	vst v3;
	v3 =	vmul.f32 v6, v2;
	v6 =	vld [tilespmem:s13+$0xF0]  }
0x151: {  	v10 =	vld.idx.msk [tilespmem:v10+s30+$0x0], $0xffff;
	[tilespmem:s13+$0x90] =	vst v1;
	v1 =	vmul.f32 v5, v2  }
0x152: {  	v5 =	vld.idx.msk [tilespmem:v11+s30+$0x0], $0xffff;
	[tilespmem:s13+$0xA0] =	vst v3;
	v3 =	vmul.f32 v4, v2  }
0x153: {  	v4 =	vld.idx.msk [tilespmem:v12+s30+$0x0], $0xffff;
	[tilespmem:s13+$0xB0] =	vst v1;
	v8 =	vmul.f32 v8, v2  }
0x154: {  	s13 =	sadd.s32 $0x200, s13;
	v1 =	vld.idx.msk [tilespmem:v9+s30+$0x0], $0xffff;
	[tilespmem:s15+$0xC0] =	vst v3;
	v3 =	vmul.f32 v7, v2  }
0x155: {  	v7 =	vld [tilespmem:s13+$0x70];
	[tilespmem:s15+$0xD0] =	vst v8;
	v8 =	vmul.f32 v6, v2  }
0x156: {  	v6 =	vld [tilespmem:s13+$0xFFFFFF00];
	[tilespmem:s15+$0xE0] =	vst v3  }
0x157: {  	v2 =	vmov v10;
	v3 =	vld [tilespmem:s13+$0xFFFFFF10];
	[tilespmem:s15+$0xF0] =	vst v8;
	s15 =	smov.u32 s13  }
0x158: {  	v8 =	vld [tilespmem:s13+$0xFFFFFF20]  }
0x159: {  	v9 =	vld [tilespmem:s13+$0xFFFFFF30]  }
0x15a: {  	v10 =	vld [tilespmem:s13+$0xFFFFFF40];
	v7 =	vmul.f32 v7, v1  }
0x15b: {  	v6 =	vmul.f32 v6, v5;
	v11 =	vld [tilespmem:s13+$0xFFFFFF50]  }
0x15c: {  	v3 =	vmul.f32 v3, v5;
	v12 =	vld [tilespmem:s13+$0xFFFFFF60];
	[tilespmem:s13+$0x70] =	vst v7  }
0x15d: {  	[tilespmem:s13+$0xFFFFFF00] =	vst v6;
	v6 =	vmul.f32 v8, v5;
	v7 =	vld [tilespmem:s13+$0xFFFFFF70]  }
0x15e: {  	[tilespmem:s13+$0xFFFFFF10] =	vst v3;
	v3 =	vmul.f32 v9, v5;
	v8 =	vld [tilespmem:s13+$0xFFFFFF80]  }
0x15f: {  	[tilespmem:s13+$0xFFFFFF20] =	vst v6;
	v6 =	vmul.f32 v10, v5;
	v9 =	vld [tilespmem:s13+$0xFFFFFF90]  }
0x160: {  	[tilespmem:s13+$0xFFFFFF30] =	vst v3;
	v3 =	vmul.f32 v11, v5;
	v10 =	vld [tilespmem:s13+$0xFFFFFFA0]  }
0x161: {  	[tilespmem:s13+$0xFFFFFF40] =	vst v6;
	v6 =	vmul.f32 v12, v5;
	v11 =	vld [tilespmem:s13+$0xFFFFFFB0]  }
0x162: {  	[tilespmem:s13+$0xFFFFFF50] =	vst v3;
	v3 =	vmul.f32 v7, v5;
	v5 =	vld [tilespmem:s13+$0xFFFFFFC0]  }
0x163: {  	[tilespmem:s13+$0xFFFFFF60] =	vst v6;
	v6 =	vmul.f32 v8, v4;
	v8 =	vld [tilespmem:s13+$0xFFFFFFD0]  }
0x164: {  	[tilespmem:s13+$0xFFFFFF70] =	vst v3;
	v3 =	vmul.f32 v9, v4;
	v9 =	vld [tilespmem:s13+$0xFFFFFFE0]  }
0x165: {  	[tilespmem:s13+$0xFFFFFF80] =	vst v6;
	v6 =	vmul.f32 v10, v4;
	v10 =	vld [tilespmem:s13+$0xFFFFFFF0]  }
0x166: {  	[tilespmem:s13+$0xFFFFFF90] =	vst v3;
	v3 =	vmul.f32 v11, v4;
	v11 =	vld [tilespmem:s13+$0x0]  }
.Ltmp4:
0x167: {  	[tilespmem:s13+$0xFFFFFFA0] =	vst v6;
	v5 =	vmul.f32 v5, v4;
	v7 =	vld [tilespmem:s13+$0x10];
	(pc) =	sbr.rel @p1 .LBB2_10-.Ltmp4, $4  }
0x168: {  	[tilespmem:s13+$0xFFFFFFB0] =	vst v3;
	v3 =	vmul.f32 v8, v4;
	v6 =	vld [tilespmem:s13+$0x20]  }
0x169: {  	[tilespmem:s13+$0xFFFFFFC0] =	vst v5;
	v8 =	vmul.f32 v9, v4;
	v5 =	vld [tilespmem:s13+$0x30]  }
0x16a: {  	[tilespmem:s13+$0xFFFFFFD0] =	vst v3;
	v9 =	vmul.f32 v10, v4;
	v4 =	vld [tilespmem:s13+$0x40]  }
0x16b: {  	[tilespmem:s13+$0xFFFFFFE0] =	vst v8;
	v8 =	vmul.f32 v11, v1;
	v3 =	vld [tilespmem:s13+$0x50]  }
0x16c: {  	[tilespmem:s13+$0xFFFFFFF0] =	vst v9;
	v7 =	vmul.f32 v7, v1;
	v55 =	vld [tilespmem:s13+$0x80]  }
0x16d: {  	v10 =	vld [tilespmem:s13+$0x60];
	[tilespmem:s13+$0x0] =	vst v8;
	v6 =	vmul.f32 v6, v1  }
0x16e: {  	v56 =	vld [tilespmem:s13+$0x90];
	[tilespmem:s13+$0x10] =	vst v7;
	v5 =	vmul.f32 v5, v1  }
0x16f: {  	v57 =	vld [tilespmem:s13+$0xA0];
	[tilespmem:s13+$0x20] =	vst v6;
	v4 =	vmul.f32 v4, v1  }
0x170: {  	v58 =	vld [tilespmem:s13+$0xB0];
	[tilespmem:s13+$0x30] =	vst v5;
	v3 =	vmul.f32 v3, v1  }
0x171: {  	v59 =	vld [tilespmem:s13+$0xC0];
	[tilespmem:s13+$0x40] =	vst v4;
	v60 =	vmul.f32 v55, v2  }
0x172: {  	v61 =	vld [tilespmem:s13+$0xD0];
	v1 =	vmul.f32 v10, v1;
	[tilespmem:s13+$0x50] =	vst v3  }
0x173: {  	v8 =	vmul.f32 v56, v2;
	v3 =	vld [tilespmem:s13+$0xE0];
	[tilespmem:s13+$0x80] =	vst v60  }
0x174: {  	v62 =	vld [tilespmem:s13+$0xF0];
	[tilespmem:s13+$0x60] =	vst v1;
	v1 =	vmul.f32 v57, v2  }
0x175: {  	v6 =	vmul.f32 v58, v2;
	[tilespmem:s13+$0x90] =	vst v8  }
0x176: {  	[tilespmem:s13+$0xA0] =	vst v1;
	v1 =	vmul.f32 v59, v2  }
0x177: {  	v63 =	vmul.f32 v61, v2;
	[tilespmem:s13+$0xB0] =	vst v6  }
0x178: {  	[tilespmem:s15+$0xC0] =	vst v1;
	v1 =	vmul.f32 v3, v2  }
0x179: {  	[tilespmem:s15+$0xD0] =	vst v63;
	v2 =	vmul.f32 v62, v2  }
0x17a: {  	[tilespmem:s15+$0xE0] =	vst v1  }
0x17b: {  	[tilespmem:s15+$0xF0] =	vst v2  }
0x17c: {  	_ =	swait.ge [sflag:s9], $0x50  }
0x17d: {  	[sflag:s9] =	ssyncset.done $0x0  }
0x17e: {  	[sflag:s9] =	ssyncadd.s32 $0xFFFFFFB0  }
0x17f: {  	[spmem:s3] =	stream.indirect.scatter.add.f32 [tilespmem:s31], [sflag:$0x5], $0x80, s0, s2, $0xb8;
	[tilespmem:$0x1D880] =	vst v63  }
0x180: {  	_ =	swait.ge [sflag:s29], $0x2800  }
0x181: {  	[sflag:s29] =	ssyncset.done $0x0  }
0x182: {  	s20 =	stileid.u32;
	[sflag:s29] =	ssyncadd.s32 $0xFFFFD800  }
0x183: {  	s19 =	smov.u32 s21;
	s13 =	sshll.u32 s20, $0x6;
	[bflag:$0x0] =	sbarrier.arrive $0xFFFF  }
0x184: {  	s21 =	sshrl.u32 s21, $0x3;
	s13 =	sor.u32 $0x1C05, s13;
	s16 =	rddreg [dreg:$0x5]  }
0x185: {  	[hbm:s16], [sflag:s13] =	dma.local [spmem:s21], $0x500  }
0x186: {  	_ =	swait.ge [sflag:s29], $0x500  }
0x187: {  	[sflag:s29] =	ssyncset.done $0x0  }
0x188: {  	s25 =	sshrl.u32 s22, $0x3;
	s26 =	rddreg [dreg:$0x6];
	[sflag:s29] =	ssyncadd.s32 $0xFFFFFB00  }
0x189: {  	[hbm:s26], [sflag:s13] =	dma.local [spmem:s25], $0x500  }
0x18a: {  	_ =	swait.ge [sflag:s29], $0x500  }
0x18b: {  	[sflag:s29] =	ssyncset.done $0x0  }
0x18c: {  	s17 =	sshrl.u32 s23, $0x3;
	s21 =	rddreg [dreg:$0x7];
	[sflag:s29] =	ssyncadd.s32 $0xFFFFFB00  }
0x18d: {  	[hbm:s21], [sflag:s13] =	dma.local [spmem:s17], $0x500  }
0x18e: {  	_ =	swait.ge [sflag:s29], $0x500  }
0x18f: {  	s18 =	smov.u32 s22;
	s22 =	sshrl.u32 s24, $0x3;
	[sflag:s29] =	ssyncset.done $0x0  }
0x190: {  	s20 =	smov.u32 s23;
	s23 =	rddreg [dreg:$0x8];
	[sflag:s29] =	ssyncadd.s32 $0xFFFFFB00  }
0x191: {  	[hbm:s23], [sflag:s13] =	dma.local [spmem:s22], $0x500  }
0x192: {  	_ =	swait.ge [sflag:s29], $0x500  }
0x193: {  	s17 =	smov.u32 s24;
	[sflag:s29] =	ssyncset.done $0x0;
	s26 =	rddreg [dreg:$0xf]  }
0x194: {  	s25 =	rddreg [dreg:$0x9];
	[sflag:s29] =	ssyncadd.s32 $0xFFFFFB00;
	s24 =	sshrl.u32 s26, $0x3  }
0x195: {  	[hbm:s25], [sflag:s13] =	dma.local [spmem:s24], $0x500  }
0x196: {  	_ =	swait.ge [sflag:s29], $0x500  }
0x197: {  	[sflag:s29] =	ssyncset.done $0x0;
	s28 =	rddreg [dreg:$0x10]  }
0x198: {  	s22 =	rddreg [dreg:$0xa];
	[sflag:s29] =	ssyncadd.s32 $0xFFFFFB00;
	s21 =	sshrl.u32 s28, $0x3  }
0x199: {  	[hbm:s22], [sflag:s13] =	dma.local [spmem:s21], $0x500  }
0x19a: {  	_ =	swait.ge [sflag:s29], $0x500  }
0x19b: {  	[sflag:s29] =	ssyncset.done $0x0;
	s23 =	rddreg [dreg:$0x11]  }
0x19c: {  	s24 =	rddreg [dreg:$0xb];
	[sflag:s29] =	ssyncadd.s32 $0xFFFFFB00;
	s15 =	sshrl.u32 s23, $0x3  }
0x19d: {  	[hbm:s24], [sflag:s13] =	dma.local [spmem:s15], $0x500  }
0x19e: {  	_ =	swait.ge [sflag:s29], $0x500  }
0x19f: {  	[sflag:s29] =	ssyncset.done $0x0;
	s15 =	rddreg [dreg:$0x12]  }
0x1a0: {  	s16 =	rddreg [dreg:$0xc];
	[sflag:s29] =	ssyncadd.s32 $0xFFFFFB00;
	s15 =	sshrl.u32 @!p0 s15, $0x3  }
0x1a1: {  	[hbm:s16], [sflag:s13] =	dma.local @!p0 [spmem:s15], $0x500  }
0x1a2: {  	s13 =	simm.s32 @!p0 $0x5  }
0x1a3: {  	_ =	swait.ge @!p0 [sflag:s13], $0x500  }
0x1a4: {  	s12 =	sadd.s32 $0x1, s12;
	s25 =	rddreg [dreg:$0x14]  }
0x1a5: {  	p1 =	sne.s32 s12, s25  }
.Ltmp5:
0x1a6: {  	_ = 	snop;
	(pc) =	sbr.rel @p1 .LBB2_1-.Ltmp5, $3  }
0x1a7: {  	_ =	sdelay $0x1  }
0x1a8: {  	[sflag:s13] =	ssyncset.done @!p0 $0x0  }
0x1a9: {  	s16 =	simm.s32 $0x18880;
	[sflag:s13] =	ssyncadd.s32 @!p0 $0xFFFFFB00  }
0x1aa: {  	_ =	sfence.sel $0x180000  }
0x1ab: {  	[bflag:$0x0] =	sbarrier.arrive $0xFFFF  }
0x1ac: {  	_ =	strace $0x9000004A  }
0x1ad: {  	s0 =	stileid.u32;
	[bflag:$0x2] =	sbarrier.arrive $0xFFFF  }
0x1ae: {  	p0 =	sne.s32 s0, $0x0;
	s0 =	rddreg [dreg:$0x4]  }
0x1af: {  	s0 =	sadd.s32 @!p0 $0x100000, s0  }
0x1b0: {  	[sflag:s0] =	ssyncadd.tile.s32 @!p0 $0x1;
	_ =	shalt  }
.Lfunc_end2:
_tile_overlayer_lowered:
.L_overlay_start_2:
0x1b1: {  	(tag) =	ssettag $0x2  }
0x1b2: {  	s0 =	rddreg [dreg:$0x0];
	s2 =	stileid.u32  }
0x1b3: {  	s1 =	rddreg [dreg:$0x1];
	p0 =	sne.s32 s2, $0x0  }
0x1b4: {  	s3 =	rddreg [dreg:$0x2];
	[bflag:$0x3] =	sbarrier.arrive $0xFFFF;
	s2 =	simm.s32 @!p0 $0x1C05  }
0x1b5: {  	[timem:s3], [sflag:s2] =	dma.local @!p0 [hbm:s0], s1  }
0x1b6: {  	s0 =	simm.s32 @!p0 $0x5  }
0x1b7: {  	_ =	swait.ge @!p0 [sflag:s0], s1  }
0x1b8: {  	s1 =	ssub.s32 @!p0 $0x0, s1;
	[sflag:s0] =	ssyncset.done @!p0 $0x0  }
0x1b9: {  	[sflag:s0] =	ssyncadd.s32 @!p0 s1  }
0x1ba: {  	[bflag:$0x3] =	sbarrier.arrive $0xFFFF  }
0x1bb: {  	_ =	shalt  }

</sc_bundles>
